<compile_context>
chip_gen: v7x
topology: tpu7x:2x2x1
jax: 0.10.2.dev20260603
libtpu: 0.0.44.dev20260713+nightly
codegen_flags: <defaults>
</compile_context>

<pallas_src>
import functools

import jax
import jax.numpy as jnp
from jax import lax
from jax.experimental import pallas as pl
from jax.experimental.pallas import tpu as pltpu
from jax.experimental.pallas import tpu_sc as plsc

N = 10000
D = 128
R = 4
E = 320000
BN_EPS = 1e-5

NC = 2
NS = 16
L = 16

NCHUNK = 2560
NTOT = 4 * NCHUNK
B = 64
NSLOT = 3
SB = 512
NSB = 40
EP = NSB * SB
EPAD = NS * EP
GBASE = NCHUNK * R
SH_ROWS = GBASE + 64
ZROWS = SH_ROWS // NS
SHIFT = 14


def _lane_take(v, idx):
    return lax.gather(
        v, idx[:, None],
        lax.GatherDimensionNumbers(
            offset_dims=(), collapsed_slice_dims=(0,), start_index_map=(0,)),
        slice_sizes=(1,),
        mode=lax.GatherScatterMode.PROMISE_IN_BOUNDS)


def _sc_agg_kernel(x_hbm, src_hbm, gid_hbm, z_hbm, out_hbm,
                   srcm0, srcm1, gidm0, gidm1, packedc, rows0, rows1, rows2,
                   gb0, gb1, gb2, sb0, sb1, sb2, shared,
                   semm0, semm1, semg0, semg1, semg2, sems0, sems1, sems2):
    c = lax.axis_index("c")
    s = lax.axis_index("s")
    srcm = (srcm0, srcm1)
    gidm = (gidm0, gidm1)
    rows = (rows0, rows1, rows2)
    gbuf = (gb0, gb1, gb2)
    sbuf = (sb0, sb1, sb2)
    semm = (semm0, semm1)
    semg = (semg0, semg1, semg2)
    sems = (sems0, sems1, sems2)
    iota = lax.iota(jnp.int32, L)

    def meta_start(sb, par):
        pltpu.async_copy(src_hbm.at[s, pl.ds(sb * SB, SB)], srcm[par],
                         semm[par])
        pltpu.async_copy(gid_hbm.at[s, pl.ds(sb * SB, SB)], gidm[par],
                         semm[par])

    def meta_wait(par):
        pltpu.make_async_copy(src_hbm.at[0, pl.ds(0, SB)], srcm[par],
                              semm[par]).wait()
        pltpu.make_async_copy(gid_hbm.at[0, pl.ds(0, SB)], gidm[par],
                              semm[par]).wait()

    def gather_start(jpar):
        pltpu.async_copy(x_hbm.at[gbuf[jpar].at[0]], rows[jpar], semg[jpar])

    def gather_wait(jpar):
        pltpu.make_async_copy(x_hbm.at[gbuf[jpar].at[0]], rows[jpar],
                              semg[jpar]).wait()

    def prep(b, jpar):
        for jj in range(B // L):
            pv = packedc[pl.ds(b * B + jj * L, L)]
            gbuf[jpar][0, pl.ds(jj * L, L)] = lax.shift_right_logical(
                pv, SHIFT)
            sbuf[jpar][0, pl.ds(jj * L, L)] = pv & ((1 << SHIFT) - 1)

    def scatter_start(jpar):
        pltpu.async_copy(rows[jpar], shared.at[sbuf[jpar].at[0]], sems[jpar],
                         add=True)

    def scatter_wait(jpar):
        pltpu.make_async_copy(rows[jpar], shared.at[sbuf[jpar].at[0]],
                              sems[jpar]).wait()

    def run_pass(lo4, acc_rows, out_base):
        orows = acc_rows // NS
        pltpu.sync_copy(z_hbm, shared.at[pl.ds(s * ZROWS, ZROWS)])
        plsc.subcore_barrier()

        meta_start(0, 0)

        def compact_outer(q, fill):
            for par in (0, 1):
                sb = 2 * q + par
                meta_wait(par)
                if par == 0:
                    meta_start(sb + 1, 1)
                else:
                    @pl.when(q < NSB // 2 - 1)
                    def _():
                        meta_start(sb + 1, 0)
                def one_group(g):
                    gv = gidm[par][pl.ds(g * L, L)]
                    sv = srcm[par][pl.ds(g * L, L)]
                    rel = gv - lo4
                    inr = (rel >= 0) & (rel < acc_rows)
                    packed = lax.shift_left(sv, SHIFT) | (
                        rel & ((1 << SHIFT) - 1))
                    ps = jnp.where(inr, jnp.full((L,), 1, jnp.int32),
                                   jnp.full((L,), 0, jnp.int32))
                    for kk in (1, 2, 4, 8):
                        sh = _lane_take(ps, jnp.maximum(iota - kk, 0))
                        ps = ps + jnp.where(iota >= kk, sh, 0)
                    tgt = iota + 1
                    lo = jnp.zeros((L,), jnp.int32)
                    for kk in (8, 4, 2, 1):
                        sm = _lane_take(ps, lo + (kk - 1))
                        lo = jnp.where(sm < tgt, lo + kk, lo)
                    perm = jnp.minimum(lo, L - 1)
                    return _lane_take(packed, perm), ps

                def group_body(q2, fill):
                    g = 2 * q2
                    comp0, ps0 = one_group(g)
                    comp1, ps1 = one_group(g + 1)
                    packedc[pl.ds(fill, L)] = comp0
                    fill = fill + ps0[15]
                    packedc[pl.ds(fill, L)] = comp1
                    return fill + ps1[15]

                fill = lax.fori_loop(0, SB // L // 2, group_body, fill)
            return fill

        fill = lax.fori_loop(0, NSB // 2, compact_outer, jnp.int32(0))

        for jj in range(B // L):
            packedc[pl.ds(fill + jj * L, L)] = (
                GBASE + jj * L + iota)

        nb = lax.div(fill + (B - 1), B)

        def ring(g, carry):
            b0 = NSLOT * g
            for t in range(NSLOT):
                b = b0 + t

                @pl.when(b < nb)
                def _():
                    @pl.when(b >= NSLOT)
                    def _():
                        scatter_wait(t)

                    prep(b, t)
                    gather_start(t)

            for t in range(NSLOT):
                b = b0 + t

                @pl.when(b < nb)
                def _():
                    gather_wait(t)
                    scatter_start(t)

            return carry

        lax.fori_loop(0, lax.div(nb + (NSLOT - 1), NSLOT), ring, 0)
        for t in range(NSLOT):
            @pl.when(nb > t)
            def _():
                scatter_wait(t)
        plsc.subcore_barrier()

        pltpu.sync_copy(
            shared.at[pl.ds(s * orows, orows)],
            out_hbm.at[pl.ds(out_base + s * orows, orows)])
        plsc.subcore_barrier()

    for p in range(2):
        k = 2 * c + p
        run_pass(k * (NCHUNK * R), NCHUNK * R, k * (NCHUNK * R))


@functools.lru_cache(maxsize=None)
def _make_sc_agg():
    return functools.partial(
        pl.kernel,
        out_type=jax.ShapeDtypeStruct((NTOT * R, D), jnp.float32),
        mesh=plsc.VectorSubcoreMesh(core_axis_name="c", subcore_axis_name="s"),
        scratch_types=[
            pltpu.VMEM((SB,), jnp.int32),
            pltpu.VMEM((SB,), jnp.int32),
            pltpu.VMEM((SB,), jnp.int32),
            pltpu.VMEM((SB,), jnp.int32),
            pltpu.VMEM((EP + B,), jnp.int32),
            pltpu.VMEM((B, D), jnp.float32),
            pltpu.VMEM((B, D), jnp.float32),
            pltpu.VMEM((B, D), jnp.float32),
            pltpu.VMEM((1, B), jnp.int32),
            pltpu.VMEM((1, B), jnp.int32),
            pltpu.VMEM((1, B), jnp.int32),
            pltpu.VMEM((1, B), jnp.int32),
            pltpu.VMEM((1, B), jnp.int32),
            pltpu.VMEM((1, B), jnp.int32),
            pltpu.VMEM_SHARED((SH_ROWS, D), jnp.float32),
            pltpu.SemaphoreType.DMA,
            pltpu.SemaphoreType.DMA,
            pltpu.SemaphoreType.DMA,
            pltpu.SemaphoreType.DMA,
            pltpu.SemaphoreType.DMA,
            pltpu.SemaphoreType.DMA,
            pltpu.SemaphoreType.DMA,
            pltpu.SemaphoreType.DMA,
        ],
    )(_sc_agg_kernel)


BLK = 400
NB = N // BLK


def _tc_stats_kernel(x_ref, agg_ref, w1_ref, b1_ref, h_ref, st_ref):
    nb = pl.program_id(0)
    xb = x_ref[...]
    parts = []
    for r in range(R):
        xa = xb + agg_ref[:, r, :]
        h = jnp.dot(xa, w1_ref[r], preferred_element_type=jnp.float32) \
            + b1_ref[r]
        h_ref[:, r, :] = h
        ssum = jnp.sum(h, axis=0, keepdims=True)
        ssq = jnp.sum(h * h, axis=0, keepdims=True)
        parts.append(jnp.concatenate(
            [ssum, ssq, jnp.zeros((6, D), jnp.float32)], axis=0))
    contrib = jnp.stack(parts, axis=0)

    @pl.when(nb == 0)
    def _():
        st_ref[...] = contrib

    @pl.when(nb > 0)
    def _():
        st_ref[...] = st_ref[...] + contrib


def _tc_final_kernel(x_ref, h_ref, st_ref, ws_ref, w2_ref, pp_ref, o_ref):
    acc = jnp.dot(x_ref[...], ws_ref[...],
                  preferred_element_type=jnp.float32) + pp_ref[0, 3:4, :]
    inv_n = jnp.float32(1.0 / N)
    for r in range(R):
        mu = st_ref[r, 0:1, :] * inv_n
        var = st_ref[r, 1:2, :] * inv_n - mu * mu
        scale = lax.rsqrt(var + BN_EPS) * pp_ref[r, 0:1, :]
        hn = (h_ref[:, r, :] - mu) * scale + pp_ref[r, 1:2, :]
        hn = jnp.maximum(hn, 0.0)
        acc = acc + jnp.dot(hn, w2_ref[r],
                            preferred_element_type=jnp.float32)
        acc = acc + pp_ref[r, 2:3, :]
    o_ref[...] = acc


def kernel(x, edge_index, edge_type, W_self, b_self, W1, b1, gamma, beta,
           W2, b2):
    x = x.astype(jnp.float32)
    src = edge_index[0].astype(jnp.int32)
    dst = edge_index[1].astype(jnp.int32)
    typ = edge_type.astype(jnp.int32)

    pad = EPAD - E
    gid = dst * R + typ
    src = jnp.concatenate([src, jnp.zeros((pad,), jnp.int32)])
    gid = jnp.concatenate([gid, jnp.full((pad,), N * R, jnp.int32)])
    srcT = src.reshape(NS, EP)
    gidT = gid.reshape(NS, EP)

    zeros_hbm = jnp.zeros((ZROWS, D), jnp.float32)

    agg = _make_sc_agg()(x, srcT, gidT, zeros_hbm)
    agg3 = agg.reshape(NTOT, R, D)

    b1r = b1.reshape(R, 1, D)
    h, stats = pl.pallas_call(
        _tc_stats_kernel,
        grid=(NB,),
        in_specs=[
            pl.BlockSpec((BLK, D), lambda nb: (nb, 0)),
            pl.BlockSpec((BLK, R, D), lambda nb: (nb, 0, 0)),
            pl.BlockSpec((R, D, D), lambda nb: (0, 0, 0)),
            pl.BlockSpec((R, 1, D), lambda nb: (0, 0, 0)),
        ],
        out_specs=[
            pl.BlockSpec((BLK, R, D), lambda nb: (nb, 0, 0)),
            pl.BlockSpec((R, 8, D), lambda nb: (0, 0, 0)),
        ],
        out_shape=[
            jax.ShapeDtypeStruct((N, R, D), jnp.float32),
            jax.ShapeDtypeStruct((R, 8, D), jnp.float32),
        ],
    )(x, agg3, W1, b1r)

    params = jnp.zeros((R, 8, D), jnp.float32)
    params = params.at[:, 0, :].set(gamma)
    params = params.at[:, 1, :].set(beta)
    params = params.at[:, 2, :].set(b2)
    params = params.at[0, 3, :].set(b_self)

    out = pl.pallas_call(
        _tc_final_kernel,
        grid=(NB,),
        in_specs=[
            pl.BlockSpec((BLK, D), lambda nb: (nb, 0)),
            pl.BlockSpec((BLK, R, D), lambda nb: (nb, 0, 0)),
            pl.BlockSpec((R, 8, D), lambda nb: (0, 0, 0)),
            pl.BlockSpec((D, D), lambda nb: (0, 0)),
            pl.BlockSpec((R, D, D), lambda nb: (0, 0, 0)),
            pl.BlockSpec((R, 8, D), lambda nb: (0, 0, 0)),
        ],
        out_specs=pl.BlockSpec((BLK, D), lambda nb: (nb, 0)),
        out_shape=jax.ShapeDtypeStruct((N, D), jnp.float32),
    )(x, h, stats, W_self, W2, params)

    return out

# --- scband reference (transcript-rebuilt; emitter-appended) ---
"""Pipeline reference for scband-gnn-6932077216185 (READ-ONLY COPY).

The authoritative reference and input builder live on the scoring server;
editing this copy changes nothing except your own understanding.
"""

import jax, jax.numpy as jnp
import numpy as np

N = 10000
E = 320000
D = 128
R = 4
BN_EPS = 1e-5

def setup_inputs(seed: int = 0) -> dict:
    key = jax.random.key(seed)
    ks = jax.random.split(key, 12)
    x = jax.random.normal(ks[0], (N, D), dtype=jnp.float32)
    edge_index = jax.random.randint(ks[1], (2, E), 0, N, dtype=jnp.int64)
    edge_type = jax.random.randint(ks[2], (E,), 0, R, dtype=jnp.int64)
    s = 1.0 / np.sqrt(D)
    W_self = jax.random.uniform(ks[3], (D, D), jnp.float32, -s, s)
    b_self = jax.random.uniform(ks[4], (D,), jnp.float32, -s, s)
    W1 = jax.random.uniform(ks[5], (R, D, D), jnp.float32, -s, s)
    b1 = jax.random.uniform(ks[6], (R, D), jnp.float32, -s, s)
    gamma = jnp.ones((R, D), dtype=jnp.float32)
    beta = jnp.zeros((R, D), dtype=jnp.float32)
    W2 = jax.random.uniform(ks[7], (R, D, D), jnp.float32, -s, s)
    b2 = jax.random.uniform(ks[8], (R, D), jnp.float32, -s, s)
    return {"x": x, "edge_index": edge_index, "edge_type": edge_type,
            "W_self": W_self, "b_self": b_self, "W1": W1, "b1": b1,
            "gamma": gamma, "beta": beta, "W2": W2, "b2": b2}

def reference(x, edge_index, edge_type, W_self, b_self, W1, b1, gamma, beta, W2, b2):
    # self-loop linear
    x_new = x @ W_self + b_self
    src = edge_index[0]
    dst = edge_index[1]
    x_src = jnp.take(x, src, axis=0)
    num_rel = W1.shape[0]
    for i in range(num_rel):
        # relation-masked messages == selecting edges with edge_type == i (sum aggregation)
        mask = (edge_type == i).astype(x.dtype)
        msg = x_src * mask[:, None]
        agg = jnp.zeros_like(x).at[dst].add(msg)
        # GINConv with eps=0: h = mlp((1+eps)*x + agg)
        h = x + agg
        h = h @ W1[i] + b1[i]
        # BatchNorm1d in training mode (batch statistics, biased variance)
        mu = jnp.mean(h, axis=0)
        var = jnp.var(h, axis=0)
        h = (h - mu) / jnp.sqrt(var + BN_EPS) * gamma[i] + beta[i]
        h = jax.nn.relu(h)
        h = h @ W2[i] + b2[i]
        x_new = x_new + h
    return x_new

if __name__ == "__main__":
    import jax
    _d = setup_inputs()
    print(jax.jit(kernel)(*tuple(_d.values())))

</pallas_src>

<mosaic_0001>
#map = affine_map<(d0, d1) -> (0, 0)>
module attributes {stable_mosaic.version = 14 : i64} {
  func.func @_sc_agg_kernel(%arg0: i32, %arg1: i32, %arg2: memref<10000x128xf32, #tpu.memory_space<hbm>>, %arg3: memref<16x20480xi32, #tpu.memory_space<hbm>>, %arg4: memref<16x20480xi32, #tpu.memory_space<hbm>>, %arg5: memref<644x128xf32, #tpu.memory_space<hbm>>, %arg6: memref<40960x128xf32, #tpu.memory_space<hbm>>, %arg7: memref<512xi32, #tpu.memory_space<vmem>>, %arg8: memref<512xi32, #tpu.memory_space<vmem>>, %arg9: memref<512xi32, #tpu.memory_space<vmem>>, %arg10: memref<512xi32, #tpu.memory_space<vmem>>, %arg11: memref<20544xi32, #tpu.memory_space<vmem>>, %arg12: memref<64x128xf32, #tpu.memory_space<vmem>>, %arg13: memref<64x128xf32, #tpu.memory_space<vmem>>, %arg14: memref<64x128xf32, #tpu.memory_space<vmem>>, %arg15: memref<1x64xi32, #tpu.memory_space<vmem>>, %arg16: memref<1x64xi32, #tpu.memory_space<vmem>>, %arg17: memref<1x64xi32, #tpu.memory_space<vmem>>, %arg18: memref<1x64xi32, #tpu.memory_space<vmem>>, %arg19: memref<1x64xi32, #tpu.memory_space<vmem>>, %arg20: memref<1x64xi32, #tpu.memory_space<vmem>>, %arg21: memref<10304x128xf32, #tpu.memory_space<vmem_shared>>, %arg22: memref<!tpu.dma_semaphore, #tpu.memory_space<semaphore_mem>>, %arg23: memref<!tpu.dma_semaphore, #tpu.memory_space<semaphore_mem>>, %arg24: memref<!tpu.dma_semaphore, #tpu.memory_space<semaphore_mem>>, %arg25: memref<!tpu.dma_semaphore, #tpu.memory_space<semaphore_mem>>, %arg26: memref<!tpu.dma_semaphore, #tpu.memory_space<semaphore_mem>>, %arg27: memref<!tpu.dma_semaphore, #tpu.memory_space<semaphore_mem>>, %arg28: memref<!tpu.dma_semaphore, #tpu.memory_space<semaphore_mem>>, %arg29: memref<!tpu.dma_semaphore, #tpu.memory_space<semaphore_mem>>) attributes {dimension_semantics = [#tpu.dimension_semantics<core_parallel>, #tpu.dimension_semantics<subcore_parallel>], iteration_bounds = array<i64: 2, 16>, scalar_prefetch = 0 : i64, scratch_operands = 23 : i64, tpu.core_type = #tpu.core_type<sc_vector_subcore>, window_params = [{transform_indices = #map}, {transform_indices = #map}, {transform_indices = #map}, {transform_indices = #map}, {transform_indices = #map}]} {
    %iota3A = tpu.iota {dimensions = array<i32: 0>} : vector<16xi32>
    %mul3A = arith.constant 2 : i32
    %mul3A_0 = arith.muli %mul3A, %arg0 : i32
    %add3A = arith.constant 0 : i32
    %add3A_1 = arith.addi %mul3A_0, %add3A : i32
    %mul3A_2 = arith.constant 10240 : i32
    %mul3A_3 = arith.muli %add3A_1, %mul3A_2 : i32
    %mul3A_4 = arith.constant 10240 : i32
    %mul3A_5 = arith.muli %add3A_1, %mul3A_4 : i32
    %mul3A_6 = arith.constant 644 : i32
    %mul3A_7 = arith.muli %arg1, %mul3A_6 : i32
    "tpu.region"() ({
      %run_scoped3A = tpu.sem_alloc : memref<!tpu.dma_semaphore, #tpu.memory_space<semaphore_mem>>
      %dma_start3A_201 = arith.constant 0 : i32
      %dma_start3A_202 = tpu.memref_slice %arg21[%mul3A_7, %dma_start3A_201] : memref<10304x128xf32, #tpu.memory_space<vmem_shared>> -> memref<644x128xf32, #tpu.memory_space<vmem_shared>>
      tpu.enqueue_dma source(%arg5 : memref<644x128xf32, #tpu.memory_space<hbm>>) target(%dma_start3A_202 : memref<644x128xf32, #tpu.memory_space<vmem_shared>>) target_semaphore(%run_scoped3A : memref<!tpu.dma_semaphore, #tpu.memory_space<semaphore_mem>>)
      %dma_wait3A = arith.constant 0 : i32
      %dma_wait3A_203 = tpu.memref_slice %arg21[%mul3A_7, %dma_wait3A] : memref<10304x128xf32, #tpu.memory_space<vmem_shared>> -> memref<644x128xf32, #tpu.memory_space<vmem_shared>>
      tpu.wait_dma2 semaphore(%run_scoped3A : memref<!tpu.dma_semaphore, #tpu.memory_space<semaphore_mem>>) src(%arg5 : memref<644x128xf32, #tpu.memory_space<hbm>>) dst(%dma_wait3A_203 : memref<644x128xf32, #tpu.memory_space<vmem_shared>>)
      tpu.yield
    }) : () -> ()
    %barrier3A = arith.constant 0 : index
    tpu.barrier barrier_id(%barrier3A)
    %dma_start3A = arith.constant 0 : i32
    %dma_start3A_8 = tpu.memref_slice %arg3[%arg1, %dma_start3A] : memref<16x20480xi32, #tpu.memory_space<hbm>> -> memref<1x512xi32, #tpu.memory_space<hbm>>
    %dma_start3A_9 = tpu.memref_squeeze %dma_start3A_8 : memref<1x512xi32, #tpu.memory_space<hbm>> -> memref<512xi32, #tpu.memory_space<hbm>>
    %dma_start3A_10 = arith.constant 0 : i32
    %dma_start3A_11 = tpu.memref_slice %arg3[%arg1, %dma_start3A_10] : memref<16x20480xi32, #tpu.memory_space<hbm>> -> memref<1x512xi32, #tpu.memory_space<hbm>>
    %dma_start3A_12 = tpu.memref_squeeze %dma_start3A_11 : memref<1x512xi32, #tpu.memory_space<hbm>> -> memref<512xi32, #tpu.memory_space<hbm>>
    tpu.enqueue_dma source(%dma_start3A_12 : memref<512xi32, #tpu.memory_space<hbm>>) target(%arg7 : memref<512xi32, #tpu.memory_space<vmem>>) target_semaphore(%arg22 : memref<!tpu.dma_semaphore, #tpu.memory_space<semaphore_mem>>)
    %dma_start3A_13 = arith.constant 0 : i32
    %dma_start3A_14 = tpu.memref_slice %arg4[%arg1, %dma_start3A_13] : memref<16x20480xi32, #tpu.memory_space<hbm>> -> memref<1x512xi32, #tpu.memory_space<hbm>>
    %dma_start3A_15 = tpu.memref_squeeze %dma_start3A_14 : memref<1x512xi32, #tpu.memory_space<hbm>> -> memref<512xi32, #tpu.memory_space<hbm>>
    %dma_start3A_16 = arith.constant 0 : i32
    %dma_start3A_17 = tpu.memref_slice %arg4[%arg1, %dma_start3A_16] : memref<16x20480xi32, #tpu.memory_space<hbm>> -> memref<1x512xi32, #tpu.memory_space<hbm>>
    %dma_start3A_18 = tpu.memref_squeeze %dma_start3A_17 : memref<1x512xi32, #tpu.memory_space<hbm>> -> memref<512xi32, #tpu.memory_space<hbm>>
    tpu.enqueue_dma source(%dma_start3A_18 : memref<512xi32, #tpu.memory_space<hbm>>) target(%arg9 : memref<512xi32, #tpu.memory_space<vmem>>) target_semaphore(%arg22 : memref<!tpu.dma_semaphore, #tpu.memory_space<semaphore_mem>>)
    %scan3A = arith.constant 0 : i32
    %scan3A_19 = arith.constant 0 : i32
    %scan3A_20 = arith.constant 20 : i32
    %scan3A_21 = arith.addi %scan3A_19, %scan3A_20 : i32
    %scan3A_22 = arith.constant 1 : i32
    %scan3A_23 = scf.for %scan3A_201 = %scan3A_19 to %scan3A_21 step %scan3A_22 iter_args(%scan3A_202 = %scan3A) -> (i32)  : i32 {
      %mul3A_203 = arith.constant 2 : i32
      %mul3A_204 = arith.muli %mul3A_203, %scan3A_201 : i32
      %add3A_205 = arith.constant 0 : i32
      %add3A_206 = arith.addi %mul3A_204, %add3A_205 : i32
      %dma_wait3A = arith.constant 0 : i32
      %dma_wait3A_207 = arith.constant 0 : i32
      %dma_wait3A_208 = tpu.memref_slice %arg3[%dma_wait3A, %dma_wait3A_207] : memref<16x20480xi32, #tpu.memory_space<hbm>> -> memref<1x512xi32, #tpu.memory_space<hbm>>
      %dma_wait3A_209 = tpu.memref_squeeze %dma_wait3A_208 : memref<1x512xi32, #tpu.memory_space<hbm>> -> memref<512xi32, #tpu.memory_space<hbm>>
      %dma_wait3A_210 = arith.constant 0 : i32
      %dma_wait3A_211 = tpu.memref_slice %arg3[%dma_wait3A, %dma_wait3A_210] : memref<16x20480xi32, #tpu.memory_space<hbm>> -> memref<1x512xi32, #tpu.memory_space<hbm>>
      %dma_wait3A_212 = tpu.memref_squeeze %dma_wait3A_211 : memref<1x512xi32, #tpu.memory_space<hbm>> -> memref<512xi32, #tpu.memory_space<hbm>>
      tpu.wait_dma2 semaphore(%arg22 : memref<!tpu.dma_semaphore, #tpu.memory_space<semaphore_mem>>) src(%dma_wait3A_212 : memref<512xi32, #tpu.memory_space<hbm>>) dst(%arg7 : memref<512xi32, #tpu.memory_space<vmem>>)
      %dma_wait3A_213 = arith.constant 0 : i32
      %dma_wait3A_214 = arith.constant 0 : i32
      %dma_wait3A_215 = tpu.memref_slice %arg4[%dma_wait3A_213, %dma_wait3A_214] : memref<16x20480xi32, #tpu.memory_space<hbm>> -> memref<1x512xi32, #tpu.memory_space<hbm>>
      %dma_wait3A_216 = tpu.memref_squeeze %dma_wait3A_215 : memref<1x512xi32, #tpu.memory_space<hbm>> -> memref<512xi32, #tpu.memory_space<hbm>>
      %dma_wait3A_217 = arith.constant 0 : i32
      %dma_wait3A_218 = tpu.memref_slice %arg4[%dma_wait3A_213, %dma_wait3A_217] : memref<16x20480xi32, #tpu.memory_space<hbm>> -> memref<1x512xi32, #tpu.memory_space<hbm>>
      %dma_wait3A_219 = tpu.memref_squeeze %dma_wait3A_218 : memref<1x512xi32, #tpu.memory_space<hbm>> -> memref<512xi32, #tpu.memory_space<hbm>>
      tpu.wait_dma2 semaphore(%arg22 : memref<!tpu.dma_semaphore, #tpu.memory_space<semaphore_mem>>) src(%dma_wait3A_219 : memref<512xi32, #tpu.memory_space<hbm>>) dst(%arg9 : memref<512xi32, #tpu.memory_space<vmem>>)
      %add3A_220 = arith.constant 1 : i32
      %add3A_221 = arith.addi %add3A_206, %add3A_220 : i32
      %mul3A_222 = arith.constant 512 : i32
      %mul3A_223 = arith.muli %add3A_221, %mul3A_222 : i32
      %dma_start3A_224 = tpu.memref_slice %arg3[%arg1, %mul3A_223] : memref<16x20480xi32, #tpu.memory_space<hbm>> -> memref<1x512xi32, #tpu.memory_space<hbm>>
      %dma_start3A_225 = tpu.memref_squeeze %dma_start3A_224 : memref<1x512xi32, #tpu.memory_space<hbm>> -> memref<512xi32, #tpu.memory_space<hbm>>
      %dma_start3A_226 = tpu.memref_slice %arg3[%arg1, %mul3A_223] : memref<16x20480xi32, #tpu.memory_space<hbm>> -> memref<1x512xi32, #tpu.memory_space<hbm>>
      %dma_start3A_227 = tpu.memref_squeeze %dma_start3A_226 : memref<1x512xi32, #tpu.memory_space<hbm>> -> memref<512xi32, #tpu.memory_space<hbm>>
      tpu.enqueue_dma source(%dma_start3A_227 : memref<512xi32, #tpu.memory_space<hbm>>) target(%arg8 : memref<512xi32, #tpu.memory_space<vmem>>) target_semaphore(%arg23 : memref<!tpu.dma_semaphore, #tpu.memory_space<semaphore_mem>>)
      %mul3A_228 = arith.constant 512 : i32
      %mul3A_229 = arith.muli %add3A_221, %mul3A_228 : i32
      %dma_start3A_230 = tpu.memref_slice %arg4[%arg1, %mul3A_229] : memref<16x20480xi32, #tpu.memory_space<hbm>> -> memref<1x512xi32, #tpu.memory_space<hbm>>
      %dma_start3A_231 = tpu.memref_squeeze %dma_start3A_230 : memref<1x512xi32, #tpu.memory_space<hbm>> -> memref<512xi32, #tpu.memory_space<hbm>>
      %dma_start3A_232 = tpu.memref_slice %arg4[%arg1, %mul3A_229] : memref<16x20480xi32, #tpu.memory_space<hbm>> -> memref<1x512xi32, #tpu.memory_space<hbm>>
      %dma_start3A_233 = tpu.memref_squeeze %dma_start3A_232 : memref<1x512xi32, #tpu.memory_space<hbm>> -> memref<512xi32, #tpu.memory_space<hbm>>
      tpu.enqueue_dma source(%dma_start3A_233 : memref<512xi32, #tpu.memory_space<hbm>>) target(%arg10 : memref<512xi32, #tpu.memory_space<vmem>>) target_semaphore(%arg23 : memref<!tpu.dma_semaphore, #tpu.memory_space<semaphore_mem>>)
      %scan3A_234 = arith.constant 0 : i32
      %scan3A_235 = arith.constant 16 : i32
      %scan3A_236 = arith.addi %scan3A_234, %scan3A_235 : i32
      %scan3A_237 = arith.constant 1 : i32
      %scan3A_238 = scf.for %scan3A_268 = %scan3A_234 to %scan3A_236 step %scan3A_237 iter_args(%scan3A_269 = %scan3A_202) -> (i32)  : i32 {
        %mul3A_270 = arith.constant 2 : i32
        %mul3A_271 = arith.muli %mul3A_270, %scan3A_268 : i32
        %mul3A_272 = arith.constant 16 : i32
        %mul3A_273 = arith.muli %mul3A_271, %mul3A_272 : i32
        %get3A = arith.index_cast %mul3A_273 : i32 to index
        %get3A_274 = tpu.vector_load %arg9[%get3A] {strides = array<i32>} : memref<512xi32, #tpu.memory_space<vmem>>, vector<16xi32>,
        %get3A_275 = vector.shape_cast %get3A_274 : vector<16xi32> to vector<16xi32>
        %mul3A_276 = arith.constant 16 : i32
        %mul3A_277 = arith.muli %mul3A_271, %mul3A_276 : i32
        %get3A_278 = arith.index_cast %mul3A_277 : i32 to index
        %get3A_279 = tpu.vector_load %arg7[%get3A_278] {strides = array<i32>} : memref<512xi32, #tpu.memory_space<vmem>>, vector<16xi32>,
        %get3A_280 = vector.shape_cast %get3A_279 : vector<16xi32> to vector<16xi32>
        %sub3A = vector.broadcast %mul3A_3 : i32 to vector<16xi32>
        %sub3A_281 = arith.subi %get3A_275, %sub3A : vector<16xi32>
        %ge3A = arith.constant 0 : i32
        %ge3A_282 = vector.broadcast %ge3A : i32 to vector<16xi32>
        %ge3A_283 = arith.cmpi sge, %sub3A_281, %ge3A_282 : vector<16xi32>
        %lt3A_284 = arith.constant 10240 : i32
        %lt3A_285 = vector.broadcast %lt3A_284 : i32 to vector<16xi32>
        %lt3A_286 = arith.cmpi slt, %sub3A_281, %lt3A_285 : vector<16xi32>
        %and3A = arith.andi %ge3A_283, %lt3A_286 : vector<16xi1>
        %shift_left3A = arith.constant 14 : i32
        %shift_left3A_287 = vector.broadcast %shift_left3A : i32 to vector<16xi32>
        %shift_left3A_288 = arith.shli %get3A_280, %shift_left3A_287 : vector<16xi32>
        %and3A_289 = arith.constant 16383 : i32
        %and3A_290 = vector.broadcast %and3A_289 : i32 to vector<16xi32>
        %and3A_291 = arith.andi %sub3A_281, %and3A_290 : vector<16xi32>
        %or3A = arith.ori %shift_left3A_288, %and3A_291 : vector<16xi32>
        %broadcast_in_dim3A = arith.constant 1 : i32
        %broadcast_in_dim3A_292 = vector.broadcast %broadcast_in_dim3A : i32 to vector<16xi32>
        %broadcast_in_dim3A_293 = arith.constant 0 : i32
        %broadcast_in_dim3A_294 = vector.broadcast %broadcast_in_dim3A_293 : i32 to vector<16xi32>
        %select_n3A = arith.select %and3A, %broadcast_in_dim3A_292, %broadcast_in_dim3A_294 : vector<16xi1>, vector<16xi32>
        %sub3A_295 = arith.constant 1 : i32
        %sub3A_296 = vector.broadcast %sub3A_295 : i32 to vector<16xi32>
        %sub3A_297 = arith.subi %iota3A, %sub3A_296 : vector<16xi32>
        %max3A = arith.constant 0 : i32
        %max3A_298 = vector.broadcast %max3A : i32 to vector<16xi32>
        %max3A_299 = arith.maxsi %sub3A_297, %max3A_298 : vector<16xi32>
        %broadcast_in_dim3A_300 = vector.shape_cast %max3A_299 : vector<16xi32> to vector<16x1xi32>
        %gather3A = vector.shape_cast %broadcast_in_dim3A_300 : vector<16x1xi32> to vector<16xi32>
        %gather3A_301 = tpu.dynamic_gather %select_n3A[%gather3A] in [0] : vector<16xi32>, vector<16xi32> -> vector<16xi32>
        %ge3A_302 = arith.constant 1 : i32
        %ge3A_303 = vector.broadcast %ge3A_302 : i32 to vector<16xi32>
        %ge3A_304 = arith.cmpi sge, %iota3A, %ge3A_303 : vector<16xi32>
        %jit3A = arith.constant 0 : i32
        %broadcast_in_dim3A_305 = vector.broadcast %jit3A : i32 to vector<16xi32>
        %select_n3A_306 = arith.select %ge3A_304, %gather3A_301, %broadcast_in_dim3A_305 : vector<16xi1>, vector<16xi32>
        %add3A_307 = arith.addi %select_n3A, %select_n3A_306 : vector<16xi32>
        %sub3A_308 = arith.constant 2 : i32
        %sub3A_309 = vector.broadcast %sub3A_308 : i32 to vector<16xi32>
        %sub3A_310 = arith.subi %iota3A, %sub3A_309 : vector<16xi32>
        %max3A_311 = arith.constant 0 : i32
        %max3A_312 = vector.broadcast %max3A_311 : i32 to vector<16xi32>
        %max3A_313 = arith.maxsi %sub3A_310, %max3A_312 : vector<16xi32>
        %broadcast_in_dim3A_314 = vector.shape_cast %max3A_313 : vector<16xi32> to vector<16x1xi32>
        %gather3A_315 = vector.shape_cast %broadcast_in_dim3A_314 : vector<16x1xi32> to vector<16xi32>
        %gather3A_316 = tpu.dynamic_gather %add3A_307[%gather3A_315] in [0] : vector<16xi32>, vector<16xi32> -> vector<16xi32>
        %ge3A_317 = arith.constant 2 : i32
        %ge3A_318 = vector.broadcast %ge3A_317 : i32 to vector<16xi32>
        %ge3A_319 = arith.cmpi sge, %iota3A, %ge3A_318 : vector<16xi32>
        %jit3A_320 = arith.constant 0 : i32
        %broadcast_in_dim3A_321 = vector.broadcast %jit3A_320 : i32 to vector<16xi32>
        %select_n3A_322 = arith.select %ge3A_319, %gather3A_316, %broadcast_in_dim3A_321 : vector<16xi1>, vector<16xi32>
        %add3A_323 = arith.addi %add3A_307, %select_n3A_322 : vector<16xi32>
        %sub3A_324 = arith.constant 4 : i32
        %sub3A_325 = vector.broadcast %sub3A_324 : i32 to vector<16xi32>
        %sub3A_326 = arith.subi %iota3A, %sub3A_325 : vector<16xi32>
        %max3A_327 = arith.constant 0 : i32
        %max3A_328 = vector.broadcast %max3A_327 : i32 to vector<16xi32>
        %max3A_329 = arith.maxsi %sub3A_326, %max3A_328 : vector<16xi32>
        %broadcast_in_dim3A_330 = vector.shape_cast %max3A_329 : vector<16xi32> to vector<16x1xi32>
        %gather3A_331 = vector.shape_cast %broadcast_in_dim3A_330 : vector<16x1xi32> to vector<16xi32>
        %gather3A_332 = tpu.dynamic_gather %add3A_323[%gather3A_331] in [0] : vector<16xi32>, vector<16xi32> -> vector<16xi32>
        %ge3A_333 = arith.constant 4 : i32
        %ge3A_334 = vector.broadcast %ge3A_333 : i32 to vector<16xi32>
        %ge3A_335 = arith.cmpi sge, %iota3A, %ge3A_334 : vector<16xi32>
        %jit3A_336 = arith.constant 0 : i32
        %broadcast_in_dim3A_337 = vector.broadcast %jit3A_336 : i32 to vector<16xi32>
        %select_n3A_338 = arith.select %ge3A_335, %gather3A_332, %broadcast_in_dim3A_337 : vector<16xi1>, vector<16xi32>
        %add3A_339 = arith.addi %add3A_323, %select_n3A_338 : vector<16xi32>
        %sub3A_340 = arith.constant 8 : i32
        %sub3A_341 = vector.broadcast %sub3A_340 : i32 to vector<16xi32>
        %sub3A_342 = arith.subi %iota3A, %sub3A_341 : vector<16xi32>
        %max3A_343 = arith.constant 0 : i32
        %max3A_344 = vector.broadcast %max3A_343 : i32 to vector<16xi32>
        %max3A_345 = arith.maxsi %sub3A_342, %max3A_344 : vector<16xi32>
        %broadcast_in_dim3A_346 = vector.shape_cast %max3A_345 : vector<16xi32> to vector<16x1xi32>
        %gather3A_347 = vector.shape_cast %broadcast_in_dim3A_346 : vector<16x1xi32> to vector<16xi32>
        %gather3A_348 = tpu.dynamic_gather %add3A_339[%gather3A_347] in [0] : vector<16xi32>, vector<16xi32> -> vector<16xi32>
        %ge3A_349 = arith.constant 8 : i32
        %ge3A_350 = vector.broadcast %ge3A_349 : i32 to vector<16xi32>
        %ge3A_351 = arith.cmpi sge, %iota3A, %ge3A_350 : vector<16xi32>
        %jit3A_352 = arith.constant 0 : i32
        %broadcast_in_dim3A_353 = vector.broadcast %jit3A_352 : i32 to vector<16xi32>
        %select_n3A_354 = arith.select %ge3A_351, %gather3A_348, %broadcast_in_dim3A_353 : vector<16xi1>, vector<16xi32>
        %add3A_355 = arith.addi %add3A_339, %select_n3A_354 : vector<16xi32>
        %add3A_356 = arith.constant 1 : i32
        %add3A_357 = vector.broadcast %add3A_356 : i32 to vector<16xi32>
        %add3A_358 = arith.addi %iota3A, %add3A_357 : vector<16xi32>
        %broadcast_in_dim3A_359 = arith.constant 0 : i32
        %broadcast_in_dim3A_360 = vector.broadcast %broadcast_in_dim3A_359 : i32 to vector<16xi32>
        %add3A_361 = arith.constant 7 : i32
        %add3A_362 = vector.broadcast %add3A_361 : i32 to vector<16xi32>
        %add3A_363 = arith.addi %broadcast_in_dim3A_360, %add3A_362 : vector<16xi32>
        %broadcast_in_dim3A_364 = vector.shape_cast %add3A_363 : vector<16xi32> to vector<16x1xi32>
        %gather3A_365 = vector.shape_cast %broadcast_in_dim3A_364 : vector<16x1xi32> to vector<16xi32>
        %gather3A_366 = tpu.dynamic_gather %add3A_355[%gather3A_365] in [0] : vector<16xi32>, vector<16xi32> -> vector<16xi32>
        %lt3A_367 = arith.cmpi slt, %gather3A_366, %add3A_358 : vector<16xi32>
        %add3A_368 = arith.constant 8 : i32
        %add3A_369 = vector.broadcast %add3A_368 : i32 to vector<16xi32>
        %add3A_370 = arith.addi %broadcast_in_dim3A_360, %add3A_369 : vector<16xi32>
        %select_n3A_371 = arith.select %lt3A_367, %add3A_370, %broadcast_in_dim3A_360 : vector<16xi1>, vector<16xi32>
        %add3A_372 = arith.constant 3 : i32
        %add3A_373 = vector.broadcast %add3A_372 : i32 to vector<16xi32>
        %add3A_374 = arith.addi %select_n3A_371, %add3A_373 : vector<16xi32>
        %broadcast_in_dim3A_375 = vector.shape_cast %add3A_374 : vector<16xi32> to vector<16x1xi32>
        %gather3A_376 = vector.shape_cast %broadcast_in_dim3A_375 : vector<16x1xi32> to vector<16xi32>
        %gather3A_377 = tpu.dynamic_gather %add3A_355[%gather3A_376] in [0] : vector<16xi32>, vector<16xi32> -> vector<16xi32>
        %lt3A_378 = arith.cmpi slt, %gather3A_377, %add3A_358 : vector<16xi32>
        %add3A_379 = arith.constant 4 : i32
        %add3A_380 = vector.broadcast %add3A_379 : i32 to vector<16xi32>
        %add3A_381 = arith.addi %select_n3A_371, %add3A_380 : vector<16xi32>
        %select_n3A_382 = arith.select %lt3A_378, %add3A_381, %select_n3A_371 : vector<16xi1>, vector<16xi32>
        %add3A_383 = arith.constant 1 : i32
        %add3A_384 = vector.broadcast %add3A_383 : i32 to vector<16xi32>
        %add3A_385 = arith.addi %select_n3A_382, %add3A_384 : vector<16xi32>
        %broadcast_in_dim3A_386 = vector.shape_cast %add3A_385 : vector<16xi32> to vector<16x1xi32>
        %gather3A_387 = vector.shape_cast %broadcast_in_dim3A_386 : vector<16x1xi32> to vector<16xi32>
        %gather3A_388 = tpu.dynamic_gather %add3A_355[%gather3A_387] in [0] : vector<16xi32>, vector<16xi32> -> vector<16xi32>
        %lt3A_389 = arith.cmpi slt, %gather3A_388, %add3A_358 : vector<16xi32>
        %add3A_390 = arith.constant 2 : i32
        %add3A_391 = vector.broadcast %add3A_390 : i32 to vector<16xi32>
        %add3A_392 = arith.addi %select_n3A_382, %add3A_391 : vector<16xi32>
        %select_n3A_393 = arith.select %lt3A_389, %add3A_392, %select_n3A_382 : vector<16xi1>, vector<16xi32>
        %add3A_394 = arith.constant 0 : i32
        %add3A_395 = vector.broadcast %add3A_394 : i32 to vector<16xi32>
        %add3A_396 = arith.addi %select_n3A_393, %add3A_395 : vector<16xi32>
        %broadcast_in_dim3A_397 = vector.shape_cast %add3A_396 : vector<16xi32> to vector<16x1xi32>
        %gather3A_398 = vector.shape_cast %broadcast_in_dim3A_397 : vector<16x1xi32> to vector<16xi32>
        %gather3A_399 = tpu.dynamic_gather %add3A_355[%gather3A_398] in [0] : vector<16xi32>, vector<16xi32> -> vector<16xi32>
        %lt3A_400 = arith.cmpi slt, %gather3A_399, %add3A_358 : vector<16xi32>
        %add3A_401 = arith.constant 1 : i32
        %add3A_402 = vector.broadcast %add3A_401 : i32 to vector<16xi32>
        %add3A_403 = arith.addi %select_n3A_393, %add3A_402 : vector<16xi32>
        %select_n3A_404 = arith.select %lt3A_400, %add3A_403, %select_n3A_393 : vector<16xi1>, vector<16xi32>
        %min3A = arith.constant 15 : i32
        %min3A_405 = vector.broadcast %min3A : i32 to vector<16xi32>
        %min3A_406 = arith.minsi %select_n3A_404, %min3A_405 : vector<16xi32>
        %broadcast_in_dim3A_407 = vector.shape_cast %min3A_406 : vector<16xi32> to vector<16x1xi32>
        %gather3A_408 = vector.shape_cast %broadcast_in_dim3A_407 : vector<16x1xi32> to vector<16xi32>
        %gather3A_409 = tpu.dynamic_gather %or3A[%gather3A_408] in [0] : vector<16xi32>, vector<16xi32> -> vector<16xi32>
        %add3A_410 = arith.constant 1 : i32
        %add3A_411 = arith.addi %mul3A_271, %add3A_410 : i32
        %mul3A_412 = arith.constant 16 : i32
        %mul3A_413 = arith.muli %add3A_411, %mul3A_412 : i32
        %get3A_414 = arith.index_cast %mul3A_413 : i32 to index
        %get3A_415 = tpu.vector_load %arg9[%get3A_414] {strides = array<i32>} : memref<512xi32, #tpu.memory_space<vmem>>, vector<16xi32>,
        %get3A_416 = vector.shape_cast %get3A_415 : vector<16xi32> to vector<16xi32>
        %mul3A_417 = arith.constant 16 : i32
        %mul3A_418 = arith.muli %add3A_411, %mul3A_417 : i32
        %get3A_419 = arith.index_cast %mul3A_418 : i32 to index
        %get3A_420 = tpu.vector_load %arg7[%get3A_419] {strides = array<i32>} : memref<512xi32, #tpu.memory_space<vmem>>, vector<16xi32>,
        %get3A_421 = vector.shape_cast %get3A_420 : vector<16xi32> to vector<16xi32>
        %sub3A_422 = vector.broadcast %mul3A_3 : i32 to vector<16xi32>
        %sub3A_423 = arith.subi %get3A_416, %sub3A_422 : vector<16xi32>
        %ge3A_424 = arith.constant 0 : i32
        %ge3A_425 = vector.broadcast %ge3A_424 : i32 to vector<16xi32>
        %ge3A_426 = arith.cmpi sge, %sub3A_423, %ge3A_425 : vector<16xi32>
        %lt3A_427 = arith.constant 10240 : i32
        %lt3A_428 = vector.broadcast %lt3A_427 : i32 to vector<16xi32>
        %lt3A_429 = arith.cmpi slt, %sub3A_423, %lt3A_428 : vector<16xi32>
        %and3A_430 = arith.andi %ge3A_426, %lt3A_429 : vector<16xi1>
        %shift_left3A_431 = arith.constant 14 : i32
        %shift_left3A_432 = vector.broadcast %shift_left3A_431 : i32 to vector<16xi32>
        %shift_left3A_433 = arith.shli %get3A_421, %shift_left3A_432 : vector<16xi32>
        %and3A_434 = arith.constant 16383 : i32
        %and3A_435 = vector.broadcast %and3A_434 : i32 to vector<16xi32>
        %and3A_436 = arith.andi %sub3A_423, %and3A_435 : vector<16xi32>
        %or3A_437 = arith.ori %shift_left3A_433, %and3A_436 : vector<16xi32>
        %broadcast_in_dim3A_438 = arith.constant 1 : i32
        %broadcast_in_dim3A_439 = vector.broadcast %broadcast_in_dim3A_438 : i32 to vector<16xi32>
        %broadcast_in_dim3A_440 = arith.constant 0 : i32
        %broadcast_in_dim3A_441 = vector.broadcast %broadcast_in_dim3A_440 : i32 to vector<16xi32>
        %select_n3A_442 = arith.select %and3A_430, %broadcast_in_dim3A_439, %broadcast_in_dim3A_441 : vector<16xi1>, vector<16xi32>
        %sub3A_443 = arith.constant 1 : i32
        %sub3A_444 = vector.broadcast %sub3A_443 : i32 to vector<16xi32>
        %sub3A_445 = arith.subi %iota3A, %sub3A_444 : vector<16xi32>
        %max3A_446 = arith.constant 0 : i32
        %max3A_447 = vector.broadcast %max3A_446 : i32 to vector<16xi32>
        %max3A_448 = arith.maxsi %sub3A_445, %max3A_447 : vector<16xi32>
        %broadcast_in_dim3A_449 = vector.shape_cast %max3A_448 : vector<16xi32> to vector<16x1xi32>
        %gather3A_450 = vector.shape_cast %broadcast_in_dim3A_449 : vector<16x1xi32> to vector<16xi32>
        %gather3A_451 = tpu.dynamic_gather %select_n3A_442[%gather3A_450] in [0] : vector<16xi32>, vector<16xi32> -> vector<16xi32>
        %ge3A_452 = arith.constant 1 : i32
        %ge3A_453 = vector.broadcast %ge3A_452 : i32 to vector<16xi32>
        %ge3A_454 = arith.cmpi sge, %iota3A, %ge3A_453 : vector<16xi32>
        %jit3A_455 = arith.constant 0 : i32
        %broadcast_in_dim3A_456 = vector.broadcast %jit3A_455 : i32 to vector<16xi32>
        %select_n3A_457 = arith.select %ge3A_454, %gather3A_451, %broadcast_in_dim3A_456 : vector<16xi1>, vector<16xi32>
        %add3A_458 = arith.addi %select_n3A_442, %select_n3A_457 : vector<16xi32>
        %sub3A_459 = arith.constant 2 : i32
        %sub3A_460 = vector.broadcast %sub3A_459 : i32 to vector<16xi32>
        %sub3A_461 = arith.subi %iota3A, %sub3A_460 : vector<16xi32>
        %max3A_462 = arith.constant 0 : i32
        %max3A_463 = vector.broadcast %max3A_462 : i32 to vector<16xi32>
        %max3A_464 = arith.maxsi %sub3A_461, %max3A_463 : vector<16xi32>
        %broadcast_in_dim3A_465 = vector.shape_cast %max3A_464 : vector<16xi32> to vector<16x1xi32>
        %gather3A_466 = vector.shape_cast %broadcast_in_dim3A_465 : vector<16x1xi32> to vector<16xi32>
        %gather3A_467 = tpu.dynamic_gather %add3A_458[%gather3A_466] in [0] : vector<16xi32>, vector<16xi32> -> vector<16xi32>
        %ge3A_468 = arith.constant 2 : i32
        %ge3A_469 = vector.broadcast %ge3A_468 : i32 to vector<16xi32>
        %ge3A_470 = arith.cmpi sge, %iota3A, %ge3A_469 : vector<16xi32>
        %jit3A_471 = arith.constant 0 : i32
        %broadcast_in_dim3A_472 = vector.broadcast %jit3A_471 : i32 to vector<16xi32>
        %select_n3A_473 = arith.select %ge3A_470, %gather3A_467, %broadcast_in_dim3A_472 : vector<16xi1>, vector<16xi32>
        %add3A_474 = arith.addi %add3A_458, %select_n3A_473 : vector<16xi32>
        %sub3A_475 = arith.constant 4 : i32
        %sub3A_476 = vector.broadcast %sub3A_475 : i32 to vector<16xi32>
        %sub3A_477 = arith.subi %iota3A, %sub3A_476 : vector<16xi32>
        %max3A_478 = arith.constant 0 : i32
        %max3A_479 = vector.broadcast %max3A_478 : i32 to vector<16xi32>
        %max3A_480 = arith.maxsi %sub3A_477, %max3A_479 : vector<16xi32>
        %broadcast_in_dim3A_481 = vector.shape_cast %max3A_480 : vector<16xi32> to vector<16x1xi32>
        %gather3A_482 = vector.shape_cast %broadcast_in_dim3A_481 : vector<16x1xi32> to vector<16xi32>
        %gather3A_483 = tpu.dynamic_gather %add3A_474[%gather3A_482] in [0] : vector<16xi32>, vector<16xi32> -> vector<16xi32>
        %ge3A_484 = arith.constant 4 : i32
        %ge3A_485 = vector.broadcast %ge3A_484 : i32 to vector<16xi32>
        %ge3A_486 = arith.cmpi sge, %iota3A, %ge3A_485 : vector<16xi32>
        %jit3A_487 = arith.constant 0 : i32
        %broadcast_in_dim3A_488 = vector.broadcast %jit3A_487 : i32 to vector<16xi32>
        %select_n3A_489 = arith.select %ge3A_486, %gather3A_483, %broadcast_in_dim3A_488 : vector<16xi1>, vector<16xi32>
        %add3A_490 = arith.addi %add3A_474, %select_n3A_489 : vector<16xi32>
        %sub3A_491 = arith.constant 8 : i32
        %sub3A_492 = vector.broadcast %sub3A_491 : i32 to vector<16xi32>
        %sub3A_493 = arith.subi %iota3A, %sub3A_492 : vector<16xi32>
        %max3A_494 = arith.constant 0 : i32
        %max3A_495 = vector.broadcast %max3A_494 : i32 to vector<16xi32>
        %max3A_496 = arith.maxsi %sub3A_493, %max3A_495 : vector<16xi32>
        %broadcast_in_dim3A_497 = vector.shape_cast %max3A_496 : vector<16xi32> to vector<16x1xi32>
        %gather3A_498 = vector.shape_cast %broadcast_in_dim3A_497 : vector<16x1xi32> to vector<16xi32>
        %gather3A_499 = tpu.dynamic_gather %add3A_490[%gather3A_498] in [0] : vector<16xi32>, vector<16xi32> -> vector<16xi32>
        %ge3A_500 = arith.constant 8 : i32
        %ge3A_501 = vector.broadcast %ge3A_500 : i32 to vector<16xi32>
        %ge3A_502 = arith.cmpi sge, %iota3A, %ge3A_501 : vector<16xi32>
        %jit3A_503 = arith.constant 0 : i32
        %broadcast_in_dim3A_504 = vector.broadcast %jit3A_503 : i32 to vector<16xi32>
        %select_n3A_505 = arith.select %ge3A_502, %gather3A_499, %broadcast_in_dim3A_504 : vector<16xi1>, vector<16xi32>
        %add3A_506 = arith.addi %add3A_490, %select_n3A_505 : vector<16xi32>
        %add3A_507 = arith.constant 1 : i32
        %add3A_508 = vector.broadcast %add3A_507 : i32 to vector<16xi32>
        %add3A_509 = arith.addi %iota3A, %add3A_508 : vector<16xi32>
        %broadcast_in_dim3A_510 = arith.constant 0 : i32
        %broadcast_in_dim3A_511 = vector.broadcast %broadcast_in_dim3A_510 : i32 to vector<16xi32>
        %add3A_512 = arith.constant 7 : i32
        %add3A_513 = vector.broadcast %add3A_512 : i32 to vector<16xi32>
        %add3A_514 = arith.addi %broadcast_in_dim3A_511, %add3A_513 : vector<16xi32>
        %broadcast_in_dim3A_515 = vector.shape_cast %add3A_514 : vector<16xi32> to vector<16x1xi32>
        %gather3A_516 = vector.shape_cast %broadcast_in_dim3A_515 : vector<16x1xi32> to vector<16xi32>
        %gather3A_517 = tpu.dynamic_gather %add3A_506[%gather3A_516] in [0] : vector<16xi32>, vector<16xi32> -> vector<16xi32>
        %lt3A_518 = arith.cmpi slt, %gather3A_517, %add3A_509 : vector<16xi32>
        %add3A_519 = arith.constant 8 : i32
        %add3A_520 = vector.broadcast %add3A_519 : i32 to vector<16xi32>
        %add3A_521 = arith.addi %broadcast_in_dim3A_511, %add3A_520 : vector<16xi32>
        %select_n3A_522 = arith.select %lt3A_518, %add3A_521, %broadcast_in_dim3A_511 : vector<16xi1>, vector<16xi32>
        %add3A_523 = arith.constant 3 : i32
        %add3A_524 = vector.broadcast %add3A_523 : i32 to vector<16xi32>
        %add3A_525 = arith.addi %select_n3A_522, %add3A_524 : vector<16xi32>
        %broadcast_in_dim3A_526 = vector.shape_cast %add3A_525 : vector<16xi32> to vector<16x1xi32>
        %gather3A_527 = vector.shape_cast %broadcast_in_dim3A_526 : vector<16x1xi32> to vector<16xi32>
        %gather3A_528 = tpu.dynamic_gather %add3A_506[%gather3A_527] in [0] : vector<16xi32>, vector<16xi32> -> vector<16xi32>
        %lt3A_529 = arith.cmpi slt, %gather3A_528, %add3A_509 : vector<16xi32>
        %add3A_530 = arith.constant 4 : i32
        %add3A_531 = vector.broadcast %add3A_530 : i32 to vector<16xi32>
        %add3A_532 = arith.addi %select_n3A_522, %add3A_531 : vector<16xi32>
        %select_n3A_533 = arith.select %lt3A_529, %add3A_532, %select_n3A_522 : vector<16xi1>, vector<16xi32>
        %add3A_534 = arith.constant 1 : i32
        %add3A_535 = vector.broadcast %add3A_534 : i32 to vector<16xi32>
        %add3A_536 = arith.addi %select_n3A_533, %add3A_535 : vector<16xi32>
        %broadcast_in_dim3A_537 = vector.shape_cast %add3A_536 : vector<16xi32> to vector<16x1xi32>
        %gather3A_538 = vector.shape_cast %broadcast_in_dim3A_537 : vector<16x1xi32> to vector<16xi32>
        %gather3A_539 = tpu.dynamic_gather %add3A_506[%gather3A_538] in [0] : vector<16xi32>, vector<16xi32> -> vector<16xi32>
        %lt3A_540 = arith.cmpi slt, %gather3A_539, %add3A_509 : vector<16xi32>
        %add3A_541 = arith.constant 2 : i32
        %add3A_542 = vector.broadcast %add3A_541 : i32 to vector<16xi32>
        %add3A_543 = arith.addi %select_n3A_533, %add3A_542 : vector<16xi32>
        %select_n3A_544 = arith.select %lt3A_540, %add3A_543, %select_n3A_533 : vector<16xi1>, vector<16xi32>
        %add3A_545 = arith.constant 0 : i32
        %add3A_546 = vector.broadcast %add3A_545 : i32 to vector<16xi32>
        %add3A_547 = arith.addi %select_n3A_544, %add3A_546 : vector<16xi32>
        %broadcast_in_dim3A_548 = vector.shape_cast %add3A_547 : vector<16xi32> to vector<16x1xi32>
        %gather3A_549 = vector.shape_cast %broadcast_in_dim3A_548 : vector<16x1xi32> to vector<16xi32>
        %gather3A_550 = tpu.dynamic_gather %add3A_506[%gather3A_549] in [0] : vector<16xi32>, vector<16xi32> -> vector<16xi32>
        %lt3A_551 = arith.cmpi slt, %gather3A_550, %add3A_509 : vector<16xi32>
        %add3A_552 = arith.constant 1 : i32
        %add3A_553 = vector.broadcast %add3A_552 : i32 to vector<16xi32>
        %add3A_554 = arith.addi %select_n3A_544, %add3A_553 : vector<16xi32>
        %select_n3A_555 = arith.select %lt3A_551, %add3A_554, %select_n3A_544 : vector<16xi1>, vector<16xi32>
        %min3A_556 = arith.constant 15 : i32
        %min3A_557 = vector.broadcast %min3A_556 : i32 to vector<16xi32>
        %min3A_558 = arith.minsi %select_n3A_555, %min3A_557 : vector<16xi32>
        %broadcast_in_dim3A_559 = vector.shape_cast %min3A_558 : vector<16xi32> to vector<16x1xi32>
        %gather3A_560 = vector.shape_cast %broadcast_in_dim3A_559 : vector<16x1xi32> to vector<16xi32>
        %gather3A_561 = tpu.dynamic_gather %or3A_437[%gather3A_560] in [0] : vector<16xi32>, vector<16xi32> -> vector<16xi32>
        %swap3A_562 = arith.index_cast %scan3A_269 : i32 to index
        %swap3A_563 = tpu.vector_load %arg11[%swap3A_562] {strides = array<i32>} : memref<20544xi32, #tpu.memory_space<vmem>>, vector<16xi32>,
        %swap3A_564 = vector.shape_cast %swap3A_563 : vector<16xi32> to vector<16xi32>
        %swap3A_565 = vector.shape_cast %gather3A_409 : vector<16xi32> to vector<16xi32>
        tpu.vector_store %arg11[%swap3A_562], %swap3A_565 {strides = array<i32>} : memref<20544xi32, #tpu.memory_space<vmem>>, vector<16xi32>,
        %slice3A = vector.extract_strided_slice %add3A_355 {offsets = [15], sizes = [1], strides = [1]} : vector<16xi32> to vector<1xi32>
        %squeeze3A = vector.extract %slice3A[0] : i32 from vector<1xi32>
        %add3A_566 = arith.addi %scan3A_269, %squeeze3A : i32
        %swap3A_567 = arith.index_cast %add3A_566 : i32 to index
        %swap3A_568 = tpu.vector_load %arg11[%swap3A_567] {strides = array<i32>} : memref<20544xi32, #tpu.memory_space<vmem>>, vector<16xi32>,
        %swap3A_569 = vector.shape_cast %swap3A_568 : vector<16xi32> to vector<16xi32>
        %swap3A_570 = vector.shape_cast %gather3A_561 : vector<16xi32> to vector<16xi32>
        tpu.vector_store %arg11[%swap3A_567], %swap3A_570 {strides = array<i32>} : memref<20544xi32, #tpu.memory_space<vmem>>, vector<16xi32>,
        %slice3A_571 = vector.extract_strided_slice %add3A_506 {offsets = [15], sizes = [1], strides = [1]} : vector<16xi32> to vector<1xi32>
        %squeeze3A_572 = vector.extract %slice3A_571[0] : i32 from vector<1xi32>
        %add3A_573 = arith.addi %add3A_566, %squeeze3A_572 : i32
        scf.yield %add3A_573 : i32
      }
      %scan3A_239 = arith.constant 16 : i32
      %mul3A_240 = arith.constant 2 : i32
      %mul3A_241 = arith.muli %mul3A_240, %scan3A_201 : i32
      %add3A_242 = arith.constant 1 : i32
      %add3A_243 = arith.addi %mul3A_241, %add3A_242 : i32
      %dma_wait3A_244 = arith.constant 0 : i32
      %dma_wait3A_245 = arith.constant 0 : i32
      %dma_wait3A_246 = tpu.memref_slice %arg3[%dma_wait3A_244, %dma_wait3A_245] : memref<16x20480xi32, #tpu.memory_space<hbm>> -> memref<1x512xi32, #tpu.memory_space<hbm>>
      %dma_wait3A_247 = tpu.memref_squeeze %dma_wait3A_246 : memref<1x512xi32, #tpu.memory_space<hbm>> -> memref<512xi32, #tpu.memory_space<hbm>>
      %dma_wait3A_248 = arith.constant 0 : i32
      %dma_wait3A_249 = tpu.memref_slice %arg3[%dma_wait3A_244, %dma_wait3A_248] : memref<16x20480xi32, #tpu.memory_space<hbm>> -> memref<1x512xi32, #tpu.memory_space<hbm>>
      %dma_wait3A_250 = tpu.memref_squeeze %dma_wait3A_249 : memref<1x512xi32, #tpu.memory_space<hbm>> -> memref<512xi32, #tpu.memory_space<hbm>>
      tpu.wait_dma2 semaphore(%arg23 : memref<!tpu.dma_semaphore, #tpu.memory_space<semaphore_mem>>) src(%dma_wait3A_250 : memref<512xi32, #tpu.memory_space<hbm>>) dst(%arg8 : memref<512xi32, #tpu.memory_space<vmem>>)
      %dma_wait3A_251 = arith.constant 0 : i32
      %dma_wait3A_252 = arith.constant 0 : i32
      %dma_wait3A_253 = tpu.memref_slice %arg4[%dma_wait3A_251, %dma_wait3A_252] : memref<16x20480xi32, #tpu.memory_space<hbm>> -> memref<1x512xi32, #tpu.memory_space<hbm>>
      %dma_wait3A_254 = tpu.memref_squeeze %dma_wait3A_253 : memref<1x512xi32, #tpu.memory_space<hbm>> -> memref<512xi32, #tpu.memory_space<hbm>>
      %dma_wait3A_255 = arith.constant 0 : i32
      %dma_wait3A_256 = tpu.memref_slice %arg4[%dma_wait3A_251, %dma_wait3A_255] : memref<16x20480xi32, #tpu.memory_space<hbm>> -> memref<1x512xi32, #tpu.memory_space<hbm>>
      %dma_wait3A_257 = tpu.memref_squeeze %dma_wait3A_256 : memref<1x512xi32, #tpu.memory_space<hbm>> -> memref<512xi32, #tpu.memory_space<hbm>>
      tpu.wait_dma2 semaphore(%arg23 : memref<!tpu.dma_semaphore, #tpu.memory_space<semaphore_mem>>) src(%dma_wait3A_257 : memref<512xi32, #tpu.memory_space<hbm>>) dst(%arg10 : memref<512xi32, #tpu.memory_space<vmem>>)
      %lt3A = arith.constant 19 : i32
      %lt3A_258 = arith.cmpi slt, %scan3A_201, %lt3A : i32
      %convert_element_type3A_259 = arith.extui %lt3A_258 : i1 to i32
      %cond3A_260 = arith.constant 0 : i32
      %cond3A_261 = arith.cmpi ne, %convert_element_type3A_259, %cond3A_260 : i32
      scf.if %cond3A_261 {
        %add3A_268 = arith.constant 1 : i32
        %add3A_269 = arith.addi %add3A_243, %add3A_268 : i32
        %mul3A_270 = arith.constant 512 : i32
        %mul3A_271 = arith.muli %add3A_269, %mul3A_270 : i32
        %dma_start3A_272 = tpu.memref_slice %arg3[%arg1, %mul3A_271] : memref<16x20480xi32, #tpu.memory_space<hbm>> -> memref<1x512xi32, #tpu.memory_space<hbm>>
        %dma_start3A_273 = tpu.memref_squeeze %dma_start3A_272 : memref<1x512xi32, #tpu.memory_space<hbm>> -> memref<512xi32, #tpu.memory_space<hbm>>
        %dma_start3A_274 = tpu.memref_slice %arg3[%arg1, %mul3A_271] : memref<16x20480xi32, #tpu.memory_space<hbm>> -> memref<1x512xi32, #tpu.memory_space<hbm>>
        %dma_start3A_275 = tpu.memref_squeeze %dma_start3A_274 : memref<1x512xi32, #tpu.memory_space<hbm>> -> memref<512xi32, #tpu.memory_space<hbm>>
        tpu.enqueue_dma source(%dma_start3A_275 : memref<512xi32, #tpu.memory_space<hbm>>) target(%arg7 : memref<512xi32, #tpu.memory_space<vmem>>) target_semaphore(%arg22 : memref<!tpu.dma_semaphore, #tpu.memory_space<semaphore_mem>>)
        %mul3A_276 = arith.constant 512 : i32
        %mul3A_277 = arith.muli %add3A_269, %mul3A_276 : i32
        %dma_start3A_278 = tpu.memref_slice %arg4[%arg1, %mul3A_277] : memref<16x20480xi32, #tpu.memory_space<hbm>> -> memref<1x512xi32, #tpu.memory_space<hbm>>
        %dma_start3A_279 = tpu.memref_squeeze %dma_start3A_278 : memref<1x512xi32, #tpu.memory_space<hbm>> -> memref<512xi32, #tpu.memory_space<hbm>>
        %dma_start3A_280 = tpu.memref_slice %arg4[%arg1, %mul3A_277] : memref<16x20480xi32, #tpu.memory_space<hbm>> -> memref<1x512xi32, #tpu.memory_space<hbm>>
        %dma_start3A_281 = tpu.memref_squeeze %dma_start3A_280 : memref<1x512xi32, #tpu.memory_space<hbm>> -> memref<512xi32, #tpu.memory_space<hbm>>
        tpu.enqueue_dma source(%dma_start3A_281 : memref<512xi32, #tpu.memory_space<hbm>>) target(%arg9 : memref<512xi32, #tpu.memory_space<vmem>>) target_semaphore(%arg22 : memref<!tpu.dma_semaphore, #tpu.memory_space<semaphore_mem>>)
      } else {
      }
      %scan3A_262 = arith.constant 0 : i32
      %scan3A_263 = arith.constant 16 : i32
      %scan3A_264 = arith.addi %scan3A_262, %scan3A_263 : i32
      %scan3A_265 = arith.constant 1 : i32
      %scan3A_266 = scf.for %scan3A_268 = %scan3A_262 to %scan3A_264 step %scan3A_265 iter_args(%scan3A_269 = %scan3A_238) -> (i32)  : i32 {
        %mul3A_270 = arith.constant 2 : i32
        %mul3A_271 = arith.muli %mul3A_270, %scan3A_268 : i32
        %mul3A_272 = arith.constant 16 : i32
        %mul3A_273 = arith.muli %mul3A_271, %mul3A_272 : i32
        %get3A = arith.index_cast %mul3A_273 : i32 to index
        %get3A_274 = tpu.vector_load %arg10[%get3A] {strides = array<i32>} : memref<512xi32, #tpu.memory_space<vmem>>, vector<16xi32>,
        %get3A_275 = vector.shape_cast %get3A_274 : vector<16xi32> to vector<16xi32>
        %mul3A_276 = arith.constant 16 : i32
        %mul3A_277 = arith.muli %mul3A_271, %mul3A_276 : i32
        %get3A_278 = arith.index_cast %mul3A_277 : i32 to index
        %get3A_279 = tpu.vector_load %arg8[%get3A_278] {strides = array<i32>} : memref<512xi32, #tpu.memory_space<vmem>>, vector<16xi32>,
        %get3A_280 = vector.shape_cast %get3A_279 : vector<16xi32> to vector<16xi32>
        %sub3A = vector.broadcast %mul3A_3 : i32 to vector<16xi32>
        %sub3A_281 = arith.subi %get3A_275, %sub3A : vector<16xi32>
        %ge3A = arith.constant 0 : i32
        %ge3A_282 = vector.broadcast %ge3A : i32 to vector<16xi32>
        %ge3A_283 = arith.cmpi sge, %sub3A_281, %ge3A_282 : vector<16xi32>
        %lt3A_284 = arith.constant 10240 : i32
        %lt3A_285 = vector.broadcast %lt3A_284 : i32 to vector<16xi32>
        %lt3A_286 = arith.cmpi slt, %sub3A_281, %lt3A_285 : vector<16xi32>
        %and3A = arith.andi %ge3A_283, %lt3A_286 : vector<16xi1>
        %shift_left3A = arith.constant 14 : i32
        %shift_left3A_287 = vector.broadcast %shift_left3A : i32 to vector<16xi32>
        %shift_left3A_288 = arith.shli %get3A_280, %shift_left3A_287 : vector<16xi32>
        %and3A_289 = arith.constant 16383 : i32
        %and3A_290 = vector.broadcast %and3A_289 : i32 to vector<16xi32>
        %and3A_291 = arith.andi %sub3A_281, %and3A_290 : vector<16xi32>
        %or3A = arith.ori %shift_left3A_288, %and3A_291 : vector<16xi32>
        %broadcast_in_dim3A = arith.constant 1 : i32
        %broadcast_in_dim3A_292 = vector.broadcast %broadcast_in_dim3A : i32 to vector<16xi32>
        %broadcast_in_dim3A_293 = arith.constant 0 : i32
        %broadcast_in_dim3A_294 = vector.broadcast %broadcast_in_dim3A_293 : i32 to vector<16xi32>
        %select_n3A = arith.select %and3A, %broadcast_in_dim3A_292, %broadcast_in_dim3A_294 : vector<16xi1>, vector<16xi32>
        %sub3A_295 = arith.constant 1 : i32
        %sub3A_296 = vector.broadcast %sub3A_295 : i32 to vector<16xi32>
        %sub3A_297 = arith.subi %iota3A, %sub3A_296 : vector<16xi32>
        %max3A = arith.constant 0 : i32
        %max3A_298 = vector.broadcast %max3A : i32 to vector<16xi32>
        %max3A_299 = arith.maxsi %sub3A_297, %max3A_298 : vector<16xi32>
        %broadcast_in_dim3A_300 = vector.shape_cast %max3A_299 : vector<16xi32> to vector<16x1xi32>
        %gather3A = vector.shape_cast %broadcast_in_dim3A_300 : vector<16x1xi32> to vector<16xi32>
        %gather3A_301 = tpu.dynamic_gather %select_n3A[%gather3A] in [0] : vector<16xi32>, vector<16xi32> -> vector<16xi32>
        %ge3A_302 = arith.constant 1 : i32
        %ge3A_303 = vector.broadcast %ge3A_302 : i32 to vector<16xi32>
        %ge3A_304 = arith.cmpi sge, %iota3A, %ge3A_303 : vector<16xi32>
        %jit3A = arith.constant 0 : i32
        %broadcast_in_dim3A_305 = vector.broadcast %jit3A : i32 to vector<16xi32>
        %select_n3A_306 = arith.select %ge3A_304, %gather3A_301, %broadcast_in_dim3A_305 : vector<16xi1>, vector<16xi32>
        %add3A_307 = arith.addi %select_n3A, %select_n3A_306 : vector<16xi32>
        %sub3A_308 = arith.constant 2 : i32
        %sub3A_309 = vector.broadcast %sub3A_308 : i32 to vector<16xi32>
        %sub3A_310 = arith.subi %iota3A, %sub3A_309 : vector<16xi32>
        %max3A_311 = arith.constant 0 : i32
        %max3A_312 = vector.broadcast %max3A_311 : i32 to vector<16xi32>
        %max3A_313 = arith.maxsi %sub3A_310, %max3A_312 : vector<16xi32>
        %broadcast_in_dim3A_314 = vector.shape_cast %max3A_313 : vector<16xi32> to vector<16x1xi32>
        %gather3A_315 = vector.shape_cast %broadcast_in_dim3A_314 : vector<16x1xi32> to vector<16xi32>
        %gather3A_316 = tpu.dynamic_gather %add3A_307[%gather3A_315] in [0] : vector<16xi32>, vector<16xi32> -> vector<16xi32>
        %ge3A_317 = arith.constant 2 : i32
        %ge3A_318 = vector.broadcast %ge3A_317 : i32 to vector<16xi32>
        %ge3A_319 = arith.cmpi sge, %iota3A, %ge3A_318 : vector<16xi32>
        %jit3A_320 = arith.constant 0 : i32
        %broadcast_in_dim3A_321 = vector.broadcast %jit3A_320 : i32 to vector<16xi32>
        %select_n3A_322 = arith.select %ge3A_319, %gather3A_316, %broadcast_in_dim3A_321 : vector<16xi1>, vector<16xi32>
        %add3A_323 = arith.addi %add3A_307, %select_n3A_322 : vector<16xi32>
        %sub3A_324 = arith.constant 4 : i32
        %sub3A_325 = vector.broadcast %sub3A_324 : i32 to vector<16xi32>
        %sub3A_326 = arith.subi %iota3A, %sub3A_325 : vector<16xi32>
        %max3A_327 = arith.constant 0 : i32
        %max3A_328 = vector.broadcast %max3A_327 : i32 to vector<16xi32>
        %max3A_329 = arith.maxsi %sub3A_326, %max3A_328 : vector<16xi32>
        %broadcast_in_dim3A_330 = vector.shape_cast %max3A_329 : vector<16xi32> to vector<16x1xi32>
        %gather3A_331 = vector.shape_cast %broadcast_in_dim3A_330 : vector<16x1xi32> to vector<16xi32>
        %gather3A_332 = tpu.dynamic_gather %add3A_323[%gather3A_331] in [0] : vector<16xi32>, vector<16xi32> -> vector<16xi32>
        %ge3A_333 = arith.constant 4 : i32
        %ge3A_334 = vector.broadcast %ge3A_333 : i32 to vector<16xi32>
        %ge3A_335 = arith.cmpi sge, %iota3A, %ge3A_334 : vector<16xi32>
        %jit3A_336 = arith.constant 0 : i32
        %broadcast_in_dim3A_337 = vector.broadcast %jit3A_336 : i32 to vector<16xi32>
        %select_n3A_338 = arith.select %ge3A_335, %gather3A_332, %broadcast_in_dim3A_337 : vector<16xi1>, vector<16xi32>
        %add3A_339 = arith.addi %add3A_323, %select_n3A_338 : vector<16xi32>
        %sub3A_340 = arith.constant 8 : i32
        %sub3A_341 = vector.broadcast %sub3A_340 : i32 to vector<16xi32>
        %sub3A_342 = arith.subi %iota3A, %sub3A_341 : vector<16xi32>
        %max3A_343 = arith.constant 0 : i32
        %max3A_344 = vector.broadcast %max3A_343 : i32 to vector<16xi32>
        %max3A_345 = arith.maxsi %sub3A_342, %max3A_344 : vector<16xi32>
        %broadcast_in_dim3A_346 = vector.shape_cast %max3A_345 : vector<16xi32> to vector<16x1xi32>
        %gather3A_347 = vector.shape_cast %broadcast_in_dim3A_346 : vector<16x1xi32> to vector<16xi32>
        %gather3A_348 = tpu.dynamic_gather %add3A_339[%gather3A_347] in [0] : vector<16xi32>, vector<16xi32> -> vector<16xi32>
        %ge3A_349 = arith.constant 8 : i32
        %ge3A_350 = vector.broadcast %ge3A_349 : i32 to vector<16xi32>
        %ge3A_351 = arith.cmpi sge, %iota3A, %ge3A_350 : vector<16xi32>
        %jit3A_352 = arith.constant 0 : i32
        %broadcast_in_dim3A_353 = vector.broadcast %jit3A_352 : i32 to vector<16xi32>
        %select_n3A_354 = arith.select %ge3A_351, %gather3A_348, %broadcast_in_dim3A_353 : vector<16xi1>, vector<16xi32>
        %add3A_355 = arith.addi %add3A_339, %select_n3A_354 : vector<16xi32>
        %add3A_356 = arith.constant 1 : i32
        %add3A_357 = vector.broadcast %add3A_356 : i32 to vector<16xi32>
        %add3A_358 = arith.addi %iota3A, %add3A_357 : vector<16xi32>
        %broadcast_in_dim3A_359 = arith.constant 0 : i32
        %broadcast_in_dim3A_360 = vector.broadcast %broadcast_in_dim3A_359 : i32 to vector<16xi32>
        %add3A_361 = arith.constant 7 : i32
        %add3A_362 = vector.broadcast %add3A_361 : i32 to vector<16xi32>
        %add3A_363 = arith.addi %broadcast_in_dim3A_360, %add3A_362 : vector<16xi32>
        %broadcast_in_dim3A_364 = vector.shape_cast %add3A_363 : vector<16xi32> to vector<16x1xi32>
        %gather3A_365 = vector.shape_cast %broadcast_in_dim3A_364 : vector<16x1xi32> to vector<16xi32>
        %gather3A_366 = tpu.dynamic_gather %add3A_355[%gather3A_365] in [0] : vector<16xi32>, vector<16xi32> -> vector<16xi32>
        %lt3A_367 = arith.cmpi slt, %gather3A_366, %add3A_358 : vector<16xi32>
        %add3A_368 = arith.constant 8 : i32
        %add3A_369 = vector.broadcast %add3A_368 : i32 to vector<16xi32>
        %add3A_370 = arith.addi %broadcast_in_dim3A_360, %add3A_369 : vector<16xi32>
        %select_n3A_371 = arith.select %lt3A_367, %add3A_370, %broadcast_in_dim3A_360 : vector<16xi1>, vector<16xi32>
        %add3A_372 = arith.constant 3 : i32
        %add3A_373 = vector.broadcast %add3A_372 : i32 to vector<16xi32>
        %add3A_374 = arith.addi %select_n3A_371, %add3A_373 : vector<16xi32>
        %broadcast_in_dim3A_375 = vector.shape_cast %add3A_374 : vector<16xi32> to vector<16x1xi32>
        %gather3A_376 = vector.shape_cast %broadcast_in_dim3A_375 : vector<16x1xi32> to vector<16xi32>
        %gather3A_377 = tpu.dynamic_gather %add3A_355[%gather3A_376] in [0] : vector<16xi32>, vector<16xi32> -> vector<16xi32>
        %lt3A_378 = arith.cmpi slt, %gather3A_377, %add3A_358 : vector<16xi32>
        %add3A_379 = arith.constant 4 : i32
        %add3A_380 = vector.broadcast %add3A_379 : i32 to vector<16xi32>
        %add3A_381 = arith.addi %select_n3A_371, %add3A_380 : vector<16xi32>
        %select_n3A_382 = arith.select %lt3A_378, %add3A_381, %select_n3A_371 : vector<16xi1>, vector<16xi32>
        %add3A_383 = arith.constant 1 : i32
        %add3A_384 = vector.broadcast %add3A_383 : i32 to vector<16xi32>
        %add3A_385 = arith.addi %select_n3A_382, %add3A_384 : vector<16xi32>
        %broadcast_in_dim3A_386 = vector.shape_cast %add3A_385 : vector<16xi32> to vector<16x1xi32>
        %gather3A_387 = vector.shape_cast %broadcast_in_dim3A_386 : vector<16x1xi32> to vector<16xi32>
        %gather3A_388 = tpu.dynamic_gather %add3A_355[%gather3A_387] in [0] : vector<16xi32>, vector<16xi32> -> vector<16xi32>
        %lt3A_389 = arith.cmpi slt, %gather3A_388, %add3A_358 : vector<16xi32>
        %add3A_390 = arith.constant 2 : i32
        %add3A_391 = vector.broadcast %add3A_390 : i32 to vector<16xi32>
        %add3A_392 = arith.addi %select_n3A_382, %add3A_391 : vector<16xi32>
        %select_n3A_393 = arith.select %lt3A_389, %add3A_392, %select_n3A_382 : vector<16xi1>, vector<16xi32>
        %add3A_394 = arith.constant 0 : i32
        %add3A_395 = vector.broadcast %add3A_394 : i32 to vector<16xi32>
        %add3A_396 = arith.addi %select_n3A_393, %add3A_395 : vector<16xi32>
        %broadcast_in_dim3A_397 = vector.shape_cast %add3A_396 : vector<16xi32> to vector<16x1xi32>
        %gather3A_398 = vector.shape_cast %broadcast_in_dim3A_397 : vector<16x1xi32> to vector<16xi32>
        %gather3A_399 = tpu.dynamic_gather %add3A_355[%gather3A_398] in [0] : vector<16xi32>, vector<16xi32> -> vector<16xi32>
        %lt3A_400 = arith.cmpi slt, %gather3A_399, %add3A_358 : vector<16xi32>
        %add3A_401 = arith.constant 1 : i32
        %add3A_402 = vector.broadcast %add3A_401 : i32 to vector<16xi32>
        %add3A_403 = arith.addi %select_n3A_393, %add3A_402 : vector<16xi32>
        %select_n3A_404 = arith.select %lt3A_400, %add3A_403, %select_n3A_393 : vector<16xi1>, vector<16xi32>
        %min3A = arith.constant 15 : i32
        %min3A_405 = vector.broadcast %min3A : i32 to vector<16xi32>
        %min3A_406 = arith.minsi %select_n3A_404, %min3A_405 : vector<16xi32>
        %broadcast_in_dim3A_407 = vector.shape_cast %min3A_406 : vector<16xi32> to vector<16x1xi32>
        %gather3A_408 = vector.shape_cast %broadcast_in_dim3A_407 : vector<16x1xi32> to vector<16xi32>
        %gather3A_409 = tpu.dynamic_gather %or3A[%gather3A_408] in [0] : vector<16xi32>, vector<16xi32> -> vector<16xi32>
        %add3A_410 = arith.constant 1 : i32
        %add3A_411 = arith.addi %mul3A_271, %add3A_410 : i32
        %mul3A_412 = arith.constant 16 : i32
        %mul3A_413 = arith.muli %add3A_411, %mul3A_412 : i32
        %get3A_414 = arith.index_cast %mul3A_413 : i32 to index
        %get3A_415 = tpu.vector_load %arg10[%get3A_414] {strides = array<i32>} : memref<512xi32, #tpu.memory_space<vmem>>, vector<16xi32>,
        %get3A_416 = vector.shape_cast %get3A_415 : vector<16xi32> to vector<16xi32>
        %mul3A_417 = arith.constant 16 : i32
        %mul3A_418 = arith.muli %add3A_411, %mul3A_417 : i32
        %get3A_419 = arith.index_cast %mul3A_418 : i32 to index
        %get3A_420 = tpu.vector_load %arg8[%get3A_419] {strides = array<i32>} : memref<512xi32, #tpu.memory_space<vmem>>, vector<16xi32>,
        %get3A_421 = vector.shape_cast %get3A_420 : vector<16xi32> to vector<16xi32>
        %sub3A_422 = vector.broadcast %mul3A_3 : i32 to vector<16xi32>
        %sub3A_423 = arith.subi %get3A_416, %sub3A_422 : vector<16xi32>
        %ge3A_424 = arith.constant 0 : i32
        %ge3A_425 = vector.broadcast %ge3A_424 : i32 to vector<16xi32>
        %ge3A_426 = arith.cmpi sge, %sub3A_423, %ge3A_425 : vector<16xi32>
        %lt3A_427 = arith.constant 10240 : i32
        %lt3A_428 = vector.broadcast %lt3A_427 : i32 to vector<16xi32>
        %lt3A_429 = arith.cmpi slt, %sub3A_423, %lt3A_428 : vector<16xi32>
        %and3A_430 = arith.andi %ge3A_426, %lt3A_429 : vector<16xi1>
        %shift_left3A_431 = arith.constant 14 : i32
        %shift_left3A_432 = vector.broadcast %shift_left3A_431 : i32 to vector<16xi32>
        %shift_left3A_433 = arith.shli %get3A_421, %shift_left3A_432 : vector<16xi32>
        %and3A_434 = arith.constant 16383 : i32
        %and3A_435 = vector.broadcast %and3A_434 : i32 to vector<16xi32>
        %and3A_436 = arith.andi %sub3A_423, %and3A_435 : vector<16xi32>
        %or3A_437 = arith.ori %shift_left3A_433, %and3A_436 : vector<16xi32>
        %broadcast_in_dim3A_438 = arith.constant 1 : i32
        %broadcast_in_dim3A_439 = vector.broadcast %broadcast_in_dim3A_438 : i32 to vector<16xi32>
        %broadcast_in_dim3A_440 = arith.constant 0 : i32
        %broadcast_in_dim3A_441 = vector.broadcast %broadcast_in_dim3A_440 : i32 to vector<16xi32>
        %select_n3A_442 = arith.select %and3A_430, %broadcast_in_dim3A_439, %broadcast_in_dim3A_441 : vector<16xi1>, vector<16xi32>
        %sub3A_443 = arith.constant 1 : i32
        %sub3A_444 = vector.broadcast %sub3A_443 : i32 to vector<16xi32>
        %sub3A_445 = arith.subi %iota3A, %sub3A_444 : vector<16xi32>
        %max3A_446 = arith.constant 0 : i32
        %max3A_447 = vector.broadcast %max3A_446 : i32 to vector<16xi32>
        %max3A_448 = arith.maxsi %sub3A_445, %max3A_447 : vector<16xi32>
        %broadcast_in_dim3A_449 = vector.shape_cast %max3A_448 : vector<16xi32> to vector<16x1xi32>
        %gather3A_450 = vector.shape_cast %broadcast_in_dim3A_449 : vector<16x1xi32> to vector<16xi32>
        %gather3A_451 = tpu.dynamic_gather %select_n3A_442[%gather3A_450] in [0] : vector<16xi32>, vector<16xi32> -> vector<16xi32>
        %ge3A_452 = arith.constant 1 : i32
        %ge3A_453 = vector.broadcast %ge3A_452 : i32 to vector<16xi32>
        %ge3A_454 = arith.cmpi sge, %iota3A, %ge3A_453 : vector<16xi32>
        %jit3A_455 = arith.constant 0 : i32
        %broadcast_in_dim3A_456 = vector.broadcast %jit3A_455 : i32 to vector<16xi32>
        %select_n3A_457 = arith.select %ge3A_454, %gather3A_451, %broadcast_in_dim3A_456 : vector<16xi1>, vector<16xi32>
        %add3A_458 = arith.addi %select_n3A_442, %select_n3A_457 : vector<16xi32>
        %sub3A_459 = arith.constant 2 : i32
        %sub3A_460 = vector.broadcast %sub3A_459 : i32 to vector<16xi32>
        %sub3A_461 = arith.subi %iota3A, %sub3A_460 : vector<16xi32>
        %max3A_462 = arith.constant 0 : i32
        %max3A_463 = vector.broadcast %max3A_462 : i32 to vector<16xi32>
        %max3A_464 = arith.maxsi %sub3A_461, %max3A_463 : vector<16xi32>
        %broadcast_in_dim3A_465 = vector.shape_cast %max3A_464 : vector<16xi32> to vector<16x1xi32>
        %gather3A_466 = vector.shape_cast %broadcast_in_dim3A_465 : vector<16x1xi32> to vector<16xi32>
        %gather3A_467 = tpu.dynamic_gather %add3A_458[%gather3A_466] in [0] : vector<16xi32>, vector<16xi32> -> vector<16xi32>
        %ge3A_468 = arith.constant 2 : i32
        %ge3A_469 = vector.broadcast %ge3A_468 : i32 to vector<16xi32>
        %ge3A_470 = arith.cmpi sge, %iota3A, %ge3A_469 : vector<16xi32>
        %jit3A_471 = arith.constant 0 : i32
        %broadcast_in_dim3A_472 = vector.broadcast %jit3A_471 : i32 to vector<16xi32>
        %select_n3A_473 = arith.select %ge3A_470, %gather3A_467, %broadcast_in_dim3A_472 : vector<16xi1>, vector<16xi32>
        %add3A_474 = arith.addi %add3A_458, %select_n3A_473 : vector<16xi32>
        %sub3A_475 = arith.constant 4 : i32
        %sub3A_476 = vector.broadcast %sub3A_475 : i32 to vector<16xi32>
        %sub3A_477 = arith.subi %iota3A, %sub3A_476 : vector<16xi32>
        %max3A_478 = arith.constant 0 : i32
        %max3A_479 = vector.broadcast %max3A_478 : i32 to vector<16xi32>
        %max3A_480 = arith.maxsi %sub3A_477, %max3A_479 : vector<16xi32>
        %broadcast_in_dim3A_481 = vector.shape_cast %max3A_480 : vector<16xi32> to vector<16x1xi32>
        %gather3A_482 = vector.shape_cast %broadcast_in_dim3A_481 : vector<16x1xi32> to vector<16xi32>
        %gather3A_483 = tpu.dynamic_gather %add3A_474[%gather3A_482] in [0] : vector<16xi32>, vector<16xi32> -> vector<16xi32>
        %ge3A_484 = arith.constant 4 : i32
        %ge3A_485 = vector.broadcast %ge3A_484 : i32 to vector<16xi32>
        %ge3A_486 = arith.cmpi sge, %iota3A, %ge3A_485 : vector<16xi32>
        %jit3A_487 = arith.constant 0 : i32
        %broadcast_in_dim3A_488 = vector.broadcast %jit3A_487 : i32 to vector<16xi32>
        %select_n3A_489 = arith.select %ge3A_486, %gather3A_483, %broadcast_in_dim3A_488 : vector<16xi1>, vector<16xi32>
        %add3A_490 = arith.addi %add3A_474, %select_n3A_489 : vector<16xi32>
        %sub3A_491 = arith.constant 8 : i32
        %sub3A_492 = vector.broadcast %sub3A_491 : i32 to vector<16xi32>
        %sub3A_493 = arith.subi %iota3A, %sub3A_492 : vector<16xi32>
        %max3A_494 = arith.constant 0 : i32
        %max3A_495 = vector.broadcast %max3A_494 : i32 to vector<16xi32>
        %max3A_496 = arith.maxsi %sub3A_493, %max3A_495 : vector<16xi32>
        %broadcast_in_dim3A_497 = vector.shape_cast %max3A_496 : vector<16xi32> to vector<16x1xi32>
        %gather3A_498 = vector.shape_cast %broadcast_in_dim3A_497 : vector<16x1xi32> to vector<16xi32>
        %gather3A_499 = tpu.dynamic_gather %add3A_490[%gather3A_498] in [0] : vector<16xi32>, vector<16xi32> -> vector<16xi32>
        %ge3A_500 = arith.constant 8 : i32
        %ge3A_501 = vector.broadcast %ge3A_500 : i32 to vector<16xi32>
        %ge3A_502 = arith.cmpi sge, %iota3A, %ge3A_501 : vector<16xi32>
        %jit3A_503 = arith.constant 0 : i32
        %broadcast_in_dim3A_504 = vector.broadcast %jit3A_503 : i32 to vector<16xi32>
        %select_n3A_505 = arith.select %ge3A_502, %gather3A_499, %broadcast_in_dim3A_504 : vector<16xi1>, vector<16xi32>
        %add3A_506 = arith.addi %add3A_490, %select_n3A_505 : vector<16xi32>
        %add3A_507 = arith.constant 1 : i32
        %add3A_508 = vector.broadcast %add3A_507 : i32 to vector<16xi32>
        %add3A_509 = arith.addi %iota3A, %add3A_508 : vector<16xi32>
        %broadcast_in_dim3A_510 = arith.constant 0 : i32
        %broadcast_in_dim3A_511 = vector.broadcast %broadcast_in_dim3A_510 : i32 to vector<16xi32>
        %add3A_512 = arith.constant 7 : i32
        %add3A_513 = vector.broadcast %add3A_512 : i32 to vector<16xi32>
        %add3A_514 = arith.addi %broadcast_in_dim3A_511, %add3A_513 : vector<16xi32>
        %broadcast_in_dim3A_515 = vector.shape_cast %add3A_514 : vector<16xi32> to vector<16x1xi32>
        %gather3A_516 = vector.shape_cast %broadcast_in_dim3A_515 : vector<16x1xi32> to vector<16xi32>
        %gather3A_517 = tpu.dynamic_gather %add3A_506[%gather3A_516] in [0] : vector<16xi32>, vector<16xi32> -> vector<16xi32>
        %lt3A_518 = arith.cmpi slt, %gather3A_517, %add3A_509 : vector<16xi32>
        %add3A_519 = arith.constant 8 : i32
        %add3A_520 = vector.broadcast %add3A_519 : i32 to vector<16xi32>
        %add3A_521 = arith.addi %broadcast_in_dim3A_511, %add3A_520 : vector<16xi32>
        %select_n3A_522 = arith.select %lt3A_518, %add3A_521, %broadcast_in_dim3A_511 : vector<16xi1>, vector<16xi32>
        %add3A_523 = arith.constant 3 : i32
        %add3A_524 = vector.broadcast %add3A_523 : i32 to vector<16xi32>
        %add3A_525 = arith.addi %select_n3A_522, %add3A_524 : vector<16xi32>
        %broadcast_in_dim3A_526 = vector.shape_cast %add3A_525 : vector<16xi32> to vector<16x1xi32>
        %gather3A_527 = vector.shape_cast %broadcast_in_dim3A_526 : vector<16x1xi32> to vector<16xi32>
        %gather3A_528 = tpu.dynamic_gather %add3A_506[%gather3A_527] in [0] : vector<16xi32>, vector<16xi32> -> vector<16xi32>
        %lt3A_529 = arith.cmpi slt, %gather3A_528, %add3A_509 : vector<16xi32>
        %add3A_530 = arith.constant 4 : i32
        %add3A_531 = vector.broadcast %add3A_530 : i32 to vector<16xi32>
        %add3A_532 = arith.addi %select_n3A_522, %add3A_531 : vector<16xi32>
        %select_n3A_533 = arith.select %lt3A_529, %add3A_532, %select_n3A_522 : vector<16xi1>, vector<16xi32>
        %add3A_534 = arith.constant 1 : i32
        %add3A_535 = vector.broadcast %add3A_534 : i32 to vector<16xi32>
        %add3A_536 = arith.addi %select_n3A_533, %add3A_535 : vector<16xi32>
        %broadcast_in_dim3A_537 = vector.shape_cast %add3A_536 : vector<16xi32> to vector<16x1xi32>
        %gather3A_538 = vector.shape_cast %broadcast_in_dim3A_537 : vector<16x1xi32> to vector<16xi32>
        %gather3A_539 = tpu.dynamic_gather %add3A_506[%gather3A_538] in [0] : vector<16xi32>, vector<16xi32> -> vector<16xi32>
        %lt3A_540 = arith.cmpi slt, %gather3A_539, %add3A_509 : vector<16xi32>
        %add3A_541 = arith.constant 2 : i32
        %add3A_542 = vector.broadcast %add3A_541 : i32 to vector<16xi32>
        %add3A_543 = arith.addi %select_n3A_533, %add3A_542 : vector<16xi32>
        %select_n3A_544 = arith.select %lt3A_540, %add3A_543, %select_n3A_533 : vector<16xi1>, vector<16xi32>
        %add3A_545 = arith.constant 0 : i32
        %add3A_546 = vector.broadcast %add3A_545 : i32 to vector<16xi32>
        %add3A_547 = arith.addi %select_n3A_544, %add3A_546 : vector<16xi32>
        %broadcast_in_dim3A_548 = vector.shape_cast %add3A_547 : vector<16xi32> to vector<16x1xi32>
        %gather3A_549 = vector.shape_cast %broadcast_in_dim3A_548 : vector<16x1xi32> to vector<16xi32>
        %gather3A_550 = tpu.dynamic_gather %add3A_506[%gather3A_549] in [0] : vector<16xi32>, vector<16xi32> -> vector<16xi32>
        %lt3A_551 = arith.cmpi slt, %gather3A_550, %add3A_509 : vector<16xi32>
        %add3A_552 = arith.constant 1 : i32
        %add3A_553 = vector.broadcast %add3A_552 : i32 to vector<16xi32>
        %add3A_554 = arith.addi %select_n3A_544, %add3A_553 : vector<16xi32>
        %select_n3A_555 = arith.select %lt3A_551, %add3A_554, %select_n3A_544 : vector<16xi1>, vector<16xi32>
        %min3A_556 = arith.constant 15 : i32
        %min3A_557 = vector.broadcast %min3A_556 : i32 to vector<16xi32>
        %min3A_558 = arith.minsi %select_n3A_555, %min3A_557 : vector<16xi32>
        %broadcast_in_dim3A_559 = vector.shape_cast %min3A_558 : vector<16xi32> to vector<16x1xi32>
        %gather3A_560 = vector.shape_cast %broadcast_in_dim3A_559 : vector<16x1xi32> to vector<16xi32>
        %gather3A_561 = tpu.dynamic_gather %or3A_437[%gather3A_560] in [0] : vector<16xi32>, vector<16xi32> -> vector<16xi32>
        %swap3A_562 = arith.index_cast %scan3A_269 : i32 to index
        %swap3A_563 = tpu.vector_load %arg11[%swap3A_562] {strides = array<i32>} : memref<20544xi32, #tpu.memory_space<vmem>>, vector<16xi32>,
        %swap3A_564 = vector.shape_cast %swap3A_563 : vector<16xi32> to vector<16xi32>
        %swap3A_565 = vector.shape_cast %gather3A_409 : vector<16xi32> to vector<16xi32>
        tpu.vector_store %arg11[%swap3A_562], %swap3A_565 {strides = array<i32>} : memref<20544xi32, #tpu.memory_space<vmem>>, vector<16xi32>,
        %slice3A = vector.extract_strided_slice %add3A_355 {offsets = [15], sizes = [1], strides = [1]} : vector<16xi32> to vector<1xi32>
        %squeeze3A = vector.extract %slice3A[0] : i32 from vector<1xi32>
        %add3A_566 = arith.addi %scan3A_269, %squeeze3A : i32
        %swap3A_567 = arith.index_cast %add3A_566 : i32 to index
        %swap3A_568 = tpu.vector_load %arg11[%swap3A_567] {strides = array<i32>} : memref<20544xi32, #tpu.memory_space<vmem>>, vector<16xi32>,
        %swap3A_569 = vector.shape_cast %swap3A_568 : vector<16xi32> to vector<16xi32>
        %swap3A_570 = vector.shape_cast %gather3A_561 : vector<16xi32> to vector<16xi32>
        tpu.vector_store %arg11[%swap3A_567], %swap3A_570 {strides = array<i32>} : memref<20544xi32, #tpu.memory_space<vmem>>, vector<16xi32>,
        %slice3A_571 = vector.extract_strided_slice %add3A_506 {offsets = [15], sizes = [1], strides = [1]} : vector<16xi32> to vector<1xi32>
        %squeeze3A_572 = vector.extract %slice3A_571[0] : i32 from vector<1xi32>
        %add3A_573 = arith.addi %add3A_566, %squeeze3A_572 : i32
        scf.yield %add3A_573 : i32
      }
      %scan3A_267 = arith.constant 16 : i32
      scf.yield %scan3A_266 : i32
    }
    %scan3A_24 = arith.constant 20 : i32
    %add3A_25 = arith.constant 10240 : i32
    %add3A_26 = vector.broadcast %add3A_25 : i32 to vector<16xi32>
    %add3A_27 = arith.addi %add3A_26, %iota3A : vector<16xi32>
    %add3A_28 = arith.constant 0 : i32
    %add3A_29 = arith.addi %scan3A_23, %add3A_28 : i32
    %swap3A = arith.index_cast %add3A_29 : i32 to index
    %swap3A_30 = tpu.vector_load %arg11[%swap3A] {strides = array<i32>} : memref<20544xi32, #tpu.memory_space<vmem>>, vector<16xi32>,
    %swap3A_31 = vector.shape_cast %swap3A_30 : vector<16xi32> to vector<16xi32>
    %swap3A_32 = vector.shape_cast %add3A_27 : vector<16xi32> to vector<16xi32>
    tpu.vector_store %arg11[%swap3A], %swap3A_32 {strides = array<i32>} : memref<20544xi32, #tpu.memory_space<vmem>>, vector<16xi32>,
    %add3A_33 = arith.constant 10256 : i32
    %add3A_34 = vector.broadcast %add3A_33 : i32 to vector<16xi32>
    %add3A_35 = arith.addi %add3A_34, %iota3A : vector<16xi32>
    %add3A_36 = arith.constant 16 : i32
    %add3A_37 = arith.addi %scan3A_23, %add3A_36 : i32
    %swap3A_38 = arith.index_cast %add3A_37 : i32 to index
    %swap3A_39 = tpu.vector_load %arg11[%swap3A_38] {strides = array<i32>} : memref<20544xi32, #tpu.memory_space<vmem>>, vector<16xi32>,
    %swap3A_40 = vector.shape_cast %swap3A_39 : vector<16xi32> to vector<16xi32>
    %swap3A_41 = vector.shape_cast %add3A_35 : vector<16xi32> to vector<16xi32>
    tpu.vector_store %arg11[%swap3A_38], %swap3A_41 {strides = array<i32>} : memref<20544xi32, #tpu.memory_space<vmem>>, vector<16xi32>,
    %add3A_42 = arith.constant 10272 : i32
    %add3A_43 = vector.broadcast %add3A_42 : i32 to vector<16xi32>
    %add3A_44 = arith.addi %add3A_43, %iota3A : vector<16xi32>
    %add3A_45 = arith.constant 32 : i32
    %add3A_46 = arith.addi %scan3A_23, %add3A_45 : i32
    %swap3A_47 = arith.index_cast %add3A_46 : i32 to index
    %swap3A_48 = tpu.vector_load %arg11[%swap3A_47] {strides = array<i32>} : memref<20544xi32, #tpu.memory_space<vmem>>, vector<16xi32>,
    %swap3A_49 = vector.shape_cast %swap3A_48 : vector<16xi32> to vector<16xi32>
    %swap3A_50 = vector.shape_cast %add3A_44 : vector<16xi32> to vector<16xi32>
    tpu.vector_store %arg11[%swap3A_47], %swap3A_50 {strides = array<i32>} : memref<20544xi32, #tpu.memory_space<vmem>>, vector<16xi32>,
    %add3A_51 = arith.constant 10288 : i32
    %add3A_52 = vector.broadcast %add3A_51 : i32 to vector<16xi32>
    %add3A_53 = arith.addi %add3A_52, %iota3A : vector<16xi32>
    %add3A_54 = arith.constant 48 : i32
    %add3A_55 = arith.addi %scan3A_23, %add3A_54 : i32
    %swap3A_56 = arith.index_cast %add3A_55 : i32 to index
    %swap3A_57 = tpu.vector_load %arg11[%swap3A_56] {strides = array<i32>} : memref<20544xi32, #tpu.memory_space<vmem>>, vector<16xi32>,
    %swap3A_58 = vector.shape_cast %swap3A_57 : vector<16xi32> to vector<16xi32>
    %swap3A_59 = vector.shape_cast %add3A_53 : vector<16xi32> to vector<16xi32>
    tpu.vector_store %arg11[%swap3A_56], %swap3A_59 {strides = array<i32>} : memref<20544xi32, #tpu.memory_space<vmem>>, vector<16xi32>,
    %add3A_60 = arith.constant 63 : i32
    %add3A_61 = arith.addi %scan3A_23, %add3A_60 : i32
    %div3A = arith.constant 64 : i32
    %div3A_62 = arith.divsi %add3A_61, %div3A : i32
    %add3A_63 = arith.constant 2 : i32
    %add3A_64 = arith.addi %div3A_62, %add3A_63 : i32
    %div3A_65 = arith.constant 3 : i32
    %div3A_66 = arith.divsi %add3A_64, %div3A_65 : i32
    %while3A = arith.constant 0 : i32
    %while3A_67 = arith.constant 0 : i32
    %while3A_68 = arith.subi %div3A_66, %while3A_67 : i32
    %while3A_69 = arith.addi %while3A_67, %while3A_68 : i32
    %while3A_70 = arith.constant 1 : i32
    %while3A_71 = arith.divsi %while3A_68, %while3A_70 : i32
    %while3A_72 = arith.muli %while3A_71, %while3A_70 : i32
    %while3A_73 = arith.addi %while3A_67, %while3A_72 : i32
    %while3A_74 = arith.constant 1 : i32
    scf.for %while3A_201 = %while3A_67 to %while3A_73 step %while3A_74  : i32 {
      %mul3A_202 = arith.constant 3 : i32
      %mul3A_203 = arith.muli %mul3A_202, %while3A_201 : i32
      %add3A_204 = arith.constant 0 : i32
      %add3A_205 = arith.addi %mul3A_203, %add3A_204 : i32
      %lt3A = arith.cmpi slt, %add3A_205, %div3A_62 : i32
      %convert_element_type3A_206 = arith.extui %lt3A : i1 to i32
      %cond3A_207 = arith.constant 0 : i32
      %cond3A_208 = arith.cmpi ne, %convert_element_type3A_206, %cond3A_207 : i32
      scf.if %cond3A_208 {
        %ge3A = arith.constant 3 : i32
        %ge3A_239 = arith.cmpi sge, %add3A_205, %ge3A : i32
        %convert_element_type3A_240 = arith.extui %ge3A_239 : i1 to i32
        %cond3A_241 = arith.constant 0 : i32
        %cond3A_242 = arith.cmpi ne, %convert_element_type3A_240, %cond3A_241 : i32
        scf.if %cond3A_242 {
          %dma_wait3A = arith.constant 0 : i32
          %dma_wait3A_347 = arith.constant 0 : i32
          %dma_wait3A_348 = tpu.memref_slice %arg18[%dma_wait3A, %dma_wait3A_347] : memref<1x64xi32, #tpu.memory_space<vmem>> -> memref<1x64xi32, #tpu.memory_space<vmem>>
          %dma_wait3A_349 = tpu.memref_squeeze %dma_wait3A_348 : memref<1x64xi32, #tpu.memory_space<vmem>> -> memref<64xi32, #tpu.memory_space<vmem>>
          %dma_wait3A_350 = arith.constant 0 : i32
          %dma_wait3A_351 = arith.constant 0 : i32
          %dma_wait3A_352 = tpu.memref_slice %arg21[%dma_wait3A_350, %dma_wait3A_351] : memref<10304x128xf32, #tpu.memory_space<vmem_shared>> -> memref<10304x128xf32, #tpu.memory_space<vmem_shared>>
          tpu.wait_indirect_dma semaphore(%arg27 : memref<!tpu.dma_semaphore, #tpu.memory_space<semaphore_mem>>) src(%arg12 : memref<64x128xf32, #tpu.memory_space<vmem>>) dst(%dma_wait3A_352 : memref<10304x128xf32, #tpu.memory_space<vmem_shared>>)
        } else {
        }
        %mul3A_243 = arith.constant 64 : i32
        %mul3A_244 = arith.muli %add3A_205, %mul3A_243 : i32
        %add3A_245 = arith.constant 0 : i32
        %add3A_246 = arith.addi %mul3A_244, %add3A_245 : i32
        %get3A = arith.index_cast %add3A_246 : i32 to index
        %get3A_247 = tpu.vector_load %arg11[%get3A] {strides = array<i32>} : memref<20544xi32, #tpu.memory_space<vmem>>, vector<16xi32>,
        %get3A_248 = vector.shape_cast %get3A_247 : vector<16xi32> to vector<16xi32>
        %shift_right_logical3A = arith.constant 14 : i32
        %shift_right_logical3A_249 = vector.broadcast %shift_right_logical3A : i32 to vector<16xi32>
        %shift_right_logical3A_250 = arith.shrui %get3A_248, %shift_right_logical3A_249 : vector<16xi32>
        %swap3A_251 = arith.constant 0 : i32
        %swap3A_252 = arith.index_cast %swap3A_251 : i32 to index
        %swap3A_253 = arith.constant 0 : index
        %swap3A_254 = tpu.vector_load %arg15[%swap3A_252, %swap3A_253] {strides = array<i32>} : memref<1x64xi32, #tpu.memory_space<vmem>>, vector<1x16xi32>,
        %swap3A_255 = vector.shape_cast %swap3A_254 : vector<1x16xi32> to vector<16xi32>
        %swap3A_256 = vector.shape_cast %shift_right_logical3A_250 : vector<16xi32> to vector<1x16xi32>
        tpu.vector_store %arg15[%swap3A_252, %swap3A_253], %swap3A_256 {strides = array<i32>} : memref<1x64xi32, #tpu.memory_space<vmem>>, vector<1x16xi32>,
        %and3A = arith.constant 16383 : i32
        %and3A_257 = vector.broadcast %and3A : i32 to vector<16xi32>
        %and3A_258 = arith.andi %get3A_248, %and3A_257 : vector<16xi32>
        %swap3A_259 = arith.constant 0 : i32
        %swap3A_260 = arith.index_cast %swap3A_259 : i32 to index
        %swap3A_261 = arith.constant 0 : index
        %swap3A_262 = tpu.vector_load %arg18[%swap3A_260, %swap3A_261] {strides = array<i32>} : memref<1x64xi32, #tpu.memory_space<vmem>>, vector<1x16xi32>,
        %swap3A_263 = vector.shape_cast %swap3A_262 : vector<1x16xi32> to vector<16xi32>
        %swap3A_264 = vector.shape_cast %and3A_258 : vector<16xi32> to vector<1x16xi32>
        tpu.vector_store %arg18[%swap3A_260, %swap3A_261], %swap3A_264 {strides = array<i32>} : memref<1x64xi32, #tpu.memory_space<vmem>>, vector<1x16xi32>,
        %mul3A_265 = arith.constant 64 : i32
        %mul3A_266 = arith.muli %add3A_205, %mul3A_265 : i32
        %add3A_267 = arith.constant 16 : i32
        %add3A_268 = arith.addi %mul3A_266, %add3A_267 : i32
        %get3A_269 = arith.index_cast %add3A_268 : i32 to index
        %get3A_270 = tpu.vector_load %arg11[%get3A_269] {strides = array<i32>} : memref<20544xi32, #tpu.memory_space<vmem>>, vector<16xi32>,
        %get3A_271 = vector.shape_cast %get3A_270 : vector<16xi32> to vector<16xi32>
        %shift_right_logical3A_272 = arith.constant 14 : i32
        %shift_right_logical3A_273 = vector.broadcast %shift_right_logical3A_272 : i32 to vector<16xi32>
        %shift_right_logical3A_274 = arith.shrui %get3A_271, %shift_right_logical3A_273 : vector<16xi32>
        %swap3A_275 = arith.constant 0 : i32
        %swap3A_276 = arith.index_cast %swap3A_275 : i32 to index
        %swap3A_277 = arith.constant 16 : index
        %swap3A_278 = tpu.vector_load %arg15[%swap3A_276, %swap3A_277] {strides = array<i32>} : memref<1x64xi32, #tpu.memory_space<vmem>>, vector<1x16xi32>,
        %swap3A_279 = vector.shape_cast %swap3A_278 : vector<1x16xi32> to vector<16xi32>
        %swap3A_280 = vector.shape_cast %shift_right_logical3A_274 : vector<16xi32> to vector<1x16xi32>
        tpu.vector_store %arg15[%swap3A_276, %swap3A_277], %swap3A_280 {strides = array<i32>} : memref<1x64xi32, #tpu.memory_space<vmem>>, vector<1x16xi32>,
        %and3A_281 = arith.constant 16383 : i32
        %and3A_282 = vector.broadcast %and3A_281 : i32 to vector<16xi32>
        %and3A_283 = arith.andi %get3A_271, %and3A_282 : vector<16xi32>
        %swap3A_284 = arith.constant 0 : i32
        %swap3A_285 = arith.index_cast %swap3A_284 : i32 to index
        %swap3A_286 = arith.constant 16 : index
        %swap3A_287 = tpu.vector_load %arg18[%swap3A_285, %swap3A_286] {strides = array<i32>} : memref<1x64xi32, #tpu.memory_space<vmem>>, vector<1x16xi32>,
        %swap3A_288 = vector.shape_cast %swap3A_287 : vector<1x16xi32> to vector<16xi32>
        %swap3A_289 = vector.shape_cast %and3A_283 : vector<16xi32> to vector<1x16xi32>
        tpu.vector_store %arg18[%swap3A_285, %swap3A_286], %swap3A_289 {strides = array<i32>} : memref<1x64xi32, #tpu.memory_space<vmem>>, vector<1x16xi32>,
        %mul3A_290 = arith.constant 64 : i32
        %mul3A_291 = arith.muli %add3A_205, %mul3A_290 : i32
        %add3A_292 = arith.constant 32 : i32
        %add3A_293 = arith.addi %mul3A_291, %add3A_292 : i32
        %get3A_294 = arith.index_cast %add3A_293 : i32 to index
        %get3A_295 = tpu.vector_load %arg11[%get3A_294] {strides = array<i32>} : memref<20544xi32, #tpu.memory_space<vmem>>, vector<16xi32>,
        %get3A_296 = vector.shape_cast %get3A_295 : vector<16xi32> to vector<16xi32>
        %shift_right_logical3A_297 = arith.constant 14 : i32
        %shift_right_logical3A_298 = vector.broadcast %shift_right_logical3A_297 : i32 to vector<16xi32>
        %shift_right_logical3A_299 = arith.shrui %get3A_296, %shift_right_logical3A_298 : vector<16xi32>
        %swap3A_300 = arith.constant 0 : i32
        %swap3A_301 = arith.index_cast %swap3A_300 : i32 to index
        %swap3A_302 = arith.constant 32 : index
        %swap3A_303 = tpu.vector_load %arg15[%swap3A_301, %swap3A_302] {strides = array<i32>} : memref<1x64xi32, #tpu.memory_space<vmem>>, vector<1x16xi32>,
        %swap3A_304 = vector.shape_cast %swap3A_303 : vector<1x16xi32> to vector<16xi32>
        %swap3A_305 = vector.shape_cast %shift_right_logical3A_299 : vector<16xi32> to vector<1x16xi32>
        tpu.vector_store %arg15[%swap3A_301, %swap3A_302], %swap3A_305 {strides = array<i32>} : memref<1x64xi32, #tpu.memory_space<vmem>>, vector<1x16xi32>,
        %and3A_306 = arith.constant 16383 : i32
        %and3A_307 = vector.broadcast %and3A_306 : i32 to vector<16xi32>
        %and3A_308 = arith.andi %get3A_296, %and3A_307 : vector<16xi32>
        %swap3A_309 = arith.constant 0 : i32
        %swap3A_310 = arith.index_cast %swap3A_309 : i32 to index
        %swap3A_311 = arith.constant 32 : index
        %swap3A_312 = tpu.vector_load %arg18[%swap3A_310, %swap3A_311] {strides = array<i32>} : memref<1x64xi32, #tpu.memory_space<vmem>>, vector<1x16xi32>,
        %swap3A_313 = vector.shape_cast %swap3A_312 : vector<1x16xi32> to vector<16xi32>
        %swap3A_314 = vector.shape_cast %and3A_308 : vector<16xi32> to vector<1x16xi32>
        tpu.vector_store %arg18[%swap3A_310, %swap3A_311], %swap3A_314 {strides = array<i32>} : memref<1x64xi32, #tpu.memory_space<vmem>>, vector<1x16xi32>,
        %mul3A_315 = arith.constant 64 : i32
        %mul3A_316 = arith.muli %add3A_205, %mul3A_315 : i32
        %add3A_317 = arith.constant 48 : i32
        %add3A_318 = arith.addi %mul3A_316, %add3A_317 : i32
        %get3A_319 = arith.index_cast %add3A_318 : i32 to index
        %get3A_320 = tpu.vector_load %arg11[%get3A_319] {strides = array<i32>} : memref<20544xi32, #tpu.memory_space<vmem>>, vector<16xi32>,
        %get3A_321 = vector.shape_cast %get3A_320 : vector<16xi32> to vector<16xi32>
        %shift_right_logical3A_322 = arith.constant 14 : i32
        %shift_right_logical3A_323 = vector.broadcast %shift_right_logical3A_322 : i32 to vector<16xi32>
        %shift_right_logical3A_324 = arith.shrui %get3A_321, %shift_right_logical3A_323 : vector<16xi32>
        %swap3A_325 = arith.constant 0 : i32
        %swap3A_326 = arith.index_cast %swap3A_325 : i32 to index
        %swap3A_327 = arith.constant 48 : index
        %swap3A_328 = tpu.vector_load %arg15[%swap3A_326, %swap3A_327] {strides = array<i32>} : memref<1x64xi32, #tpu.memory_space<vmem>>, vector<1x16xi32>,
        %swap3A_329 = vector.shape_cast %swap3A_328 : vector<1x16xi32> to vector<16xi32>
        %swap3A_330 = vector.shape_cast %shift_right_logical3A_324 : vector<16xi32> to vector<1x16xi32>
        tpu.vector_store %arg15[%swap3A_326, %swap3A_327], %swap3A_330 {strides = array<i32>} : memref<1x64xi32, #tpu.memory_space<vmem>>, vector<1x16xi32>,
        %and3A_331 = arith.constant 16383 : i32
        %and3A_332 = vector.broadcast %and3A_331 : i32 to vector<16xi32>
        %and3A_333 = arith.andi %get3A_321, %and3A_332 : vector<16xi32>
        %swap3A_334 = arith.constant 0 : i32
        %swap3A_335 = arith.index_cast %swap3A_334 : i32 to index
        %swap3A_336 = arith.constant 48 : index
        %swap3A_337 = tpu.vector_load %arg18[%swap3A_335, %swap3A_336] {strides = array<i32>} : memref<1x64xi32, #tpu.memory_space<vmem>>, vector<1x16xi32>,
        %swap3A_338 = vector.shape_cast %swap3A_337 : vector<1x16xi32> to vector<16xi32>
        %swap3A_339 = vector.shape_cast %and3A_333 : vector<16xi32> to vector<1x16xi32>
        tpu.vector_store %arg18[%swap3A_335, %swap3A_336], %swap3A_339 {strides = array<i32>} : memref<1x64xi32, #tpu.memory_space<vmem>>, vector<1x16xi32>,
        %dma_start3A_340 = arith.constant 0 : i32
        %dma_start3A_341 = arith.constant 0 : i32
        %dma_start3A_342 = tpu.memref_slice %arg15[%dma_start3A_340, %dma_start3A_341] : memref<1x64xi32, #tpu.memory_space<vmem>> -> memref<1x64xi32, #tpu.memory_space<vmem>>
        %dma_start3A_343 = tpu.memref_squeeze %dma_start3A_342 : memref<1x64xi32, #tpu.memory_space<vmem>> -> memref<64xi32, #tpu.memory_space<vmem>>
        %dma_start3A_344 = arith.constant 0 : i32
        %dma_start3A_345 = arith.constant 0 : i32
        %dma_start3A_346 = tpu.memref_slice %arg2[%dma_start3A_344, %dma_start3A_345] : memref<10000x128xf32, #tpu.memory_space<hbm>> -> memref<10000x128xf32, #tpu.memory_space<hbm>>
        tpu.enqueue_indirect_dma source(%dma_start3A_346 : memref<10000x128xf32, #tpu.memory_space<hbm>>) target(%arg12 : memref<64x128xf32, #tpu.memory_space<vmem>>) offsets(%dma_start3A_343 : memref<64xi32, #tpu.memory_space<vmem>>) semaphore(%arg24 : memref<!tpu.dma_semaphore, #tpu.memory_space<semaphore_mem>>)
      } else {
      }
      %add3A_209 = arith.constant 1 : i32
      %add3A_210 = arith.addi %mul3A_203, %add3A_209 : i32
      %lt3A_211 = arith.cmpi slt, %add3A_210, %div3A_62 : i32
      %convert_element_type3A_212 = arith.extui %lt3A_211 : i1 to i32
      %cond3A_213 = arith.constant 0 : i32
      %cond3A_214 = arith.cmpi ne, %convert_element_type3A_212, %cond3A_213 : i32
      scf.if %cond3A_214 {
        %ge3A = arith.constant 3 : i32
        %ge3A_239 = arith.cmpi sge, %add3A_210, %ge3A : i32
        %convert_element_type3A_240 = arith.extui %ge3A_239 : i1 to i32
        %cond3A_241 = arith.constant 0 : i32
        %cond3A_242 = arith.cmpi ne, %convert_element_type3A_240, %cond3A_241 : i32
        scf.if %cond3A_242 {
          %dma_wait3A = arith.constant 0 : i32
          %dma_wait3A_347 = arith.constant 0 : i32
          %dma_wait3A_348 = tpu.memref_slice %arg19[%dma_wait3A, %dma_wait3A_347] : memref<1x64xi32, #tpu.memory_space<vmem>> -> memref<1x64xi32, #tpu.memory_space<vmem>>
          %dma_wait3A_349 = tpu.memref_squeeze %dma_wait3A_348 : memref<1x64xi32, #tpu.memory_space<vmem>> -> memref<64xi32, #tpu.memory_space<vmem>>
          %dma_wait3A_350 = arith.constant 0 : i32
          %dma_wait3A_351 = arith.constant 0 : i32
          %dma_wait3A_352 = tpu.memref_slice %arg21[%dma_wait3A_350, %dma_wait3A_351] : memref<10304x128xf32, #tpu.memory_space<vmem_shared>> -> memref<10304x128xf32, #tpu.memory_space<vmem_shared>>
          tpu.wait_indirect_dma semaphore(%arg28 : memref<!tpu.dma_semaphore, #tpu.memory_space<semaphore_mem>>) src(%arg13 : memref<64x128xf32, #tpu.memory_space<vmem>>) dst(%dma_wait3A_352 : memref<10304x128xf32, #tpu.memory_space<vmem_shared>>)
        } else {
        }
        %mul3A_243 = arith.constant 64 : i32
        %mul3A_244 = arith.muli %add3A_210, %mul3A_243 : i32
        %add3A_245 = arith.constant 0 : i32
        %add3A_246 = arith.addi %mul3A_244, %add3A_245 : i32
        %get3A = arith.index_cast %add3A_246 : i32 to index
        %get3A_247 = tpu.vector_load %arg11[%get3A] {strides = array<i32>} : memref<20544xi32, #tpu.memory_space<vmem>>, vector<16xi32>,
        %get3A_248 = vector.shape_cast %get3A_247 : vector<16xi32> to vector<16xi32>
        %shift_right_logical3A = arith.constant 14 : i32
        %shift_right_logical3A_249 = vector.broadcast %shift_right_logical3A : i32 to vector<16xi32>
        %shift_right_logical3A_250 = arith.shrui %get3A_248, %shift_right_logical3A_249 : vector<16xi32>
        %swap3A_251 = arith.constant 0 : i32
        %swap3A_252 = arith.index_cast %swap3A_251 : i32 to index
        %swap3A_253 = arith.constant 0 : index
        %swap3A_254 = tpu.vector_load %arg16[%swap3A_252, %swap3A_253] {strides = array<i32>} : memref<1x64xi32, #tpu.memory_space<vmem>>, vector<1x16xi32>,
        %swap3A_255 = vector.shape_cast %swap3A_254 : vector<1x16xi32> to vector<16xi32>
        %swap3A_256 = vector.shape_cast %shift_right_logical3A_250 : vector<16xi32> to vector<1x16xi32>
        tpu.vector_store %arg16[%swap3A_252, %swap3A_253], %swap3A_256 {strides = array<i32>} : memref<1x64xi32, #tpu.memory_space<vmem>>, vector<1x16xi32>,
        %and3A = arith.constant 16383 : i32
        %and3A_257 = vector.broadcast %and3A : i32 to vector<16xi32>
        %and3A_258 = arith.andi %get3A_248, %and3A_257 : vector<16xi32>
        %swap3A_259 = arith.constant 0 : i32
        %swap3A_260 = arith.index_cast %swap3A_259 : i32 to index
        %swap3A_261 = arith.constant 0 : index
        %swap3A_262 = tpu.vector_load %arg19[%swap3A_260, %swap3A_261] {strides = array<i32>} : memref<1x64xi32, #tpu.memory_space<vmem>>, vector<1x16xi32>,
        %swap3A_263 = vector.shape_cast %swap3A_262 : vector<1x16xi32> to vector<16xi32>
        %swap3A_264 = vector.shape_cast %and3A_258 : vector<16xi32> to vector<1x16xi32>
        tpu.vector_store %arg19[%swap3A_260, %swap3A_261], %swap3A_264 {strides = array<i32>} : memref<1x64xi32, #tpu.memory_space<vmem>>, vector<1x16xi32>,
        %mul3A_265 = arith.constant 64 : i32
        %mul3A_266 = arith.muli %add3A_210, %mul3A_265 : i32
        %add3A_267 = arith.constant 16 : i32
        %add3A_268 = arith.addi %mul3A_266, %add3A_267 : i32
        %get3A_269 = arith.index_cast %add3A_268 : i32 to index
        %get3A_270 = tpu.vector_load %arg11[%get3A_269] {strides = array<i32>} : memref<20544xi32, #tpu.memory_space<vmem>>, vector<16xi32>,
        %get3A_271 = vector.shape_cast %get3A_270 : vector<16xi32> to vector<16xi32>
        %shift_right_logical3A_272 = arith.constant 14 : i32
        %shift_right_logical3A_273 = vector.broadcast %shift_right_logical3A_272 : i32 to vector<16xi32>
        %shift_right_logical3A_274 = arith.shrui %get3A_271, %shift_right_logical3A_273 : vector<16xi32>
        %swap3A_275 = arith.constant 0 : i32
        %swap3A_276 = arith.index_cast %swap3A_275 : i32 to index
        %swap3A_277 = arith.constant 16 : index
        %swap3A_278 = tpu.vector_load %arg16[%swap3A_276, %swap3A_277] {strides = array<i32>} : memref<1x64xi32, #tpu.memory_space<vmem>>, vector<1x16xi32>,
        %swap3A_279 = vector.shape_cast %swap3A_278 : vector<1x16xi32> to vector<16xi32>
        %swap3A_280 = vector.shape_cast %shift_right_logical3A_274 : vector<16xi32> to vector<1x16xi32>
        tpu.vector_store %arg16[%swap3A_276, %swap3A_277], %swap3A_280 {strides = array<i32>} : memref<1x64xi32, #tpu.memory_space<vmem>>, vector<1x16xi32>,
        %and3A_281 = arith.constant 16383 : i32
        %and3A_282 = vector.broadcast %and3A_281 : i32 to vector<16xi32>
        %and3A_283 = arith.andi %get3A_271, %and3A_282 : vector<16xi32>
        %swap3A_284 = arith.constant 0 : i32
        %swap3A_285 = arith.index_cast %swap3A_284 : i32 to index
        %swap3A_286 = arith.constant 16 : index
        %swap3A_287 = tpu.vector_load %arg19[%swap3A_285, %swap3A_286] {strides = array<i32>} : memref<1x64xi32, #tpu.memory_space<vmem>>, vector<1x16xi32>,
        %swap3A_288 = vector.shape_cast %swap3A_287 : vector<1x16xi32> to vector<16xi32>
        %swap3A_289 = vector.shape_cast %and3A_283 : vector<16xi32> to vector<1x16xi32>
        tpu.vector_store %arg19[%swap3A_285, %swap3A_286], %swap3A_289 {strides = array<i32>} : memref<1x64xi32, #tpu.memory_space<vmem>>, vector<1x16xi32>,
        %mul3A_290 = arith.constant 64 : i32
        %mul3A_291 = arith.muli %add3A_210, %mul3A_290 : i32
        %add3A_292 = arith.constant 32 : i32
        %add3A_293 = arith.addi %mul3A_291, %add3A_292 : i32
        %get3A_294 = arith.index_cast %add3A_293 : i32 to index
        %get3A_295 = tpu.vector_load %arg11[%get3A_294] {strides = array<i32>} : memref<20544xi32, #tpu.memory_space<vmem>>, vector<16xi32>,
        %get3A_296 = vector.shape_cast %get3A_295 : vector<16xi32> to vector<16xi32>
        %shift_right_logical3A_297 = arith.constant 14 : i32
        %shift_right_logical3A_298 = vector.broadcast %shift_right_logical3A_297 : i32 to vector<16xi32>
        %shift_right_logical3A_299 = arith.shrui %get3A_296, %shift_right_logical3A_298 : vector<16xi32>
        %swap3A_300 = arith.constant 0 : i32
        %swap3A_301 = arith.index_cast %swap3A_300 : i32 to index
        %swap3A_302 = arith.constant 32 : index
        %swap3A_303 = tpu.vector_load %arg16[%swap3A_301, %swap3A_302] {strides = array<i32>} : memref<1x64xi32, #tpu.memory_space<vmem>>, vector<1x16xi32>,
        %swap3A_304 = vector.shape_cast %swap3A_303 : vector<1x16xi32> to vector<16xi32>
        %swap3A_305 = vector.shape_cast %shift_right_logical3A_299 : vector<16xi32> to vector<1x16xi32>
        tpu.vector_store %arg16[%swap3A_301, %swap3A_302], %swap3A_305 {strides = array<i32>} : memref<1x64xi32, #tpu.memory_space<vmem>>, vector<1x16xi32>,
        %and3A_306 = arith.constant 16383 : i32
        %and3A_307 = vector.broadcast %and3A_306 : i32 to vector<16xi32>
        %and3A_308 = arith.andi %get3A_296, %and3A_307 : vector<16xi32>
        %swap3A_309 = arith.constant 0 : i32
        %swap3A_310 = arith.index_cast %swap3A_309 : i32 to index
        %swap3A_311 = arith.constant 32 : index
        %swap3A_312 = tpu.vector_load %arg19[%swap3A_310, %swap3A_311] {strides = array<i32>} : memref<1x64xi32, #tpu.memory_space<vmem>>, vector<1x16xi32>,
        %swap3A_313 = vector.shape_cast %swap3A_312 : vector<1x16xi32> to vector<16xi32>
        %swap3A_314 = vector.shape_cast %and3A_308 : vector<16xi32> to vector<1x16xi32>
        tpu.vector_store %arg19[%swap3A_310, %swap3A_311], %swap3A_314 {strides = array<i32>} : memref<1x64xi32, #tpu.memory_space<vmem>>, vector<1x16xi32>,
        %mul3A_315 = arith.constant 64 : i32
        %mul3A_316 = arith.muli %add3A_210, %mul3A_315 : i32
        %add3A_317 = arith.constant 48 : i32
        %add3A_318 = arith.addi %mul3A_316, %add3A_317 : i32
        %get3A_319 = arith.index_cast %add3A_318 : i32 to index
        %get3A_320 = tpu.vector_load %arg11[%get3A_319] {strides = array<i32>} : memref<20544xi32, #tpu.memory_space<vmem>>, vector<16xi32>,
        %get3A_321 = vector.shape_cast %get3A_320 : vector<16xi32> to vector<16xi32>
        %shift_right_logical3A_322 = arith.constant 14 : i32
        %shift_right_logical3A_323 = vector.broadcast %shift_right_logical3A_322 : i32 to vector<16xi32>
        %shift_right_logical3A_324 = arith.shrui %get3A_321, %shift_right_logical3A_323 : vector<16xi32>
        %swap3A_325 = arith.constant 0 : i32
        %swap3A_326 = arith.index_cast %swap3A_325 : i32 to index
        %swap3A_327 = arith.constant 48 : index
        %swap3A_328 = tpu.vector_load %arg16[%swap3A_326, %swap3A_327] {strides = array<i32>} : memref<1x64xi32, #tpu.memory_space<vmem>>, vector<1x16xi32>,
        %swap3A_329 = vector.shape_cast %swap3A_328 : vector<1x16xi32> to vector<16xi32>
        %swap3A_330 = vector.shape_cast %shift_right_logical3A_324 : vector<16xi32> to vector<1x16xi32>
        tpu.vector_store %arg16[%swap3A_326, %swap3A_327], %swap3A_330 {strides = array<i32>} : memref<1x64xi32, #tpu.memory_space<vmem>>, vector<1x16xi32>,
        %and3A_331 = arith.constant 16383 : i32
        %and3A_332 = vector.broadcast %and3A_331 : i32 to vector<16xi32>
        %and3A_333 = arith.andi %get3A_321, %and3A_332 : vector<16xi32>
        %swap3A_334 = arith.constant 0 : i32
        %swap3A_335 = arith.index_cast %swap3A_334 : i32 to index
        %swap3A_336 = arith.constant 48 : index
        %swap3A_337 = tpu.vector_load %arg19[%swap3A_335, %swap3A_336] {strides = array<i32>} : memref<1x64xi32, #tpu.memory_space<vmem>>, vector<1x16xi32>,
        %swap3A_338 = vector.shape_cast %swap3A_337 : vector<1x16xi32> to vector<16xi32>
        %swap3A_339 = vector.shape_cast %and3A_333 : vector<16xi32> to vector<1x16xi32>
        tpu.vector_store %arg19[%swap3A_335, %swap3A_336], %swap3A_339 {strides = array<i32>} : memref<1x64xi32, #tpu.memory_space<vmem>>, vector<1x16xi32>,
        %dma_start3A_340 = arith.constant 0 : i32
        %dma_start3A_341 = arith.constant 0 : i32
        %dma_start3A_342 = tpu.memref_slice %arg16[%dma_start3A_340, %dma_start3A_341] : memref<1x64xi32, #tpu.memory_space<vmem>> -> memref<1x64xi32, #tpu.memory_space<vmem>>
        %dma_start3A_343 = tpu.memref_squeeze %dma_start3A_342 : memref<1x64xi32, #tpu.memory_space<vmem>> -> memref<64xi32, #tpu.memory_space<vmem>>
        %dma_start3A_344 = arith.constant 0 : i32
        %dma_start3A_345 = arith.constant 0 : i32
        %dma_start3A_346 = tpu.memref_slice %arg2[%dma_start3A_344, %dma_start3A_345] : memref<10000x128xf32, #tpu.memory_space<hbm>> -> memref<10000x128xf32, #tpu.memory_space<hbm>>
        tpu.enqueue_indirect_dma source(%dma_start3A_346 : memref<10000x128xf32, #tpu.memory_space<hbm>>) target(%arg13 : memref<64x128xf32, #tpu.memory_space<vmem>>) offsets(%dma_start3A_343 : memref<64xi32, #tpu.memory_space<vmem>>) semaphore(%arg25 : memref<!tpu.dma_semaphore, #tpu.memory_space<semaphore_mem>>)
      } else {
      }
      %add3A_215 = arith.constant 2 : i32
      %add3A_216 = arith.addi %mul3A_203, %add3A_215 : i32
      %lt3A_217 = arith.cmpi slt, %add3A_216, %div3A_62 : i32
      %convert_element_type3A_218 = arith.extui %lt3A_217 : i1 to i32
      %cond3A_219 = arith.constant 0 : i32
      %cond3A_220 = arith.cmpi ne, %convert_element_type3A_218, %cond3A_219 : i32
      scf.if %cond3A_220 {
        %ge3A = arith.constant 3 : i32
        %ge3A_239 = arith.cmpi sge, %add3A_216, %ge3A : i32
        %convert_element_type3A_240 = arith.extui %ge3A_239 : i1 to i32
        %cond3A_241 = arith.constant 0 : i32
        %cond3A_242 = arith.cmpi ne, %convert_element_type3A_240, %cond3A_241 : i32
        scf.if %cond3A_242 {
          %dma_wait3A = arith.constant 0 : i32
          %dma_wait3A_347 = arith.constant 0 : i32
          %dma_wait3A_348 = tpu.memref_slice %arg20[%dma_wait3A, %dma_wait3A_347] : memref<1x64xi32, #tpu.memory_space<vmem>> -> memref<1x64xi32, #tpu.memory_space<vmem>>
          %dma_wait3A_349 = tpu.memref_squeeze %dma_wait3A_348 : memref<1x64xi32, #tpu.memory_space<vmem>> -> memref<64xi32, #tpu.memory_space<vmem>>
          %dma_wait3A_350 = arith.constant 0 : i32
          %dma_wait3A_351 = arith.constant 0 : i32
          %dma_wait3A_352 = tpu.memref_slice %arg21[%dma_wait3A_350, %dma_wait3A_351] : memref<10304x128xf32, #tpu.memory_space<vmem_shared>> -> memref<10304x128xf32, #tpu.memory_space<vmem_shared>>
          tpu.wait_indirect_dma semaphore(%arg29 : memref<!tpu.dma_semaphore, #tpu.memory_space<semaphore_mem>>) src(%arg14 : memref<64x128xf32, #tpu.memory_space<vmem>>) dst(%dma_wait3A_352 : memref<10304x128xf32, #tpu.memory_space<vmem_shared>>)
        } else {
        }
        %mul3A_243 = arith.constant 64 : i32
        %mul3A_244 = arith.muli %add3A_216, %mul3A_243 : i32
        %add3A_245 = arith.constant 0 : i32
        %add3A_246 = arith.addi %mul3A_244, %add3A_245 : i32
        %get3A = arith.index_cast %add3A_246 : i32 to index
        %get3A_247 = tpu.vector_load %arg11[%get3A] {strides = array<i32>} : memref<20544xi32, #tpu.memory_space<vmem>>, vector<16xi32>,
        %get3A_248 = vector.shape_cast %get3A_247 : vector<16xi32> to vector<16xi32>
        %shift_right_logical3A = arith.constant 14 : i32
        %shift_right_logical3A_249 = vector.broadcast %shift_right_logical3A : i32 to vector<16xi32>
        %shift_right_logical3A_250 = arith.shrui %get3A_248, %shift_right_logical3A_249 : vector<16xi32>
        %swap3A_251 = arith.constant 0 : i32
        %swap3A_252 = arith.index_cast %swap3A_251 : i32 to index
        %swap3A_253 = arith.constant 0 : index
        %swap3A_254 = tpu.vector_load %arg17[%swap3A_252, %swap3A_253] {strides = array<i32>} : memref<1x64xi32, #tpu.memory_space<vmem>>, vector<1x16xi32>,
        %swap3A_255 = vector.shape_cast %swap3A_254 : vector<1x16xi32> to vector<16xi32>
        %swap3A_256 = vector.shape_cast %shift_right_logical3A_250 : vector<16xi32> to vector<1x16xi32>
        tpu.vector_store %arg17[%swap3A_252, %swap3A_253], %swap3A_256 {strides = array<i32>} : memref<1x64xi32, #tpu.memory_space<vmem>>, vector<1x16xi32>,
        %and3A = arith.constant 16383 : i32
        %and3A_257 = vector.broadcast %and3A : i32 to vector<16xi32>
        %and3A_258 = arith.andi %get3A_248, %and3A_257 : vector<16xi32>
        %swap3A_259 = arith.constant 0 : i32
        %swap3A_260 = arith.index_cast %swap3A_259 : i32 to index
        %swap3A_261 = arith.constant 0 : index
        %swap3A_262 = tpu.vector_load %arg20[%swap3A_260, %swap3A_261] {strides = array<i32>} : memref<1x64xi32, #tpu.memory_space<vmem>>, vector<1x16xi32>,
        %swap3A_263 = vector.shape_cast %swap3A_262 : vector<1x16xi32> to vector<16xi32>
        %swap3A_264 = vector.shape_cast %and3A_258 : vector<16xi32> to vector<1x16xi32>
        tpu.vector_store %arg20[%swap3A_260, %swap3A_261], %swap3A_264 {strides = array<i32>} : memref<1x64xi32, #tpu.memory_space<vmem>>, vector<1x16xi32>,
        %mul3A_265 = arith.constant 64 : i32
        %mul3A_266 = arith.muli %add3A_216, %mul3A_265 : i32
        %add3A_267 = arith.constant 16 : i32
        %add3A_268 = arith.addi %mul3A_266, %add3A_267 : i32
        %get3A_269 = arith.index_cast %add3A_268 : i32 to index
        %get3A_270 = tpu.vector_load %arg11[%get3A_269] {strides = array<i32>} : memref<20544xi32, #tpu.memory_space<vmem>>, vector<16xi32>,
        %get3A_271 = vector.shape_cast %get3A_270 : vector<16xi32> to vector<16xi32>
        %shift_right_logical3A_272 = arith.constant 14 : i32
        %shift_right_logical3A_273 = vector.broadcast %shift_right_logical3A_272 : i32 to vector<16xi32>
        %shift_right_logical3A_274 = arith.shrui %get3A_271, %shift_right_logical3A_273 : vector<16xi32>
        %swap3A_275 = arith.constant 0 : i32
        %swap3A_276 = arith.index_cast %swap3A_275 : i32 to index
        %swap3A_277 = arith.constant 16 : index
        %swap3A_278 = tpu.vector_load %arg17[%swap3A_276, %swap3A_277] {strides = array<i32>} : memref<1x64xi32, #tpu.memory_space<vmem>>, vector<1x16xi32>,
        %swap3A_279 = vector.shape_cast %swap3A_278 : vector<1x16xi32> to vector<16xi32>
        %swap3A_280 = vector.shape_cast %shift_right_logical3A_274 : vector<16xi32> to vector<1x16xi32>
        tpu.vector_store %arg17[%swap3A_276, %swap3A_277], %swap3A_280 {strides = array<i32>} : memref<1x64xi32, #tpu.memory_space<vmem>>, vector<1x16xi32>,
        %and3A_281 = arith.constant 16383 : i32
        %and3A_282 = vector.broadcast %and3A_281 : i32 to vector<16xi32>
        %and3A_283 = arith.andi %get3A_271, %and3A_282 : vector<16xi32>
        %swap3A_284 = arith.constant 0 : i32
        %swap3A_285 = arith.index_cast %swap3A_284 : i32 to index
        %swap3A_286 = arith.constant 16 : index
        %swap3A_287 = tpu.vector_load %arg20[%swap3A_285, %swap3A_286] {strides = array<i32>} : memref<1x64xi32, #tpu.memory_space<vmem>>, vector<1x16xi32>,
        %swap3A_288 = vector.shape_cast %swap3A_287 : vector<1x16xi32> to vector<16xi32>
        %swap3A_289 = vector.shape_cast %and3A_283 : vector<16xi32> to vector<1x16xi32>
        tpu.vector_store %arg20[%swap3A_285, %swap3A_286], %swap3A_289 {strides = array<i32>} : memref<1x64xi32, #tpu.memory_space<vmem>>, vector<1x16xi32>,
        %mul3A_290 = arith.constant 64 : i32
        %mul3A_291 = arith.muli %add3A_216, %mul3A_290 : i32
        %add3A_292 = arith.constant 32 : i32
        %add3A_293 = arith.addi %mul3A_291, %add3A_292 : i32
        %get3A_294 = arith.index_cast %add3A_293 : i32 to index
        %get3A_295 = tpu.vector_load %arg11[%get3A_294] {strides = array<i32>} : memref<20544xi32, #tpu.memory_space<vmem>>, vector<16xi32>,
        %get3A_296 = vector.shape_cast %get3A_295 : vector<16xi32> to vector<16xi32>
        %shift_right_logical3A_297 = arith.constant 14 : i32
        %shift_right_logical3A_298 = vector.broadcast %shift_right_logical3A_297 : i32 to vector<16xi32>
        %shift_right_logical3A_299 = arith.shrui %get3A_296, %shift_right_logical3A_298 : vector<16xi32>
        %swap3A_300 = arith.constant 0 : i32
        %swap3A_301 = arith.index_cast %swap3A_300 : i32 to index
        %swap3A_302 = arith.constant 32 : index
        %swap3A_303 = tpu.vector_load %arg17[%swap3A_301, %swap3A_302] {strides = array<i32>} : memref<1x64xi32, #tpu.memory_space<vmem>>, vector<1x16xi32>,
        %swap3A_304 = vector.shape_cast %swap3A_303 : vector<1x16xi32> to vector<16xi32>
        %swap3A_305 = vector.shape_cast %shift_right_logical3A_299 : vector<16xi32> to vector<1x16xi32>
        tpu.vector_store %arg17[%swap3A_301, %swap3A_302], %swap3A_305 {strides = array<i32>} : memref<1x64xi32, #tpu.memory_space<vmem>>, vector<1x16xi32>,
        %and3A_306 = arith.constant 16383 : i32
        %and3A_307 = vector.broadcast %and3A_306 : i32 to vector<16xi32>
        %and3A_308 = arith.andi %get3A_296, %and3A_307 : vector<16xi32>
        %swap3A_309 = arith.constant 0 : i32
        %swap3A_310 = arith.index_cast %swap3A_309 : i32 to index
        %swap3A_311 = arith.constant 32 : index
        %swap3A_312 = tpu.vector_load %arg20[%swap3A_310, %swap3A_311] {strides = array<i32>} : memref<1x64xi32, #tpu.memory_space<vmem>>, vector<1x16xi32>,
        %swap3A_313 = vector.shape_cast %swap3A_312 : vector<1x16xi32> to vector<16xi32>
        %swap3A_314 = vector.shape_cast %and3A_308 : vector<16xi32> to vector<1x16xi32>
        tpu.vector_store %arg20[%swap3A_310, %swap3A_311], %swap3A_314 {strides = array<i32>} : memref<1x64xi32, #tpu.memory_space<vmem>>, vector<1x16xi32>,
        %mul3A_315 = arith.constant 64 : i32
        %mul3A_316 = arith.muli %add3A_216, %mul3A_315 : i32
        %add3A_317 = arith.constant 48 : i32
        %add3A_318 = arith.addi %mul3A_316, %add3A_317 : i32
        %get3A_319 = arith.index_cast %add3A_318 : i32 to index
        %get3A_320 = tpu.vector_load %arg11[%get3A_319] {strides = array<i32>} : memref<20544xi32, #tpu.memory_space<vmem>>, vector<16xi32>,
        %get3A_321 = vector.shape_cast %get3A_320 : vector<16xi32> to vector<16xi32>
        %shift_right_logical3A_322 = arith.constant 14 : i32
        %shift_right_logical3A_323 = vector.broadcast %shift_right_logical3A_322 : i32 to vector<16xi32>
        %shift_right_logical3A_324 = arith.shrui %get3A_321, %shift_right_logical3A_323 : vector<16xi32>
        %swap3A_325 = arith.constant 0 : i32
        %swap3A_326 = arith.index_cast %swap3A_325 : i32 to index
        %swap3A_327 = arith.constant 48 : index
        %swap3A_328 = tpu.vector_load %arg17[%swap3A_326, %swap3A_327] {strides = array<i32>} : memref<1x64xi32, #tpu.memory_space<vmem>>, vector<1x16xi32>,
        %swap3A_329 = vector.shape_cast %swap3A_328 : vector<1x16xi32> to vector<16xi32>
        %swap3A_330 = vector.shape_cast %shift_right_logical3A_324 : vector<16xi32> to vector<1x16xi32>
        tpu.vector_store %arg17[%swap3A_326, %swap3A_327], %swap3A_330 {strides = array<i32>} : memref<1x64xi32, #tpu.memory_space<vmem>>, vector<1x16xi32>,
        %and3A_331 = arith.constant 16383 : i32
        %and3A_332 = vector.broadcast %and3A_331 : i32 to vector<16xi32>
        %and3A_333 = arith.andi %get3A_321, %and3A_332 : vector<16xi32>
        %swap3A_334 = arith.constant 0 : i32
        %swap3A_335 = arith.index_cast %swap3A_334 : i32 to index
        %swap3A_336 = arith.constant 48 : index
        %swap3A_337 = tpu.vector_load %arg20[%swap3A_335, %swap3A_336] {strides = array<i32>} : memref<1x64xi32, #tpu.memory_space<vmem>>, vector<1x16xi32>,
        %swap3A_338 = vector.shape_cast %swap3A_337 : vector<1x16xi32> to vector<16xi32>
        %swap3A_339 = vector.shape_cast %and3A_333 : vector<16xi32> to vector<1x16xi32>
        tpu.vector_store %arg20[%swap3A_335, %swap3A_336], %swap3A_339 {strides = array<i32>} : memref<1x64xi32, #tpu.memory_space<vmem>>, vector<1x16xi32>,
        %dma_start3A_340 = arith.constant 0 : i32
        %dma_start3A_341 = arith.constant 0 : i32
        %dma_start3A_342 = tpu.memref_slice %arg17[%dma_start3A_340, %dma_start3A_341] : memref<1x64xi32, #tpu.memory_space<vmem>> -> memref<1x64xi32, #tpu.memory_space<vmem>>
        %dma_start3A_343 = tpu.memref_squeeze %dma_start3A_342 : memref<1x64xi32, #tpu.memory_space<vmem>> -> memref<64xi32, #tpu.memory_space<vmem>>
        %dma_start3A_344 = arith.constant 0 : i32
        %dma_start3A_345 = arith.constant 0 : i32
        %dma_start3A_346 = tpu.memref_slice %arg2[%dma_start3A_344, %dma_start3A_345] : memref<10000x128xf32, #tpu.memory_space<hbm>> -> memref<10000x128xf32, #tpu.memory_space<hbm>>
        tpu.enqueue_indirect_dma source(%dma_start3A_346 : memref<10000x128xf32, #tpu.memory_space<hbm>>) target(%arg14 : memref<64x128xf32, #tpu.memory_space<vmem>>) offsets(%dma_start3A_343 : memref<64xi32, #tpu.memory_space<vmem>>) semaphore(%arg26 : memref<!tpu.dma_semaphore, #tpu.memory_space<semaphore_mem>>)
      } else {
      }
      %add3A_221 = arith.constant 0 : i32
      %add3A_222 = arith.addi %mul3A_203, %add3A_221 : i32
      %lt3A_223 = arith.cmpi slt, %add3A_222, %div3A_62 : i32
      %convert_element_type3A_224 = arith.extui %lt3A_223 : i1 to i32
      %cond3A_225 = arith.constant 0 : i32
      %cond3A_226 = arith.cmpi ne, %convert_element_type3A_224, %cond3A_225 : i32
      scf.if %cond3A_226 {
        %dma_wait3A = arith.constant 0 : i32
        %dma_wait3A_239 = arith.constant 0 : i32
        %dma_wait3A_240 = tpu.memref_slice %arg15[%dma_wait3A, %dma_wait3A_239] : memref<1x64xi32, #tpu.memory_space<vmem>> -> memref<1x64xi32, #tpu.memory_space<vmem>>
        %dma_wait3A_241 = tpu.memref_squeeze %dma_wait3A_240 : memref<1x64xi32, #tpu.memory_space<vmem>> -> memref<64xi32, #tpu.memory_space<vmem>>
        %dma_wait3A_242 = arith.constant 0 : i32
        %dma_wait3A_243 = arith.constant 0 : i32
        %dma_wait3A_244 = tpu.memref_slice %arg2[%dma_wait3A_242, %dma_wait3A_243] : memref<10000x128xf32, #tpu.memory_space<hbm>> -> memref<10000x128xf32, #tpu.memory_space<hbm>>
        tpu.wait_indirect_dma semaphore(%arg24 : memref<!tpu.dma_semaphore, #tpu.memory_space<semaphore_mem>>) src(%dma_wait3A_244 : memref<10000x128xf32, #tpu.memory_space<hbm>>) dst(%arg12 : memref<64x128xf32, #tpu.memory_space<vmem>>)
        %dma_start3A_245 = arith.constant 0 : i32
        %dma_start3A_246 = arith.constant 0 : i32
        %dma_start3A_247 = tpu.memref_slice %arg18[%dma_start3A_245, %dma_start3A_246] : memref<1x64xi32, #tpu.memory_space<vmem>> -> memref<1x64xi32, #tpu.memory_space<vmem>>
        %dma_start3A_248 = tpu.memref_squeeze %dma_start3A_247 : memref<1x64xi32, #tpu.memory_space<vmem>> -> memref<64xi32, #tpu.memory_space<vmem>>
        %dma_start3A_249 = arith.constant 0 : i32
        %dma_start3A_250 = arith.constant 0 : i32
        %dma_start3A_251 = tpu.memref_slice %arg21[%dma_start3A_249, %dma_start3A_250] : memref<10304x128xf32, #tpu.memory_space<vmem_shared>> -> memref<10304x128xf32, #tpu.memory_space<vmem_shared>>
        tpu.enqueue_indirect_dma source(%arg12 : memref<64x128xf32, #tpu.memory_space<vmem>>) target(%dma_start3A_251 : memref<10304x128xf32, #tpu.memory_space<vmem_shared>>) offsets(%dma_start3A_248 : memref<64xi32, #tpu.memory_space<vmem>>) semaphore(%arg27 : memref<!tpu.dma_semaphore, #tpu.memory_space<semaphore_mem>>) {add = true}
      } else {
      }
      %add3A_227 = arith.constant 1 : i32
      %add3A_228 = arith.addi %mul3A_203, %add3A_227 : i32
      %lt3A_229 = arith.cmpi slt, %add3A_228, %div3A_62 : i32
      %convert_element_type3A_230 = arith.extui %lt3A_229 : i1 to i32
      %cond3A_231 = arith.constant 0 : i32
      %cond3A_232 = arith.cmpi ne, %convert_element_type3A_230, %cond3A_231 : i32
      scf.if %cond3A_232 {
        %dma_wait3A = arith.constant 0 : i32
        %dma_wait3A_239 = arith.constant 0 : i32
        %dma_wait3A_240 = tpu.memref_slice %arg16[%dma_wait3A, %dma_wait3A_239] : memref<1x64xi32, #tpu.memory_space<vmem>> -> memref<1x64xi32, #tpu.memory_space<vmem>>
        %dma_wait3A_241 = tpu.memref_squeeze %dma_wait3A_240 : memref<1x64xi32, #tpu.memory_space<vmem>> -> memref<64xi32, #tpu.memory_space<vmem>>
        %dma_wait3A_242 = arith.constant 0 : i32
        %dma_wait3A_243 = arith.constant 0 : i32
        %dma_wait3A_244 = tpu.memref_slice %arg2[%dma_wait3A_242, %dma_wait3A_243] : memref<10000x128xf32, #tpu.memory_space<hbm>> -> memref<10000x128xf32, #tpu.memory_space<hbm>>
        tpu.wait_indirect_dma semaphore(%arg25 : memref<!tpu.dma_semaphore, #tpu.memory_space<semaphore_mem>>) src(%dma_wait3A_244 : memref<10000x128xf32, #tpu.memory_space<hbm>>) dst(%arg13 : memref<64x128xf32, #tpu.memory_space<vmem>>)
        %dma_start3A_245 = arith.constant 0 : i32
        %dma_start3A_246 = arith.constant 0 : i32
        %dma_start3A_247 = tpu.memref_slice %arg19[%dma_start3A_245, %dma_start3A_246] : memref<1x64xi32, #tpu.memory_space<vmem>> -> memref<1x64xi32, #tpu.memory_space<vmem>>
        %dma_start3A_248 = tpu.memref_squeeze %dma_start3A_247 : memref<1x64xi32, #tpu.memory_space<vmem>> -> memref<64xi32, #tpu.memory_space<vmem>>
        %dma_start3A_249 = arith.constant 0 : i32
        %dma_start3A_250 = arith.constant 0 : i32
        %dma_start3A_251 = tpu.memref_slice %arg21[%dma_start3A_249, %dma_start3A_250] : memref<10304x128xf32, #tpu.memory_space<vmem_shared>> -> memref<10304x128xf32, #tpu.memory_space<vmem_shared>>
        tpu.enqueue_indirect_dma source(%arg13 : memref<64x128xf32, #tpu.memory_space<vmem>>) target(%dma_start3A_251 : memref<10304x128xf32, #tpu.memory_space<vmem_shared>>) offsets(%dma_start3A_248 : memref<64xi32, #tpu.memory_space<vmem>>) semaphore(%arg28 : memref<!tpu.dma_semaphore, #tpu.memory_space<semaphore_mem>>) {add = true}
      } else {
      }
      %add3A_233 = arith.constant 2 : i32
      %add3A_234 = arith.addi %mul3A_203, %add3A_233 : i32
      %lt3A_235 = arith.cmpi slt, %add3A_234, %div3A_62 : i32
      %convert_element_type3A_236 = arith.extui %lt3A_235 : i1 to i32
      %cond3A_237 = arith.constant 0 : i32
      %cond3A_238 = arith.cmpi ne, %convert_element_type3A_236, %cond3A_237 : i32
      scf.if %cond3A_238 {
        %dma_wait3A = arith.constant 0 : i32
        %dma_wait3A_239 = arith.constant 0 : i32
        %dma_wait3A_240 = tpu.memref_slice %arg17[%dma_wait3A, %dma_wait3A_239] : memref<1x64xi32, #tpu.memory_space<vmem>> -> memref<1x64xi32, #tpu.memory_space<vmem>>
        %dma_wait3A_241 = tpu.memref_squeeze %dma_wait3A_240 : memref<1x64xi32, #tpu.memory_space<vmem>> -> memref<64xi32, #tpu.memory_space<vmem>>
        %dma_wait3A_242 = arith.constant 0 : i32
        %dma_wait3A_243 = arith.constant 0 : i32
        %dma_wait3A_244 = tpu.memref_slice %arg2[%dma_wait3A_242, %dma_wait3A_243] : memref<10000x128xf32, #tpu.memory_space<hbm>> -> memref<10000x128xf32, #tpu.memory_space<hbm>>
        tpu.wait_indirect_dma semaphore(%arg26 : memref<!tpu.dma_semaphore, #tpu.memory_space<semaphore_mem>>) src(%dma_wait3A_244 : memref<10000x128xf32, #tpu.memory_space<hbm>>) dst(%arg14 : memref<64x128xf32, #tpu.memory_space<vmem>>)
        %dma_start3A_245 = arith.constant 0 : i32
        %dma_start3A_246 = arith.constant 0 : i32
        %dma_start3A_247 = tpu.memref_slice %arg20[%dma_start3A_245, %dma_start3A_246] : memref<1x64xi32, #tpu.memory_space<vmem>> -> memref<1x64xi32, #tpu.memory_space<vmem>>
        %dma_start3A_248 = tpu.memref_squeeze %dma_start3A_247 : memref<1x64xi32, #tpu.memory_space<vmem>> -> memref<64xi32, #tpu.memory_space<vmem>>
        %dma_start3A_249 = arith.constant 0 : i32
        %dma_start3A_250 = arith.constant 0 : i32
        %dma_start3A_251 = tpu.memref_slice %arg21[%dma_start3A_249, %dma_start3A_250] : memref<10304x128xf32, #tpu.memory_space<vmem_shared>> -> memref<10304x128xf32, #tpu.memory_space<vmem_shared>>
        tpu.enqueue_indirect_dma source(%arg14 : memref<64x128xf32, #tpu.memory_space<vmem>>) target(%dma_start3A_251 : memref<10304x128xf32, #tpu.memory_space<vmem_shared>>) offsets(%dma_start3A_248 : memref<64xi32, #tpu.memory_space<vmem>>) semaphore(%arg29 : memref<!tpu.dma_semaphore, #tpu.memory_space<semaphore_mem>>) {add = true}
      } else {
      }
    }
    %while3A_75 = arith.constant 1 : i32
    scf.for %while3A_201 = %while3A_73 to %while3A_69 step %while3A_75  : i32 {
      %mul3A_202 = arith.constant 3 : i32
      %mul3A_203 = arith.muli %mul3A_202, %while3A_201 : i32
      %add3A_204 = arith.constant 0 : i32
      %add3A_205 = arith.addi %mul3A_203, %add3A_204 : i32
      %lt3A = arith.cmpi slt, %add3A_205, %div3A_62 : i32
      %convert_element_type3A_206 = arith.extui %lt3A : i1 to i32
      %cond3A_207 = arith.constant 0 : i32
      %cond3A_208 = arith.cmpi ne, %convert_element_type3A_206, %cond3A_207 : i32
      scf.if %cond3A_208 {
        %ge3A = arith.constant 3 : i32
        %ge3A_239 = arith.cmpi sge, %add3A_205, %ge3A : i32
        %convert_element_type3A_240 = arith.extui %ge3A_239 : i1 to i32
        %cond3A_241 = arith.constant 0 : i32
        %cond3A_242 = arith.cmpi ne, %convert_element_type3A_240, %cond3A_241 : i32
        scf.if %cond3A_242 {
          %dma_wait3A = arith.constant 0 : i32
          %dma_wait3A_347 = arith.constant 0 : i32
          %dma_wait3A_348 = tpu.memref_slice %arg18[%dma_wait3A, %dma_wait3A_347] : memref<1x64xi32, #tpu.memory_space<vmem>> -> memref<1x64xi32, #tpu.memory_space<vmem>>
          %dma_wait3A_349 = tpu.memref_squeeze %dma_wait3A_348 : memref<1x64xi32, #tpu.memory_space<vmem>> -> memref<64xi32, #tpu.memory_space<vmem>>
          %dma_wait3A_350 = arith.constant 0 : i32
          %dma_wait3A_351 = arith.constant 0 : i32
          %dma_wait3A_352 = tpu.memref_slice %arg21[%dma_wait3A_350, %dma_wait3A_351] : memref<10304x128xf32, #tpu.memory_space<vmem_shared>> -> memref<10304x128xf32, #tpu.memory_space<vmem_shared>>
          tpu.wait_indirect_dma semaphore(%arg27 : memref<!tpu.dma_semaphore, #tpu.memory_space<semaphore_mem>>) src(%arg12 : memref<64x128xf32, #tpu.memory_space<vmem>>) dst(%dma_wait3A_352 : memref<10304x128xf32, #tpu.memory_space<vmem_shared>>)
        } else {
        }
        %mul3A_243 = arith.constant 64 : i32
        %mul3A_244 = arith.muli %add3A_205, %mul3A_243 : i32
        %add3A_245 = arith.constant 0 : i32
        %add3A_246 = arith.addi %mul3A_244, %add3A_245 : i32
        %get3A = arith.index_cast %add3A_246 : i32 to index
        %get3A_247 = tpu.vector_load %arg11[%get3A] {strides = array<i32>} : memref<20544xi32, #tpu.memory_space<vmem>>, vector<16xi32>,
        %get3A_248 = vector.shape_cast %get3A_247 : vector<16xi32> to vector<16xi32>
        %shift_right_logical3A = arith.constant 14 : i32
        %shift_right_logical3A_249 = vector.broadcast %shift_right_logical3A : i32 to vector<16xi32>
        %shift_right_logical3A_250 = arith.shrui %get3A_248, %shift_right_logical3A_249 : vector<16xi32>
        %swap3A_251 = arith.constant 0 : i32
        %swap3A_252 = arith.index_cast %swap3A_251 : i32 to index
        %swap3A_253 = arith.constant 0 : index
        %swap3A_254 = tpu.vector_load %arg15[%swap3A_252, %swap3A_253] {strides = array<i32>} : memref<1x64xi32, #tpu.memory_space<vmem>>, vector<1x16xi32>,
        %swap3A_255 = vector.shape_cast %swap3A_254 : vector<1x16xi32> to vector<16xi32>
        %swap3A_256 = vector.shape_cast %shift_right_logical3A_250 : vector<16xi32> to vector<1x16xi32>
        tpu.vector_store %arg15[%swap3A_252, %swap3A_253], %swap3A_256 {strides = array<i32>} : memref<1x64xi32, #tpu.memory_space<vmem>>, vector<1x16xi32>,
        %and3A = arith.constant 16383 : i32
        %and3A_257 = vector.broadcast %and3A : i32 to vector<16xi32>
        %and3A_258 = arith.andi %get3A_248, %and3A_257 : vector<16xi32>
        %swap3A_259 = arith.constant 0 : i32
        %swap3A_260 = arith.index_cast %swap3A_259 : i32 to index
        %swap3A_261 = arith.constant 0 : index
        %swap3A_262 = tpu.vector_load %arg18[%swap3A_260, %swap3A_261] {strides = array<i32>} : memref<1x64xi32, #tpu.memory_space<vmem>>, vector<1x16xi32>,
        %swap3A_263 = vector.shape_cast %swap3A_262 : vector<1x16xi32> to vector<16xi32>
        %swap3A_264 = vector.shape_cast %and3A_258 : vector<16xi32> to vector<1x16xi32>
        tpu.vector_store %arg18[%swap3A_260, %swap3A_261], %swap3A_264 {strides = array<i32>} : memref<1x64xi32, #tpu.memory_space<vmem>>, vector<1x16xi32>,
        %mul3A_265 = arith.constant 64 : i32
        %mul3A_266 = arith.muli %add3A_205, %mul3A_265 : i32
        %add3A_267 = arith.constant 16 : i32
        %add3A_268 = arith.addi %mul3A_266, %add3A_267 : i32
        %get3A_269 = arith.index_cast %add3A_268 : i32 to index
        %get3A_270 = tpu.vector_load %arg11[%get3A_269] {strides = array<i32>} : memref<20544xi32, #tpu.memory_space<vmem>>, vector<16xi32>,
        %get3A_271 = vector.shape_cast %get3A_270 : vector<16xi32> to vector<16xi32>
        %shift_right_logical3A_272 = arith.constant 14 : i32
        %shift_right_logical3A_273 = vector.broadcast %shift_right_logical3A_272 : i32 to vector<16xi32>
        %shift_right_logical3A_274 = arith.shrui %get3A_271, %shift_right_logical3A_273 : vector<16xi32>
        %swap3A_275 = arith.constant 0 : i32
        %swap3A_276 = arith.index_cast %swap3A_275 : i32 to index
        %swap3A_277 = arith.constant 16 : index
        %swap3A_278 = tpu.vector_load %arg15[%swap3A_276, %swap3A_277] {strides = array<i32>} : memref<1x64xi32, #tpu.memory_space<vmem>>, vector<1x16xi32>,
        %swap3A_279 = vector.shape_cast %swap3A_278 : vector<1x16xi32> to vector<16xi32>
        %swap3A_280 = vector.shape_cast %shift_right_logical3A_274 : vector<16xi32> to vector<1x16xi32>
        tpu.vector_store %arg15[%swap3A_276, %swap3A_277], %swap3A_280 {strides = array<i32>} : memref<1x64xi32, #tpu.memory_space<vmem>>, vector<1x16xi32>,
        %and3A_281 = arith.constant 16383 : i32
        %and3A_282 = vector.broadcast %and3A_281 : i32 to vector<16xi32>
        %and3A_283 = arith.andi %get3A_271, %and3A_282 : vector<16xi32>
        %swap3A_284 = arith.constant 0 : i32
        %swap3A_285 = arith.index_cast %swap3A_284 : i32 to index
        %swap3A_286 = arith.constant 16 : index
        %swap3A_287 = tpu.vector_load %arg18[%swap3A_285, %swap3A_286] {strides = array<i32>} : memref<1x64xi32, #tpu.memory_space<vmem>>, vector<1x16xi32>,
        %swap3A_288 = vector.shape_cast %swap3A_287 : vector<1x16xi32> to vector<16xi32>
        %swap3A_289 = vector.shape_cast %and3A_283 : vector<16xi32> to vector<1x16xi32>
        tpu.vector_store %arg18[%swap3A_285, %swap3A_286], %swap3A_289 {strides = array<i32>} : memref<1x64xi32, #tpu.memory_space<vmem>>, vector<1x16xi32>,
        %mul3A_290 = arith.constant 64 : i32
        %mul3A_291 = arith.muli %add3A_205, %mul3A_290 : i32
        %add3A_292 = arith.constant 32 : i32
        %add3A_293 = arith.addi %mul3A_291, %add3A_292 : i32
        %get3A_294 = arith.index_cast %add3A_293 : i32 to index
        %get3A_295 = tpu.vector_load %arg11[%get3A_294] {strides = array<i32>} : memref<20544xi32, #tpu.memory_space<vmem>>, vector<16xi32>,
        %get3A_296 = vector.shape_cast %get3A_295 : vector<16xi32> to vector<16xi32>
        %shift_right_logical3A_297 = arith.constant 14 : i32
        %shift_right_logical3A_298 = vector.broadcast %shift_right_logical3A_297 : i32 to vector<16xi32>
        %shift_right_logical3A_299 = arith.shrui %get3A_296, %shift_right_logical3A_298 : vector<16xi32>
        %swap3A_300 = arith.constant 0 : i32
        %swap3A_301 = arith.index_cast %swap3A_300 : i32 to index
        %swap3A_302 = arith.constant 32 : index
        %swap3A_303 = tpu.vector_load %arg15[%swap3A_301, %swap3A_302] {strides = array<i32>} : memref<1x64xi32, #tpu.memory_space<vmem>>, vector<1x16xi32>,
        %swap3A_304 = vector.shape_cast %swap3A_303 : vector<1x16xi32> to vector<16xi32>
        %swap3A_305 = vector.shape_cast %shift_right_logical3A_299 : vector<16xi32> to vector<1x16xi32>
        tpu.vector_store %arg15[%swap3A_301, %swap3A_302], %swap3A_305 {strides = array<i32>} : memref<1x64xi32, #tpu.memory_space<vmem>>, vector<1x16xi32>,
        %and3A_306 = arith.constant 16383 : i32
        %and3A_307 = vector.broadcast %and3A_306 : i32 to vector<16xi32>
        %and3A_308 = arith.andi %get3A_296, %and3A_307 : vector<16xi32>
        %swap3A_309 = arith.constant 0 : i32
        %swap3A_310 = arith.index_cast %swap3A_309 : i32 to index
        %swap3A_311 = arith.constant 32 : index
        %swap3A_312 = tpu.vector_load %arg18[%swap3A_310, %swap3A_311] {strides = array<i32>} : memref<1x64xi32, #tpu.memory_space<vmem>>, vector<1x16xi32>,
        %swap3A_313 = vector.shape_cast %swap3A_312 : vector<1x16xi32> to vector<16xi32>
        %swap3A_314 = vector.shape_cast %and3A_308 : vector<16xi32> to vector<1x16xi32>
        tpu.vector_store %arg18[%swap3A_310, %swap3A_311], %swap3A_314 {strides = array<i32>} : memref<1x64xi32, #tpu.memory_space<vmem>>, vector<1x16xi32>,
        %mul3A_315 = arith.constant 64 : i32
        %mul3A_316 = arith.muli %add3A_205, %mul3A_315 : i32
        %add3A_317 = arith.constant 48 : i32
        %add3A_318 = arith.addi %mul3A_316, %add3A_317 : i32
        %get3A_319 = arith.index_cast %add3A_318 : i32 to index
        %get3A_320 = tpu.vector_load %arg11[%get3A_319] {strides = array<i32>} : memref<20544xi32, #tpu.memory_space<vmem>>, vector<16xi32>,
        %get3A_321 = vector.shape_cast %get3A_320 : vector<16xi32> to vector<16xi32>
        %shift_right_logical3A_322 = arith.constant 14 : i32
        %shift_right_logical3A_323 = vector.broadcast %shift_right_logical3A_322 : i32 to vector<16xi32>
        %shift_right_logical3A_324 = arith.shrui %get3A_321, %shift_right_logical3A_323 : vector<16xi32>
        %swap3A_325 = arith.constant 0 : i32
        %swap3A_326 = arith.index_cast %swap3A_325 : i32 to index
        %swap3A_327 = arith.constant 48 : index
        %swap3A_328 = tpu.vector_load %arg15[%swap3A_326, %swap3A_327] {strides = array<i32>} : memref<1x64xi32, #tpu.memory_space<vmem>>, vector<1x16xi32>,
        %swap3A_329 = vector.shape_cast %swap3A_328 : vector<1x16xi32> to vector<16xi32>
        %swap3A_330 = vector.shape_cast %shift_right_logical3A_324 : vector<16xi32> to vector<1x16xi32>
        tpu.vector_store %arg15[%swap3A_326, %swap3A_327], %swap3A_330 {strides = array<i32>} : memref<1x64xi32, #tpu.memory_space<vmem>>, vector<1x16xi32>,
        %and3A_331 = arith.constant 16383 : i32
        %and3A_332 = vector.broadcast %and3A_331 : i32 to vector<16xi32>
        %and3A_333 = arith.andi %get3A_321, %and3A_332 : vector<16xi32>
        %swap3A_334 = arith.constant 0 : i32
        %swap3A_335 = arith.index_cast %swap3A_334 : i32 to index
        %swap3A_336 = arith.constant 48 : index
        %swap3A_337 = tpu.vector_load %arg18[%swap3A_335, %swap3A_336] {strides = array<i32>} : memref<1x64xi32, #tpu.memory_space<vmem>>, vector<1x16xi32>,
        %swap3A_338 = vector.shape_cast %swap3A_337 : vector<1x16xi32> to vector<16xi32>
        %swap3A_339 = vector.shape_cast %and3A_333 : vector<16xi32> to vector<1x16xi32>
        tpu.vector_store %arg18[%swap3A_335, %swap3A_336], %swap3A_339 {strides = array<i32>} : memref<1x64xi32, #tpu.memory_space<vmem>>, vector<1x16xi32>,
        %dma_start3A_340 = arith.constant 0 : i32
        %dma_start3A_341 = arith.constant 0 : i32
        %dma_start3A_342 = tpu.memref_slice %arg15[%dma_start3A_340, %dma_start3A_341] : memref<1x64xi32, #tpu.memory_space<vmem>> -> memref<1x64xi32, #tpu.memory_space<vmem>>
        %dma_start3A_343 = tpu.memref_squeeze %dma_start3A_342 : memref<1x64xi32, #tpu.memory_space<vmem>> -> memref<64xi32, #tpu.memory_space<vmem>>
        %dma_start3A_344 = arith.constant 0 : i32
        %dma_start3A_345 = arith.constant 0 : i32
        %dma_start3A_346 = tpu.memref_slice %arg2[%dma_start3A_344, %dma_start3A_345] : memref<10000x128xf32, #tpu.memory_space<hbm>> -> memref<10000x128xf32, #tpu.memory_space<hbm>>
        tpu.enqueue_indirect_dma source(%dma_start3A_346 : memref<10000x128xf32, #tpu.memory_space<hbm>>) target(%arg12 : memref<64x128xf32, #tpu.memory_space<vmem>>) offsets(%dma_start3A_343 : memref<64xi32, #tpu.memory_space<vmem>>) semaphore(%arg24 : memref<!tpu.dma_semaphore, #tpu.memory_space<semaphore_mem>>)
      } else {
      }
      %add3A_209 = arith.constant 1 : i32
      %add3A_210 = arith.addi %mul3A_203, %add3A_209 : i32
      %lt3A_211 = arith.cmpi slt, %add3A_210, %div3A_62 : i32
      %convert_element_type3A_212 = arith.extui %lt3A_211 : i1 to i32
      %cond3A_213 = arith.constant 0 : i32
      %cond3A_214 = arith.cmpi ne, %convert_element_type3A_212, %cond3A_213 : i32
      scf.if %cond3A_214 {
        %ge3A = arith.constant 3 : i32
        %ge3A_239 = arith.cmpi sge, %add3A_210, %ge3A : i32
        %convert_element_type3A_240 = arith.extui %ge3A_239 : i1 to i32
        %cond3A_241 = arith.constant 0 : i32
        %cond3A_242 = arith.cmpi ne, %convert_element_type3A_240, %cond3A_241 : i32
        scf.if %cond3A_242 {
          %dma_wait3A = arith.constant 0 : i32
          %dma_wait3A_347 = arith.constant 0 : i32
          %dma_wait3A_348 = tpu.memref_slice %arg19[%dma_wait3A, %dma_wait3A_347] : memref<1x64xi32, #tpu.memory_space<vmem>> -> memref<1x64xi32, #tpu.memory_space<vmem>>
          %dma_wait3A_349 = tpu.memref_squeeze %dma_wait3A_348 : memref<1x64xi32, #tpu.memory_space<vmem>> -> memref<64xi32, #tpu.memory_space<vmem>>
          %dma_wait3A_350 = arith.constant 0 : i32
          %dma_wait3A_351 = arith.constant 0 : i32
          %dma_wait3A_352 = tpu.memref_slice %arg21[%dma_wait3A_350, %dma_wait3A_351] : memref<10304x128xf32, #tpu.memory_space<vmem_shared>> -> memref<10304x128xf32, #tpu.memory_space<vmem_shared>>
          tpu.wait_indirect_dma semaphore(%arg28 : memref<!tpu.dma_semaphore, #tpu.memory_space<semaphore_mem>>) src(%arg13 : memref<64x128xf32, #tpu.memory_space<vmem>>) dst(%dma_wait3A_352 : memref<10304x128xf32, #tpu.memory_space<vmem_shared>>)
        } else {
        }
        %mul3A_243 = arith.constant 64 : i32
        %mul3A_244 = arith.muli %add3A_210, %mul3A_243 : i32
        %add3A_245 = arith.constant 0 : i32
        %add3A_246 = arith.addi %mul3A_244, %add3A_245 : i32
        %get3A = arith.index_cast %add3A_246 : i32 to index
        %get3A_247 = tpu.vector_load %arg11[%get3A] {strides = array<i32>} : memref<20544xi32, #tpu.memory_space<vmem>>, vector<16xi32>,
        %get3A_248 = vector.shape_cast %get3A_247 : vector<16xi32> to vector<16xi32>
        %shift_right_logical3A = arith.constant 14 : i32
        %shift_right_logical3A_249 = vector.broadcast %shift_right_logical3A : i32 to vector<16xi32>
        %shift_right_logical3A_250 = arith.shrui %get3A_248, %shift_right_logical3A_249 : vector<16xi32>
        %swap3A_251 = arith.constant 0 : i32
        %swap3A_252 = arith.index_cast %swap3A_251 : i32 to index
        %swap3A_253 = arith.constant 0 : index
        %swap3A_254 = tpu.vector_load %arg16[%swap3A_252, %swap3A_253] {strides = array<i32>} : memref<1x64xi32, #tpu.memory_space<vmem>>, vector<1x16xi32>,
        %swap3A_255 = vector.shape_cast %swap3A_254 : vector<1x16xi32> to vector<16xi32>
        %swap3A_256 = vector.shape_cast %shift_right_logical3A_250 : vector<16xi32> to vector<1x16xi32>
        tpu.vector_store %arg16[%swap3A_252, %swap3A_253], %swap3A_256 {strides = array<i32>} : memref<1x64xi32, #tpu.memory_space<vmem>>, vector<1x16xi32>,
        %and3A = arith.constant 16383 : i32
        %and3A_257 = vector.broadcast %and3A : i32 to vector<16xi32>
        %and3A_258 = arith.andi %get3A_248, %and3A_257 : vector<16xi32>
        %swap3A_259 = arith.constant 0 : i32
        %swap3A_260 = arith.index_cast %swap3A_259 : i32 to index
        %swap3A_261 = arith.constant 0 : index
        %swap3A_262 = tpu.vector_load %arg19[%swap3A_260, %swap3A_261] {strides = array<i32>} : memref<1x64xi32, #tpu.memory_space<vmem>>, vector<1x16xi32>,
        %swap3A_263 = vector.shape_cast %swap3A_262 : vector<1x16xi32> to vector<16xi32>
        %swap3A_264 = vector.shape_cast %and3A_258 : vector<16xi32> to vector<1x16xi32>
        tpu.vector_store %arg19[%swap3A_260, %swap3A_261], %swap3A_264 {strides = array<i32>} : memref<1x64xi32, #tpu.memory_space<vmem>>, vector<1x16xi32>,
        %mul3A_265 = arith.constant 64 : i32
        %mul3A_266 = arith.muli %add3A_210, %mul3A_265 : i32
        %add3A_267 = arith.constant 16 : i32
        %add3A_268 = arith.addi %mul3A_266, %add3A_267 : i32
        %get3A_269 = arith.index_cast %add3A_268 : i32 to index
        %get3A_270 = tpu.vector_load %arg11[%get3A_269] {strides = array<i32>} : memref<20544xi32, #tpu.memory_space<vmem>>, vector<16xi32>,
        %get3A_271 = vector.shape_cast %get3A_270 : vector<16xi32> to vector<16xi32>
        %shift_right_logical3A_272 = arith.constant 14 : i32
        %shift_right_logical3A_273 = vector.broadcast %shift_right_logical3A_272 : i32 to vector<16xi32>
        %shift_right_logical3A_274 = arith.shrui %get3A_271, %shift_right_logical3A_273 : vector<16xi32>
        %swap3A_275 = arith.constant 0 : i32
        %swap3A_276 = arith.index_cast %swap3A_275 : i32 to index
        %swap3A_277 = arith.constant 16 : index
        %swap3A_278 = tpu.vector_load %arg16[%swap3A_276, %swap3A_277] {strides = array<i32>} : memref<1x64xi32, #tpu.memory_space<vmem>>, vector<1x16xi32>,
        %swap3A_279 = vector.shape_cast %swap3A_278 : vector<1x16xi32> to vector<16xi32>
        %swap3A_280 = vector.shape_cast %shift_right_logical3A_274 : vector<16xi32> to vector<1x16xi32>
        tpu.vector_store %arg16[%swap3A_276, %swap3A_277], %swap3A_280 {strides = array<i32>} : memref<1x64xi32, #tpu.memory_space<vmem>>, vector<1x16xi32>,
        %and3A_281 = arith.constant 16383 : i32
        %and3A_282 = vector.broadcast %and3A_281 : i32 to vector<16xi32>
        %and3A_283 = arith.andi %get3A_271, %and3A_282 : vector<16xi32>
        %swap3A_284 = arith.constant 0 : i32
        %swap3A_285 = arith.index_cast %swap3A_284 : i32 to index
        %swap3A_286 = arith.constant 16 : index
        %swap3A_287 = tpu.vector_load %arg19[%swap3A_285, %swap3A_286] {strides = array<i32>} : memref<1x64xi32, #tpu.memory_space<vmem>>, vector<1x16xi32>,
        %swap3A_288 = vector.shape_cast %swap3A_287 : vector<1x16xi32> to vector<16xi32>
        %swap3A_289 = vector.shape_cast %and3A_283 : vector<16xi32> to vector<1x16xi32>
        tpu.vector_store %arg19[%swap3A_285, %swap3A_286], %swap3A_289 {strides = array<i32>} : memref<1x64xi32, #tpu.memory_space<vmem>>, vector<1x16xi32>,
        %mul3A_290 = arith.constant 64 : i32
        %mul3A_291 = arith.muli %add3A_210, %mul3A_290 : i32
        %add3A_292 = arith.constant 32 : i32
        %add3A_293 = arith.addi %mul3A_291, %add3A_292 : i32
        %get3A_294 = arith.index_cast %add3A_293 : i32 to index
        %get3A_295 = tpu.vector_load %arg11[%get3A_294] {strides = array<i32>} : memref<20544xi32, #tpu.memory_space<vmem>>, vector<16xi32>,
        %get3A_296 = vector.shape_cast %get3A_295 : vector<16xi32> to vector<16xi32>
        %shift_right_logical3A_297 = arith.constant 14 : i32
        %shift_right_logical3A_298 = vector.broadcast %shift_right_logical3A_297 : i32 to vector<16xi32>
        %shift_right_logical3A_299 = arith.shrui %get3A_296, %shift_right_logical3A_298 : vector<16xi32>
        %swap3A_300 = arith.constant 0 : i32
        %swap3A_301 = arith.index_cast %swap3A_300 : i32 to index
        %swap3A_302 = arith.constant 32 : index
        %swap3A_303 = tpu.vector_load %arg16[%swap3A_301, %swap3A_302] {strides = array<i32>} : memref<1x64xi32, #tpu.memory_space<vmem>>, vector<1x16xi32>,
        %swap3A_304 = vector.shape_cast %swap3A_303 : vector<1x16xi32> to vector<16xi32>
        %swap3A_305 = vector.shape_cast %shift_right_logical3A_299 : vector<16xi32> to vector<1x16xi32>
        tpu.vector_store %arg16[%swap3A_301, %swap3A_302], %swap3A_305 {strides = array<i32>} : memref<1x64xi32, #tpu.memory_space<vmem>>, vector<1x16xi32>,
        %and3A_306 = arith.constant 16383 : i32
        %and3A_307 = vector.broadcast %and3A_306 : i32 to vector<16xi32>
        %and3A_308 = arith.andi %get3A_296, %and3A_307 : vector<16xi32>
        %swap3A_309 = arith.constant 0 : i32
        %swap3A_310 = arith.index_cast %swap3A_309 : i32 to index
        %swap3A_311 = arith.constant 32 : index
        %swap3A_312 = tpu.vector_load %arg19[%swap3A_310, %swap3A_311] {strides = array<i32>} : memref<1x64xi32, #tpu.memory_space<vmem>>, vector<1x16xi32>,
        %swap3A_313 = vector.shape_cast %swap3A_312 : vector<1x16xi32> to vector<16xi32>
        %swap3A_314 = vector.shape_cast %and3A_308 : vector<16xi32> to vector<1x16xi32>
        tpu.vector_store %arg19[%swap3A_310, %swap3A_311], %swap3A_314 {strides = array<i32>} : memref<1x64xi32, #tpu.memory_space<vmem>>, vector<1x16xi32>,
        %mul3A_315 = arith.constant 64 : i32
        %mul3A_316 = arith.muli %add3A_210, %mul3A_315 : i32
        %add3A_317 = arith.constant 48 : i32
        %add3A_318 = arith.addi %mul3A_316, %add3A_317 : i32
        %get3A_319 = arith.index_cast %add3A_318 : i32 to index
        %get3A_320 = tpu.vector_load %arg11[%get3A_319] {strides = array<i32>} : memref<20544xi32, #tpu.memory_space<vmem>>, vector<16xi32>,
        %get3A_321 = vector.shape_cast %get3A_320 : vector<16xi32> to vector<16xi32>
        %shift_right_logical3A_322 = arith.constant 14 : i32
        %shift_right_logical3A_323 = vector.broadcast %shift_right_logical3A_322 : i32 to vector<16xi32>
        %shift_right_logical3A_324 = arith.shrui %get3A_321, %shift_right_logical3A_323 : vector<16xi32>
        %swap3A_325 = arith.constant 0 : i32
        %swap3A_326 = arith.index_cast %swap3A_325 : i32 to index
        %swap3A_327 = arith.constant 48 : index
        %swap3A_328 = tpu.vector_load %arg16[%swap3A_326, %swap3A_327] {strides = array<i32>} : memref<1x64xi32, #tpu.memory_space<vmem>>, vector<1x16xi32>,
        %swap3A_329 = vector.shape_cast %swap3A_328 : vector<1x16xi32> to vector<16xi32>
        %swap3A_330 = vector.shape_cast %shift_right_logical3A_324 : vector<16xi32> to vector<1x16xi32>
        tpu.vector_store %arg16[%swap3A_326, %swap3A_327], %swap3A_330 {strides = array<i32>} : memref<1x64xi32, #tpu.memory_space<vmem>>, vector<1x16xi32>,
        %and3A_331 = arith.constant 16383 : i32
        %and3A_332 = vector.broadcast %and3A_331 : i32 to vector<16xi32>
        %and3A_333 = arith.andi %get3A_321, %and3A_332 : vector<16xi32>
        %swap3A_334 = arith.constant 0 : i32
        %swap3A_335 = arith.index_cast %swap3A_334 : i32 to index
        %swap3A_336 = arith.constant 48 : index
        %swap3A_337 = tpu.vector_load %arg19[%swap3A_335, %swap3A_336] {strides = array<i32>} : memref<1x64xi32, #tpu.memory_space<vmem>>, vector<1x16xi32>,
        %swap3A_338 = vector.shape_cast %swap3A_337 : vector<1x16xi32> to vector<16xi32>
        %swap3A_339 = vector.shape_cast %and3A_333 : vector<16xi32> to vector<1x16xi32>
        tpu.vector_store %arg19[%swap3A_335, %swap3A_336], %swap3A_339 {strides = array<i32>} : memref<1x64xi32, #tpu.memory_space<vmem>>, vector<1x16xi32>,
        %dma_start3A_340 = arith.constant 0 : i32
        %dma_start3A_341 = arith.constant 0 : i32
        %dma_start3A_342 = tpu.memref_slice %arg16[%dma_start3A_340, %dma_start3A_341] : memref<1x64xi32, #tpu.memory_space<vmem>> -> memref<1x64xi32, #tpu.memory_space<vmem>>
        %dma_start3A_343 = tpu.memref_squeeze %dma_start3A_342 : memref<1x64xi32, #tpu.memory_space<vmem>> -> memref<64xi32, #tpu.memory_space<vmem>>
        %dma_start3A_344 = arith.constant 0 : i32
        %dma_start3A_345 = arith.constant 0 : i32
        %dma_start3A_346 = tpu.memref_slice %arg2[%dma_start3A_344, %dma_start3A_345] : memref<10000x128xf32, #tpu.memory_space<hbm>> -> memref<10000x128xf32, #tpu.memory_space<hbm>>
        tpu.enqueue_indirect_dma source(%dma_start3A_346 : memref<10000x128xf32, #tpu.memory_space<hbm>>) target(%arg13 : memref<64x128xf32, #tpu.memory_space<vmem>>) offsets(%dma_start3A_343 : memref<64xi32, #tpu.memory_space<vmem>>) semaphore(%arg25 : memref<!tpu.dma_semaphore, #tpu.memory_space<semaphore_mem>>)
      } else {
      }
      %add3A_215 = arith.constant 2 : i32
      %add3A_216 = arith.addi %mul3A_203, %add3A_215 : i32
      %lt3A_217 = arith.cmpi slt, %add3A_216, %div3A_62 : i32
      %convert_element_type3A_218 = arith.extui %lt3A_217 : i1 to i32
      %cond3A_219 = arith.constant 0 : i32
      %cond3A_220 = arith.cmpi ne, %convert_element_type3A_218, %cond3A_219 : i32
      scf.if %cond3A_220 {
        %ge3A = arith.constant 3 : i32
        %ge3A_239 = arith.cmpi sge, %add3A_216, %ge3A : i32
        %convert_element_type3A_240 = arith.extui %ge3A_239 : i1 to i32
        %cond3A_241 = arith.constant 0 : i32
        %cond3A_242 = arith.cmpi ne, %convert_element_type3A_240, %cond3A_241 : i32
        scf.if %cond3A_242 {
          %dma_wait3A = arith.constant 0 : i32
          %dma_wait3A_347 = arith.constant 0 : i32
          %dma_wait3A_348 = tpu.memref_slice %arg20[%dma_wait3A, %dma_wait3A_347] : memref<1x64xi32, #tpu.memory_space<vmem>> -> memref<1x64xi32, #tpu.memory_space<vmem>>
          %dma_wait3A_349 = tpu.memref_squeeze %dma_wait3A_348 : memref<1x64xi32, #tpu.memory_space<vmem>> -> memref<64xi32, #tpu.memory_space<vmem>>
          %dma_wait3A_350 = arith.constant 0 : i32
          %dma_wait3A_351 = arith.constant 0 : i32
          %dma_wait3A_352 = tpu.memref_slice %arg21[%dma_wait3A_350, %dma_wait3A_351] : memref<10304x128xf32, #tpu.memory_space<vmem_shared>> -> memref<10304x128xf32, #tpu.memory_space<vmem_shared>>
          tpu.wait_indirect_dma semaphore(%arg29 : memref<!tpu.dma_semaphore, #tpu.memory_space<semaphore_mem>>) src(%arg14 : memref<64x128xf32, #tpu.memory_space<vmem>>) dst(%dma_wait3A_352 : memref<10304x128xf32, #tpu.memory_space<vmem_shared>>)
        } else {
        }
        %mul3A_243 = arith.constant 64 : i32
        %mul3A_244 = arith.muli %add3A_216, %mul3A_243 : i32
        %add3A_245 = arith.constant 0 : i32
        %add3A_246 = arith.addi %mul3A_244, %add3A_245 : i32
        %get3A = arith.index_cast %add3A_246 : i32 to index
        %get3A_247 = tpu.vector_load %arg11[%get3A] {strides = array<i32>} : memref<20544xi32, #tpu.memory_space<vmem>>, vector<16xi32>,
        %get3A_248 = vector.shape_cast %get3A_247 : vector<16xi32> to vector<16xi32>
        %shift_right_logical3A = arith.constant 14 : i32
        %shift_right_logical3A_249 = vector.broadcast %shift_right_logical3A : i32 to vector<16xi32>
        %shift_right_logical3A_250 = arith.shrui %get3A_248, %shift_right_logical3A_249 : vector<16xi32>
        %swap3A_251 = arith.constant 0 : i32
        %swap3A_252 = arith.index_cast %swap3A_251 : i32 to index
        %swap3A_253 = arith.constant 0 : index
        %swap3A_254 = tpu.vector_load %arg17[%swap3A_252, %swap3A_253] {strides = array<i32>} : memref<1x64xi32, #tpu.memory_space<vmem>>, vector<1x16xi32>,
        %swap3A_255 = vector.shape_cast %swap3A_254 : vector<1x16xi32> to vector<16xi32>
        %swap3A_256 = vector.shape_cast %shift_right_logical3A_250 : vector<16xi32> to vector<1x16xi32>
        tpu.vector_store %arg17[%swap3A_252, %swap3A_253], %swap3A_256 {strides = array<i32>} : memref<1x64xi32, #tpu.memory_space<vmem>>, vector<1x16xi32>,
        %and3A = arith.constant 16383 : i32
        %and3A_257 = vector.broadcast %and3A : i32 to vector<16xi32>
        %and3A_258 = arith.andi %get3A_248, %and3A_257 : vector<16xi32>
        %swap3A_259 = arith.constant 0 : i32
        %swap3A_260 = arith.index_cast %swap3A_259 : i32 to index
        %swap3A_261 = arith.constant 0 : index
        %swap3A_262 = tpu.vector_load %arg20[%swap3A_260, %swap3A_261] {strides = array<i32>} : memref<1x64xi32, #tpu.memory_space<vmem>>, vector<1x16xi32>,
        %swap3A_263 = vector.shape_cast %swap3A_262 : vector<1x16xi32> to vector<16xi32>
        %swap3A_264 = vector.shape_cast %and3A_258 : vector<16xi32> to vector<1x16xi32>
        tpu.vector_store %arg20[%swap3A_260, %swap3A_261], %swap3A_264 {strides = array<i32>} : memref<1x64xi32, #tpu.memory_space<vmem>>, vector<1x16xi32>,
        %mul3A_265 = arith.constant 64 : i32
        %mul3A_266 = arith.muli %add3A_216, %mul3A_265 : i32
        %add3A_267 = arith.constant 16 : i32
        %add3A_268 = arith.addi %mul3A_266, %add3A_267 : i32
        %get3A_269 = arith.index_cast %add3A_268 : i32 to index
        %get3A_270 = tpu.vector_load %arg11[%get3A_269] {strides = array<i32>} : memref<20544xi32, #tpu.memory_space<vmem>>, vector<16xi32>,
        %get3A_271 = vector.shape_cast %get3A_270 : vector<16xi32> to vector<16xi32>
        %shift_right_logical3A_272 = arith.constant 14 : i32
        %shift_right_logical3A_273 = vector.broadcast %shift_right_logical3A_272 : i32 to vector<16xi32>
        %shift_right_logical3A_274 = arith.shrui %get3A_271, %shift_right_logical3A_273 : vector<16xi32>
        %swap3A_275 = arith.constant 0 : i32
        %swap3A_276 = arith.index_cast %swap3A_275 : i32 to index
        %swap3A_277 = arith.constant 16 : index
        %swap3A_278 = tpu.vector_load %arg17[%swap3A_276, %swap3A_277] {strides = array<i32>} : memref<1x64xi32, #tpu.memory_space<vmem>>, vector<1x16xi32>,
        %swap3A_279 = vector.shape_cast %swap3A_278 : vector<1x16xi32> to vector<16xi32>
        %swap3A_280 = vector.shape_cast %shift_right_logical3A_274 : vector<16xi32> to vector<1x16xi32>
        tpu.vector_store %arg17[%swap3A_276, %swap3A_277], %swap3A_280 {strides = array<i32>} : memref<1x64xi32, #tpu.memory_space<vmem>>, vector<1x16xi32>,
        %and3A_281 = arith.constant 16383 : i32
        %and3A_282 = vector.broadcast %and3A_281 : i32 to vector<16xi32>
        %and3A_283 = arith.andi %get3A_271, %and3A_282 : vector<16xi32>
        %swap3A_284 = arith.constant 0 : i32
        %swap3A_285 = arith.index_cast %swap3A_284 : i32 to index
        %swap3A_286 = arith.constant 16 : index
        %swap3A_287 = tpu.vector_load %arg20[%swap3A_285, %swap3A_286] {strides = array<i32>} : memref<1x64xi32, #tpu.memory_space<vmem>>, vector<1x16xi32>,
        %swap3A_288 = vector.shape_cast %swap3A_287 : vector<1x16xi32> to vector<16xi32>
        %swap3A_289 = vector.shape_cast %and3A_283 : vector<16xi32> to vector<1x16xi32>
        tpu.vector_store %arg20[%swap3A_285, %swap3A_286], %swap3A_289 {strides = array<i32>} : memref<1x64xi32, #tpu.memory_space<vmem>>, vector<1x16xi32>,
        %mul3A_290 = arith.constant 64 : i32
        %mul3A_291 = arith.muli %add3A_216, %mul3A_290 : i32
        %add3A_292 = arith.constant 32 : i32
        %add3A_293 = arith.addi %mul3A_291, %add3A_292 : i32
        %get3A_294 = arith.index_cast %add3A_293 : i32 to index
        %get3A_295 = tpu.vector_load %arg11[%get3A_294] {strides = array<i32>} : memref<20544xi32, #tpu.memory_space<vmem>>, vector<16xi32>,
        %get3A_296 = vector.shape_cast %get3A_295 : vector<16xi32> to vector<16xi32>
        %shift_right_logical3A_297 = arith.constant 14 : i32
        %shift_right_logical3A_298 = vector.broadcast %shift_right_logical3A_297 : i32 to vector<16xi32>
        %shift_right_logical3A_299 = arith.shrui %get3A_296, %shift_right_logical3A_298 : vector<16xi32>
        %swap3A_300 = arith.constant 0 : i32
        %swap3A_301 = arith.index_cast %swap3A_300 : i32 to index
        %swap3A_302 = arith.constant 32 : index
        %swap3A_303 = tpu.vector_load %arg17[%swap3A_301, %swap3A_302] {strides = array<i32>} : memref<1x64xi32, #tpu.memory_space<vmem>>, vector<1x16xi32>,
        %swap3A_304 = vector.shape_cast %swap3A_303 : vector<1x16xi32> to vector<16xi32>
        %swap3A_305 = vector.shape_cast %shift_right_logical3A_299 : vector<16xi32> to vector<1x16xi32>
        tpu.vector_store %arg17[%swap3A_301, %swap3A_302], %swap3A_305 {strides = array<i32>} : memref<1x64xi32, #tpu.memory_space<vmem>>, vector<1x16xi32>,
        %and3A_306 = arith.constant 16383 : i32
        %and3A_307 = vector.broadcast %and3A_306 : i32 to vector<16xi32>
        %and3A_308 = arith.andi %get3A_296, %and3A_307 : vector<16xi32>
        %swap3A_309 = arith.constant 0 : i32
        %swap3A_310 = arith.index_cast %swap3A_309 : i32 to index
        %swap3A_311 = arith.constant 32 : index
        %swap3A_312 = tpu.vector_load %arg20[%swap3A_310, %swap3A_311] {strides = array<i32>} : memref<1x64xi32, #tpu.memory_space<vmem>>, vector<1x16xi32>,
        %swap3A_313 = vector.shape_cast %swap3A_312 : vector<1x16xi32> to vector<16xi32>
        %swap3A_314 = vector.shape_cast %and3A_308 : vector<16xi32> to vector<1x16xi32>
        tpu.vector_store %arg20[%swap3A_310, %swap3A_311], %swap3A_314 {strides = array<i32>} : memref<1x64xi32, #tpu.memory_space<vmem>>, vector<1x16xi32>,
        %mul3A_315 = arith.constant 64 : i32
        %mul3A_316 = arith.muli %add3A_216, %mul3A_315 : i32
        %add3A_317 = arith.constant 48 : i32
        %add3A_318 = arith.addi %mul3A_316, %add3A_317 : i32
        %get3A_319 = arith.index_cast %add3A_318 : i32 to index
        %get3A_320 = tpu.vector_load %arg11[%get3A_319] {strides = array<i32>} : memref<20544xi32, #tpu.memory_space<vmem>>, vector<16xi32>,
        %get3A_321 = vector.shape_cast %get3A_320 : vector<16xi32> to vector<16xi32>
        %shift_right_logical3A_322 = arith.constant 14 : i32
        %shift_right_logical3A_323 = vector.broadcast %shift_right_logical3A_322 : i32 to vector<16xi32>
        %shift_right_logical3A_324 = arith.shrui %get3A_321, %shift_right_logical3A_323 : vector<16xi32>
        %swap3A_325 = arith.constant 0 : i32
        %swap3A_326 = arith.index_cast %swap3A_325 : i32 to index
        %swap3A_327 = arith.constant 48 : index
        %swap3A_328 = tpu.vector_load %arg17[%swap3A_326, %swap3A_327] {strides = array<i32>} : memref<1x64xi32, #tpu.memory_space<vmem>>, vector<1x16xi32>,
        %swap3A_329 = vector.shape_cast %swap3A_328 : vector<1x16xi32> to vector<16xi32>
        %swap3A_330 = vector.shape_cast %shift_right_logical3A_324 : vector<16xi32> to vector<1x16xi32>
        tpu.vector_store %arg17[%swap3A_326, %swap3A_327], %swap3A_330 {strides = array<i32>} : memref<1x64xi32, #tpu.memory_space<vmem>>, vector<1x16xi32>,
        %and3A_331 = arith.constant 16383 : i32
        %and3A_332 = vector.broadcast %and3A_331 : i32 to vector<16xi32>
        %and3A_333 = arith.andi %get3A_321, %and3A_332 : vector<16xi32>
        %swap3A_334 = arith.constant 0 : i32
        %swap3A_335 = arith.index_cast %swap3A_334 : i32 to index
        %swap3A_336 = arith.constant 48 : index
        %swap3A_337 = tpu.vector_load %arg20[%swap3A_335, %swap3A_336] {strides = array<i32>} : memref<1x64xi32, #tpu.memory_space<vmem>>, vector<1x16xi32>,
        %swap3A_338 = vector.shape_cast %swap3A_337 : vector<1x16xi32> to vector<16xi32>
        %swap3A_339 = vector.shape_cast %and3A_333 : vector<16xi32> to vector<1x16xi32>
        tpu.vector_store %arg20[%swap3A_335, %swap3A_336], %swap3A_339 {strides = array<i32>} : memref<1x64xi32, #tpu.memory_space<vmem>>, vector<1x16xi32>,
        %dma_start3A_340 = arith.constant 0 : i32
        %dma_start3A_341 = arith.constant 0 : i32
        %dma_start3A_342 = tpu.memref_slice %arg17[%dma_start3A_340, %dma_start3A_341] : memref<1x64xi32, #tpu.memory_space<vmem>> -> memref<1x64xi32, #tpu.memory_space<vmem>>
        %dma_start3A_343 = tpu.memref_squeeze %dma_start3A_342 : memref<1x64xi32, #tpu.memory_space<vmem>> -> memref<64xi32, #tpu.memory_space<vmem>>
        %dma_start3A_344 = arith.constant 0 : i32
        %dma_start3A_345 = arith.constant 0 : i32
        %dma_start3A_346 = tpu.memref_slice %arg2[%dma_start3A_344, %dma_start3A_345] : memref<10000x128xf32, #tpu.memory_space<hbm>> -> memref<10000x128xf32, #tpu.memory_space<hbm>>
        tpu.enqueue_indirect_dma source(%dma_start3A_346 : memref<10000x128xf32, #tpu.memory_space<hbm>>) target(%arg14 : memref<64x128xf32, #tpu.memory_space<vmem>>) offsets(%dma_start3A_343 : memref<64xi32, #tpu.memory_space<vmem>>) semaphore(%arg26 : memref<!tpu.dma_semaphore, #tpu.memory_space<semaphore_mem>>)
      } else {
      }
      %add3A_221 = arith.constant 0 : i32
      %add3A_222 = arith.addi %mul3A_203, %add3A_221 : i32
      %lt3A_223 = arith.cmpi slt, %add3A_222, %div3A_62 : i32
      %convert_element_type3A_224 = arith.extui %lt3A_223 : i1 to i32
      %cond3A_225 = arith.constant 0 : i32
      %cond3A_226 = arith.cmpi ne, %convert_element_type3A_224, %cond3A_225 : i32
      scf.if %cond3A_226 {
        %dma_wait3A = arith.constant 0 : i32
        %dma_wait3A_239 = arith.constant 0 : i32
        %dma_wait3A_240 = tpu.memref_slice %arg15[%dma_wait3A, %dma_wait3A_239] : memref<1x64xi32, #tpu.memory_space<vmem>> -> memref<1x64xi32, #tpu.memory_space<vmem>>
        %dma_wait3A_241 = tpu.memref_squeeze %dma_wait3A_240 : memref<1x64xi32, #tpu.memory_space<vmem>> -> memref<64xi32, #tpu.memory_space<vmem>>
        %dma_wait3A_242 = arith.constant 0 : i32
        %dma_wait3A_243 = arith.constant 0 : i32
        %dma_wait3A_244 = tpu.memref_slice %arg2[%dma_wait3A_242, %dma_wait3A_243] : memref<10000x128xf32, #tpu.memory_space<hbm>> -> memref<10000x128xf32, #tpu.memory_space<hbm>>
        tpu.wait_indirect_dma semaphore(%arg24 : memref<!tpu.dma_semaphore, #tpu.memory_space<semaphore_mem>>) src(%dma_wait3A_244 : memref<10000x128xf32, #tpu.memory_space<hbm>>) dst(%arg12 : memref<64x128xf32, #tpu.memory_space<vmem>>)
        %dma_start3A_245 = arith.constant 0 : i32
        %dma_start3A_246 = arith.constant 0 : i32
        %dma_start3A_247 = tpu.memref_slice %arg18[%dma_start3A_245, %dma_start3A_246] : memref<1x64xi32, #tpu.memory_space<vmem>> -> memref<1x64xi32, #tpu.memory_space<vmem>>
        %dma_start3A_248 = tpu.memref_squeeze %dma_start3A_247 : memref<1x64xi32, #tpu.memory_space<vmem>> -> memref<64xi32, #tpu.memory_space<vmem>>
        %dma_start3A_249 = arith.constant 0 : i32
        %dma_start3A_250 = arith.constant 0 : i32
        %dma_start3A_251 = tpu.memref_slice %arg21[%dma_start3A_249, %dma_start3A_250] : memref<10304x128xf32, #tpu.memory_space<vmem_shared>> -> memref<10304x128xf32, #tpu.memory_space<vmem_shared>>
        tpu.enqueue_indirect_dma source(%arg12 : memref<64x128xf32, #tpu.memory_space<vmem>>) target(%dma_start3A_251 : memref<10304x128xf32, #tpu.memory_space<vmem_shared>>) offsets(%dma_start3A_248 : memref<64xi32, #tpu.memory_space<vmem>>) semaphore(%arg27 : memref<!tpu.dma_semaphore, #tpu.memory_space<semaphore_mem>>) {add = true}
      } else {
      }
      %add3A_227 = arith.constant 1 : i32
      %add3A_228 = arith.addi %mul3A_203, %add3A_227 : i32
      %lt3A_229 = arith.cmpi slt, %add3A_228, %div3A_62 : i32
      %convert_element_type3A_230 = arith.extui %lt3A_229 : i1 to i32
      %cond3A_231 = arith.constant 0 : i32
      %cond3A_232 = arith.cmpi ne, %convert_element_type3A_230, %cond3A_231 : i32
      scf.if %cond3A_232 {
        %dma_wait3A = arith.constant 0 : i32
        %dma_wait3A_239 = arith.constant 0 : i32
        %dma_wait3A_240 = tpu.memref_slice %arg16[%dma_wait3A, %dma_wait3A_239] : memref<1x64xi32, #tpu.memory_space<vmem>> -> memref<1x64xi32, #tpu.memory_space<vmem>>
        %dma_wait3A_241 = tpu.memref_squeeze %dma_wait3A_240 : memref<1x64xi32, #tpu.memory_space<vmem>> -> memref<64xi32, #tpu.memory_space<vmem>>
        %dma_wait3A_242 = arith.constant 0 : i32
        %dma_wait3A_243 = arith.constant 0 : i32
        %dma_wait3A_244 = tpu.memref_slice %arg2[%dma_wait3A_242, %dma_wait3A_243] : memref<10000x128xf32, #tpu.memory_space<hbm>> -> memref<10000x128xf32, #tpu.memory_space<hbm>>
        tpu.wait_indirect_dma semaphore(%arg25 : memref<!tpu.dma_semaphore, #tpu.memory_space<semaphore_mem>>) src(%dma_wait3A_244 : memref<10000x128xf32, #tpu.memory_space<hbm>>) dst(%arg13 : memref<64x128xf32, #tpu.memory_space<vmem>>)
        %dma_start3A_245 = arith.constant 0 : i32
        %dma_start3A_246 = arith.constant 0 : i32
        %dma_start3A_247 = tpu.memref_slice %arg19[%dma_start3A_245, %dma_start3A_246] : memref<1x64xi32, #tpu.memory_space<vmem>> -> memref<1x64xi32, #tpu.memory_space<vmem>>
        %dma_start3A_248 = tpu.memref_squeeze %dma_start3A_247 : memref<1x64xi32, #tpu.memory_space<vmem>> -> memref<64xi32, #tpu.memory_space<vmem>>
        %dma_start3A_249 = arith.constant 0 : i32
        %dma_start3A_250 = arith.constant 0 : i32
        %dma_start3A_251 = tpu.memref_slice %arg21[%dma_start3A_249, %dma_start3A_250] : memref<10304x128xf32, #tpu.memory_space<vmem_shared>> -> memref<10304x128xf32, #tpu.memory_space<vmem_shared>>
        tpu.enqueue_indirect_dma source(%arg13 : memref<64x128xf32, #tpu.memory_space<vmem>>) target(%dma_start3A_251 : memref<10304x128xf32, #tpu.memory_space<vmem_shared>>) offsets(%dma_start3A_248 : memref<64xi32, #tpu.memory_space<vmem>>) semaphore(%arg28 : memref<!tpu.dma_semaphore, #tpu.memory_space<semaphore_mem>>) {add = true}
      } else {
      }
      %add3A_233 = arith.constant 2 : i32
      %add3A_234 = arith.addi %mul3A_203, %add3A_233 : i32
      %lt3A_235 = arith.cmpi slt, %add3A_234, %div3A_62 : i32
      %convert_element_type3A_236 = arith.extui %lt3A_235 : i1 to i32
      %cond3A_237 = arith.constant 0 : i32
      %cond3A_238 = arith.cmpi ne, %convert_element_type3A_236, %cond3A_237 : i32
      scf.if %cond3A_238 {
        %dma_wait3A = arith.constant 0 : i32
        %dma_wait3A_239 = arith.constant 0 : i32
        %dma_wait3A_240 = tpu.memref_slice %arg17[%dma_wait3A, %dma_wait3A_239] : memref<1x64xi32, #tpu.memory_space<vmem>> -> memref<1x64xi32, #tpu.memory_space<vmem>>
        %dma_wait3A_241 = tpu.memref_squeeze %dma_wait3A_240 : memref<1x64xi32, #tpu.memory_space<vmem>> -> memref<64xi32, #tpu.memory_space<vmem>>
        %dma_wait3A_242 = arith.constant 0 : i32
        %dma_wait3A_243 = arith.constant 0 : i32
        %dma_wait3A_244 = tpu.memref_slice %arg2[%dma_wait3A_242, %dma_wait3A_243] : memref<10000x128xf32, #tpu.memory_space<hbm>> -> memref<10000x128xf32, #tpu.memory_space<hbm>>
        tpu.wait_indirect_dma semaphore(%arg26 : memref<!tpu.dma_semaphore, #tpu.memory_space<semaphore_mem>>) src(%dma_wait3A_244 : memref<10000x128xf32, #tpu.memory_space<hbm>>) dst(%arg14 : memref<64x128xf32, #tpu.memory_space<vmem>>)
        %dma_start3A_245 = arith.constant 0 : i32
        %dma_start3A_246 = arith.constant 0 : i32
        %dma_start3A_247 = tpu.memref_slice %arg20[%dma_start3A_245, %dma_start3A_246] : memref<1x64xi32, #tpu.memory_space<vmem>> -> memref<1x64xi32, #tpu.memory_space<vmem>>
        %dma_start3A_248 = tpu.memref_squeeze %dma_start3A_247 : memref<1x64xi32, #tpu.memory_space<vmem>> -> memref<64xi32, #tpu.memory_space<vmem>>
        %dma_start3A_249 = arith.constant 0 : i32
        %dma_start3A_250 = arith.constant 0 : i32
        %dma_start3A_251 = tpu.memref_slice %arg21[%dma_start3A_249, %dma_start3A_250] : memref<10304x128xf32, #tpu.memory_space<vmem_shared>> -> memref<10304x128xf32, #tpu.memory_space<vmem_shared>>
        tpu.enqueue_indirect_dma source(%arg14 : memref<64x128xf32, #tpu.memory_space<vmem>>) target(%dma_start3A_251 : memref<10304x128xf32, #tpu.memory_space<vmem_shared>>) offsets(%dma_start3A_248 : memref<64xi32, #tpu.memory_space<vmem>>) semaphore(%arg29 : memref<!tpu.dma_semaphore, #tpu.memory_space<semaphore_mem>>) {add = true}
      } else {
      }
    }
    %gt3A = arith.constant 0 : i32
    %gt3A_76 = arith.cmpi sgt, %div3A_62, %gt3A : i32
    %convert_element_type3A = arith.extui %gt3A_76 : i1 to i32
    %cond3A = arith.constant 0 : i32
    %cond3A_77 = arith.cmpi ne, %convert_element_type3A, %cond3A : i32
    scf.if %cond3A_77 {
      %dma_wait3A = arith.constant 0 : i32
      %dma_wait3A_201 = arith.constant 0 : i32
      %dma_wait3A_202 = tpu.memref_slice %arg18[%dma_wait3A, %dma_wait3A_201] : memref<1x64xi32, #tpu.memory_space<vmem>> -> memref<1x64xi32, #tpu.memory_space<vmem>>
      %dma_wait3A_203 = tpu.memref_squeeze %dma_wait3A_202 : memref<1x64xi32, #tpu.memory_space<vmem>> -> memref<64xi32, #tpu.memory_space<vmem>>
      %dma_wait3A_204 = arith.constant 0 : i32
      %dma_wait3A_205 = arith.constant 0 : i32
      %dma_wait3A_206 = tpu.memref_slice %arg21[%dma_wait3A_204, %dma_wait3A_205] : memref<10304x128xf32, #tpu.memory_space<vmem_shared>> -> memref<10304x128xf32, #tpu.memory_space<vmem_shared>>
      tpu.wait_indirect_dma semaphore(%arg27 : memref<!tpu.dma_semaphore, #tpu.memory_space<semaphore_mem>>) src(%arg12 : memref<64x128xf32, #tpu.memory_space<vmem>>) dst(%dma_wait3A_206 : memref<10304x128xf32, #tpu.memory_space<vmem_shared>>)
    } else {
    }
    %gt3A_78 = arith.constant 1 : i32
    %gt3A_79 = arith.cmpi sgt, %div3A_62, %gt3A_78 : i32
    %convert_element_type3A_80 = arith.extui %gt3A_79 : i1 to i32
    %cond3A_81 = arith.constant 0 : i32
    %cond3A_82 = arith.cmpi ne, %convert_element_type3A_80, %cond3A_81 : i32
    scf.if %cond3A_82 {
      %dma_wait3A = arith.constant 0 : i32
      %dma_wait3A_201 = arith.constant 0 : i32
      %dma_wait3A_202 = tpu.memref_slice %arg19[%dma_wait3A, %dma_wait3A_201] : memref<1x64xi32, #tpu.memory_space<vmem>> -> memref<1x64xi32, #tpu.memory_space<vmem>>
      %dma_wait3A_203 = tpu.memref_squeeze %dma_wait3A_202 : memref<1x64xi32, #tpu.memory_space<vmem>> -> memref<64xi32, #tpu.memory_space<vmem>>
      %dma_wait3A_204 = arith.constant 0 : i32
      %dma_wait3A_205 = arith.constant 0 : i32
      %dma_wait3A_206 = tpu.memref_slice %arg21[%dma_wait3A_204, %dma_wait3A_205] : memref<10304x128xf32, #tpu.memory_space<vmem_shared>> -> memref<10304x128xf32, #tpu.memory_space<vmem_shared>>
      tpu.wait_indirect_dma semaphore(%arg28 : memref<!tpu.dma_semaphore, #tpu.memory_space<semaphore_mem>>) src(%arg13 : memref<64x128xf32, #tpu.memory_space<vmem>>) dst(%dma_wait3A_206 : memref<10304x128xf32, #tpu.memory_space<vmem_shared>>)
    } else {
    }
    %gt3A_83 = arith.constant 2 : i32
    %gt3A_84 = arith.cmpi sgt, %div3A_62, %gt3A_83 : i32
    %convert_element_type3A_85 = arith.extui %gt3A_84 : i1 to i32
    %cond3A_86 = arith.constant 0 : i32
    %cond3A_87 = arith.cmpi ne, %convert_element_type3A_85, %cond3A_86 : i32
    scf.if %cond3A_87 {
      %dma_wait3A = arith.constant 0 : i32
      %dma_wait3A_201 = arith.constant 0 : i32
      %dma_wait3A_202 = tpu.memref_slice %arg20[%dma_wait3A, %dma_wait3A_201] : memref<1x64xi32, #tpu.memory_space<vmem>> -> memref<1x64xi32, #tpu.memory_space<vmem>>
      %dma_wait3A_203 = tpu.memref_squeeze %dma_wait3A_202 : memref<1x64xi32, #tpu.memory_space<vmem>> -> memref<64xi32, #tpu.memory_space<vmem>>
      %dma_wait3A_204 = arith.constant 0 : i32
      %dma_wait3A_205 = arith.constant 0 : i32
      %dma_wait3A_206 = tpu.memref_slice %arg21[%dma_wait3A_204, %dma_wait3A_205] : memref<10304x128xf32, #tpu.memory_space<vmem_shared>> -> memref<10304x128xf32, #tpu.memory_space<vmem_shared>>
      tpu.wait_indirect_dma semaphore(%arg29 : memref<!tpu.dma_semaphore, #tpu.memory_space<semaphore_mem>>) src(%arg14 : memref<64x128xf32, #tpu.memory_space<vmem>>) dst(%dma_wait3A_206 : memref<10304x128xf32, #tpu.memory_space<vmem_shared>>)
    } else {
    }
    %barrier3A_88 = arith.constant 0 : index
    tpu.barrier barrier_id(%barrier3A_88)
    %mul3A_89 = arith.constant 640 : i32
    %mul3A_90 = arith.muli %arg1, %mul3A_89 : i32
    %mul3A_91 = arith.constant 640 : i32
    %mul3A_92 = arith.muli %arg1, %mul3A_91 : i32
    %add3A_93 = arith.addi %mul3A_5, %mul3A_92 : i32
    "tpu.region"() ({
      %run_scoped3A = tpu.sem_alloc : memref<!tpu.dma_semaphore, #tpu.memory_space<semaphore_mem>>
      %dma_start3A_201 = arith.constant 0 : i32
      %dma_start3A_202 = tpu.memref_slice %arg6[%add3A_93, %dma_start3A_201] : memref<40960x128xf32, #tpu.memory_space<hbm>> -> memref<640x128xf32, #tpu.memory_space<hbm>>
      %dma_start3A_203 = arith.constant 0 : i32
      %dma_start3A_204 = tpu.memref_slice %arg21[%mul3A_90, %dma_start3A_203] : memref<10304x128xf32, #tpu.memory_space<vmem_shared>> -> memref<640x128xf32, #tpu.memory_space<vmem_shared>>
      tpu.enqueue_dma source(%dma_start3A_204 : memref<640x128xf32, #tpu.memory_space<vmem_shared>>) target(%dma_start3A_202 : memref<640x128xf32, #tpu.memory_space<hbm>>) target_semaphore(%run_scoped3A : memref<!tpu.dma_semaphore, #tpu.memory_space<semaphore_mem>>)
      %dma_wait3A = arith.constant 0 : i32
      %dma_wait3A_205 = tpu.memref_slice %arg6[%add3A_93, %dma_wait3A] : memref<40960x128xf32, #tpu.memory_space<hbm>> -> memref<640x128xf32, #tpu.memory_space<hbm>>
      %dma_wait3A_206 = arith.constant 0 : i32
      %dma_wait3A_207 = tpu.memref_slice %arg21[%mul3A_90, %dma_wait3A_206] : memref<10304x128xf32, #tpu.memory_space<vmem_shared>> -> memref<640x128xf32, #tpu.memory_space<vmem_shared>>
      tpu.wait_dma2 semaphore(%run_scoped3A : memref<!tpu.dma_semaphore, #tpu.memory_space<semaphore_mem>>) src(%dma_wait3A_207 : memref<640x128xf32, #tpu.memory_space<vmem_shared>>) dst(%dma_wait3A_205 : memref<640x128xf32, #tpu.memory_space<hbm>>)
      tpu.yield
    }) : () -> ()
    %barrier3A_94 = arith.constant 0 : index
    tpu.barrier barrier_id(%barrier3A_94)
    %mul3A_95 = arith.constant 2 : i32
    %mul3A_96 = arith.muli %mul3A_95, %arg0 : i32
    %add3A_97 = arith.constant 1 : i32
    %add3A_98 = arith.addi %mul3A_96, %add3A_97 : i32
    %mul3A_99 = arith.constant 10240 : i32
    %mul3A_100 = arith.muli %add3A_98, %mul3A_99 : i32
    %mul3A_101 = arith.constant 10240 : i32
    %mul3A_102 = arith.muli %add3A_98, %mul3A_101 : i32
    %mul3A_103 = arith.constant 644 : i32
    %mul3A_104 = arith.muli %arg1, %mul3A_103 : i32
    "tpu.region"() ({
      %run_scoped3A = tpu.sem_alloc : memref<!tpu.dma_semaphore, #tpu.memory_space<semaphore_mem>>
      %dma_start3A_201 = arith.constant 0 : i32
      %dma_start3A_202 = tpu.memref_slice %arg21[%mul3A_104, %dma_start3A_201] : memref<10304x128xf32, #tpu.memory_space<vmem_shared>> -> memref<644x128xf32, #tpu.memory_space<vmem_shared>>
      tpu.enqueue_dma source(%arg5 : memref<644x128xf32, #tpu.memory_space<hbm>>) target(%dma_start3A_202 : memref<644x128xf32, #tpu.memory_space<vmem_shared>>) target_semaphore(%run_scoped3A : memref<!tpu.dma_semaphore, #tpu.memory_space<semaphore_mem>>)
      %dma_wait3A = arith.constant 0 : i32
      %dma_wait3A_203 = tpu.memref_slice %arg21[%mul3A_104, %dma_wait3A] : memref<10304x128xf32, #tpu.memory_space<vmem_shared>> -> memref<644x128xf32, #tpu.memory_space<vmem_shared>>
      tpu.wait_dma2 semaphore(%run_scoped3A : memref<!tpu.dma_semaphore, #tpu.memory_space<semaphore_mem>>) src(%arg5 : memref<644x128xf32, #tpu.memory_space<hbm>>) dst(%dma_wait3A_203 : memref<644x128xf32, #tpu.memory_space<vmem_shared>>)
      tpu.yield
    }) : () -> ()
    %barrier3A_105 = arith.constant 0 : index
    tpu.barrier barrier_id(%barrier3A_105)
    %dma_start3A_106 = arith.constant 0 : i32
    %dma_start3A_107 = tpu.memref_slice %arg3[%arg1, %dma_start3A_106] : memref<16x20480xi32, #tpu.memory_space<hbm>> -> memref<1x512xi32, #tpu.memory_space<hbm>>
    %dma_start3A_108 = tpu.memref_squeeze %dma_start3A_107 : memref<1x512xi32, #tpu.memory_space<hbm>> -> memref<512xi32, #tpu.memory_space<hbm>>
    %dma_start3A_109 = arith.constant 0 : i32
    %dma_start3A_110 = tpu.memref_slice %arg3[%arg1, %dma_start3A_109] : memref<16x20480xi32, #tpu.memory_space<hbm>> -> memref<1x512xi32, #tpu.memory_space<hbm>>
    %dma_start3A_111 = tpu.memref_squeeze %dma_start3A_110 : memref<1x512xi32, #tpu.memory_space<hbm>> -> memref<512xi32, #tpu.memory_space<hbm>>
    tpu.enqueue_dma source(%dma_start3A_111 : memref<512xi32, #tpu.memory_space<hbm>>) target(%arg7 : memref<512xi32, #tpu.memory_space<vmem>>) target_semaphore(%arg22 : memref<!tpu.dma_semaphore, #tpu.memory_space<semaphore_mem>>)
    %dma_start3A_112 = arith.constant 0 : i32
    %dma_start3A_113 = tpu.memref_slice %arg4[%arg1, %dma_start3A_112] : memref<16x20480xi32, #tpu.memory_space<hbm>> -> memref<1x512xi32, #tpu.memory_space<hbm>>
    %dma_start3A_114 = tpu.memref_squeeze %dma_start3A_113 : memref<1x512xi32, #tpu.memory_space<hbm>> -> memref<512xi32, #tpu.memory_space<hbm>>
    %dma_start3A_115 = arith.constant 0 : i32
    %dma_start3A_116 = tpu.memref_slice %arg4[%arg1, %dma_start3A_115] : memref<16x20480xi32, #tpu.memory_space<hbm>> -> memref<1x512xi32, #tpu.memory_space<hbm>>
    %dma_start3A_117 = tpu.memref_squeeze %dma_start3A_116 : memref<1x512xi32, #tpu.memory_space<hbm>> -> memref<512xi32, #tpu.memory_space<hbm>>
    tpu.enqueue_dma source(%dma_start3A_117 : memref<512xi32, #tpu.memory_space<hbm>>) target(%arg9 : memref<512xi32, #tpu.memory_space<vmem>>) target_semaphore(%arg22 : memref<!tpu.dma_semaphore, #tpu.memory_space<semaphore_mem>>)
    %scan3A_118 = arith.constant 0 : i32
    %scan3A_119 = arith.constant 0 : i32
    %scan3A_120 = arith.constant 20 : i32
    %scan3A_121 = arith.addi %scan3A_119, %scan3A_120 : i32
    %scan3A_122 = arith.constant 1 : i32
    %scan3A_123 = scf.for %scan3A_201 = %scan3A_119 to %scan3A_121 step %scan3A_122 iter_args(%scan3A_202 = %scan3A_118) -> (i32)  : i32 {
      %mul3A_203 = arith.constant 2 : i32
      %mul3A_204 = arith.muli %mul3A_203, %scan3A_201 : i32
      %add3A_205 = arith.constant 0 : i32
      %add3A_206 = arith.addi %mul3A_204, %add3A_205 : i32
      %dma_wait3A = arith.constant 0 : i32
      %dma_wait3A_207 = arith.constant 0 : i32
      %dma_wait3A_208 = tpu.memref_slice %arg3[%dma_wait3A, %dma_wait3A_207] : memref<16x20480xi32, #tpu.memory_space<hbm>> -> memref<1x512xi32, #tpu.memory_space<hbm>>
      %dma_wait3A_209 = tpu.memref_squeeze %dma_wait3A_208 : memref<1x512xi32, #tpu.memory_space<hbm>> -> memref<512xi32, #tpu.memory_space<hbm>>
      %dma_wait3A_210 = arith.constant 0 : i32
      %dma_wait3A_211 = tpu.memref_slice %arg3[%dma_wait3A, %dma_wait3A_210] : memref<16x20480xi32, #tpu.memory_space<hbm>> -> memref<1x512xi32, #tpu.memory_space<hbm>>
      %dma_wait3A_212 = tpu.memref_squeeze %dma_wait3A_211 : memref<1x512xi32, #tpu.memory_space<hbm>> -> memref<512xi32, #tpu.memory_space<hbm>>
      tpu.wait_dma2 semaphore(%arg22 : memref<!tpu.dma_semaphore, #tpu.memory_space<semaphore_mem>>) src(%dma_wait3A_212 : memref<512xi32, #tpu.memory_space<hbm>>) dst(%arg7 : memref<512xi32, #tpu.memory_space<vmem>>)
      %dma_wait3A_213 = arith.constant 0 : i32
      %dma_wait3A_214 = arith.constant 0 : i32
      %dma_wait3A_215 = tpu.memref_slice %arg4[%dma_wait3A_213, %dma_wait3A_214] : memref<16x20480xi32, #tpu.memory_space<hbm>> -> memref<1x512xi32, #tpu.memory_space<hbm>>
      %dma_wait3A_216 = tpu.memref_squeeze %dma_wait3A_215 : memref<1x512xi32, #tpu.memory_space<hbm>> -> memref<512xi32, #tpu.memory_space<hbm>>
      %dma_wait3A_217 = arith.constant 0 : i32
      %dma_wait3A_218 = tpu.memref_slice %arg4[%dma_wait3A_213, %dma_wait3A_217] : memref<16x20480xi32, #tpu.memory_space<hbm>> -> memref<1x512xi32, #tpu.memory_space<hbm>>
      %dma_wait3A_219 = tpu.memref_squeeze %dma_wait3A_218 : memref<1x512xi32, #tpu.memory_space<hbm>> -> memref<512xi32, #tpu.memory_space<hbm>>
      tpu.wait_dma2 semaphore(%arg22 : memref<!tpu.dma_semaphore, #tpu.memory_space<semaphore_mem>>) src(%dma_wait3A_219 : memref<512xi32, #tpu.memory_space<hbm>>) dst(%arg9 : memref<512xi32, #tpu.memory_space<vmem>>)
      %add3A_220 = arith.constant 1 : i32
      %add3A_221 = arith.addi %add3A_206, %add3A_220 : i32
      %mul3A_222 = arith.constant 512 : i32
      %mul3A_223 = arith.muli %add3A_221, %mul3A_222 : i32
      %dma_start3A_224 = tpu.memref_slice %arg3[%arg1, %mul3A_223] : memref<16x20480xi32, #tpu.memory_space<hbm>> -> memref<1x512xi32, #tpu.memory_space<hbm>>
      %dma_start3A_225 = tpu.memref_squeeze %dma_start3A_224 : memref<1x512xi32, #tpu.memory_space<hbm>> -> memref<512xi32, #tpu.memory_space<hbm>>
      %dma_start3A_226 = tpu.memref_slice %arg3[%arg1, %mul3A_223] : memref<16x20480xi32, #tpu.memory_space<hbm>> -> memref<1x512xi32, #tpu.memory_space<hbm>>
      %dma_start3A_227 = tpu.memref_squeeze %dma_start3A_226 : memref<1x512xi32, #tpu.memory_space<hbm>> -> memref<512xi32, #tpu.memory_space<hbm>>
      tpu.enqueue_dma source(%dma_start3A_227 : memref<512xi32, #tpu.memory_space<hbm>>) target(%arg8 : memref<512xi32, #tpu.memory_space<vmem>>) target_semaphore(%arg23 : memref<!tpu.dma_semaphore, #tpu.memory_space<semaphore_mem>>)
      %mul3A_228 = arith.constant 512 : i32
      %mul3A_229 = arith.muli %add3A_221, %mul3A_228 : i32
      %dma_start3A_230 = tpu.memref_slice %arg4[%arg1, %mul3A_229] : memref<16x20480xi32, #tpu.memory_space<hbm>> -> memref<1x512xi32, #tpu.memory_space<hbm>>
      %dma_start3A_231 = tpu.memref_squeeze %dma_start3A_230 : memref<1x512xi32, #tpu.memory_space<hbm>> -> memref<512xi32, #tpu.memory_space<hbm>>
      %dma_start3A_232 = tpu.memref_slice %arg4[%arg1, %mul3A_229] : memref<16x20480xi32, #tpu.memory_space<hbm>> -> memref<1x512xi32, #tpu.memory_space<hbm>>
      %dma_start3A_233 = tpu.memref_squeeze %dma_start3A_232 : memref<1x512xi32, #tpu.memory_space<hbm>> -> memref<512xi32, #tpu.memory_space<hbm>>
      tpu.enqueue_dma source(%dma_start3A_233 : memref<512xi32, #tpu.memory_space<hbm>>) target(%arg10 : memref<512xi32, #tpu.memory_space<vmem>>) target_semaphore(%arg23 : memref<!tpu.dma_semaphore, #tpu.memory_space<semaphore_mem>>)
      %scan3A_234 = arith.constant 0 : i32
      %scan3A_235 = arith.constant 16 : i32
      %scan3A_236 = arith.addi %scan3A_234, %scan3A_235 : i32
      %scan3A_237 = arith.constant 1 : i32
      %scan3A_238 = scf.for %scan3A_268 = %scan3A_234 to %scan3A_236 step %scan3A_237 iter_args(%scan3A_269 = %scan3A_202) -> (i32)  : i32 {
        %mul3A_270 = arith.constant 2 : i32
        %mul3A_271 = arith.muli %mul3A_270, %scan3A_268 : i32
        %mul3A_272 = arith.constant 16 : i32
        %mul3A_273 = arith.muli %mul3A_271, %mul3A_272 : i32
        %get3A = arith.index_cast %mul3A_273 : i32 to index
        %get3A_274 = tpu.vector_load %arg9[%get3A] {strides = array<i32>} : memref<512xi32, #tpu.memory_space<vmem>>, vector<16xi32>,
        %get3A_275 = vector.shape_cast %get3A_274 : vector<16xi32> to vector<16xi32>
        %mul3A_276 = arith.constant 16 : i32
        %mul3A_277 = arith.muli %mul3A_271, %mul3A_276 : i32
        %get3A_278 = arith.index_cast %mul3A_277 : i32 to index
        %get3A_279 = tpu.vector_load %arg7[%get3A_278] {strides = array<i32>} : memref<512xi32, #tpu.memory_space<vmem>>, vector<16xi32>,
        %get3A_280 = vector.shape_cast %get3A_279 : vector<16xi32> to vector<16xi32>
        %sub3A = vector.broadcast %mul3A_100 : i32 to vector<16xi32>
        %sub3A_281 = arith.subi %get3A_275, %sub3A : vector<16xi32>
        %ge3A = arith.constant 0 : i32
        %ge3A_282 = vector.broadcast %ge3A : i32 to vector<16xi32>
        %ge3A_283 = arith.cmpi sge, %sub3A_281, %ge3A_282 : vector<16xi32>
        %lt3A_284 = arith.constant 10240 : i32
        %lt3A_285 = vector.broadcast %lt3A_284 : i32 to vector<16xi32>
        %lt3A_286 = arith.cmpi slt, %sub3A_281, %lt3A_285 : vector<16xi32>
        %and3A = arith.andi %ge3A_283, %lt3A_286 : vector<16xi1>
        %shift_left3A = arith.constant 14 : i32
        %shift_left3A_287 = vector.broadcast %shift_left3A : i32 to vector<16xi32>
        %shift_left3A_288 = arith.shli %get3A_280, %shift_left3A_287 : vector<16xi32>
        %and3A_289 = arith.constant 16383 : i32
        %and3A_290 = vector.broadcast %and3A_289 : i32 to vector<16xi32>
        %and3A_291 = arith.andi %sub3A_281, %and3A_290 : vector<16xi32>
        %or3A = arith.ori %shift_left3A_288, %and3A_291 : vector<16xi32>
        %broadcast_in_dim3A = arith.constant 1 : i32
        %broadcast_in_dim3A_292 = vector.broadcast %broadcast_in_dim3A : i32 to vector<16xi32>
        %broadcast_in_dim3A_293 = arith.constant 0 : i32
        %broadcast_in_dim3A_294 = vector.broadcast %broadcast_in_dim3A_293 : i32 to vector<16xi32>
        %select_n3A = arith.select %and3A, %broadcast_in_dim3A_292, %broadcast_in_dim3A_294 : vector<16xi1>, vector<16xi32>
        %sub3A_295 = arith.constant 1 : i32
        %sub3A_296 = vector.broadcast %sub3A_295 : i32 to vector<16xi32>
        %sub3A_297 = arith.subi %iota3A, %sub3A_296 : vector<16xi32>
        %max3A = arith.constant 0 : i32
        %max3A_298 = vector.broadcast %max3A : i32 to vector<16xi32>
        %max3A_299 = arith.maxsi %sub3A_297, %max3A_298 : vector<16xi32>
        %broadcast_in_dim3A_300 = vector.shape_cast %max3A_299 : vector<16xi32> to vector<16x1xi32>
        %gather3A = vector.shape_cast %broadcast_in_dim3A_300 : vector<16x1xi32> to vector<16xi32>
        %gather3A_301 = tpu.dynamic_gather %select_n3A[%gather3A] in [0] : vector<16xi32>, vector<16xi32> -> vector<16xi32>
        %ge3A_302 = arith.constant 1 : i32
        %ge3A_303 = vector.broadcast %ge3A_302 : i32 to vector<16xi32>
        %ge3A_304 = arith.cmpi sge, %iota3A, %ge3A_303 : vector<16xi32>
        %jit3A = arith.constant 0 : i32
        %broadcast_in_dim3A_305 = vector.broadcast %jit3A : i32 to vector<16xi32>
        %select_n3A_306 = arith.select %ge3A_304, %gather3A_301, %broadcast_in_dim3A_305 : vector<16xi1>, vector<16xi32>
        %add3A_307 = arith.addi %select_n3A, %select_n3A_306 : vector<16xi32>
        %sub3A_308 = arith.constant 2 : i32
        %sub3A_309 = vector.broadcast %sub3A_308 : i32 to vector<16xi32>
        %sub3A_310 = arith.subi %iota3A, %sub3A_309 : vector<16xi32>
        %max3A_311 = arith.constant 0 : i32
        %max3A_312 = vector.broadcast %max3A_311 : i32 to vector<16xi32>
        %max3A_313 = arith.maxsi %sub3A_310, %max3A_312 : vector<16xi32>
        %broadcast_in_dim3A_314 = vector.shape_cast %max3A_313 : vector<16xi32> to vector<16x1xi32>
        %gather3A_315 = vector.shape_cast %broadcast_in_dim3A_314 : vector<16x1xi32> to vector<16xi32>
        %gather3A_316 = tpu.dynamic_gather %add3A_307[%gather3A_315] in [0] : vector<16xi32>, vector<16xi32> -> vector<16xi32>
        %ge3A_317 = arith.constant 2 : i32
        %ge3A_318 = vector.broadcast %ge3A_317 : i32 to vector<16xi32>
        %ge3A_319 = arith.cmpi sge, %iota3A, %ge3A_318 : vector<16xi32>
        %jit3A_320 = arith.constant 0 : i32
        %broadcast_in_dim3A_321 = vector.broadcast %jit3A_320 : i32 to vector<16xi32>
        %select_n3A_322 = arith.select %ge3A_319, %gather3A_316, %broadcast_in_dim3A_321 : vector<16xi1>, vector<16xi32>
        %add3A_323 = arith.addi %add3A_307, %select_n3A_322 : vector<16xi32>
        %sub3A_324 = arith.constant 4 : i32
        %sub3A_325 = vector.broadcast %sub3A_324 : i32 to vector<16xi32>
        %sub3A_326 = arith.subi %iota3A, %sub3A_325 : vector<16xi32>
        %max3A_327 = arith.constant 0 : i32
        %max3A_328 = vector.broadcast %max3A_327 : i32 to vector<16xi32>
        %max3A_329 = arith.maxsi %sub3A_326, %max3A_328 : vector<16xi32>
        %broadcast_in_dim3A_330 = vector.shape_cast %max3A_329 : vector<16xi32> to vector<16x1xi32>
        %gather3A_331 = vector.shape_cast %broadcast_in_dim3A_330 : vector<16x1xi32> to vector<16xi32>
        %gather3A_332 = tpu.dynamic_gather %add3A_323[%gather3A_331] in [0] : vector<16xi32>, vector<16xi32> -> vector<16xi32>
        %ge3A_333 = arith.constant 4 : i32
        %ge3A_334 = vector.broadcast %ge3A_333 : i32 to vector<16xi32>
        %ge3A_335 = arith.cmpi sge, %iota3A, %ge3A_334 : vector<16xi32>
        %jit3A_336 = arith.constant 0 : i32
        %broadcast_in_dim3A_337 = vector.broadcast %jit3A_336 : i32 to vector<16xi32>
        %select_n3A_338 = arith.select %ge3A_335, %gather3A_332, %broadcast_in_dim3A_337 : vector<16xi1>, vector<16xi32>
        %add3A_339 = arith.addi %add3A_323, %select_n3A_338 : vector<16xi32>
        %sub3A_340 = arith.constant 8 : i32
        %sub3A_341 = vector.broadcast %sub3A_340 : i32 to vector<16xi32>
        %sub3A_342 = arith.subi %iota3A, %sub3A_341 : vector<16xi32>
        %max3A_343 = arith.constant 0 : i32
        %max3A_344 = vector.broadcast %max3A_343 : i32 to vector<16xi32>
        %max3A_345 = arith.maxsi %sub3A_342, %max3A_344 : vector<16xi32>
        %broadcast_in_dim3A_346 = vector.shape_cast %max3A_345 : vector<16xi32> to vector<16x1xi32>
        %gather3A_347 = vector.shape_cast %broadcast_in_dim3A_346 : vector<16x1xi32> to vector<16xi32>
        %gather3A_348 = tpu.dynamic_gather %add3A_339[%gather3A_347] in [0] : vector<16xi32>, vector<16xi32> -> vector<16xi32>
        %ge3A_349 = arith.constant 8 : i32
        %ge3A_350 = vector.broadcast %ge3A_349 : i32 to vector<16xi32>
        %ge3A_351 = arith.cmpi sge, %iota3A, %ge3A_350 : vector<16xi32>
        %jit3A_352 = arith.constant 0 : i32
        %broadcast_in_dim3A_353 = vector.broadcast %jit3A_352 : i32 to vector<16xi32>
        %select_n3A_354 = arith.select %ge3A_351, %gather3A_348, %broadcast_in_dim3A_353 : vector<16xi1>, vector<16xi32>
        %add3A_355 = arith.addi %add3A_339, %select_n3A_354 : vector<16xi32>
        %add3A_356 = arith.constant 1 : i32
        %add3A_357 = vector.broadcast %add3A_356 : i32 to vector<16xi32>
        %add3A_358 = arith.addi %iota3A, %add3A_357 : vector<16xi32>
        %broadcast_in_dim3A_359 = arith.constant 0 : i32
        %broadcast_in_dim3A_360 = vector.broadcast %broadcast_in_dim3A_359 : i32 to vector<16xi32>
        %add3A_361 = arith.constant 7 : i32
        %add3A_362 = vector.broadcast %add3A_361 : i32 to vector<16xi32>
        %add3A_363 = arith.addi %broadcast_in_dim3A_360, %add3A_362 : vector<16xi32>
        %broadcast_in_dim3A_364 = vector.shape_cast %add3A_363 : vector<16xi32> to vector<16x1xi32>
        %gather3A_365 = vector.shape_cast %broadcast_in_dim3A_364 : vector<16x1xi32> to vector<16xi32>
        %gather3A_366 = tpu.dynamic_gather %add3A_355[%gather3A_365] in [0] : vector<16xi32>, vector<16xi32> -> vector<16xi32>
        %lt3A_367 = arith.cmpi slt, %gather3A_366, %add3A_358 : vector<16xi32>
        %add3A_368 = arith.constant 8 : i32
        %add3A_369 = vector.broadcast %add3A_368 : i32 to vector<16xi32>
        %add3A_370 = arith.addi %broadcast_in_dim3A_360, %add3A_369 : vector<16xi32>
        %select_n3A_371 = arith.select %lt3A_367, %add3A_370, %broadcast_in_dim3A_360 : vector<16xi1>, vector<16xi32>
        %add3A_372 = arith.constant 3 : i32
        %add3A_373 = vector.broadcast %add3A_372 : i32 to vector<16xi32>
        %add3A_374 = arith.addi %select_n3A_371, %add3A_373 : vector<16xi32>
        %broadcast_in_dim3A_375 = vector.shape_cast %add3A_374 : vector<16xi32> to vector<16x1xi32>
        %gather3A_376 = vector.shape_cast %broadcast_in_dim3A_375 : vector<16x1xi32> to vector<16xi32>
        %gather3A_377 = tpu.dynamic_gather %add3A_355[%gather3A_376] in [0] : vector<16xi32>, vector<16xi32> -> vector<16xi32>
        %lt3A_378 = arith.cmpi slt, %gather3A_377, %add3A_358 : vector<16xi32>
        %add3A_379 = arith.constant 4 : i32
        %add3A_380 = vector.broadcast %add3A_379 : i32 to vector<16xi32>
        %add3A_381 = arith.addi %select_n3A_371, %add3A_380 : vector<16xi32>
        %select_n3A_382 = arith.select %lt3A_378, %add3A_381, %select_n3A_371 : vector<16xi1>, vector<16xi32>
        %add3A_383 = arith.constant 1 : i32
        %add3A_384 = vector.broadcast %add3A_383 : i32 to vector<16xi32>
        %add3A_385 = arith.addi %select_n3A_382, %add3A_384 : vector<16xi32>
        %broadcast_in_dim3A_386 = vector.shape_cast %add3A_385 : vector<16xi32> to vector<16x1xi32>
        %gather3A_387 = vector.shape_cast %broadcast_in_dim3A_386 : vector<16x1xi32> to vector<16xi32>
        %gather3A_388 = tpu.dynamic_gather %add3A_355[%gather3A_387] in [0] : vector<16xi32>, vector<16xi32> -> vector<16xi32>
        %lt3A_389 = arith.cmpi slt, %gather3A_388, %add3A_358 : vector<16xi32>
        %add3A_390 = arith.constant 2 : i32
        %add3A_391 = vector.broadcast %add3A_390 : i32 to vector<16xi32>
        %add3A_392 = arith.addi %select_n3A_382, %add3A_391 : vector<16xi32>
        %select_n3A_393 = arith.select %lt3A_389, %add3A_392, %select_n3A_382 : vector<16xi1>, vector<16xi32>
        %add3A_394 = arith.constant 0 : i32
        %add3A_395 = vector.broadcast %add3A_394 : i32 to vector<16xi32>
        %add3A_396 = arith.addi %select_n3A_393, %add3A_395 : vector<16xi32>
        %broadcast_in_dim3A_397 = vector.shape_cast %add3A_396 : vector<16xi32> to vector<16x1xi32>
        %gather3A_398 = vector.shape_cast %broadcast_in_dim3A_397 : vector<16x1xi32> to vector<16xi32>
        %gather3A_399 = tpu.dynamic_gather %add3A_355[%gather3A_398] in [0] : vector<16xi32>, vector<16xi32> -> vector<16xi32>
        %lt3A_400 = arith.cmpi slt, %gather3A_399, %add3A_358 : vector<16xi32>
        %add3A_401 = arith.constant 1 : i32
        %add3A_402 = vector.broadcast %add3A_401 : i32 to vector<16xi32>
        %add3A_403 = arith.addi %select_n3A_393, %add3A_402 : vector<16xi32>
        %select_n3A_404 = arith.select %lt3A_400, %add3A_403, %select_n3A_393 : vector<16xi1>, vector<16xi32>
        %min3A = arith.constant 15 : i32
        %min3A_405 = vector.broadcast %min3A : i32 to vector<16xi32>
        %min3A_406 = arith.minsi %select_n3A_404, %min3A_405 : vector<16xi32>
        %broadcast_in_dim3A_407 = vector.shape_cast %min3A_406 : vector<16xi32> to vector<16x1xi32>
        %gather3A_408 = vector.shape_cast %broadcast_in_dim3A_407 : vector<16x1xi32> to vector<16xi32>
        %gather3A_409 = tpu.dynamic_gather %or3A[%gather3A_408] in [0] : vector<16xi32>, vector<16xi32> -> vector<16xi32>
        %add3A_410 = arith.constant 1 : i32
        %add3A_411 = arith.addi %mul3A_271, %add3A_410 : i32
        %mul3A_412 = arith.constant 16 : i32
        %mul3A_413 = arith.muli %add3A_411, %mul3A_412 : i32
        %get3A_414 = arith.index_cast %mul3A_413 : i32 to index
        %get3A_415 = tpu.vector_load %arg9[%get3A_414] {strides = array<i32>} : memref<512xi32, #tpu.memory_space<vmem>>, vector<16xi32>,
        %get3A_416 = vector.shape_cast %get3A_415 : vector<16xi32> to vector<16xi32>
        %mul3A_417 = arith.constant 16 : i32
        %mul3A_418 = arith.muli %add3A_411, %mul3A_417 : i32
        %get3A_419 = arith.index_cast %mul3A_418 : i32 to index
        %get3A_420 = tpu.vector_load %arg7[%get3A_419] {strides = array<i32>} : memref<512xi32, #tpu.memory_space<vmem>>, vector<16xi32>,
        %get3A_421 = vector.shape_cast %get3A_420 : vector<16xi32> to vector<16xi32>
        %sub3A_422 = vector.broadcast %mul3A_100 : i32 to vector<16xi32>
        %sub3A_423 = arith.subi %get3A_416, %sub3A_422 : vector<16xi32>
        %ge3A_424 = arith.constant 0 : i32
        %ge3A_425 = vector.broadcast %ge3A_424 : i32 to vector<16xi32>
        %ge3A_426 = arith.cmpi sge, %sub3A_423, %ge3A_425 : vector<16xi32>
        %lt3A_427 = arith.constant 10240 : i32
        %lt3A_428 = vector.broadcast %lt3A_427 : i32 to vector<16xi32>
        %lt3A_429 = arith.cmpi slt, %sub3A_423, %lt3A_428 : vector<16xi32>
        %and3A_430 = arith.andi %ge3A_426, %lt3A_429 : vector<16xi1>
        %shift_left3A_431 = arith.constant 14 : i32
        %shift_left3A_432 = vector.broadcast %shift_left3A_431 : i32 to vector<16xi32>
        %shift_left3A_433 = arith.shli %get3A_421, %shift_left3A_432 : vector<16xi32>
        %and3A_434 = arith.constant 16383 : i32
        %and3A_435 = vector.broadcast %and3A_434 : i32 to vector<16xi32>
        %and3A_436 = arith.andi %sub3A_423, %and3A_435 : vector<16xi32>
        %or3A_437 = arith.ori %shift_left3A_433, %and3A_436 : vector<16xi32>
        %broadcast_in_dim3A_438 = arith.constant 1 : i32
        %broadcast_in_dim3A_439 = vector.broadcast %broadcast_in_dim3A_438 : i32 to vector<16xi32>
        %broadcast_in_dim3A_440 = arith.constant 0 : i32
        %broadcast_in_dim3A_441 = vector.broadcast %broadcast_in_dim3A_440 : i32 to vector<16xi32>
        %select_n3A_442 = arith.select %and3A_430, %broadcast_in_dim3A_439, %broadcast_in_dim3A_441 : vector<16xi1>, vector<16xi32>
        %sub3A_443 = arith.constant 1 : i32
        %sub3A_444 = vector.broadcast %sub3A_443 : i32 to vector<16xi32>
        %sub3A_445 = arith.subi %iota3A, %sub3A_444 : vector<16xi32>
        %max3A_446 = arith.constant 0 : i32
        %max3A_447 = vector.broadcast %max3A_446 : i32 to vector<16xi32>
        %max3A_448 = arith.maxsi %sub3A_445, %max3A_447 : vector<16xi32>
        %broadcast_in_dim3A_449 = vector.shape_cast %max3A_448 : vector<16xi32> to vector<16x1xi32>
        %gather3A_450 = vector.shape_cast %broadcast_in_dim3A_449 : vector<16x1xi32> to vector<16xi32>
        %gather3A_451 = tpu.dynamic_gather %select_n3A_442[%gather3A_450] in [0] : vector<16xi32>, vector<16xi32> -> vector<16xi32>
        %ge3A_452 = arith.constant 1 : i32
        %ge3A_453 = vector.broadcast %ge3A_452 : i32 to vector<16xi32>
        %ge3A_454 = arith.cmpi sge, %iota3A, %ge3A_453 : vector<16xi32>
        %jit3A_455 = arith.constant 0 : i32
        %broadcast_in_dim3A_456 = vector.broadcast %jit3A_455 : i32 to vector<16xi32>
        %select_n3A_457 = arith.select %ge3A_454, %gather3A_451, %broadcast_in_dim3A_456 : vector<16xi1>, vector<16xi32>
        %add3A_458 = arith.addi %select_n3A_442, %select_n3A_457 : vector<16xi32>
        %sub3A_459 = arith.constant 2 : i32
        %sub3A_460 = vector.broadcast %sub3A_459 : i32 to vector<16xi32>
        %sub3A_461 = arith.subi %iota3A, %sub3A_460 : vector<16xi32>
        %max3A_462 = arith.constant 0 : i32
        %max3A_463 = vector.broadcast %max3A_462 : i32 to vector<16xi32>
        %max3A_464 = arith.maxsi %sub3A_461, %max3A_463 : vector<16xi32>
        %broadcast_in_dim3A_465 = vector.shape_cast %max3A_464 : vector<16xi32> to vector<16x1xi32>
        %gather3A_466 = vector.shape_cast %broadcast_in_dim3A_465 : vector<16x1xi32> to vector<16xi32>
        %gather3A_467 = tpu.dynamic_gather %add3A_458[%gather3A_466] in [0] : vector<16xi32>, vector<16xi32> -> vector<16xi32>
        %ge3A_468 = arith.constant 2 : i32
        %ge3A_469 = vector.broadcast %ge3A_468 : i32 to vector<16xi32>
        %ge3A_470 = arith.cmpi sge, %iota3A, %ge3A_469 : vector<16xi32>
        %jit3A_471 = arith.constant 0 : i32
        %broadcast_in_dim3A_472 = vector.broadcast %jit3A_471 : i32 to vector<16xi32>
        %select_n3A_473 = arith.select %ge3A_470, %gather3A_467, %broadcast_in_dim3A_472 : vector<16xi1>, vector<16xi32>
        %add3A_474 = arith.addi %add3A_458, %select_n3A_473 : vector<16xi32>
        %sub3A_475 = arith.constant 4 : i32
        %sub3A_476 = vector.broadcast %sub3A_475 : i32 to vector<16xi32>
        %sub3A_477 = arith.subi %iota3A, %sub3A_476 : vector<16xi32>
        %max3A_478 = arith.constant 0 : i32
        %max3A_479 = vector.broadcast %max3A_478 : i32 to vector<16xi32>
        %max3A_480 = arith.maxsi %sub3A_477, %max3A_479 : vector<16xi32>
        %broadcast_in_dim3A_481 = vector.shape_cast %max3A_480 : vector<16xi32> to vector<16x1xi32>
        %gather3A_482 = vector.shape_cast %broadcast_in_dim3A_481 : vector<16x1xi32> to vector<16xi32>
        %gather3A_483 = tpu.dynamic_gather %add3A_474[%gather3A_482] in [0] : vector<16xi32>, vector<16xi32> -> vector<16xi32>
        %ge3A_484 = arith.constant 4 : i32
        %ge3A_485 = vector.broadcast %ge3A_484 : i32 to vector<16xi32>
        %ge3A_486 = arith.cmpi sge, %iota3A, %ge3A_485 : vector<16xi32>
        %jit3A_487 = arith.constant 0 : i32
        %broadcast_in_dim3A_488 = vector.broadcast %jit3A_487 : i32 to vector<16xi32>
        %select_n3A_489 = arith.select %ge3A_486, %gather3A_483, %broadcast_in_dim3A_488 : vector<16xi1>, vector<16xi32>
        %add3A_490 = arith.addi %add3A_474, %select_n3A_489 : vector<16xi32>
        %sub3A_491 = arith.constant 8 : i32
        %sub3A_492 = vector.broadcast %sub3A_491 : i32 to vector<16xi32>
        %sub3A_493 = arith.subi %iota3A, %sub3A_492 : vector<16xi32>
        %max3A_494 = arith.constant 0 : i32
        %max3A_495 = vector.broadcast %max3A_494 : i32 to vector<16xi32>
        %max3A_496 = arith.maxsi %sub3A_493, %max3A_495 : vector<16xi32>
        %broadcast_in_dim3A_497 = vector.shape_cast %max3A_496 : vector<16xi32> to vector<16x1xi32>
        %gather3A_498 = vector.shape_cast %broadcast_in_dim3A_497 : vector<16x1xi32> to vector<16xi32>
        %gather3A_499 = tpu.dynamic_gather %add3A_490[%gather3A_498] in [0] : vector<16xi32>, vector<16xi32> -> vector<16xi32>
        %ge3A_500 = arith.constant 8 : i32
        %ge3A_501 = vector.broadcast %ge3A_500 : i32 to vector<16xi32>
        %ge3A_502 = arith.cmpi sge, %iota3A, %ge3A_501 : vector<16xi32>
        %jit3A_503 = arith.constant 0 : i32
        %broadcast_in_dim3A_504 = vector.broadcast %jit3A_503 : i32 to vector<16xi32>
        %select_n3A_505 = arith.select %ge3A_502, %gather3A_499, %broadcast_in_dim3A_504 : vector<16xi1>, vector<16xi32>
        %add3A_506 = arith.addi %add3A_490, %select_n3A_505 : vector<16xi32>
        %add3A_507 = arith.constant 1 : i32
        %add3A_508 = vector.broadcast %add3A_507 : i32 to vector<16xi32>
        %add3A_509 = arith.addi %iota3A, %add3A_508 : vector<16xi32>
        %broadcast_in_dim3A_510 = arith.constant 0 : i32
        %broadcast_in_dim3A_511 = vector.broadcast %broadcast_in_dim3A_510 : i32 to vector<16xi32>
        %add3A_512 = arith.constant 7 : i32
        %add3A_513 = vector.broadcast %add3A_512 : i32 to vector<16xi32>
        %add3A_514 = arith.addi %broadcast_in_dim3A_511, %add3A_513 : vector<16xi32>
        %broadcast_in_dim3A_515 = vector.shape_cast %add3A_514 : vector<16xi32> to vector<16x1xi32>
        %gather3A_516 = vector.shape_cast %broadcast_in_dim3A_515 : vector<16x1xi32> to vector<16xi32>
        %gather3A_517 = tpu.dynamic_gather %add3A_506[%gather3A_516] in [0] : vector<16xi32>, vector<16xi32> -> vector<16xi32>
        %lt3A_518 = arith.cmpi slt, %gather3A_517, %add3A_509 : vector<16xi32>
        %add3A_519 = arith.constant 8 : i32
        %add3A_520 = vector.broadcast %add3A_519 : i32 to vector<16xi32>
        %add3A_521 = arith.addi %broadcast_in_dim3A_511, %add3A_520 : vector<16xi32>
        %select_n3A_522 = arith.select %lt3A_518, %add3A_521, %broadcast_in_dim3A_511 : vector<16xi1>, vector<16xi32>
        %add3A_523 = arith.constant 3 : i32
        %add3A_524 = vector.broadcast %add3A_523 : i32 to vector<16xi32>
        %add3A_525 = arith.addi %select_n3A_522, %add3A_524 : vector<16xi32>
        %broadcast_in_dim3A_526 = vector.shape_cast %add3A_525 : vector<16xi32> to vector<16x1xi32>
        %gather3A_527 = vector.shape_cast %broadcast_in_dim3A_526 : vector<16x1xi32> to vector<16xi32>
        %gather3A_528 = tpu.dynamic_gather %add3A_506[%gather3A_527] in [0] : vector<16xi32>, vector<16xi32> -> vector<16xi32>
        %lt3A_529 = arith.cmpi slt, %gather3A_528, %add3A_509 : vector<16xi32>
        %add3A_530 = arith.constant 4 : i32
        %add3A_531 = vector.broadcast %add3A_530 : i32 to vector<16xi32>
        %add3A_532 = arith.addi %select_n3A_522, %add3A_531 : vector<16xi32>
        %select_n3A_533 = arith.select %lt3A_529, %add3A_532, %select_n3A_522 : vector<16xi1>, vector<16xi32>
        %add3A_534 = arith.constant 1 : i32
        %add3A_535 = vector.broadcast %add3A_534 : i32 to vector<16xi32>
        %add3A_536 = arith.addi %select_n3A_533, %add3A_535 : vector<16xi32>
        %broadcast_in_dim3A_537 = vector.shape_cast %add3A_536 : vector<16xi32> to vector<16x1xi32>
        %gather3A_538 = vector.shape_cast %broadcast_in_dim3A_537 : vector<16x1xi32> to vector<16xi32>
        %gather3A_539 = tpu.dynamic_gather %add3A_506[%gather3A_538] in [0] : vector<16xi32>, vector<16xi32> -> vector<16xi32>
        %lt3A_540 = arith.cmpi slt, %gather3A_539, %add3A_509 : vector<16xi32>
        %add3A_541 = arith.constant 2 : i32
        %add3A_542 = vector.broadcast %add3A_541 : i32 to vector<16xi32>
        %add3A_543 = arith.addi %select_n3A_533, %add3A_542 : vector<16xi32>
        %select_n3A_544 = arith.select %lt3A_540, %add3A_543, %select_n3A_533 : vector<16xi1>, vector<16xi32>
        %add3A_545 = arith.constant 0 : i32
        %add3A_546 = vector.broadcast %add3A_545 : i32 to vector<16xi32>
        %add3A_547 = arith.addi %select_n3A_544, %add3A_546 : vector<16xi32>
        %broadcast_in_dim3A_548 = vector.shape_cast %add3A_547 : vector<16xi32> to vector<16x1xi32>
        %gather3A_549 = vector.shape_cast %broadcast_in_dim3A_548 : vector<16x1xi32> to vector<16xi32>
        %gather3A_550 = tpu.dynamic_gather %add3A_506[%gather3A_549] in [0] : vector<16xi32>, vector<16xi32> -> vector<16xi32>
        %lt3A_551 = arith.cmpi slt, %gather3A_550, %add3A_509 : vector<16xi32>
        %add3A_552 = arith.constant 1 : i32
        %add3A_553 = vector.broadcast %add3A_552 : i32 to vector<16xi32>
        %add3A_554 = arith.addi %select_n3A_544, %add3A_553 : vector<16xi32>
        %select_n3A_555 = arith.select %lt3A_551, %add3A_554, %select_n3A_544 : vector<16xi1>, vector<16xi32>
        %min3A_556 = arith.constant 15 : i32
        %min3A_557 = vector.broadcast %min3A_556 : i32 to vector<16xi32>
        %min3A_558 = arith.minsi %select_n3A_555, %min3A_557 : vector<16xi32>
        %broadcast_in_dim3A_559 = vector.shape_cast %min3A_558 : vector<16xi32> to vector<16x1xi32>
        %gather3A_560 = vector.shape_cast %broadcast_in_dim3A_559 : vector<16x1xi32> to vector<16xi32>
        %gather3A_561 = tpu.dynamic_gather %or3A_437[%gather3A_560] in [0] : vector<16xi32>, vector<16xi32> -> vector<16xi32>
        %swap3A_562 = arith.index_cast %scan3A_269 : i32 to index
        %swap3A_563 = tpu.vector_load %arg11[%swap3A_562] {strides = array<i32>} : memref<20544xi32, #tpu.memory_space<vmem>>, vector<16xi32>,
        %swap3A_564 = vector.shape_cast %swap3A_563 : vector<16xi32> to vector<16xi32>
        %swap3A_565 = vector.shape_cast %gather3A_409 : vector<16xi32> to vector<16xi32>
        tpu.vector_store %arg11[%swap3A_562], %swap3A_565 {strides = array<i32>} : memref<20544xi32, #tpu.memory_space<vmem>>, vector<16xi32>,
        %slice3A = vector.extract_strided_slice %add3A_355 {offsets = [15], sizes = [1], strides = [1]} : vector<16xi32> to vector<1xi32>
        %squeeze3A = vector.extract %slice3A[0] : i32 from vector<1xi32>
        %add3A_566 = arith.addi %scan3A_269, %squeeze3A : i32
        %swap3A_567 = arith.index_cast %add3A_566 : i32 to index
        %swap3A_568 = tpu.vector_load %arg11[%swap3A_567] {strides = array<i32>} : memref<20544xi32, #tpu.memory_space<vmem>>, vector<16xi32>,
        %swap3A_569 = vector.shape_cast %swap3A_568 : vector<16xi32> to vector<16xi32>
        %swap3A_570 = vector.shape_cast %gather3A_561 : vector<16xi32> to vector<16xi32>
        tpu.vector_store %arg11[%swap3A_567], %swap3A_570 {strides = array<i32>} : memref<20544xi32, #tpu.memory_space<vmem>>, vector<16xi32>,
        %slice3A_571 = vector.extract_strided_slice %add3A_506 {offsets = [15], sizes = [1], strides = [1]} : vector<16xi32> to vector<1xi32>
        %squeeze3A_572 = vector.extract %slice3A_571[0] : i32 from vector<1xi32>
        %add3A_573 = arith.addi %add3A_566, %squeeze3A_572 : i32
        scf.yield %add3A_573 : i32
      }
      %scan3A_239 = arith.constant 16 : i32
      %mul3A_240 = arith.constant 2 : i32
      %mul3A_241 = arith.muli %mul3A_240, %scan3A_201 : i32
      %add3A_242 = arith.constant 1 : i32
      %add3A_243 = arith.addi %mul3A_241, %add3A_242 : i32
      %dma_wait3A_244 = arith.constant 0 : i32
      %dma_wait3A_245 = arith.constant 0 : i32
      %dma_wait3A_246 = tpu.memref_slice %arg3[%dma_wait3A_244, %dma_wait3A_245] : memref<16x20480xi32, #tpu.memory_space<hbm>> -> memref<1x512xi32, #tpu.memory_space<hbm>>
      %dma_wait3A_247 = tpu.memref_squeeze %dma_wait3A_246 : memref<1x512xi32, #tpu.memory_space<hbm>> -> memref<512xi32, #tpu.memory_space<hbm>>
      %dma_wait3A_248 = arith.constant 0 : i32
      %dma_wait3A_249 = tpu.memref_slice %arg3[%dma_wait3A_244, %dma_wait3A_248] : memref<16x20480xi32, #tpu.memory_space<hbm>> -> memref<1x512xi32, #tpu.memory_space<hbm>>
      %dma_wait3A_250 = tpu.memref_squeeze %dma_wait3A_249 : memref<1x512xi32, #tpu.memory_space<hbm>> -> memref<512xi32, #tpu.memory_space<hbm>>
      tpu.wait_dma2 semaphore(%arg23 : memref<!tpu.dma_semaphore, #tpu.memory_space<semaphore_mem>>) src(%dma_wait3A_250 : memref<512xi32, #tpu.memory_space<hbm>>) dst(%arg8 : memref<512xi32, #tpu.memory_space<vmem>>)
      %dma_wait3A_251 = arith.constant 0 : i32
      %dma_wait3A_252 = arith.constant 0 : i32
      %dma_wait3A_253 = tpu.memref_slice %arg4[%dma_wait3A_251, %dma_wait3A_252] : memref<16x20480xi32, #tpu.memory_space<hbm>> -> memref<1x512xi32, #tpu.memory_space<hbm>>
      %dma_wait3A_254 = tpu.memref_squeeze %dma_wait3A_253 : memref<1x512xi32, #tpu.memory_space<hbm>> -> memref<512xi32, #tpu.memory_space<hbm>>
      %dma_wait3A_255 = arith.constant 0 : i32
      %dma_wait3A_256 = tpu.memref_slice %arg4[%dma_wait3A_251, %dma_wait3A_255] : memref<16x20480xi32, #tpu.memory_space<hbm>> -> memref<1x512xi32, #tpu.memory_space<hbm>>
      %dma_wait3A_257 = tpu.memref_squeeze %dma_wait3A_256 : memref<1x512xi32, #tpu.memory_space<hbm>> -> memref<512xi32, #tpu.memory_space<hbm>>
      tpu.wait_dma2 semaphore(%arg23 : memref<!tpu.dma_semaphore, #tpu.memory_space<semaphore_mem>>) src(%dma_wait3A_257 : memref<512xi32, #tpu.memory_space<hbm>>) dst(%arg10 : memref<512xi32, #tpu.memory_space<vmem>>)
      %lt3A = arith.constant 19 : i32
      %lt3A_258 = arith.cmpi slt, %scan3A_201, %lt3A : i32
      %convert_element_type3A_259 = arith.extui %lt3A_258 : i1 to i32
      %cond3A_260 = arith.constant 0 : i32
      %cond3A_261 = arith.cmpi ne, %convert_element_type3A_259, %cond3A_260 : i32
      scf.if %cond3A_261 {
        %add3A_268 = arith.constant 1 : i32
        %add3A_269 = arith.addi %add3A_243, %add3A_268 : i32
        %mul3A_270 = arith.constant 512 : i32
        %mul3A_271 = arith.muli %add3A_269, %mul3A_270 : i32
        %dma_start3A_272 = tpu.memref_slice %arg3[%arg1, %mul3A_271] : memref<16x20480xi32, #tpu.memory_space<hbm>> -> memref<1x512xi32, #tpu.memory_space<hbm>>
        %dma_start3A_273 = tpu.memref_squeeze %dma_start3A_272 : memref<1x512xi32, #tpu.memory_space<hbm>> -> memref<512xi32, #tpu.memory_space<hbm>>
        %dma_start3A_274 = tpu.memref_slice %arg3[%arg1, %mul3A_271] : memref<16x20480xi32, #tpu.memory_space<hbm>> -> memref<1x512xi32, #tpu.memory_space<hbm>>
        %dma_start3A_275 = tpu.memref_squeeze %dma_start3A_274 : memref<1x512xi32, #tpu.memory_space<hbm>> -> memref<512xi32, #tpu.memory_space<hbm>>
        tpu.enqueue_dma source(%dma_start3A_275 : memref<512xi32, #tpu.memory_space<hbm>>) target(%arg7 : memref<512xi32, #tpu.memory_space<vmem>>) target_semaphore(%arg22 : memref<!tpu.dma_semaphore, #tpu.memory_space<semaphore_mem>>)
        %mul3A_276 = arith.constant 512 : i32
        %mul3A_277 = arith.muli %add3A_269, %mul3A_276 : i32
        %dma_start3A_278 = tpu.memref_slice %arg4[%arg1, %mul3A_277] : memref<16x20480xi32, #tpu.memory_space<hbm>> -> memref<1x512xi32, #tpu.memory_space<hbm>>
        %dma_start3A_279 = tpu.memref_squeeze %dma_start3A_278 : memref<1x512xi32, #tpu.memory_space<hbm>> -> memref<512xi32, #tpu.memory_space<hbm>>
        %dma_start3A_280 = tpu.memref_slice %arg4[%arg1, %mul3A_277] : memref<16x20480xi32, #tpu.memory_space<hbm>> -> memref<1x512xi32, #tpu.memory_space<hbm>>
        %dma_start3A_281 = tpu.memref_squeeze %dma_start3A_280 : memref<1x512xi32, #tpu.memory_space<hbm>> -> memref<512xi32, #tpu.memory_space<hbm>>
        tpu.enqueue_dma source(%dma_start3A_281 : memref<512xi32, #tpu.memory_space<hbm>>) target(%arg9 : memref<512xi32, #tpu.memory_space<vmem>>) target_semaphore(%arg22 : memref<!tpu.dma_semaphore, #tpu.memory_space<semaphore_mem>>)
      } else {
      }
      %scan3A_262 = arith.constant 0 : i32
      %scan3A_263 = arith.constant 16 : i32
      %scan3A_264 = arith.addi %scan3A_262, %scan3A_263 : i32
      %scan3A_265 = arith.constant 1 : i32
      %scan3A_266 = scf.for %scan3A_268 = %scan3A_262 to %scan3A_264 step %scan3A_265 iter_args(%scan3A_269 = %scan3A_238) -> (i32)  : i32 {
        %mul3A_270 = arith.constant 2 : i32
        %mul3A_271 = arith.muli %mul3A_270, %scan3A_268 : i32
        %mul3A_272 = arith.constant 16 : i32
        %mul3A_273 = arith.muli %mul3A_271, %mul3A_272 : i32
        %get3A = arith.index_cast %mul3A_273 : i32 to index
        %get3A_274 = tpu.vector_load %arg10[%get3A] {strides = array<i32>} : memref<512xi32, #tpu.memory_space<vmem>>, vector<16xi32>,
        %get3A_275 = vector.shape_cast %get3A_274 : vector<16xi32> to vector<16xi32>
        %mul3A_276 = arith.constant 16 : i32
        %mul3A_277 = arith.muli %mul3A_271, %mul3A_276 : i32
        %get3A_278 = arith.index_cast %mul3A_277 : i32 to index
        %get3A_279 = tpu.vector_load %arg8[%get3A_278] {strides = array<i32>} : memref<512xi32, #tpu.memory_space<vmem>>, vector<16xi32>,
        %get3A_280 = vector.shape_cast %get3A_279 : vector<16xi32> to vector<16xi32>
        %sub3A = vector.broadcast %mul3A_100 : i32 to vector<16xi32>
        %sub3A_281 = arith.subi %get3A_275, %sub3A : vector<16xi32>
        %ge3A = arith.constant 0 : i32
        %ge3A_282 = vector.broadcast %ge3A : i32 to vector<16xi32>
        %ge3A_283 = arith.cmpi sge, %sub3A_281, %ge3A_282 : vector<16xi32>
        %lt3A_284 = arith.constant 10240 : i32
        %lt3A_285 = vector.broadcast %lt3A_284 : i32 to vector<16xi32>
        %lt3A_286 = arith.cmpi slt, %sub3A_281, %lt3A_285 : vector<16xi32>
        %and3A = arith.andi %ge3A_283, %lt3A_286 : vector<16xi1>
        %shift_left3A = arith.constant 14 : i32
        %shift_left3A_287 = vector.broadcast %shift_left3A : i32 to vector<16xi32>
        %shift_left3A_288 = arith.shli %get3A_280, %shift_left3A_287 : vector<16xi32>
        %and3A_289 = arith.constant 16383 : i32
        %and3A_290 = vector.broadcast %and3A_289 : i32 to vector<16xi32>
        %and3A_291 = arith.andi %sub3A_281, %and3A_290 : vector<16xi32>
        %or3A = arith.ori %shift_left3A_288, %and3A_291 : vector<16xi32>
        %broadcast_in_dim3A = arith.constant 1 : i32
        %broadcast_in_dim3A_292 = vector.broadcast %broadcast_in_dim3A : i32 to vector<16xi32>
        %broadcast_in_dim3A_293 = arith.constant 0 : i32
        %broadcast_in_dim3A_294 = vector.broadcast %broadcast_in_dim3A_293 : i32 to vector<16xi32>
        %select_n3A = arith.select %and3A, %broadcast_in_dim3A_292, %broadcast_in_dim3A_294 : vector<16xi1>, vector<16xi32>
        %sub3A_295 = arith.constant 1 : i32
        %sub3A_296 = vector.broadcast %sub3A_295 : i32 to vector<16xi32>
        %sub3A_297 = arith.subi %iota3A, %sub3A_296 : vector<16xi32>
        %max3A = arith.constant 0 : i32
        %max3A_298 = vector.broadcast %max3A : i32 to vector<16xi32>
        %max3A_299 = arith.maxsi %sub3A_297, %max3A_298 : vector<16xi32>
        %broadcast_in_dim3A_300 = vector.shape_cast %max3A_299 : vector<16xi32> to vector<16x1xi32>
        %gather3A = vector.shape_cast %broadcast_in_dim3A_300 : vector<16x1xi32> to vector<16xi32>
        %gather3A_301 = tpu.dynamic_gather %select_n3A[%gather3A] in [0] : vector<16xi32>, vector<16xi32> -> vector<16xi32>
        %ge3A_302 = arith.constant 1 : i32
        %ge3A_303 = vector.broadcast %ge3A_302 : i32 to vector<16xi32>
        %ge3A_304 = arith.cmpi sge, %iota3A, %ge3A_303 : vector<16xi32>
        %jit3A = arith.constant 0 : i32
        %broadcast_in_dim3A_305 = vector.broadcast %jit3A : i32 to vector<16xi32>
        %select_n3A_306 = arith.select %ge3A_304, %gather3A_301, %broadcast_in_dim3A_305 : vector<16xi1>, vector<16xi32>
        %add3A_307 = arith.addi %select_n3A, %select_n3A_306 : vector<16xi32>
        %sub3A_308 = arith.constant 2 : i32
        %sub3A_309 = vector.broadcast %sub3A_308 : i32 to vector<16xi32>
        %sub3A_310 = arith.subi %iota3A, %sub3A_309 : vector<16xi32>
        %max3A_311 = arith.constant 0 : i32
        %max3A_312 = vector.broadcast %max3A_311 : i32 to vector<16xi32>
        %max3A_313 = arith.maxsi %sub3A_310, %max3A_312 : vector<16xi32>
        %broadcast_in_dim3A_314 = vector.shape_cast %max3A_313 : vector<16xi32> to vector<16x1xi32>
        %gather3A_315 = vector.shape_cast %broadcast_in_dim3A_314 : vector<16x1xi32> to vector<16xi32>
        %gather3A_316 = tpu.dynamic_gather %add3A_307[%gather3A_315] in [0] : vector<16xi32>, vector<16xi32> -> vector<16xi32>
        %ge3A_317 = arith.constant 2 : i32
        %ge3A_318 = vector.broadcast %ge3A_317 : i32 to vector<16xi32>
        %ge3A_319 = arith.cmpi sge, %iota3A, %ge3A_318 : vector<16xi32>
        %jit3A_320 = arith.constant 0 : i32
        %broadcast_in_dim3A_321 = vector.broadcast %jit3A_320 : i32 to vector<16xi32>
        %select_n3A_322 = arith.select %ge3A_319, %gather3A_316, %broadcast_in_dim3A_321 : vector<16xi1>, vector<16xi32>
        %add3A_323 = arith.addi %add3A_307, %select_n3A_322 : vector<16xi32>
        %sub3A_324 = arith.constant 4 : i32
        %sub3A_325 = vector.broadcast %sub3A_324 : i32 to vector<16xi32>
        %sub3A_326 = arith.subi %iota3A, %sub3A_325 : vector<16xi32>
        %max3A_327 = arith.constant 0 : i32
        %max3A_328 = vector.broadcast %max3A_327 : i32 to vector<16xi32>
        %max3A_329 = arith.maxsi %sub3A_326, %max3A_328 : vector<16xi32>
        %broadcast_in_dim3A_330 = vector.shape_cast %max3A_329 : vector<16xi32> to vector<16x1xi32>
        %gather3A_331 = vector.shape_cast %broadcast_in_dim3A_330 : vector<16x1xi32> to vector<16xi32>
        %gather3A_332 = tpu.dynamic_gather %add3A_323[%gather3A_331] in [0] : vector<16xi32>, vector<16xi32> -> vector<16xi32>
        %ge3A_333 = arith.constant 4 : i32
        %ge3A_334 = vector.broadcast %ge3A_333 : i32 to vector<16xi32>
        %ge3A_335 = arith.cmpi sge, %iota3A, %ge3A_334 : vector<16xi32>
        %jit3A_336 = arith.constant 0 : i32
        %broadcast_in_dim3A_337 = vector.broadcast %jit3A_336 : i32 to vector<16xi32>
        %select_n3A_338 = arith.select %ge3A_335, %gather3A_332, %broadcast_in_dim3A_337 : vector<16xi1>, vector<16xi32>
        %add3A_339 = arith.addi %add3A_323, %select_n3A_338 : vector<16xi32>
        %sub3A_340 = arith.constant 8 : i32
        %sub3A_341 = vector.broadcast %sub3A_340 : i32 to vector<16xi32>
        %sub3A_342 = arith.subi %iota3A, %sub3A_341 : vector<16xi32>
        %max3A_343 = arith.constant 0 : i32
        %max3A_344 = vector.broadcast %max3A_343 : i32 to vector<16xi32>
        %max3A_345 = arith.maxsi %sub3A_342, %max3A_344 : vector<16xi32>
        %broadcast_in_dim3A_346 = vector.shape_cast %max3A_345 : vector<16xi32> to vector<16x1xi32>
        %gather3A_347 = vector.shape_cast %broadcast_in_dim3A_346 : vector<16x1xi32> to vector<16xi32>
        %gather3A_348 = tpu.dynamic_gather %add3A_339[%gather3A_347] in [0] : vector<16xi32>, vector<16xi32> -> vector<16xi32>
        %ge3A_349 = arith.constant 8 : i32
        %ge3A_350 = vector.broadcast %ge3A_349 : i32 to vector<16xi32>
        %ge3A_351 = arith.cmpi sge, %iota3A, %ge3A_350 : vector<16xi32>
        %jit3A_352 = arith.constant 0 : i32
        %broadcast_in_dim3A_353 = vector.broadcast %jit3A_352 : i32 to vector<16xi32>
        %select_n3A_354 = arith.select %ge3A_351, %gather3A_348, %broadcast_in_dim3A_353 : vector<16xi1>, vector<16xi32>
        %add3A_355 = arith.addi %add3A_339, %select_n3A_354 : vector<16xi32>
        %add3A_356 = arith.constant 1 : i32
        %add3A_357 = vector.broadcast %add3A_356 : i32 to vector<16xi32>
        %add3A_358 = arith.addi %iota3A, %add3A_357 : vector<16xi32>
        %broadcast_in_dim3A_359 = arith.constant 0 : i32
        %broadcast_in_dim3A_360 = vector.broadcast %broadcast_in_dim3A_359 : i32 to vector<16xi32>
        %add3A_361 = arith.constant 7 : i32
        %add3A_362 = vector.broadcast %add3A_361 : i32 to vector<16xi32>
        %add3A_363 = arith.addi %broadcast_in_dim3A_360, %add3A_362 : vector<16xi32>
        %broadcast_in_dim3A_364 = vector.shape_cast %add3A_363 : vector<16xi32> to vector<16x1xi32>
        %gather3A_365 = vector.shape_cast %broadcast_in_dim3A_364 : vector<16x1xi32> to vector<16xi32>
        %gather3A_366 = tpu.dynamic_gather %add3A_355[%gather3A_365] in [0] : vector<16xi32>, vector<16xi32> -> vector<16xi32>
        %lt3A_367 = arith.cmpi slt, %gather3A_366, %add3A_358 : vector<16xi32>
        %add3A_368 = arith.constant 8 : i32
        %add3A_369 = vector.broadcast %add3A_368 : i32 to vector<16xi32>
        %add3A_370 = arith.addi %broadcast_in_dim3A_360, %add3A_369 : vector<16xi32>
        %select_n3A_371 = arith.select %lt3A_367, %add3A_370, %broadcast_in_dim3A_360 : vector<16xi1>, vector<16xi32>
        %add3A_372 = arith.constant 3 : i32
        %add3A_373 = vector.broadcast %add3A_372 : i32 to vector<16xi32>
        %add3A_374 = arith.addi %select_n3A_371, %add3A_373 : vector<16xi32>
        %broadcast_in_dim3A_375 = vector.shape_cast %add3A_374 : vector<16xi32> to vector<16x1xi32>
        %gather3A_376 = vector.shape_cast %broadcast_in_dim3A_375 : vector<16x1xi32> to vector<16xi32>
        %gather3A_377 = tpu.dynamic_gather %add3A_355[%gather3A_376] in [0] : vector<16xi32>, vector<16xi32> -> vector<16xi32>
        %lt3A_378 = arith.cmpi slt, %gather3A_377, %add3A_358 : vector<16xi32>
        %add3A_379 = arith.constant 4 : i32
        %add3A_380 = vector.broadcast %add3A_379 : i32 to vector<16xi32>
        %add3A_381 = arith.addi %select_n3A_371, %add3A_380 : vector<16xi32>
        %select_n3A_382 = arith.select %lt3A_378, %add3A_381, %select_n3A_371 : vector<16xi1>, vector<16xi32>
        %add3A_383 = arith.constant 1 : i32
        %add3A_384 = vector.broadcast %add3A_383 : i32 to vector<16xi32>
        %add3A_385 = arith.addi %select_n3A_382, %add3A_384 : vector<16xi32>
        %broadcast_in_dim3A_386 = vector.shape_cast %add3A_385 : vector<16xi32> to vector<16x1xi32>
        %gather3A_387 = vector.shape_cast %broadcast_in_dim3A_386 : vector<16x1xi32> to vector<16xi32>
        %gather3A_388 = tpu.dynamic_gather %add3A_355[%gather3A_387] in [0] : vector<16xi32>, vector<16xi32> -> vector<16xi32>
        %lt3A_389 = arith.cmpi slt, %gather3A_388, %add3A_358 : vector<16xi32>
        %add3A_390 = arith.constant 2 : i32
        %add3A_391 = vector.broadcast %add3A_390 : i32 to vector<16xi32>
        %add3A_392 = arith.addi %select_n3A_382, %add3A_391 : vector<16xi32>
        %select_n3A_393 = arith.select %lt3A_389, %add3A_392, %select_n3A_382 : vector<16xi1>, vector<16xi32>
        %add3A_394 = arith.constant 0 : i32
        %add3A_395 = vector.broadcast %add3A_394 : i32 to vector<16xi32>
        %add3A_396 = arith.addi %select_n3A_393, %add3A_395 : vector<16xi32>
        %broadcast_in_dim3A_397 = vector.shape_cast %add3A_396 : vector<16xi32> to vector<16x1xi32>
        %gather3A_398 = vector.shape_cast %broadcast_in_dim3A_397 : vector<16x1xi32> to vector<16xi32>
        %gather3A_399 = tpu.dynamic_gather %add3A_355[%gather3A_398] in [0] : vector<16xi32>, vector<16xi32> -> vector<16xi32>
        %lt3A_400 = arith.cmpi slt, %gather3A_399, %add3A_358 : vector<16xi32>
        %add3A_401 = arith.constant 1 : i32
        %add3A_402 = vector.broadcast %add3A_401 : i32 to vector<16xi32>
        %add3A_403 = arith.addi %select_n3A_393, %add3A_402 : vector<16xi32>
        %select_n3A_404 = arith.select %lt3A_400, %add3A_403, %select_n3A_393 : vector<16xi1>, vector<16xi32>
        %min3A = arith.constant 15 : i32
        %min3A_405 = vector.broadcast %min3A : i32 to vector<16xi32>
        %min3A_406 = arith.minsi %select_n3A_404, %min3A_405 : vector<16xi32>
        %broadcast_in_dim3A_407 = vector.shape_cast %min3A_406 : vector<16xi32> to vector<16x1xi32>
        %gather3A_408 = vector.shape_cast %broadcast_in_dim3A_407 : vector<16x1xi32> to vector<16xi32>
        %gather3A_409 = tpu.dynamic_gather %or3A[%gather3A_408] in [0] : vector<16xi32>, vector<16xi32> -> vector<16xi32>
        %add3A_410 = arith.constant 1 : i32
        %add3A_411 = arith.addi %mul3A_271, %add3A_410 : i32
        %mul3A_412 = arith.constant 16 : i32
        %mul3A_413 = arith.muli %add3A_411, %mul3A_412 : i32
        %get3A_414 = arith.index_cast %mul3A_413 : i32 to index
        %get3A_415 = tpu.vector_load %arg10[%get3A_414] {strides = array<i32>} : memref<512xi32, #tpu.memory_space<vmem>>, vector<16xi32>,
        %get3A_416 = vector.shape_cast %get3A_415 : vector<16xi32> to vector<16xi32>
        %mul3A_417 = arith.constant 16 : i32
        %mul3A_418 = arith.muli %add3A_411, %mul3A_417 : i32
        %get3A_419 = arith.index_cast %mul3A_418 : i32 to index
        %get3A_420 = tpu.vector_load %arg8[%get3A_419] {strides = array<i32>} : memref<512xi32, #tpu.memory_space<vmem>>, vector<16xi32>,
        %get3A_421 = vector.shape_cast %get3A_420 : vector<16xi32> to vector<16xi32>
        %sub3A_422 = vector.broadcast %mul3A_100 : i32 to vector<16xi32>
        %sub3A_423 = arith.subi %get3A_416, %sub3A_422 : vector<16xi32>
        %ge3A_424 = arith.constant 0 : i32
        %ge3A_425 = vector.broadcast %ge3A_424 : i32 to vector<16xi32>
        %ge3A_426 = arith.cmpi sge, %sub3A_423, %ge3A_425 : vector<16xi32>
        %lt3A_427 = arith.constant 10240 : i32
        %lt3A_428 = vector.broadcast %lt3A_427 : i32 to vector<16xi32>
        %lt3A_429 = arith.cmpi slt, %sub3A_423, %lt3A_428 : vector<16xi32>
        %and3A_430 = arith.andi %ge3A_426, %lt3A_429 : vector<16xi1>
        %shift_left3A_431 = arith.constant 14 : i32
        %shift_left3A_432 = vector.broadcast %shift_left3A_431 : i32 to vector<16xi32>
        %shift_left3A_433 = arith.shli %get3A_421, %shift_left3A_432 : vector<16xi32>
        %and3A_434 = arith.constant 16383 : i32
        %and3A_435 = vector.broadcast %and3A_434 : i32 to vector<16xi32>
        %and3A_436 = arith.andi %sub3A_423, %and3A_435 : vector<16xi32>
        %or3A_437 = arith.ori %shift_left3A_433, %and3A_436 : vector<16xi32>
        %broadcast_in_dim3A_438 = arith.constant 1 : i32
        %broadcast_in_dim3A_439 = vector.broadcast %broadcast_in_dim3A_438 : i32 to vector<16xi32>
        %broadcast_in_dim3A_440 = arith.constant 0 : i32
        %broadcast_in_dim3A_441 = vector.broadcast %broadcast_in_dim3A_440 : i32 to vector<16xi32>
        %select_n3A_442 = arith.select %and3A_430, %broadcast_in_dim3A_439, %broadcast_in_dim3A_441 : vector<16xi1>, vector<16xi32>
        %sub3A_443 = arith.constant 1 : i32
        %sub3A_444 = vector.broadcast %sub3A_443 : i32 to vector<16xi32>
        %sub3A_445 = arith.subi %iota3A, %sub3A_444 : vector<16xi32>
        %max3A_446 = arith.constant 0 : i32
        %max3A_447 = vector.broadcast %max3A_446 : i32 to vector<16xi32>
        %max3A_448 = arith.maxsi %sub3A_445, %max3A_447 : vector<16xi32>
        %broadcast_in_dim3A_449 = vector.shape_cast %max3A_448 : vector<16xi32> to vector<16x1xi32>
        %gather3A_450 = vector.shape_cast %broadcast_in_dim3A_449 : vector<16x1xi32> to vector<16xi32>
        %gather3A_451 = tpu.dynamic_gather %select_n3A_442[%gather3A_450] in [0] : vector<16xi32>, vector<16xi32> -> vector<16xi32>
        %ge3A_452 = arith.constant 1 : i32
        %ge3A_453 = vector.broadcast %ge3A_452 : i32 to vector<16xi32>
        %ge3A_454 = arith.cmpi sge, %iota3A, %ge3A_453 : vector<16xi32>
        %jit3A_455 = arith.constant 0 : i32
        %broadcast_in_dim3A_456 = vector.broadcast %jit3A_455 : i32 to vector<16xi32>
        %select_n3A_457 = arith.select %ge3A_454, %gather3A_451, %broadcast_in_dim3A_456 : vector<16xi1>, vector<16xi32>
        %add3A_458 = arith.addi %select_n3A_442, %select_n3A_457 : vector<16xi32>
        %sub3A_459 = arith.constant 2 : i32
        %sub3A_460 = vector.broadcast %sub3A_459 : i32 to vector<16xi32>
        %sub3A_461 = arith.subi %iota3A, %sub3A_460 : vector<16xi32>
        %max3A_462 = arith.constant 0 : i32
        %max3A_463 = vector.broadcast %max3A_462 : i32 to vector<16xi32>
        %max3A_464 = arith.maxsi %sub3A_461, %max3A_463 : vector<16xi32>
        %broadcast_in_dim3A_465 = vector.shape_cast %max3A_464 : vector<16xi32> to vector<16x1xi32>
        %gather3A_466 = vector.shape_cast %broadcast_in_dim3A_465 : vector<16x1xi32> to vector<16xi32>
        %gather3A_467 = tpu.dynamic_gather %add3A_458[%gather3A_466] in [0] : vector<16xi32>, vector<16xi32> -> vector<16xi32>
        %ge3A_468 = arith.constant 2 : i32
        %ge3A_469 = vector.broadcast %ge3A_468 : i32 to vector<16xi32>
        %ge3A_470 = arith.cmpi sge, %iota3A, %ge3A_469 : vector<16xi32>
        %jit3A_471 = arith.constant 0 : i32
        %broadcast_in_dim3A_472 = vector.broadcast %jit3A_471 : i32 to vector<16xi32>
        %select_n3A_473 = arith.select %ge3A_470, %gather3A_467, %broadcast_in_dim3A_472 : vector<16xi1>, vector<16xi32>
        %add3A_474 = arith.addi %add3A_458, %select_n3A_473 : vector<16xi32>
        %sub3A_475 = arith.constant 4 : i32
        %sub3A_476 = vector.broadcast %sub3A_475 : i32 to vector<16xi32>
        %sub3A_477 = arith.subi %iota3A, %sub3A_476 : vector<16xi32>
        %max3A_478 = arith.constant 0 : i32
        %max3A_479 = vector.broadcast %max3A_478 : i32 to vector<16xi32>
        %max3A_480 = arith.maxsi %sub3A_477, %max3A_479 : vector<16xi32>
        %broadcast_in_dim3A_481 = vector.shape_cast %max3A_480 : vector<16xi32> to vector<16x1xi32>
        %gather3A_482 = vector.shape_cast %broadcast_in_dim3A_481 : vector<16x1xi32> to vector<16xi32>
        %gather3A_483 = tpu.dynamic_gather %add3A_474[%gather3A_482] in [0] : vector<16xi32>, vector<16xi32> -> vector<16xi32>
        %ge3A_484 = arith.constant 4 : i32
        %ge3A_485 = vector.broadcast %ge3A_484 : i32 to vector<16xi32>
        %ge3A_486 = arith.cmpi sge, %iota3A, %ge3A_485 : vector<16xi32>
        %jit3A_487 = arith.constant 0 : i32
        %broadcast_in_dim3A_488 = vector.broadcast %jit3A_487 : i32 to vector<16xi32>
        %select_n3A_489 = arith.select %ge3A_486, %gather3A_483, %broadcast_in_dim3A_488 : vector<16xi1>, vector<16xi32>
        %add3A_490 = arith.addi %add3A_474, %select_n3A_489 : vector<16xi32>
        %sub3A_491 = arith.constant 8 : i32
        %sub3A_492 = vector.broadcast %sub3A_491 : i32 to vector<16xi32>
        %sub3A_493 = arith.subi %iota3A, %sub3A_492 : vector<16xi32>
        %max3A_494 = arith.constant 0 : i32
        %max3A_495 = vector.broadcast %max3A_494 : i32 to vector<16xi32>
        %max3A_496 = arith.maxsi %sub3A_493, %max3A_495 : vector<16xi32>
        %broadcast_in_dim3A_497 = vector.shape_cast %max3A_496 : vector<16xi32> to vector<16x1xi32>
        %gather3A_498 = vector.shape_cast %broadcast_in_dim3A_497 : vector<16x1xi32> to vector<16xi32>
        %gather3A_499 = tpu.dynamic_gather %add3A_490[%gather3A_498] in [0] : vector<16xi32>, vector<16xi32> -> vector<16xi32>
        %ge3A_500 = arith.constant 8 : i32
        %ge3A_501 = vector.broadcast %ge3A_500 : i32 to vector<16xi32>
        %ge3A_502 = arith.cmpi sge, %iota3A, %ge3A_501 : vector<16xi32>
        %jit3A_503 = arith.constant 0 : i32
        %broadcast_in_dim3A_504 = vector.broadcast %jit3A_503 : i32 to vector<16xi32>
        %select_n3A_505 = arith.select %ge3A_502, %gather3A_499, %broadcast_in_dim3A_504 : vector<16xi1>, vector<16xi32>
        %add3A_506 = arith.addi %add3A_490, %select_n3A_505 : vector<16xi32>
        %add3A_507 = arith.constant 1 : i32
        %add3A_508 = vector.broadcast %add3A_507 : i32 to vector<16xi32>
        %add3A_509 = arith.addi %iota3A, %add3A_508 : vector<16xi32>
        %broadcast_in_dim3A_510 = arith.constant 0 : i32
        %broadcast_in_dim3A_511 = vector.broadcast %broadcast_in_dim3A_510 : i32 to vector<16xi32>
        %add3A_512 = arith.constant 7 : i32
        %add3A_513 = vector.broadcast %add3A_512 : i32 to vector<16xi32>
        %add3A_514 = arith.addi %broadcast_in_dim3A_511, %add3A_513 : vector<16xi32>
        %broadcast_in_dim3A_515 = vector.shape_cast %add3A_514 : vector<16xi32> to vector<16x1xi32>
        %gather3A_516 = vector.shape_cast %broadcast_in_dim3A_515 : vector<16x1xi32> to vector<16xi32>
        %gather3A_517 = tpu.dynamic_gather %add3A_506[%gather3A_516] in [0] : vector<16xi32>, vector<16xi32> -> vector<16xi32>
        %lt3A_518 = arith.cmpi slt, %gather3A_517, %add3A_509 : vector<16xi32>
        %add3A_519 = arith.constant 8 : i32
        %add3A_520 = vector.broadcast %add3A_519 : i32 to vector<16xi32>
        %add3A_521 = arith.addi %broadcast_in_dim3A_511, %add3A_520 : vector<16xi32>
        %select_n3A_522 = arith.select %lt3A_518, %add3A_521, %broadcast_in_dim3A_511 : vector<16xi1>, vector<16xi32>
        %add3A_523 = arith.constant 3 : i32
        %add3A_524 = vector.broadcast %add3A_523 : i32 to vector<16xi32>
        %add3A_525 = arith.addi %select_n3A_522, %add3A_524 : vector<16xi32>
        %broadcast_in_dim3A_526 = vector.shape_cast %add3A_525 : vector<16xi32> to vector<16x1xi32>
        %gather3A_527 = vector.shape_cast %broadcast_in_dim3A_526 : vector<16x1xi32> to vector<16xi32>
        %gather3A_528 = tpu.dynamic_gather %add3A_506[%gather3A_527] in [0] : vector<16xi32>, vector<16xi32> -> vector<16xi32>
        %lt3A_529 = arith.cmpi slt, %gather3A_528, %add3A_509 : vector<16xi32>
        %add3A_530 = arith.constant 4 : i32
        %add3A_531 = vector.broadcast %add3A_530 : i32 to vector<16xi32>
        %add3A_532 = arith.addi %select_n3A_522, %add3A_531 : vector<16xi32>
        %select_n3A_533 = arith.select %lt3A_529, %add3A_532, %select_n3A_522 : vector<16xi1>, vector<16xi32>
        %add3A_534 = arith.constant 1 : i32
        %add3A_535 = vector.broadcast %add3A_534 : i32 to vector<16xi32>
        %add3A_536 = arith.addi %select_n3A_533, %add3A_535 : vector<16xi32>
        %broadcast_in_dim3A_537 = vector.shape_cast %add3A_536 : vector<16xi32> to vector<16x1xi32>
        %gather3A_538 = vector.shape_cast %broadcast_in_dim3A_537 : vector<16x1xi32> to vector<16xi32>
        %gather3A_539 = tpu.dynamic_gather %add3A_506[%gather3A_538] in [0] : vector<16xi32>, vector<16xi32> -> vector<16xi32>
        %lt3A_540 = arith.cmpi slt, %gather3A_539, %add3A_509 : vector<16xi32>
        %add3A_541 = arith.constant 2 : i32
        %add3A_542 = vector.broadcast %add3A_541 : i32 to vector<16xi32>
        %add3A_543 = arith.addi %select_n3A_533, %add3A_542 : vector<16xi32>
        %select_n3A_544 = arith.select %lt3A_540, %add3A_543, %select_n3A_533 : vector<16xi1>, vector<16xi32>
        %add3A_545 = arith.constant 0 : i32
        %add3A_546 = vector.broadcast %add3A_545 : i32 to vector<16xi32>
        %add3A_547 = arith.addi %select_n3A_544, %add3A_546 : vector<16xi32>
        %broadcast_in_dim3A_548 = vector.shape_cast %add3A_547 : vector<16xi32> to vector<16x1xi32>
        %gather3A_549 = vector.shape_cast %broadcast_in_dim3A_548 : vector<16x1xi32> to vector<16xi32>
        %gather3A_550 = tpu.dynamic_gather %add3A_506[%gather3A_549] in [0] : vector<16xi32>, vector<16xi32> -> vector<16xi32>
        %lt3A_551 = arith.cmpi slt, %gather3A_550, %add3A_509 : vector<16xi32>
        %add3A_552 = arith.constant 1 : i32
        %add3A_553 = vector.broadcast %add3A_552 : i32 to vector<16xi32>
        %add3A_554 = arith.addi %select_n3A_544, %add3A_553 : vector<16xi32>
        %select_n3A_555 = arith.select %lt3A_551, %add3A_554, %select_n3A_544 : vector<16xi1>, vector<16xi32>
        %min3A_556 = arith.constant 15 : i32
        %min3A_557 = vector.broadcast %min3A_556 : i32 to vector<16xi32>
        %min3A_558 = arith.minsi %select_n3A_555, %min3A_557 : vector<16xi32>
        %broadcast_in_dim3A_559 = vector.shape_cast %min3A_558 : vector<16xi32> to vector<16x1xi32>
        %gather3A_560 = vector.shape_cast %broadcast_in_dim3A_559 : vector<16x1xi32> to vector<16xi32>
        %gather3A_561 = tpu.dynamic_gather %or3A_437[%gather3A_560] in [0] : vector<16xi32>, vector<16xi32> -> vector<16xi32>
        %swap3A_562 = arith.index_cast %scan3A_269 : i32 to index
        %swap3A_563 = tpu.vector_load %arg11[%swap3A_562] {strides = array<i32>} : memref<20544xi32, #tpu.memory_space<vmem>>, vector<16xi32>,
        %swap3A_564 = vector.shape_cast %swap3A_563 : vector<16xi32> to vector<16xi32>
        %swap3A_565 = vector.shape_cast %gather3A_409 : vector<16xi32> to vector<16xi32>
        tpu.vector_store %arg11[%swap3A_562], %swap3A_565 {strides = array<i32>} : memref<20544xi32, #tpu.memory_space<vmem>>, vector<16xi32>,
        %slice3A = vector.extract_strided_slice %add3A_355 {offsets = [15], sizes = [1], strides = [1]} : vector<16xi32> to vector<1xi32>
        %squeeze3A = vector.extract %slice3A[0] : i32 from vector<1xi32>
        %add3A_566 = arith.addi %scan3A_269, %squeeze3A : i32
        %swap3A_567 = arith.index_cast %add3A_566 : i32 to index
        %swap3A_568 = tpu.vector_load %arg11[%swap3A_567] {strides = array<i32>} : memref<20544xi32, #tpu.memory_space<vmem>>, vector<16xi32>,
        %swap3A_569 = vector.shape_cast %swap3A_568 : vector<16xi32> to vector<16xi32>
        %swap3A_570 = vector.shape_cast %gather3A_561 : vector<16xi32> to vector<16xi32>
        tpu.vector_store %arg11[%swap3A_567], %swap3A_570 {strides = array<i32>} : memref<20544xi32, #tpu.memory_space<vmem>>, vector<16xi32>,
        %slice3A_571 = vector.extract_strided_slice %add3A_506 {offsets = [15], sizes = [1], strides = [1]} : vector<16xi32> to vector<1xi32>
        %squeeze3A_572 = vector.extract %slice3A_571[0] : i32 from vector<1xi32>
        %add3A_573 = arith.addi %add3A_566, %squeeze3A_572 : i32
        scf.yield %add3A_573 : i32
      }
      %scan3A_267 = arith.constant 16 : i32
      scf.yield %scan3A_266 : i32
    }
    %scan3A_124 = arith.constant 20 : i32
    %add3A_125 = arith.constant 10240 : i32
    %add3A_126 = vector.broadcast %add3A_125 : i32 to vector<16xi32>
    %add3A_127 = arith.addi %add3A_126, %iota3A : vector<16xi32>
    %add3A_128 = arith.constant 0 : i32
    %add3A_129 = arith.addi %scan3A_123, %add3A_128 : i32
    %swap3A_130 = arith.index_cast %add3A_129 : i32 to index
    %swap3A_131 = tpu.vector_load %arg11[%swap3A_130] {strides = array<i32>} : memref<20544xi32, #tpu.memory_space<vmem>>, vector<16xi32>,
    %swap3A_132 = vector.shape_cast %swap3A_131 : vector<16xi32> to vector<16xi32>
    %swap3A_133 = vector.shape_cast %add3A_127 : vector<16xi32> to vector<16xi32>
    tpu.vector_store %arg11[%swap3A_130], %swap3A_133 {strides = array<i32>} : memref<20544xi32, #tpu.memory_space<vmem>>, vector<16xi32>,
    %add3A_134 = arith.constant 10256 : i32
    %add3A_135 = vector.broadcast %add3A_134 : i32 to vector<16xi32>
    %add3A_136 = arith.addi %add3A_135, %iota3A : vector<16xi32>
    %add3A_137 = arith.constant 16 : i32
    %add3A_138 = arith.addi %scan3A_123, %add3A_137 : i32
    %swap3A_139 = arith.index_cast %add3A_138 : i32 to index
    %swap3A_140 = tpu.vector_load %arg11[%swap3A_139] {strides = array<i32>} : memref<20544xi32, #tpu.memory_space<vmem>>, vector<16xi32>,
    %swap3A_141 = vector.shape_cast %swap3A_140 : vector<16xi32> to vector<16xi32>
    %swap3A_142 = vector.shape_cast %add3A_136 : vector<16xi32> to vector<16xi32>
    tpu.vector_store %arg11[%swap3A_139], %swap3A_142 {strides = array<i32>} : memref<20544xi32, #tpu.memory_space<vmem>>, vector<16xi32>,
    %add3A_143 = arith.constant 10272 : i32
    %add3A_144 = vector.broadcast %add3A_143 : i32 to vector<16xi32>
    %add3A_145 = arith.addi %add3A_144, %iota3A : vector<16xi32>
    %add3A_146 = arith.constant 32 : i32
    %add3A_147 = arith.addi %scan3A_123, %add3A_146 : i32
    %swap3A_148 = arith.index_cast %add3A_147 : i32 to index
    %swap3A_149 = tpu.vector_load %arg11[%swap3A_148] {strides = array<i32>} : memref<20544xi32, #tpu.memory_space<vmem>>, vector<16xi32>,
    %swap3A_150 = vector.shape_cast %swap3A_149 : vector<16xi32> to vector<16xi32>
    %swap3A_151 = vector.shape_cast %add3A_145 : vector<16xi32> to vector<16xi32>
    tpu.vector_store %arg11[%swap3A_148], %swap3A_151 {strides = array<i32>} : memref<20544xi32, #tpu.memory_space<vmem>>, vector<16xi32>,
    %add3A_152 = arith.constant 10288 : i32
    %add3A_153 = vector.broadcast %add3A_152 : i32 to vector<16xi32>
    %add3A_154 = arith.addi %add3A_153, %iota3A : vector<16xi32>
    %add3A_155 = arith.constant 48 : i32
    %add3A_156 = arith.addi %scan3A_123, %add3A_155 : i32
    %swap3A_157 = arith.index_cast %add3A_156 : i32 to index
    %swap3A_158 = tpu.vector_load %arg11[%swap3A_157] {strides = array<i32>} : memref<20544xi32, #tpu.memory_space<vmem>>, vector<16xi32>,
    %swap3A_159 = vector.shape_cast %swap3A_158 : vector<16xi32> to vector<16xi32>
    %swap3A_160 = vector.shape_cast %add3A_154 : vector<16xi32> to vector<16xi32>
    tpu.vector_store %arg11[%swap3A_157], %swap3A_160 {strides = array<i32>} : memref<20544xi32, #tpu.memory_space<vmem>>, vector<16xi32>,
    %add3A_161 = arith.constant 63 : i32
    %add3A_162 = arith.addi %scan3A_123, %add3A_161 : i32
    %div3A_163 = arith.constant 64 : i32
    %div3A_164 = arith.divsi %add3A_162, %div3A_163 : i32
    %add3A_165 = arith.constant 2 : i32
    %add3A_166 = arith.addi %div3A_164, %add3A_165 : i32
    %div3A_167 = arith.constant 3 : i32
    %div3A_168 = arith.divsi %add3A_166, %div3A_167 : i32
    %while3A_169 = arith.constant 0 : i32
    %while3A_170 = arith.constant 0 : i32
    %while3A_171 = arith.subi %div3A_168, %while3A_170 : i32
    %while3A_172 = arith.addi %while3A_170, %while3A_171 : i32
    %while3A_173 = arith.constant 1 : i32
    %while3A_174 = arith.divsi %while3A_171, %while3A_173 : i32
    %while3A_175 = arith.muli %while3A_174, %while3A_173 : i32
    %while3A_176 = arith.addi %while3A_170, %while3A_175 : i32
    %while3A_177 = arith.constant 1 : i32
    scf.for %while3A_201 = %while3A_170 to %while3A_176 step %while3A_177  : i32 {
      %mul3A_202 = arith.constant 3 : i32
      %mul3A_203 = arith.muli %mul3A_202, %while3A_201 : i32
      %add3A_204 = arith.constant 0 : i32
      %add3A_205 = arith.addi %mul3A_203, %add3A_204 : i32
      %lt3A = arith.cmpi slt, %add3A_205, %div3A_164 : i32
      %convert_element_type3A_206 = arith.extui %lt3A : i1 to i32
      %cond3A_207 = arith.constant 0 : i32
      %cond3A_208 = arith.cmpi ne, %convert_element_type3A_206, %cond3A_207 : i32
      scf.if %cond3A_208 {
        %ge3A = arith.constant 3 : i32
        %ge3A_239 = arith.cmpi sge, %add3A_205, %ge3A : i32
        %convert_element_type3A_240 = arith.extui %ge3A_239 : i1 to i32
        %cond3A_241 = arith.constant 0 : i32
        %cond3A_242 = arith.cmpi ne, %convert_element_type3A_240, %cond3A_241 : i32
        scf.if %cond3A_242 {
          %dma_wait3A = arith.constant 0 : i32
          %dma_wait3A_347 = arith.constant 0 : i32
          %dma_wait3A_348 = tpu.memref_slice %arg18[%dma_wait3A, %dma_wait3A_347] : memref<1x64xi32, #tpu.memory_space<vmem>> -> memref<1x64xi32, #tpu.memory_space<vmem>>
          %dma_wait3A_349 = tpu.memref_squeeze %dma_wait3A_348 : memref<1x64xi32, #tpu.memory_space<vmem>> -> memref<64xi32, #tpu.memory_space<vmem>>
          %dma_wait3A_350 = arith.constant 0 : i32
          %dma_wait3A_351 = arith.constant 0 : i32
          %dma_wait3A_352 = tpu.memref_slice %arg21[%dma_wait3A_350, %dma_wait3A_351] : memref<10304x128xf32, #tpu.memory_space<vmem_shared>> -> memref<10304x128xf32, #tpu.memory_space<vmem_shared>>
          tpu.wait_indirect_dma semaphore(%arg27 : memref<!tpu.dma_semaphore, #tpu.memory_space<semaphore_mem>>) src(%arg12 : memref<64x128xf32, #tpu.memory_space<vmem>>) dst(%dma_wait3A_352 : memref<10304x128xf32, #tpu.memory_space<vmem_shared>>)
        } else {
        }
        %mul3A_243 = arith.constant 64 : i32
        %mul3A_244 = arith.muli %add3A_205, %mul3A_243 : i32
        %add3A_245 = arith.constant 0 : i32
        %add3A_246 = arith.addi %mul3A_244, %add3A_245 : i32
        %get3A = arith.index_cast %add3A_246 : i32 to index
        %get3A_247 = tpu.vector_load %arg11[%get3A] {strides = array<i32>} : memref<20544xi32, #tpu.memory_space<vmem>>, vector<16xi32>,
        %get3A_248 = vector.shape_cast %get3A_247 : vector<16xi32> to vector<16xi32>
        %shift_right_logical3A = arith.constant 14 : i32
        %shift_right_logical3A_249 = vector.broadcast %shift_right_logical3A : i32 to vector<16xi32>
        %shift_right_logical3A_250 = arith.shrui %get3A_248, %shift_right_logical3A_249 : vector<16xi32>
        %swap3A_251 = arith.constant 0 : i32
        %swap3A_252 = arith.index_cast %swap3A_251 : i32 to index
        %swap3A_253 = arith.constant 0 : index
        %swap3A_254 = tpu.vector_load %arg15[%swap3A_252, %swap3A_253] {strides = array<i32>} : memref<1x64xi32, #tpu.memory_space<vmem>>, vector<1x16xi32>,
        %swap3A_255 = vector.shape_cast %swap3A_254 : vector<1x16xi32> to vector<16xi32>
        %swap3A_256 = vector.shape_cast %shift_right_logical3A_250 : vector<16xi32> to vector<1x16xi32>
        tpu.vector_store %arg15[%swap3A_252, %swap3A_253], %swap3A_256 {strides = array<i32>} : memref<1x64xi32, #tpu.memory_space<vmem>>, vector<1x16xi32>,
        %and3A = arith.constant 16383 : i32
        %and3A_257 = vector.broadcast %and3A : i32 to vector<16xi32>
        %and3A_258 = arith.andi %get3A_248, %and3A_257 : vector<16xi32>
        %swap3A_259 = arith.constant 0 : i32
        %swap3A_260 = arith.index_cast %swap3A_259 : i32 to index
        %swap3A_261 = arith.constant 0 : index
        %swap3A_262 = tpu.vector_load %arg18[%swap3A_260, %swap3A_261] {strides = array<i32>} : memref<1x64xi32, #tpu.memory_space<vmem>>, vector<1x16xi32>,
        %swap3A_263 = vector.shape_cast %swap3A_262 : vector<1x16xi32> to vector<16xi32>
        %swap3A_264 = vector.shape_cast %and3A_258 : vector<16xi32> to vector<1x16xi32>
        tpu.vector_store %arg18[%swap3A_260, %swap3A_261], %swap3A_264 {strides = array<i32>} : memref<1x64xi32, #tpu.memory_space<vmem>>, vector<1x16xi32>,
        %mul3A_265 = arith.constant 64 : i32
        %mul3A_266 = arith.muli %add3A_205, %mul3A_265 : i32
        %add3A_267 = arith.constant 16 : i32
        %add3A_268 = arith.addi %mul3A_266, %add3A_267 : i32
        %get3A_269 = arith.index_cast %add3A_268 : i32 to index
        %get3A_270 = tpu.vector_load %arg11[%get3A_269] {strides = array<i32>} : memref<20544xi32, #tpu.memory_space<vmem>>, vector<16xi32>,
        %get3A_271 = vector.shape_cast %get3A_270 : vector<16xi32> to vector<16xi32>
        %shift_right_logical3A_272 = arith.constant 14 : i32
        %shift_right_logical3A_273 = vector.broadcast %shift_right_logical3A_272 : i32 to vector<16xi32>
        %shift_right_logical3A_274 = arith.shrui %get3A_271, %shift_right_logical3A_273 : vector<16xi32>
        %swap3A_275 = arith.constant 0 : i32
        %swap3A_276 = arith.index_cast %swap3A_275 : i32 to index
        %swap3A_277 = arith.constant 16 : index
        %swap3A_278 = tpu.vector_load %arg15[%swap3A_276, %swap3A_277] {strides = array<i32>} : memref<1x64xi32, #tpu.memory_space<vmem>>, vector<1x16xi32>,
        %swap3A_279 = vector.shape_cast %swap3A_278 : vector<1x16xi32> to vector<16xi32>
        %swap3A_280 = vector.shape_cast %shift_right_logical3A_274 : vector<16xi32> to vector<1x16xi32>
        tpu.vector_store %arg15[%swap3A_276, %swap3A_277], %swap3A_280 {strides = array<i32>} : memref<1x64xi32, #tpu.memory_space<vmem>>, vector<1x16xi32>,
        %and3A_281 = arith.constant 16383 : i32
        %and3A_282 = vector.broadcast %and3A_281 : i32 to vector<16xi32>
        %and3A_283 = arith.andi %get3A_271, %and3A_282 : vector<16xi32>
        %swap3A_284 = arith.constant 0 : i32
        %swap3A_285 = arith.index_cast %swap3A_284 : i32 to index
        %swap3A_286 = arith.constant 16 : index
        %swap3A_287 = tpu.vector_load %arg18[%swap3A_285, %swap3A_286] {strides = array<i32>} : memref<1x64xi32, #tpu.memory_space<vmem>>, vector<1x16xi32>,
        %swap3A_288 = vector.shape_cast %swap3A_287 : vector<1x16xi32> to vector<16xi32>
        %swap3A_289 = vector.shape_cast %and3A_283 : vector<16xi32> to vector<1x16xi32>
        tpu.vector_store %arg18[%swap3A_285, %swap3A_286], %swap3A_289 {strides = array<i32>} : memref<1x64xi32, #tpu.memory_space<vmem>>, vector<1x16xi32>,
        %mul3A_290 = arith.constant 64 : i32
        %mul3A_291 = arith.muli %add3A_205, %mul3A_290 : i32
        %add3A_292 = arith.constant 32 : i32
        %add3A_293 = arith.addi %mul3A_291, %add3A_292 : i32
        %get3A_294 = arith.index_cast %add3A_293 : i32 to index
        %get3A_295 = tpu.vector_load %arg11[%get3A_294] {strides = array<i32>} : memref<20544xi32, #tpu.memory_space<vmem>>, vector<16xi32>,
        %get3A_296 = vector.shape_cast %get3A_295 : vector<16xi32> to vector<16xi32>
        %shift_right_logical3A_297 = arith.constant 14 : i32
        %shift_right_logical3A_298 = vector.broadcast %shift_right_logical3A_297 : i32 to vector<16xi32>
        %shift_right_logical3A_299 = arith.shrui %get3A_296, %shift_right_logical3A_298 : vector<16xi32>
        %swap3A_300 = arith.constant 0 : i32
        %swap3A_301 = arith.index_cast %swap3A_300 : i32 to index
        %swap3A_302 = arith.constant 32 : index
        %swap3A_303 = tpu.vector_load %arg15[%swap3A_301, %swap3A_302] {strides = array<i32>} : memref<1x64xi32, #tpu.memory_space<vmem>>, vector<1x16xi32>,
        %swap3A_304 = vector.shape_cast %swap3A_303 : vector<1x16xi32> to vector<16xi32>
        %swap3A_305 = vector.shape_cast %shift_right_logical3A_299 : vector<16xi32> to vector<1x16xi32>
        tpu.vector_store %arg15[%swap3A_301, %swap3A_302], %swap3A_305 {strides = array<i32>} : memref<1x64xi32, #tpu.memory_space<vmem>>, vector<1x16xi32>,
        %and3A_306 = arith.constant 16383 : i32
        %and3A_307 = vector.broadcast %and3A_306 : i32 to vector<16xi32>
        %and3A_308 = arith.andi %get3A_296, %and3A_307 : vector<16xi32>
        %swap3A_309 = arith.constant 0 : i32
        %swap3A_310 = arith.index_cast %swap3A_309 : i32 to index
        %swap3A_311 = arith.constant 32 : index
        %swap3A_312 = tpu.vector_load %arg18[%swap3A_310, %swap3A_311] {strides = array<i32>} : memref<1x64xi32, #tpu.memory_space<vmem>>, vector<1x16xi32>,
        %swap3A_313 = vector.shape_cast %swap3A_312 : vector<1x16xi32> to vector<16xi32>
        %swap3A_314 = vector.shape_cast %and3A_308 : vector<16xi32> to vector<1x16xi32>
        tpu.vector_store %arg18[%swap3A_310, %swap3A_311], %swap3A_314 {strides = array<i32>} : memref<1x64xi32, #tpu.memory_space<vmem>>, vector<1x16xi32>,
        %mul3A_315 = arith.constant 64 : i32
        %mul3A_316 = arith.muli %add3A_205, %mul3A_315 : i32
        %add3A_317 = arith.constant 48 : i32
        %add3A_318 = arith.addi %mul3A_316, %add3A_317 : i32
        %get3A_319 = arith.index_cast %add3A_318 : i32 to index
        %get3A_320 = tpu.vector_load %arg11[%get3A_319] {strides = array<i32>} : memref<20544xi32, #tpu.memory_space<vmem>>, vector<16xi32>,
        %get3A_321 = vector.shape_cast %get3A_320 : vector<16xi32> to vector<16xi32>
        %shift_right_logical3A_322 = arith.constant 14 : i32
        %shift_right_logical3A_323 = vector.broadcast %shift_right_logical3A_322 : i32 to vector<16xi32>
        %shift_right_logical3A_324 = arith.shrui %get3A_321, %shift_right_logical3A_323 : vector<16xi32>
        %swap3A_325 = arith.constant 0 : i32
        %swap3A_326 = arith.index_cast %swap3A_325 : i32 to index
        %swap3A_327 = arith.constant 48 : index
        %swap3A_328 = tpu.vector_load %arg15[%swap3A_326, %swap3A_327] {strides = array<i32>} : memref<1x64xi32, #tpu.memory_space<vmem>>, vector<1x16xi32>,
        %swap3A_329 = vector.shape_cast %swap3A_328 : vector<1x16xi32> to vector<16xi32>
        %swap3A_330 = vector.shape_cast %shift_right_logical3A_324 : vector<16xi32> to vector<1x16xi32>
        tpu.vector_store %arg15[%swap3A_326, %swap3A_327], %swap3A_330 {strides = array<i32>} : memref<1x64xi32, #tpu.memory_space<vmem>>, vector<1x16xi32>,
        %and3A_331 = arith.constant 16383 : i32
        %and3A_332 = vector.broadcast %and3A_331 : i32 to vector<16xi32>
        %and3A_333 = arith.andi %get3A_321, %and3A_332 : vector<16xi32>
        %swap3A_334 = arith.constant 0 : i32
        %swap3A_335 = arith.index_cast %swap3A_334 : i32 to index
        %swap3A_336 = arith.constant 48 : index
        %swap3A_337 = tpu.vector_load %arg18[%swap3A_335, %swap3A_336] {strides = array<i32>} : memref<1x64xi32, #tpu.memory_space<vmem>>, vector<1x16xi32>,
        %swap3A_338 = vector.shape_cast %swap3A_337 : vector<1x16xi32> to vector<16xi32>
        %swap3A_339 = vector.shape_cast %and3A_333 : vector<16xi32> to vector<1x16xi32>
        tpu.vector_store %arg18[%swap3A_335, %swap3A_336], %swap3A_339 {strides = array<i32>} : memref<1x64xi32, #tpu.memory_space<vmem>>, vector<1x16xi32>,
        %dma_start3A_340 = arith.constant 0 : i32
        %dma_start3A_341 = arith.constant 0 : i32
        %dma_start3A_342 = tpu.memref_slice %arg15[%dma_start3A_340, %dma_start3A_341] : memref<1x64xi32, #tpu.memory_space<vmem>> -> memref<1x64xi32, #tpu.memory_space<vmem>>
        %dma_start3A_343 = tpu.memref_squeeze %dma_start3A_342 : memref<1x64xi32, #tpu.memory_space<vmem>> -> memref<64xi32, #tpu.memory_space<vmem>>
        %dma_start3A_344 = arith.constant 0 : i32
        %dma_start3A_345 = arith.constant 0 : i32
        %dma_start3A_346 = tpu.memref_slice %arg2[%dma_start3A_344, %dma_start3A_345] : memref<10000x128xf32, #tpu.memory_space<hbm>> -> memref<10000x128xf32, #tpu.memory_space<hbm>>
        tpu.enqueue_indirect_dma source(%dma_start3A_346 : memref<10000x128xf32, #tpu.memory_space<hbm>>) target(%arg12 : memref<64x128xf32, #tpu.memory_space<vmem>>) offsets(%dma_start3A_343 : memref<64xi32, #tpu.memory_space<vmem>>) semaphore(%arg24 : memref<!tpu.dma_semaphore, #tpu.memory_space<semaphore_mem>>)
      } else {
      }
      %add3A_209 = arith.constant 1 : i32
      %add3A_210 = arith.addi %mul3A_203, %add3A_209 : i32
      %lt3A_211 = arith.cmpi slt, %add3A_210, %div3A_164 : i32
      %convert_element_type3A_212 = arith.extui %lt3A_211 : i1 to i32
      %cond3A_213 = arith.constant 0 : i32
      %cond3A_214 = arith.cmpi ne, %convert_element_type3A_212, %cond3A_213 : i32
      scf.if %cond3A_214 {
        %ge3A = arith.constant 3 : i32
        %ge3A_239 = arith.cmpi sge, %add3A_210, %ge3A : i32
        %convert_element_type3A_240 = arith.extui %ge3A_239 : i1 to i32
        %cond3A_241 = arith.constant 0 : i32
        %cond3A_242 = arith.cmpi ne, %convert_element_type3A_240, %cond3A_241 : i32
        scf.if %cond3A_242 {
          %dma_wait3A = arith.constant 0 : i32
          %dma_wait3A_347 = arith.constant 0 : i32
          %dma_wait3A_348 = tpu.memref_slice %arg19[%dma_wait3A, %dma_wait3A_347] : memref<1x64xi32, #tpu.memory_space<vmem>> -> memref<1x64xi32, #tpu.memory_space<vmem>>
          %dma_wait3A_349 = tpu.memref_squeeze %dma_wait3A_348 : memref<1x64xi32, #tpu.memory_space<vmem>> -> memref<64xi32, #tpu.memory_space<vmem>>
          %dma_wait3A_350 = arith.constant 0 : i32
          %dma_wait3A_351 = arith.constant 0 : i32
          %dma_wait3A_352 = tpu.memref_slice %arg21[%dma_wait3A_350, %dma_wait3A_351] : memref<10304x128xf32, #tpu.memory_space<vmem_shared>> -> memref<10304x128xf32, #tpu.memory_space<vmem_shared>>
          tpu.wait_indirect_dma semaphore(%arg28 : memref<!tpu.dma_semaphore, #tpu.memory_space<semaphore_mem>>) src(%arg13 : memref<64x128xf32, #tpu.memory_space<vmem>>) dst(%dma_wait3A_352 : memref<10304x128xf32, #tpu.memory_space<vmem_shared>>)
        } else {
        }
        %mul3A_243 = arith.constant 64 : i32
        %mul3A_244 = arith.muli %add3A_210, %mul3A_243 : i32
        %add3A_245 = arith.constant 0 : i32
        %add3A_246 = arith.addi %mul3A_244, %add3A_245 : i32
        %get3A = arith.index_cast %add3A_246 : i32 to index
        %get3A_247 = tpu.vector_load %arg11[%get3A] {strides = array<i32>} : memref<20544xi32, #tpu.memory_space<vmem>>, vector<16xi32>,
        %get3A_248 = vector.shape_cast %get3A_247 : vector<16xi32> to vector<16xi32>
        %shift_right_logical3A = arith.constant 14 : i32
        %shift_right_logical3A_249 = vector.broadcast %shift_right_logical3A : i32 to vector<16xi32>
        %shift_right_logical3A_250 = arith.shrui %get3A_248, %shift_right_logical3A_249 : vector<16xi32>
        %swap3A_251 = arith.constant 0 : i32
        %swap3A_252 = arith.index_cast %swap3A_251 : i32 to index
        %swap3A_253 = arith.constant 0 : index
        %swap3A_254 = tpu.vector_load %arg16[%swap3A_252, %swap3A_253] {strides = array<i32>} : memref<1x64xi32, #tpu.memory_space<vmem>>, vector<1x16xi32>,
        %swap3A_255 = vector.shape_cast %swap3A_254 : vector<1x16xi32> to vector<16xi32>
        %swap3A_256 = vector.shape_cast %shift_right_logical3A_250 : vector<16xi32> to vector<1x16xi32>
        tpu.vector_store %arg16[%swap3A_252, %swap3A_253], %swap3A_256 {strides = array<i32>} : memref<1x64xi32, #tpu.memory_space<vmem>>, vector<1x16xi32>,
        %and3A = arith.constant 16383 : i32
        %and3A_257 = vector.broadcast %and3A : i32 to vector<16xi32>
        %and3A_258 = arith.andi %get3A_248, %and3A_257 : vector<16xi32>
        %swap3A_259 = arith.constant 0 : i32
        %swap3A_260 = arith.index_cast %swap3A_259 : i32 to index
        %swap3A_261 = arith.constant 0 : index
        %swap3A_262 = tpu.vector_load %arg19[%swap3A_260, %swap3A_261] {strides = array<i32>} : memref<1x64xi32, #tpu.memory_space<vmem>>, vector<1x16xi32>,
        %swap3A_263 = vector.shape_cast %swap3A_262 : vector<1x16xi32> to vector<16xi32>
        %swap3A_264 = vector.shape_cast %and3A_258 : vector<16xi32> to vector<1x16xi32>
        tpu.vector_store %arg19[%swap3A_260, %swap3A_261], %swap3A_264 {strides = array<i32>} : memref<1x64xi32, #tpu.memory_space<vmem>>, vector<1x16xi32>,
        %mul3A_265 = arith.constant 64 : i32
        %mul3A_266 = arith.muli %add3A_210, %mul3A_265 : i32
        %add3A_267 = arith.constant 16 : i32
        %add3A_268 = arith.addi %mul3A_266, %add3A_267 : i32
        %get3A_269 = arith.index_cast %add3A_268 : i32 to index
        %get3A_270 = tpu.vector_load %arg11[%get3A_269] {strides = array<i32>} : memref<20544xi32, #tpu.memory_space<vmem>>, vector<16xi32>,
        %get3A_271 = vector.shape_cast %get3A_270 : vector<16xi32> to vector<16xi32>
        %shift_right_logical3A_272 = arith.constant 14 : i32
        %shift_right_logical3A_273 = vector.broadcast %shift_right_logical3A_272 : i32 to vector<16xi32>
        %shift_right_logical3A_274 = arith.shrui %get3A_271, %shift_right_logical3A_273 : vector<16xi32>
        %swap3A_275 = arith.constant 0 : i32
        %swap3A_276 = arith.index_cast %swap3A_275 : i32 to index
        %swap3A_277 = arith.constant 16 : index
        %swap3A_278 = tpu.vector_load %arg16[%swap3A_276, %swap3A_277] {strides = array<i32>} : memref<1x64xi32, #tpu.memory_space<vmem>>, vector<1x16xi32>,
        %swap3A_279 = vector.shape_cast %swap3A_278 : vector<1x16xi32> to vector<16xi32>
        %swap3A_280 = vector.shape_cast %shift_right_logical3A_274 : vector<16xi32> to vector<1x16xi32>
        tpu.vector_store %arg16[%swap3A_276, %swap3A_277], %swap3A_280 {strides = array<i32>} : memref<1x64xi32, #tpu.memory_space<vmem>>, vector<1x16xi32>,
        %and3A_281 = arith.constant 16383 : i32
        %and3A_282 = vector.broadcast %and3A_281 : i32 to vector<16xi32>
        %and3A_283 = arith.andi %get3A_271, %and3A_282 : vector<16xi32>
        %swap3A_284 = arith.constant 0 : i32
        %swap3A_285 = arith.index_cast %swap3A_284 : i32 to index
        %swap3A_286 = arith.constant 16 : index
        %swap3A_287 = tpu.vector_load %arg19[%swap3A_285, %swap3A_286] {strides = array<i32>} : memref<1x64xi32, #tpu.memory_space<vmem>>, vector<1x16xi32>,
        %swap3A_288 = vector.shape_cast %swap3A_287 : vector<1x16xi32> to vector<16xi32>
        %swap3A_289 = vector.shape_cast %and3A_283 : vector<16xi32> to vector<1x16xi32>
        tpu.vector_store %arg19[%swap3A_285, %swap3A_286], %swap3A_289 {strides = array<i32>} : memref<1x64xi32, #tpu.memory_space<vmem>>, vector<1x16xi32>,
        %mul3A_290 = arith.constant 64 : i32
        %mul3A_291 = arith.muli %add3A_210, %mul3A_290 : i32
        %add3A_292 = arith.constant 32 : i32
        %add3A_293 = arith.addi %mul3A_291, %add3A_292 : i32
        %get3A_294 = arith.index_cast %add3A_293 : i32 to index
        %get3A_295 = tpu.vector_load %arg11[%get3A_294] {strides = array<i32>} : memref<20544xi32, #tpu.memory_space<vmem>>, vector<16xi32>,
        %get3A_296 = vector.shape_cast %get3A_295 : vector<16xi32> to vector<16xi32>
        %shift_right_logical3A_297 = arith.constant 14 : i32
        %shift_right_logical3A_298 = vector.broadcast %shift_right_logical3A_297 : i32 to vector<16xi32>
        %shift_right_logical3A_299 = arith.shrui %get3A_296, %shift_right_logical3A_298 : vector<16xi32>
        %swap3A_300 = arith.constant 0 : i32
        %swap3A_301 = arith.index_cast %swap3A_300 : i32 to index
        %swap3A_302 = arith.constant 32 : index
        %swap3A_303 = tpu.vector_load %arg16[%swap3A_301, %swap3A_302] {strides = array<i32>} : memref<1x64xi32, #tpu.memory_space<vmem>>, vector<1x16xi32>,
        %swap3A_304 = vector.shape_cast %swap3A_303 : vector<1x16xi32> to vector<16xi32>
        %swap3A_305 = vector.shape_cast %shift_right_logical3A_299 : vector<16xi32> to vector<1x16xi32>
        tpu.vector_store %arg16[%swap3A_301, %swap3A_302], %swap3A_305 {strides = array<i32>} : memref<1x64xi32, #tpu.memory_space<vmem>>, vector<1x16xi32>,
        %and3A_306 = arith.constant 16383 : i32
        %and3A_307 = vector.broadcast %and3A_306 : i32 to vector<16xi32>
        %and3A_308 = arith.andi %get3A_296, %and3A_307 : vector<16xi32>
        %swap3A_309 = arith.constant 0 : i32
        %swap3A_310 = arith.index_cast %swap3A_309 : i32 to index
        %swap3A_311 = arith.constant 32 : index
        %swap3A_312 = tpu.vector_load %arg19[%swap3A_310, %swap3A_311] {strides = array<i32>} : memref<1x64xi32, #tpu.memory_space<vmem>>, vector<1x16xi32>,
        %swap3A_313 = vector.shape_cast %swap3A_312 : vector<1x16xi32> to vector<16xi32>
        %swap3A_314 = vector.shape_cast %and3A_308 : vector<16xi32> to vector<1x16xi32>
        tpu.vector_store %arg19[%swap3A_310, %swap3A_311], %swap3A_314 {strides = array<i32>} : memref<1x64xi32, #tpu.memory_space<vmem>>, vector<1x16xi32>,
        %mul3A_315 = arith.constant 64 : i32
        %mul3A_316 = arith.muli %add3A_210, %mul3A_315 : i32
        %add3A_317 = arith.constant 48 : i32
        %add3A_318 = arith.addi %mul3A_316, %add3A_317 : i32
        %get3A_319 = arith.index_cast %add3A_318 : i32 to index
        %get3A_320 = tpu.vector_load %arg11[%get3A_319] {strides = array<i32>} : memref<20544xi32, #tpu.memory_space<vmem>>, vector<16xi32>,
        %get3A_321 = vector.shape_cast %get3A_320 : vector<16xi32> to vector<16xi32>
        %shift_right_logical3A_322 = arith.constant 14 : i32
        %shift_right_logical3A_323 = vector.broadcast %shift_right_logical3A_322 : i32 to vector<16xi32>
        %shift_right_logical3A_324 = arith.shrui %get3A_321, %shift_right_logical3A_323 : vector<16xi32>
        %swap3A_325 = arith.constant 0 : i32
        %swap3A_326 = arith.index_cast %swap3A_325 : i32 to index
        %swap3A_327 = arith.constant 48 : index
        %swap3A_328 = tpu.vector_load %arg16[%swap3A_326, %swap3A_327] {strides = array<i32>} : memref<1x64xi32, #tpu.memory_space<vmem>>, vector<1x16xi32>,
        %swap3A_329 = vector.shape_cast %swap3A_328 : vector<1x16xi32> to vector<16xi32>
        %swap3A_330 = vector.shape_cast %shift_right_logical3A_324 : vector<16xi32> to vector<1x16xi32>
        tpu.vector_store %arg16[%swap3A_326, %swap3A_327], %swap3A_330 {strides = array<i32>} : memref<1x64xi32, #tpu.memory_space<vmem>>, vector<1x16xi32>,
        %and3A_331 = arith.constant 16383 : i32
        %and3A_332 = vector.broadcast %and3A_331 : i32 to vector<16xi32>
        %and3A_333 = arith.andi %get3A_321, %and3A_332 : vector<16xi32>
        %swap3A_334 = arith.constant 0 : i32
        %swap3A_335 = arith.index_cast %swap3A_334 : i32 to index
        %swap3A_336 = arith.constant 48 : index
        %swap3A_337 = tpu.vector_load %arg19[%swap3A_335, %swap3A_336] {strides = array<i32>} : memref<1x64xi32, #tpu.memory_space<vmem>>, vector<1x16xi32>,
        %swap3A_338 = vector.shape_cast %swap3A_337 : vector<1x16xi32> to vector<16xi32>
        %swap3A_339 = vector.shape_cast %and3A_333 : vector<16xi32> to vector<1x16xi32>
        tpu.vector_store %arg19[%swap3A_335, %swap3A_336], %swap3A_339 {strides = array<i32>} : memref<1x64xi32, #tpu.memory_space<vmem>>, vector<1x16xi32>,
        %dma_start3A_340 = arith.constant 0 : i32
        %dma_start3A_341 = arith.constant 0 : i32
        %dma_start3A_342 = tpu.memref_slice %arg16[%dma_start3A_340, %dma_start3A_341] : memref<1x64xi32, #tpu.memory_space<vmem>> -> memref<1x64xi32, #tpu.memory_space<vmem>>
        %dma_start3A_343 = tpu.memref_squeeze %dma_start3A_342 : memref<1x64xi32, #tpu.memory_space<vmem>> -> memref<64xi32, #tpu.memory_space<vmem>>
        %dma_start3A_344 = arith.constant 0 : i32
        %dma_start3A_345 = arith.constant 0 : i32
        %dma_start3A_346 = tpu.memref_slice %arg2[%dma_start3A_344, %dma_start3A_345] : memref<10000x128xf32, #tpu.memory_space<hbm>> -> memref<10000x128xf32, #tpu.memory_space<hbm>>
        tpu.enqueue_indirect_dma source(%dma_start3A_346 : memref<10000x128xf32, #tpu.memory_space<hbm>>) target(%arg13 : memref<64x128xf32, #tpu.memory_space<vmem>>) offsets(%dma_start3A_343 : memref<64xi32, #tpu.memory_space<vmem>>) semaphore(%arg25 : memref<!tpu.dma_semaphore, #tpu.memory_space<semaphore_mem>>)
      } else {
      }
      %add3A_215 = arith.constant 2 : i32
      %add3A_216 = arith.addi %mul3A_203, %add3A_215 : i32
      %lt3A_217 = arith.cmpi slt, %add3A_216, %div3A_164 : i32
      %convert_element_type3A_218 = arith.extui %lt3A_217 : i1 to i32
      %cond3A_219 = arith.constant 0 : i32
      %cond3A_220 = arith.cmpi ne, %convert_element_type3A_218, %cond3A_219 : i32
      scf.if %cond3A_220 {
        %ge3A = arith.constant 3 : i32
        %ge3A_239 = arith.cmpi sge, %add3A_216, %ge3A : i32
        %convert_element_type3A_240 = arith.extui %ge3A_239 : i1 to i32
        %cond3A_241 = arith.constant 0 : i32
        %cond3A_242 = arith.cmpi ne, %convert_element_type3A_240, %cond3A_241 : i32
        scf.if %cond3A_242 {
          %dma_wait3A = arith.constant 0 : i32
          %dma_wait3A_347 = arith.constant 0 : i32
          %dma_wait3A_348 = tpu.memref_slice %arg20[%dma_wait3A, %dma_wait3A_347] : memref<1x64xi32, #tpu.memory_space<vmem>> -> memref<1x64xi32, #tpu.memory_space<vmem>>
          %dma_wait3A_349 = tpu.memref_squeeze %dma_wait3A_348 : memref<1x64xi32, #tpu.memory_space<vmem>> -> memref<64xi32, #tpu.memory_space<vmem>>
          %dma_wait3A_350 = arith.constant 0 : i32
          %dma_wait3A_351 = arith.constant 0 : i32
          %dma_wait3A_352 = tpu.memref_slice %arg21[%dma_wait3A_350, %dma_wait3A_351] : memref<10304x128xf32, #tpu.memory_space<vmem_shared>> -> memref<10304x128xf32, #tpu.memory_space<vmem_shared>>
          tpu.wait_indirect_dma semaphore(%arg29 : memref<!tpu.dma_semaphore, #tpu.memory_space<semaphore_mem>>) src(%arg14 : memref<64x128xf32, #tpu.memory_space<vmem>>) dst(%dma_wait3A_352 : memref<10304x128xf32, #tpu.memory_space<vmem_shared>>)
        } else {
        }
        %mul3A_243 = arith.constant 64 : i32
        %mul3A_244 = arith.muli %add3A_216, %mul3A_243 : i32
        %add3A_245 = arith.constant 0 : i32
        %add3A_246 = arith.addi %mul3A_244, %add3A_245 : i32
        %get3A = arith.index_cast %add3A_246 : i32 to index
        %get3A_247 = tpu.vector_load %arg11[%get3A] {strides = array<i32>} : memref<20544xi32, #tpu.memory_space<vmem>>, vector<16xi32>,
        %get3A_248 = vector.shape_cast %get3A_247 : vector<16xi32> to vector<16xi32>
        %shift_right_logical3A = arith.constant 14 : i32
        %shift_right_logical3A_249 = vector.broadcast %shift_right_logical3A : i32 to vector<16xi32>
        %shift_right_logical3A_250 = arith.shrui %get3A_248, %shift_right_logical3A_249 : vector<16xi32>
        %swap3A_251 = arith.constant 0 : i32
        %swap3A_252 = arith.index_cast %swap3A_251 : i32 to index
        %swap3A_253 = arith.constant 0 : index
        %swap3A_254 = tpu.vector_load %arg17[%swap3A_252, %swap3A_253] {strides = array<i32>} : memref<1x64xi32, #tpu.memory_space<vmem>>, vector<1x16xi32>,
        %swap3A_255 = vector.shape_cast %swap3A_254 : vector<1x16xi32> to vector<16xi32>
        %swap3A_256 = vector.shape_cast %shift_right_logical3A_250 : vector<16xi32> to vector<1x16xi32>
        tpu.vector_store %arg17[%swap3A_252, %swap3A_253], %swap3A_256 {strides = array<i32>} : memref<1x64xi32, #tpu.memory_space<vmem>>, vector<1x16xi32>,
        %and3A = arith.constant 16383 : i32
        %and3A_257 = vector.broadcast %and3A : i32 to vector<16xi32>
        %and3A_258 = arith.andi %get3A_248, %and3A_257 : vector<16xi32>
        %swap3A_259 = arith.constant 0 : i32
        %swap3A_260 = arith.index_cast %swap3A_259 : i32 to index
        %swap3A_261 = arith.constant 0 : index
        %swap3A_262 = tpu.vector_load %arg20[%swap3A_260, %swap3A_261] {strides = array<i32>} : memref<1x64xi32, #tpu.memory_space<vmem>>, vector<1x16xi32>,
        %swap3A_263 = vector.shape_cast %swap3A_262 : vector<1x16xi32> to vector<16xi32>
        %swap3A_264 = vector.shape_cast %and3A_258 : vector<16xi32> to vector<1x16xi32>
        tpu.vector_store %arg20[%swap3A_260, %swap3A_261], %swap3A_264 {strides = array<i32>} : memref<1x64xi32, #tpu.memory_space<vmem>>, vector<1x16xi32>,
        %mul3A_265 = arith.constant 64 : i32
        %mul3A_266 = arith.muli %add3A_216, %mul3A_265 : i32
        %add3A_267 = arith.constant 16 : i32
        %add3A_268 = arith.addi %mul3A_266, %add3A_267 : i32
        %get3A_269 = arith.index_cast %add3A_268 : i32 to index
        %get3A_270 = tpu.vector_load %arg11[%get3A_269] {strides = array<i32>} : memref<20544xi32, #tpu.memory_space<vmem>>, vector<16xi32>,
        %get3A_271 = vector.shape_cast %get3A_270 : vector<16xi32> to vector<16xi32>
        %shift_right_logical3A_272 = arith.constant 14 : i32
        %shift_right_logical3A_273 = vector.broadcast %shift_right_logical3A_272 : i32 to vector<16xi32>
        %shift_right_logical3A_274 = arith.shrui %get3A_271, %shift_right_logical3A_273 : vector<16xi32>
        %swap3A_275 = arith.constant 0 : i32
        %swap3A_276 = arith.index_cast %swap3A_275 : i32 to index
        %swap3A_277 = arith.constant 16 : index
        %swap3A_278 = tpu.vector_load %arg17[%swap3A_276, %swap3A_277] {strides = array<i32>} : memref<1x64xi32, #tpu.memory_space<vmem>>, vector<1x16xi32>,
        %swap3A_279 = vector.shape_cast %swap3A_278 : vector<1x16xi32> to vector<16xi32>
        %swap3A_280 = vector.shape_cast %shift_right_logical3A_274 : vector<16xi32> to vector<1x16xi32>
        tpu.vector_store %arg17[%swap3A_276, %swap3A_277], %swap3A_280 {strides = array<i32>} : memref<1x64xi32, #tpu.memory_space<vmem>>, vector<1x16xi32>,
        %and3A_281 = arith.constant 16383 : i32
        %and3A_282 = vector.broadcast %and3A_281 : i32 to vector<16xi32>
        %and3A_283 = arith.andi %get3A_271, %and3A_282 : vector<16xi32>
        %swap3A_284 = arith.constant 0 : i32
        %swap3A_285 = arith.index_cast %swap3A_284 : i32 to index
        %swap3A_286 = arith.constant 16 : index
        %swap3A_287 = tpu.vector_load %arg20[%swap3A_285, %swap3A_286] {strides = array<i32>} : memref<1x64xi32, #tpu.memory_space<vmem>>, vector<1x16xi32>,
        %swap3A_288 = vector.shape_cast %swap3A_287 : vector<1x16xi32> to vector<16xi32>
        %swap3A_289 = vector.shape_cast %and3A_283 : vector<16xi32> to vector<1x16xi32>
        tpu.vector_store %arg20[%swap3A_285, %swap3A_286], %swap3A_289 {strides = array<i32>} : memref<1x64xi32, #tpu.memory_space<vmem>>, vector<1x16xi32>,
        %mul3A_290 = arith.constant 64 : i32
        %mul3A_291 = arith.muli %add3A_216, %mul3A_290 : i32
        %add3A_292 = arith.constant 32 : i32
        %add3A_293 = arith.addi %mul3A_291, %add3A_292 : i32
        %get3A_294 = arith.index_cast %add3A_293 : i32 to index
        %get3A_295 = tpu.vector_load %arg11[%get3A_294] {strides = array<i32>} : memref<20544xi32, #tpu.memory_space<vmem>>, vector<16xi32>,
        %get3A_296 = vector.shape_cast %get3A_295 : vector<16xi32> to vector<16xi32>
        %shift_right_logical3A_297 = arith.constant 14 : i32
        %shift_right_logical3A_298 = vector.broadcast %shift_right_logical3A_297 : i32 to vector<16xi32>
        %shift_right_logical3A_299 = arith.shrui %get3A_296, %shift_right_logical3A_298 : vector<16xi32>
        %swap3A_300 = arith.constant 0 : i32
        %swap3A_301 = arith.index_cast %swap3A_300 : i32 to index
        %swap3A_302 = arith.constant 32 : index
        %swap3A_303 = tpu.vector_load %arg17[%swap3A_301, %swap3A_302] {strides = array<i32>} : memref<1x64xi32, #tpu.memory_space<vmem>>, vector<1x16xi32>,
        %swap3A_304 = vector.shape_cast %swap3A_303 : vector<1x16xi32> to vector<16xi32>
        %swap3A_305 = vector.shape_cast %shift_right_logical3A_299 : vector<16xi32> to vector<1x16xi32>
        tpu.vector_store %arg17[%swap3A_301, %swap3A_302], %swap3A_305 {strides = array<i32>} : memref<1x64xi32, #tpu.memory_space<vmem>>, vector<1x16xi32>,
        %and3A_306 = arith.constant 16383 : i32
        %and3A_307 = vector.broadcast %and3A_306 : i32 to vector<16xi32>
        %and3A_308 = arith.andi %get3A_296, %and3A_307 : vector<16xi32>
        %swap3A_309 = arith.constant 0 : i32
        %swap3A_310 = arith.index_cast %swap3A_309 : i32 to index
        %swap3A_311 = arith.constant 32 : index
        %swap3A_312 = tpu.vector_load %arg20[%swap3A_310, %swap3A_311] {strides = array<i32>} : memref<1x64xi32, #tpu.memory_space<vmem>>, vector<1x16xi32>,
        %swap3A_313 = vector.shape_cast %swap3A_312 : vector<1x16xi32> to vector<16xi32>
        %swap3A_314 = vector.shape_cast %and3A_308 : vector<16xi32> to vector<1x16xi32>
        tpu.vector_store %arg20[%swap3A_310, %swap3A_311], %swap3A_314 {strides = array<i32>} : memref<1x64xi32, #tpu.memory_space<vmem>>, vector<1x16xi32>,
        %mul3A_315 = arith.constant 64 : i32
        %mul3A_316 = arith.muli %add3A_216, %mul3A_315 : i32
        %add3A_317 = arith.constant 48 : i32
        %add3A_318 = arith.addi %mul3A_316, %add3A_317 : i32
        %get3A_319 = arith.index_cast %add3A_318 : i32 to index
        %get3A_320 = tpu.vector_load %arg11[%get3A_319] {strides = array<i32>} : memref<20544xi32, #tpu.memory_space<vmem>>, vector<16xi32>,
        %get3A_321 = vector.shape_cast %get3A_320 : vector<16xi32> to vector<16xi32>
        %shift_right_logical3A_322 = arith.constant 14 : i32
        %shift_right_logical3A_323 = vector.broadcast %shift_right_logical3A_322 : i32 to vector<16xi32>
        %shift_right_logical3A_324 = arith.shrui %get3A_321, %shift_right_logical3A_323 : vector<16xi32>
        %swap3A_325 = arith.constant 0 : i32
        %swap3A_326 = arith.index_cast %swap3A_325 : i32 to index
        %swap3A_327 = arith.constant 48 : index
        %swap3A_328 = tpu.vector_load %arg17[%swap3A_326, %swap3A_327] {strides = array<i32>} : memref<1x64xi32, #tpu.memory_space<vmem>>, vector<1x16xi32>,
        %swap3A_329 = vector.shape_cast %swap3A_328 : vector<1x16xi32> to vector<16xi32>
        %swap3A_330 = vector.shape_cast %shift_right_logical3A_324 : vector<16xi32> to vector<1x16xi32>
        tpu.vector_store %arg17[%swap3A_326, %swap3A_327], %swap3A_330 {strides = array<i32>} : memref<1x64xi32, #tpu.memory_space<vmem>>, vector<1x16xi32>,
        %and3A_331 = arith.constant 16383 : i32
        %and3A_332 = vector.broadcast %and3A_331 : i32 to vector<16xi32>
        %and3A_333 = arith.andi %get3A_321, %and3A_332 : vector<16xi32>
        %swap3A_334 = arith.constant 0 : i32
        %swap3A_335 = arith.index_cast %swap3A_334 : i32 to index
        %swap3A_336 = arith.constant 48 : index
        %swap3A_337 = tpu.vector_load %arg20[%swap3A_335, %swap3A_336] {strides = array<i32>} : memref<1x64xi32, #tpu.memory_space<vmem>>, vector<1x16xi32>,
        %swap3A_338 = vector.shape_cast %swap3A_337 : vector<1x16xi32> to vector<16xi32>
        %swap3A_339 = vector.shape_cast %and3A_333 : vector<16xi32> to vector<1x16xi32>
        tpu.vector_store %arg20[%swap3A_335, %swap3A_336], %swap3A_339 {strides = array<i32>} : memref<1x64xi32, #tpu.memory_space<vmem>>, vector<1x16xi32>,
        %dma_start3A_340 = arith.constant 0 : i32
        %dma_start3A_341 = arith.constant 0 : i32
        %dma_start3A_342 = tpu.memref_slice %arg17[%dma_start3A_340, %dma_start3A_341] : memref<1x64xi32, #tpu.memory_space<vmem>> -> memref<1x64xi32, #tpu.memory_space<vmem>>
        %dma_start3A_343 = tpu.memref_squeeze %dma_start3A_342 : memref<1x64xi32, #tpu.memory_space<vmem>> -> memref<64xi32, #tpu.memory_space<vmem>>
        %dma_start3A_344 = arith.constant 0 : i32
        %dma_start3A_345 = arith.constant 0 : i32
        %dma_start3A_346 = tpu.memref_slice %arg2[%dma_start3A_344, %dma_start3A_345] : memref<10000x128xf32, #tpu.memory_space<hbm>> -> memref<10000x128xf32, #tpu.memory_space<hbm>>
        tpu.enqueue_indirect_dma source(%dma_start3A_346 : memref<10000x128xf32, #tpu.memory_space<hbm>>) target(%arg14 : memref<64x128xf32, #tpu.memory_space<vmem>>) offsets(%dma_start3A_343 : memref<64xi32, #tpu.memory_space<vmem>>) semaphore(%arg26 : memref<!tpu.dma_semaphore, #tpu.memory_space<semaphore_mem>>)
      } else {
      }
      %add3A_221 = arith.constant 0 : i32
      %add3A_222 = arith.addi %mul3A_203, %add3A_221 : i32
      %lt3A_223 = arith.cmpi slt, %add3A_222, %div3A_164 : i32
      %convert_element_type3A_224 = arith.extui %lt3A_223 : i1 to i32
      %cond3A_225 = arith.constant 0 : i32
      %cond3A_226 = arith.cmpi ne, %convert_element_type3A_224, %cond3A_225 : i32
      scf.if %cond3A_226 {
        %dma_wait3A = arith.constant 0 : i32
        %dma_wait3A_239 = arith.constant 0 : i32
        %dma_wait3A_240 = tpu.memref_slice %arg15[%dma_wait3A, %dma_wait3A_239] : memref<1x64xi32, #tpu.memory_space<vmem>> -> memref<1x64xi32, #tpu.memory_space<vmem>>
        %dma_wait3A_241 = tpu.memref_squeeze %dma_wait3A_240 : memref<1x64xi32, #tpu.memory_space<vmem>> -> memref<64xi32, #tpu.memory_space<vmem>>
        %dma_wait3A_242 = arith.constant 0 : i32
        %dma_wait3A_243 = arith.constant 0 : i32
        %dma_wait3A_244 = tpu.memref_slice %arg2[%dma_wait3A_242, %dma_wait3A_243] : memref<10000x128xf32, #tpu.memory_space<hbm>> -> memref<10000x128xf32, #tpu.memory_space<hbm>>
        tpu.wait_indirect_dma semaphore(%arg24 : memref<!tpu.dma_semaphore, #tpu.memory_space<semaphore_mem>>) src(%dma_wait3A_244 : memref<10000x128xf32, #tpu.memory_space<hbm>>) dst(%arg12 : memref<64x128xf32, #tpu.memory_space<vmem>>)
        %dma_start3A_245 = arith.constant 0 : i32
        %dma_start3A_246 = arith.constant 0 : i32
        %dma_start3A_247 = tpu.memref_slice %arg18[%dma_start3A_245, %dma_start3A_246] : memref<1x64xi32, #tpu.memory_space<vmem>> -> memref<1x64xi32, #tpu.memory_space<vmem>>
        %dma_start3A_248 = tpu.memref_squeeze %dma_start3A_247 : memref<1x64xi32, #tpu.memory_space<vmem>> -> memref<64xi32, #tpu.memory_space<vmem>>
        %dma_start3A_249 = arith.constant 0 : i32
        %dma_start3A_250 = arith.constant 0 : i32
        %dma_start3A_251 = tpu.memref_slice %arg21[%dma_start3A_249, %dma_start3A_250] : memref<10304x128xf32, #tpu.memory_space<vmem_shared>> -> memref<10304x128xf32, #tpu.memory_space<vmem_shared>>
        tpu.enqueue_indirect_dma source(%arg12 : memref<64x128xf32, #tpu.memory_space<vmem>>) target(%dma_start3A_251 : memref<10304x128xf32, #tpu.memory_space<vmem_shared>>) offsets(%dma_start3A_248 : memref<64xi32, #tpu.memory_space<vmem>>) semaphore(%arg27 : memref<!tpu.dma_semaphore, #tpu.memory_space<semaphore_mem>>) {add = true}
      } else {
      }
      %add3A_227 = arith.constant 1 : i32
      %add3A_228 = arith.addi %mul3A_203, %add3A_227 : i32
      %lt3A_229 = arith.cmpi slt, %add3A_228, %div3A_164 : i32
      %convert_element_type3A_230 = arith.extui %lt3A_229 : i1 to i32
      %cond3A_231 = arith.constant 0 : i32
      %cond3A_232 = arith.cmpi ne, %convert_element_type3A_230, %cond3A_231 : i32
      scf.if %cond3A_232 {
        %dma_wait3A = arith.constant 0 : i32
        %dma_wait3A_239 = arith.constant 0 : i32
        %dma_wait3A_240 = tpu.memref_slice %arg16[%dma_wait3A, %dma_wait3A_239] : memref<1x64xi32, #tpu.memory_space<vmem>> -> memref<1x64xi32, #tpu.memory_space<vmem>>
        %dma_wait3A_241 = tpu.memref_squeeze %dma_wait3A_240 : memref<1x64xi32, #tpu.memory_space<vmem>> -> memref<64xi32, #tpu.memory_space<vmem>>
        %dma_wait3A_242 = arith.constant 0 : i32
        %dma_wait3A_243 = arith.constant 0 : i32
        %dma_wait3A_244 = tpu.memref_slice %arg2[%dma_wait3A_242, %dma_wait3A_243] : memref<10000x128xf32, #tpu.memory_space<hbm>> -> memref<10000x128xf32, #tpu.memory_space<hbm>>
        tpu.wait_indirect_dma semaphore(%arg25 : memref<!tpu.dma_semaphore, #tpu.memory_space<semaphore_mem>>) src(%dma_wait3A_244 : memref<10000x128xf32, #tpu.memory_space<hbm>>) dst(%arg13 : memref<64x128xf32, #tpu.memory_space<vmem>>)
        %dma_start3A_245 = arith.constant 0 : i32
        %dma_start3A_246 = arith.constant 0 : i32
        %dma_start3A_247 = tpu.memref_slice %arg19[%dma_start3A_245, %dma_start3A_246] : memref<1x64xi32, #tpu.memory_space<vmem>> -> memref<1x64xi32, #tpu.memory_space<vmem>>
        %dma_start3A_248 = tpu.memref_squeeze %dma_start3A_247 : memref<1x64xi32, #tpu.memory_space<vmem>> -> memref<64xi32, #tpu.memory_space<vmem>>
        %dma_start3A_249 = arith.constant 0 : i32
        %dma_start3A_250 = arith.constant 0 : i32
        %dma_start3A_251 = tpu.memref_slice %arg21[%dma_start3A_249, %dma_start3A_250] : memref<10304x128xf32, #tpu.memory_space<vmem_shared>> -> memref<10304x128xf32, #tpu.memory_space<vmem_shared>>
        tpu.enqueue_indirect_dma source(%arg13 : memref<64x128xf32, #tpu.memory_space<vmem>>) target(%dma_start3A_251 : memref<10304x128xf32, #tpu.memory_space<vmem_shared>>) offsets(%dma_start3A_248 : memref<64xi32, #tpu.memory_space<vmem>>) semaphore(%arg28 : memref<!tpu.dma_semaphore, #tpu.memory_space<semaphore_mem>>) {add = true}
      } else {
      }
      %add3A_233 = arith.constant 2 : i32
      %add3A_234 = arith.addi %mul3A_203, %add3A_233 : i32
      %lt3A_235 = arith.cmpi slt, %add3A_234, %div3A_164 : i32
      %convert_element_type3A_236 = arith.extui %lt3A_235 : i1 to i32
      %cond3A_237 = arith.constant 0 : i32
      %cond3A_238 = arith.cmpi ne, %convert_element_type3A_236, %cond3A_237 : i32
      scf.if %cond3A_238 {
        %dma_wait3A = arith.constant 0 : i32
        %dma_wait3A_239 = arith.constant 0 : i32
        %dma_wait3A_240 = tpu.memref_slice %arg17[%dma_wait3A, %dma_wait3A_239] : memref<1x64xi32, #tpu.memory_space<vmem>> -> memref<1x64xi32, #tpu.memory_space<vmem>>
        %dma_wait3A_241 = tpu.memref_squeeze %dma_wait3A_240 : memref<1x64xi32, #tpu.memory_space<vmem>> -> memref<64xi32, #tpu.memory_space<vmem>>
        %dma_wait3A_242 = arith.constant 0 : i32
        %dma_wait3A_243 = arith.constant 0 : i32
        %dma_wait3A_244 = tpu.memref_slice %arg2[%dma_wait3A_242, %dma_wait3A_243] : memref<10000x128xf32, #tpu.memory_space<hbm>> -> memref<10000x128xf32, #tpu.memory_space<hbm>>
        tpu.wait_indirect_dma semaphore(%arg26 : memref<!tpu.dma_semaphore, #tpu.memory_space<semaphore_mem>>) src(%dma_wait3A_244 : memref<10000x128xf32, #tpu.memory_space<hbm>>) dst(%arg14 : memref<64x128xf32, #tpu.memory_space<vmem>>)
        %dma_start3A_245 = arith.constant 0 : i32
        %dma_start3A_246 = arith.constant 0 : i32
        %dma_start3A_247 = tpu.memref_slice %arg20[%dma_start3A_245, %dma_start3A_246] : memref<1x64xi32, #tpu.memory_space<vmem>> -> memref<1x64xi32, #tpu.memory_space<vmem>>
        %dma_start3A_248 = tpu.memref_squeeze %dma_start3A_247 : memref<1x64xi32, #tpu.memory_space<vmem>> -> memref<64xi32, #tpu.memory_space<vmem>>
        %dma_start3A_249 = arith.constant 0 : i32
        %dma_start3A_250 = arith.constant 0 : i32
        %dma_start3A_251 = tpu.memref_slice %arg21[%dma_start3A_249, %dma_start3A_250] : memref<10304x128xf32, #tpu.memory_space<vmem_shared>> -> memref<10304x128xf32, #tpu.memory_space<vmem_shared>>
        tpu.enqueue_indirect_dma source(%arg14 : memref<64x128xf32, #tpu.memory_space<vmem>>) target(%dma_start3A_251 : memref<10304x128xf32, #tpu.memory_space<vmem_shared>>) offsets(%dma_start3A_248 : memref<64xi32, #tpu.memory_space<vmem>>) semaphore(%arg29 : memref<!tpu.dma_semaphore, #tpu.memory_space<semaphore_mem>>) {add = true}
      } else {
      }
    }
    %while3A_178 = arith.constant 1 : i32
    scf.for %while3A_201 = %while3A_176 to %while3A_172 step %while3A_178  : i32 {
      %mul3A_202 = arith.constant 3 : i32
      %mul3A_203 = arith.muli %mul3A_202, %while3A_201 : i32
      %add3A_204 = arith.constant 0 : i32
      %add3A_205 = arith.addi %mul3A_203, %add3A_204 : i32
      %lt3A = arith.cmpi slt, %add3A_205, %div3A_164 : i32
      %convert_element_type3A_206 = arith.extui %lt3A : i1 to i32
      %cond3A_207 = arith.constant 0 : i32
      %cond3A_208 = arith.cmpi ne, %convert_element_type3A_206, %cond3A_207 : i32
      scf.if %cond3A_208 {
        %ge3A = arith.constant 3 : i32
        %ge3A_239 = arith.cmpi sge, %add3A_205, %ge3A : i32
        %convert_element_type3A_240 = arith.extui %ge3A_239 : i1 to i32
        %cond3A_241 = arith.constant 0 : i32
        %cond3A_242 = arith.cmpi ne, %convert_element_type3A_240, %cond3A_241 : i32
        scf.if %cond3A_242 {
          %dma_wait3A = arith.constant 0 : i32
          %dma_wait3A_347 = arith.constant 0 : i32
          %dma_wait3A_348 = tpu.memref_slice %arg18[%dma_wait3A, %dma_wait3A_347] : memref<1x64xi32, #tpu.memory_space<vmem>> -> memref<1x64xi32, #tpu.memory_space<vmem>>
          %dma_wait3A_349 = tpu.memref_squeeze %dma_wait3A_348 : memref<1x64xi32, #tpu.memory_space<vmem>> -> memref<64xi32, #tpu.memory_space<vmem>>
          %dma_wait3A_350 = arith.constant 0 : i32
          %dma_wait3A_351 = arith.constant 0 : i32
          %dma_wait3A_352 = tpu.memref_slice %arg21[%dma_wait3A_350, %dma_wait3A_351] : memref<10304x128xf32, #tpu.memory_space<vmem_shared>> -> memref<10304x128xf32, #tpu.memory_space<vmem_shared>>
          tpu.wait_indirect_dma semaphore(%arg27 : memref<!tpu.dma_semaphore, #tpu.memory_space<semaphore_mem>>) src(%arg12 : memref<64x128xf32, #tpu.memory_space<vmem>>) dst(%dma_wait3A_352 : memref<10304x128xf32, #tpu.memory_space<vmem_shared>>)
        } else {
        }
        %mul3A_243 = arith.constant 64 : i32
        %mul3A_244 = arith.muli %add3A_205, %mul3A_243 : i32
        %add3A_245 = arith.constant 0 : i32
        %add3A_246 = arith.addi %mul3A_244, %add3A_245 : i32
        %get3A = arith.index_cast %add3A_246 : i32 to index
        %get3A_247 = tpu.vector_load %arg11[%get3A] {strides = array<i32>} : memref<20544xi32, #tpu.memory_space<vmem>>, vector<16xi32>,
        %get3A_248 = vector.shape_cast %get3A_247 : vector<16xi32> to vector<16xi32>
        %shift_right_logical3A = arith.constant 14 : i32
        %shift_right_logical3A_249 = vector.broadcast %shift_right_logical3A : i32 to vector<16xi32>
        %shift_right_logical3A_250 = arith.shrui %get3A_248, %shift_right_logical3A_249 : vector<16xi32>
        %swap3A_251 = arith.constant 0 : i32
        %swap3A_252 = arith.index_cast %swap3A_251 : i32 to index
        %swap3A_253 = arith.constant 0 : index
        %swap3A_254 = tpu.vector_load %arg15[%swap3A_252, %swap3A_253] {strides = array<i32>} : memref<1x64xi32, #tpu.memory_space<vmem>>, vector<1x16xi32>,
        %swap3A_255 = vector.shape_cast %swap3A_254 : vector<1x16xi32> to vector<16xi32>
        %swap3A_256 = vector.shape_cast %shift_right_logical3A_250 : vector<16xi32> to vector<1x16xi32>
        tpu.vector_store %arg15[%swap3A_252, %swap3A_253], %swap3A_256 {strides = array<i32>} : memref<1x64xi32, #tpu.memory_space<vmem>>, vector<1x16xi32>,
        %and3A = arith.constant 16383 : i32
        %and3A_257 = vector.broadcast %and3A : i32 to vector<16xi32>
        %and3A_258 = arith.andi %get3A_248, %and3A_257 : vector<16xi32>
        %swap3A_259 = arith.constant 0 : i32
        %swap3A_260 = arith.index_cast %swap3A_259 : i32 to index
        %swap3A_261 = arith.constant 0 : index
        %swap3A_262 = tpu.vector_load %arg18[%swap3A_260, %swap3A_261] {strides = array<i32>} : memref<1x64xi32, #tpu.memory_space<vmem>>, vector<1x16xi32>,
        %swap3A_263 = vector.shape_cast %swap3A_262 : vector<1x16xi32> to vector<16xi32>
        %swap3A_264 = vector.shape_cast %and3A_258 : vector<16xi32> to vector<1x16xi32>
        tpu.vector_store %arg18[%swap3A_260, %swap3A_261], %swap3A_264 {strides = array<i32>} : memref<1x64xi32, #tpu.memory_space<vmem>>, vector<1x16xi32>,
        %mul3A_265 = arith.constant 64 : i32
        %mul3A_266 = arith.muli %add3A_205, %mul3A_265 : i32
        %add3A_267 = arith.constant 16 : i32
        %add3A_268 = arith.addi %mul3A_266, %add3A_267 : i32
        %get3A_269 = arith.index_cast %add3A_268 : i32 to index
        %get3A_270 = tpu.vector_load %arg11[%get3A_269] {strides = array<i32>} : memref<20544xi32, #tpu.memory_space<vmem>>, vector<16xi32>,
        %get3A_271 = vector.shape_cast %get3A_270 : vector<16xi32> to vector<16xi32>
        %shift_right_logical3A_272 = arith.constant 14 : i32
        %shift_right_logical3A_273 = vector.broadcast %shift_right_logical3A_272 : i32 to vector<16xi32>
        %shift_right_logical3A_274 = arith.shrui %get3A_271, %shift_right_logical3A_273 : vector<16xi32>
        %swap3A_275 = arith.constant 0 : i32
        %swap3A_276 = arith.index_cast %swap3A_275 : i32 to index
        %swap3A_277 = arith.constant 16 : index
        %swap3A_278 = tpu.vector_load %arg15[%swap3A_276, %swap3A_277] {strides = array<i32>} : memref<1x64xi32, #tpu.memory_space<vmem>>, vector<1x16xi32>,
        %swap3A_279 = vector.shape_cast %swap3A_278 : vector<1x16xi32> to vector<16xi32>
        %swap3A_280 = vector.shape_cast %shift_right_logical3A_274 : vector<16xi32> to vector<1x16xi32>
        tpu.vector_store %arg15[%swap3A_276, %swap3A_277], %swap3A_280 {strides = array<i32>} : memref<1x64xi32, #tpu.memory_space<vmem>>, vector<1x16xi32>,
        %and3A_281 = arith.constant 16383 : i32
        %and3A_282 = vector.broadcast %and3A_281 : i32 to vector<16xi32>
        %and3A_283 = arith.andi %get3A_271, %and3A_282 : vector<16xi32>
        %swap3A_284 = arith.constant 0 : i32
        %swap3A_285 = arith.index_cast %swap3A_284 : i32 to index
        %swap3A_286 = arith.constant 16 : index
        %swap3A_287 = tpu.vector_load %arg18[%swap3A_285, %swap3A_286] {strides = array<i32>} : memref<1x64xi32, #tpu.memory_space<vmem>>, vector<1x16xi32>,
        %swap3A_288 = vector.shape_cast %swap3A_287 : vector<1x16xi32> to vector<16xi32>
        %swap3A_289 = vector.shape_cast %and3A_283 : vector<16xi32> to vector<1x16xi32>
        tpu.vector_store %arg18[%swap3A_285, %swap3A_286], %swap3A_289 {strides = array<i32>} : memref<1x64xi32, #tpu.memory_space<vmem>>, vector<1x16xi32>,
        %mul3A_290 = arith.constant 64 : i32
        %mul3A_291 = arith.muli %add3A_205, %mul3A_290 : i32
        %add3A_292 = arith.constant 32 : i32
        %add3A_293 = arith.addi %mul3A_291, %add3A_292 : i32
        %get3A_294 = arith.index_cast %add3A_293 : i32 to index
        %get3A_295 = tpu.vector_load %arg11[%get3A_294] {strides = array<i32>} : memref<20544xi32, #tpu.memory_space<vmem>>, vector<16xi32>,
        %get3A_296 = vector.shape_cast %get3A_295 : vector<16xi32> to vector<16xi32>
        %shift_right_logical3A_297 = arith.constant 14 : i32
        %shift_right_logical3A_298 = vector.broadcast %shift_right_logical3A_297 : i32 to vector<16xi32>
        %shift_right_logical3A_299 = arith.shrui %get3A_296, %shift_right_logical3A_298 : vector<16xi32>
        %swap3A_300 = arith.constant 0 : i32
        %swap3A_301 = arith.index_cast %swap3A_300 : i32 to index
        %swap3A_302 = arith.constant 32 : index
        %swap3A_303 = tpu.vector_load %arg15[%swap3A_301, %swap3A_302] {strides = array<i32>} : memref<1x64xi32, #tpu.memory_space<vmem>>, vector<1x16xi32>,
        %swap3A_304 = vector.shape_cast %swap3A_303 : vector<1x16xi32> to vector<16xi32>
        %swap3A_305 = vector.shape_cast %shift_right_logical3A_299 : vector<16xi32> to vector<1x16xi32>
        tpu.vector_store %arg15[%swap3A_301, %swap3A_302], %swap3A_305 {strides = array<i32>} : memref<1x64xi32, #tpu.memory_space<vmem>>, vector<1x16xi32>,
        %and3A_306 = arith.constant 16383 : i32
        %and3A_307 = vector.broadcast %and3A_306 : i32 to vector<16xi32>
        %and3A_308 = arith.andi %get3A_296, %and3A_307 : vector<16xi32>
        %swap3A_309 = arith.constant 0 : i32
        %swap3A_310 = arith.index_cast %swap3A_309 : i32 to index
        %swap3A_311 = arith.constant 32 : index
        %swap3A_312 = tpu.vector_load %arg18[%swap3A_310, %swap3A_311] {strides = array<i32>} : memref<1x64xi32, #tpu.memory_space<vmem>>, vector<1x16xi32>,
        %swap3A_313 = vector.shape_cast %swap3A_312 : vector<1x16xi32> to vector<16xi32>
        %swap3A_314 = vector.shape_cast %and3A_308 : vector<16xi32> to vector<1x16xi32>
        tpu.vector_store %arg18[%swap3A_310, %swap3A_311], %swap3A_314 {strides = array<i32>} : memref<1x64xi32, #tpu.memory_space<vmem>>, vector<1x16xi32>,
        %mul3A_315 = arith.constant 64 : i32
        %mul3A_316 = arith.muli %add3A_205, %mul3A_315 : i32
        %add3A_317 = arith.constant 48 : i32
        %add3A_318 = arith.addi %mul3A_316, %add3A_317 : i32
        %get3A_319 = arith.index_cast %add3A_318 : i32 to index
        %get3A_320 = tpu.vector_load %arg11[%get3A_319] {strides = array<i32>} : memref<20544xi32, #tpu.memory_space<vmem>>, vector<16xi32>,
        %get3A_321 = vector.shape_cast %get3A_320 : vector<16xi32> to vector<16xi32>
        %shift_right_logical3A_322 = arith.constant 14 : i32
        %shift_right_logical3A_323 = vector.broadcast %shift_right_logical3A_322 : i32 to vector<16xi32>
        %shift_right_logical3A_324 = arith.shrui %get3A_321, %shift_right_logical3A_323 : vector<16xi32>
        %swap3A_325 = arith.constant 0 : i32
        %swap3A_326 = arith.index_cast %swap3A_325 : i32 to index
        %swap3A_327 = arith.constant 48 : index
        %swap3A_328 = tpu.vector_load %arg15[%swap3A_326, %swap3A_327] {strides = array<i32>} : memref<1x64xi32, #tpu.memory_space<vmem>>, vector<1x16xi32>,
        %swap3A_329 = vector.shape_cast %swap3A_328 : vector<1x16xi32> to vector<16xi32>
        %swap3A_330 = vector.shape_cast %shift_right_logical3A_324 : vector<16xi32> to vector<1x16xi32>
        tpu.vector_store %arg15[%swap3A_326, %swap3A_327], %swap3A_330 {strides = array<i32>} : memref<1x64xi32, #tpu.memory_space<vmem>>, vector<1x16xi32>,
        %and3A_331 = arith.constant 16383 : i32
        %and3A_332 = vector.broadcast %and3A_331 : i32 to vector<16xi32>
        %and3A_333 = arith.andi %get3A_321, %and3A_332 : vector<16xi32>
        %swap3A_334 = arith.constant 0 : i32
        %swap3A_335 = arith.index_cast %swap3A_334 : i32 to index
        %swap3A_336 = arith.constant 48 : index
        %swap3A_337 = tpu.vector_load %arg18[%swap3A_335, %swap3A_336] {strides = array<i32>} : memref<1x64xi32, #tpu.memory_space<vmem>>, vector<1x16xi32>,
        %swap3A_338 = vector.shape_cast %swap3A_337 : vector<1x16xi32> to vector<16xi32>
        %swap3A_339 = vector.shape_cast %and3A_333 : vector<16xi32> to vector<1x16xi32>
        tpu.vector_store %arg18[%swap3A_335, %swap3A_336], %swap3A_339 {strides = array<i32>} : memref<1x64xi32, #tpu.memory_space<vmem>>, vector<1x16xi32>,
        %dma_start3A_340 = arith.constant 0 : i32
        %dma_start3A_341 = arith.constant 0 : i32
        %dma_start3A_342 = tpu.memref_slice %arg15[%dma_start3A_340, %dma_start3A_341] : memref<1x64xi32, #tpu.memory_space<vmem>> -> memref<1x64xi32, #tpu.memory_space<vmem>>
        %dma_start3A_343 = tpu.memref_squeeze %dma_start3A_342 : memref<1x64xi32, #tpu.memory_space<vmem>> -> memref<64xi32, #tpu.memory_space<vmem>>
        %dma_start3A_344 = arith.constant 0 : i32
        %dma_start3A_345 = arith.constant 0 : i32
        %dma_start3A_346 = tpu.memref_slice %arg2[%dma_start3A_344, %dma_start3A_345] : memref<10000x128xf32, #tpu.memory_space<hbm>> -> memref<10000x128xf32, #tpu.memory_space<hbm>>
        tpu.enqueue_indirect_dma source(%dma_start3A_346 : memref<10000x128xf32, #tpu.memory_space<hbm>>) target(%arg12 : memref<64x128xf32, #tpu.memory_space<vmem>>) offsets(%dma_start3A_343 : memref<64xi32, #tpu.memory_space<vmem>>) semaphore(%arg24 : memref<!tpu.dma_semaphore, #tpu.memory_space<semaphore_mem>>)
      } else {
      }
      %add3A_209 = arith.constant 1 : i32
      %add3A_210 = arith.addi %mul3A_203, %add3A_209 : i32
      %lt3A_211 = arith.cmpi slt, %add3A_210, %div3A_164 : i32
      %convert_element_type3A_212 = arith.extui %lt3A_211 : i1 to i32
      %cond3A_213 = arith.constant 0 : i32
      %cond3A_214 = arith.cmpi ne, %convert_element_type3A_212, %cond3A_213 : i32
      scf.if %cond3A_214 {
        %ge3A = arith.constant 3 : i32
        %ge3A_239 = arith.cmpi sge, %add3A_210, %ge3A : i32
        %convert_element_type3A_240 = arith.extui %ge3A_239 : i1 to i32
        %cond3A_241 = arith.constant 0 : i32
        %cond3A_242 = arith.cmpi ne, %convert_element_type3A_240, %cond3A_241 : i32
        scf.if %cond3A_242 {
          %dma_wait3A = arith.constant 0 : i32
          %dma_wait3A_347 = arith.constant 0 : i32
          %dma_wait3A_348 = tpu.memref_slice %arg19[%dma_wait3A, %dma_wait3A_347] : memref<1x64xi32, #tpu.memory_space<vmem>> -> memref<1x64xi32, #tpu.memory_space<vmem>>
          %dma_wait3A_349 = tpu.memref_squeeze %dma_wait3A_348 : memref<1x64xi32, #tpu.memory_space<vmem>> -> memref<64xi32, #tpu.memory_space<vmem>>
          %dma_wait3A_350 = arith.constant 0 : i32
          %dma_wait3A_351 = arith.constant 0 : i32
          %dma_wait3A_352 = tpu.memref_slice %arg21[%dma_wait3A_350, %dma_wait3A_351] : memref<10304x128xf32, #tpu.memory_space<vmem_shared>> -> memref<10304x128xf32, #tpu.memory_space<vmem_shared>>
          tpu.wait_indirect_dma semaphore(%arg28 : memref<!tpu.dma_semaphore, #tpu.memory_space<semaphore_mem>>) src(%arg13 : memref<64x128xf32, #tpu.memory_space<vmem>>) dst(%dma_wait3A_352 : memref<10304x128xf32, #tpu.memory_space<vmem_shared>>)
        } else {
        }
        %mul3A_243 = arith.constant 64 : i32
        %mul3A_244 = arith.muli %add3A_210, %mul3A_243 : i32
        %add3A_245 = arith.constant 0 : i32
        %add3A_246 = arith.addi %mul3A_244, %add3A_245 : i32
        %get3A = arith.index_cast %add3A_246 : i32 to index
        %get3A_247 = tpu.vector_load %arg11[%get3A] {strides = array<i32>} : memref<20544xi32, #tpu.memory_space<vmem>>, vector<16xi32>,
        %get3A_248 = vector.shape_cast %get3A_247 : vector<16xi32> to vector<16xi32>
        %shift_right_logical3A = arith.constant 14 : i32
        %shift_right_logical3A_249 = vector.broadcast %shift_right_logical3A : i32 to vector<16xi32>
        %shift_right_logical3A_250 = arith.shrui %get3A_248, %shift_right_logical3A_249 : vector<16xi32>
        %swap3A_251 = arith.constant 0 : i32
        %swap3A_252 = arith.index_cast %swap3A_251 : i32 to index
        %swap3A_253 = arith.constant 0 : index
        %swap3A_254 = tpu.vector_load %arg16[%swap3A_252, %swap3A_253] {strides = array<i32>} : memref<1x64xi32, #tpu.memory_space<vmem>>, vector<1x16xi32>,
        %swap3A_255 = vector.shape_cast %swap3A_254 : vector<1x16xi32> to vector<16xi32>
        %swap3A_256 = vector.shape_cast %shift_right_logical3A_250 : vector<16xi32> to vector<1x16xi32>
        tpu.vector_store %arg16[%swap3A_252, %swap3A_253], %swap3A_256 {strides = array<i32>} : memref<1x64xi32, #tpu.memory_space<vmem>>, vector<1x16xi32>,
        %and3A = arith.constant 16383 : i32
        %and3A_257 = vector.broadcast %and3A : i32 to vector<16xi32>
        %and3A_258 = arith.andi %get3A_248, %and3A_257 : vector<16xi32>
        %swap3A_259 = arith.constant 0 : i32
        %swap3A_260 = arith.index_cast %swap3A_259 : i32 to index
        %swap3A_261 = arith.constant 0 : index
        %swap3A_262 = tpu.vector_load %arg19[%swap3A_260, %swap3A_261] {strides = array<i32>} : memref<1x64xi32, #tpu.memory_space<vmem>>, vector<1x16xi32>,
        %swap3A_263 = vector.shape_cast %swap3A_262 : vector<1x16xi32> to vector<16xi32>
        %swap3A_264 = vector.shape_cast %and3A_258 : vector<16xi32> to vector<1x16xi32>
        tpu.vector_store %arg19[%swap3A_260, %swap3A_261], %swap3A_264 {strides = array<i32>} : memref<1x64xi32, #tpu.memory_space<vmem>>, vector<1x16xi32>,
        %mul3A_265 = arith.constant 64 : i32
        %mul3A_266 = arith.muli %add3A_210, %mul3A_265 : i32
        %add3A_267 = arith.constant 16 : i32
        %add3A_268 = arith.addi %mul3A_266, %add3A_267 : i32
        %get3A_269 = arith.index_cast %add3A_268 : i32 to index
        %get3A_270 = tpu.vector_load %arg11[%get3A_269] {strides = array<i32>} : memref<20544xi32, #tpu.memory_space<vmem>>, vector<16xi32>,
        %get3A_271 = vector.shape_cast %get3A_270 : vector<16xi32> to vector<16xi32>
        %shift_right_logical3A_272 = arith.constant 14 : i32
        %shift_right_logical3A_273 = vector.broadcast %shift_right_logical3A_272 : i32 to vector<16xi32>
        %shift_right_logical3A_274 = arith.shrui %get3A_271, %shift_right_logical3A_273 : vector<16xi32>
        %swap3A_275 = arith.constant 0 : i32
        %swap3A_276 = arith.index_cast %swap3A_275 : i32 to index
        %swap3A_277 = arith.constant 16 : index
        %swap3A_278 = tpu.vector_load %arg16[%swap3A_276, %swap3A_277] {strides = array<i32>} : memref<1x64xi32, #tpu.memory_space<vmem>>, vector<1x16xi32>,
        %swap3A_279 = vector.shape_cast %swap3A_278 : vector<1x16xi32> to vector<16xi32>
        %swap3A_280 = vector.shape_cast %shift_right_logical3A_274 : vector<16xi32> to vector<1x16xi32>
        tpu.vector_store %arg16[%swap3A_276, %swap3A_277], %swap3A_280 {strides = array<i32>} : memref<1x64xi32, #tpu.memory_space<vmem>>, vector<1x16xi32>,
        %and3A_281 = arith.constant 16383 : i32
        %and3A_282 = vector.broadcast %and3A_281 : i32 to vector<16xi32>
        %and3A_283 = arith.andi %get3A_271, %and3A_282 : vector<16xi32>
        %swap3A_284 = arith.constant 0 : i32
        %swap3A_285 = arith.index_cast %swap3A_284 : i32 to index
        %swap3A_286 = arith.constant 16 : index
        %swap3A_287 = tpu.vector_load %arg19[%swap3A_285, %swap3A_286] {strides = array<i32>} : memref<1x64xi32, #tpu.memory_space<vmem>>, vector<1x16xi32>,
        %swap3A_288 = vector.shape_cast %swap3A_287 : vector<1x16xi32> to vector<16xi32>
        %swap3A_289 = vector.shape_cast %and3A_283 : vector<16xi32> to vector<1x16xi32>
        tpu.vector_store %arg19[%swap3A_285, %swap3A_286], %swap3A_289 {strides = array<i32>} : memref<1x64xi32, #tpu.memory_space<vmem>>, vector<1x16xi32>,
        %mul3A_290 = arith.constant 64 : i32
        %mul3A_291 = arith.muli %add3A_210, %mul3A_290 : i32
        %add3A_292 = arith.constant 32 : i32
        %add3A_293 = arith.addi %mul3A_291, %add3A_292 : i32
        %get3A_294 = arith.index_cast %add3A_293 : i32 to index
        %get3A_295 = tpu.vector_load %arg11[%get3A_294] {strides = array<i32>} : memref<20544xi32, #tpu.memory_space<vmem>>, vector<16xi32>,
        %get3A_296 = vector.shape_cast %get3A_295 : vector<16xi32> to vector<16xi32>
        %shift_right_logical3A_297 = arith.constant 14 : i32
        %shift_right_logical3A_298 = vector.broadcast %shift_right_logical3A_297 : i32 to vector<16xi32>
        %shift_right_logical3A_299 = arith.shrui %get3A_296, %shift_right_logical3A_298 : vector<16xi32>
        %swap3A_300 = arith.constant 0 : i32
        %swap3A_301 = arith.index_cast %swap3A_300 : i32 to index
        %swap3A_302 = arith.constant 32 : index
        %swap3A_303 = tpu.vector_load %arg16[%swap3A_301, %swap3A_302] {strides = array<i32>} : memref<1x64xi32, #tpu.memory_space<vmem>>, vector<1x16xi32>,
        %swap3A_304 = vector.shape_cast %swap3A_303 : vector<1x16xi32> to vector<16xi32>
        %swap3A_305 = vector.shape_cast %shift_right_logical3A_299 : vector<16xi32> to vector<1x16xi32>
        tpu.vector_store %arg16[%swap3A_301, %swap3A_302], %swap3A_305 {strides = array<i32>} : memref<1x64xi32, #tpu.memory_space<vmem>>, vector<1x16xi32>,
        %and3A_306 = arith.constant 16383 : i32
        %and3A_307 = vector.broadcast %and3A_306 : i32 to vector<16xi32>
        %and3A_308 = arith.andi %get3A_296, %and3A_307 : vector<16xi32>
        %swap3A_309 = arith.constant 0 : i32
        %swap3A_310 = arith.index_cast %swap3A_309 : i32 to index
        %swap3A_311 = arith.constant 32 : index
        %swap3A_312 = tpu.vector_load %arg19[%swap3A_310, %swap3A_311] {strides = array<i32>} : memref<1x64xi32, #tpu.memory_space<vmem>>, vector<1x16xi32>,
        %swap3A_313 = vector.shape_cast %swap3A_312 : vector<1x16xi32> to vector<16xi32>
        %swap3A_314 = vector.shape_cast %and3A_308 : vector<16xi32> to vector<1x16xi32>
        tpu.vector_store %arg19[%swap3A_310, %swap3A_311], %swap3A_314 {strides = array<i32>} : memref<1x64xi32, #tpu.memory_space<vmem>>, vector<1x16xi32>,
        %mul3A_315 = arith.constant 64 : i32
        %mul3A_316 = arith.muli %add3A_210, %mul3A_315 : i32
        %add3A_317 = arith.constant 48 : i32
        %add3A_318 = arith.addi %mul3A_316, %add3A_317 : i32
        %get3A_319 = arith.index_cast %add3A_318 : i32 to index
        %get3A_320 = tpu.vector_load %arg11[%get3A_319] {strides = array<i32>} : memref<20544xi32, #tpu.memory_space<vmem>>, vector<16xi32>,
        %get3A_321 = vector.shape_cast %get3A_320 : vector<16xi32> to vector<16xi32>
        %shift_right_logical3A_322 = arith.constant 14 : i32
        %shift_right_logical3A_323 = vector.broadcast %shift_right_logical3A_322 : i32 to vector<16xi32>
        %shift_right_logical3A_324 = arith.shrui %get3A_321, %shift_right_logical3A_323 : vector<16xi32>
        %swap3A_325 = arith.constant 0 : i32
        %swap3A_326 = arith.index_cast %swap3A_325 : i32 to index
        %swap3A_327 = arith.constant 48 : index
        %swap3A_328 = tpu.vector_load %arg16[%swap3A_326, %swap3A_327] {strides = array<i32>} : memref<1x64xi32, #tpu.memory_space<vmem>>, vector<1x16xi32>,
        %swap3A_329 = vector.shape_cast %swap3A_328 : vector<1x16xi32> to vector<16xi32>
        %swap3A_330 = vector.shape_cast %shift_right_logical3A_324 : vector<16xi32> to vector<1x16xi32>
        tpu.vector_store %arg16[%swap3A_326, %swap3A_327], %swap3A_330 {strides = array<i32>} : memref<1x64xi32, #tpu.memory_space<vmem>>, vector<1x16xi32>,
        %and3A_331 = arith.constant 16383 : i32
        %and3A_332 = vector.broadcast %and3A_331 : i32 to vector<16xi32>
        %and3A_333 = arith.andi %get3A_321, %and3A_332 : vector<16xi32>
        %swap3A_334 = arith.constant 0 : i32
        %swap3A_335 = arith.index_cast %swap3A_334 : i32 to index
        %swap3A_336 = arith.constant 48 : index
        %swap3A_337 = tpu.vector_load %arg19[%swap3A_335, %swap3A_336] {strides = array<i32>} : memref<1x64xi32, #tpu.memory_space<vmem>>, vector<1x16xi32>,
        %swap3A_338 = vector.shape_cast %swap3A_337 : vector<1x16xi32> to vector<16xi32>
        %swap3A_339 = vector.shape_cast %and3A_333 : vector<16xi32> to vector<1x16xi32>
        tpu.vector_store %arg19[%swap3A_335, %swap3A_336], %swap3A_339 {strides = array<i32>} : memref<1x64xi32, #tpu.memory_space<vmem>>, vector<1x16xi32>,
        %dma_start3A_340 = arith.constant 0 : i32
        %dma_start3A_341 = arith.constant 0 : i32
        %dma_start3A_342 = tpu.memref_slice %arg16[%dma_start3A_340, %dma_start3A_341] : memref<1x64xi32, #tpu.memory_space<vmem>> -> memref<1x64xi32, #tpu.memory_space<vmem>>
        %dma_start3A_343 = tpu.memref_squeeze %dma_start3A_342 : memref<1x64xi32, #tpu.memory_space<vmem>> -> memref<64xi32, #tpu.memory_space<vmem>>
        %dma_start3A_344 = arith.constant 0 : i32
        %dma_start3A_345 = arith.constant 0 : i32
        %dma_start3A_346 = tpu.memref_slice %arg2[%dma_start3A_344, %dma_start3A_345] : memref<10000x128xf32, #tpu.memory_space<hbm>> -> memref<10000x128xf32, #tpu.memory_space<hbm>>
        tpu.enqueue_indirect_dma source(%dma_start3A_346 : memref<10000x128xf32, #tpu.memory_space<hbm>>) target(%arg13 : memref<64x128xf32, #tpu.memory_space<vmem>>) offsets(%dma_start3A_343 : memref<64xi32, #tpu.memory_space<vmem>>) semaphore(%arg25 : memref<!tpu.dma_semaphore, #tpu.memory_space<semaphore_mem>>)
      } else {
      }
      %add3A_215 = arith.constant 2 : i32
      %add3A_216 = arith.addi %mul3A_203, %add3A_215 : i32
      %lt3A_217 = arith.cmpi slt, %add3A_216, %div3A_164 : i32
      %convert_element_type3A_218 = arith.extui %lt3A_217 : i1 to i32
      %cond3A_219 = arith.constant 0 : i32
      %cond3A_220 = arith.cmpi ne, %convert_element_type3A_218, %cond3A_219 : i32
      scf.if %cond3A_220 {
        %ge3A = arith.constant 3 : i32
        %ge3A_239 = arith.cmpi sge, %add3A_216, %ge3A : i32
        %convert_element_type3A_240 = arith.extui %ge3A_239 : i1 to i32
        %cond3A_241 = arith.constant 0 : i32
        %cond3A_242 = arith.cmpi ne, %convert_element_type3A_240, %cond3A_241 : i32
        scf.if %cond3A_242 {
          %dma_wait3A = arith.constant 0 : i32
          %dma_wait3A_347 = arith.constant 0 : i32
          %dma_wait3A_348 = tpu.memref_slice %arg20[%dma_wait3A, %dma_wait3A_347] : memref<1x64xi32, #tpu.memory_space<vmem>> -> memref<1x64xi32, #tpu.memory_space<vmem>>
          %dma_wait3A_349 = tpu.memref_squeeze %dma_wait3A_348 : memref<1x64xi32, #tpu.memory_space<vmem>> -> memref<64xi32, #tpu.memory_space<vmem>>
          %dma_wait3A_350 = arith.constant 0 : i32
          %dma_wait3A_351 = arith.constant 0 : i32
          %dma_wait3A_352 = tpu.memref_slice %arg21[%dma_wait3A_350, %dma_wait3A_351] : memref<10304x128xf32, #tpu.memory_space<vmem_shared>> -> memref<10304x128xf32, #tpu.memory_space<vmem_shared>>
          tpu.wait_indirect_dma semaphore(%arg29 : memref<!tpu.dma_semaphore, #tpu.memory_space<semaphore_mem>>) src(%arg14 : memref<64x128xf32, #tpu.memory_space<vmem>>) dst(%dma_wait3A_352 : memref<10304x128xf32, #tpu.memory_space<vmem_shared>>)
        } else {
        }
        %mul3A_243 = arith.constant 64 : i32
        %mul3A_244 = arith.muli %add3A_216, %mul3A_243 : i32
        %add3A_245 = arith.constant 0 : i32
        %add3A_246 = arith.addi %mul3A_244, %add3A_245 : i32
        %get3A = arith.index_cast %add3A_246 : i32 to index
        %get3A_247 = tpu.vector_load %arg11[%get3A] {strides = array<i32>} : memref<20544xi32, #tpu.memory_space<vmem>>, vector<16xi32>,
        %get3A_248 = vector.shape_cast %get3A_247 : vector<16xi32> to vector<16xi32>
        %shift_right_logical3A = arith.constant 14 : i32
        %shift_right_logical3A_249 = vector.broadcast %shift_right_logical3A : i32 to vector<16xi32>
        %shift_right_logical3A_250 = arith.shrui %get3A_248, %shift_right_logical3A_249 : vector<16xi32>
        %swap3A_251 = arith.constant 0 : i32
        %swap3A_252 = arith.index_cast %swap3A_251 : i32 to index
        %swap3A_253 = arith.constant 0 : index
        %swap3A_254 = tpu.vector_load %arg17[%swap3A_252, %swap3A_253] {strides = array<i32>} : memref<1x64xi32, #tpu.memory_space<vmem>>, vector<1x16xi32>,
        %swap3A_255 = vector.shape_cast %swap3A_254 : vector<1x16xi32> to vector<16xi32>
        %swap3A_256 = vector.shape_cast %shift_right_logical3A_250 : vector<16xi32> to vector<1x16xi32>
        tpu.vector_store %arg17[%swap3A_252, %swap3A_253], %swap3A_256 {strides = array<i32>} : memref<1x64xi32, #tpu.memory_space<vmem>>, vector<1x16xi32>,
        %and3A = arith.constant 16383 : i32
        %and3A_257 = vector.broadcast %and3A : i32 to vector<16xi32>
        %and3A_258 = arith.andi %get3A_248, %and3A_257 : vector<16xi32>
        %swap3A_259 = arith.constant 0 : i32
        %swap3A_260 = arith.index_cast %swap3A_259 : i32 to index
        %swap3A_261 = arith.constant 0 : index
        %swap3A_262 = tpu.vector_load %arg20[%swap3A_260, %swap3A_261] {strides = array<i32>} : memref<1x64xi32, #tpu.memory_space<vmem>>, vector<1x16xi32>,
        %swap3A_263 = vector.shape_cast %swap3A_262 : vector<1x16xi32> to vector<16xi32>
        %swap3A_264 = vector.shape_cast %and3A_258 : vector<16xi32> to vector<1x16xi32>
        tpu.vector_store %arg20[%swap3A_260, %swap3A_261], %swap3A_264 {strides = array<i32>} : memref<1x64xi32, #tpu.memory_space<vmem>>, vector<1x16xi32>,
        %mul3A_265 = arith.constant 64 : i32
        %mul3A_266 = arith.muli %add3A_216, %mul3A_265 : i32
        %add3A_267 = arith.constant 16 : i32
        %add3A_268 = arith.addi %mul3A_266, %add3A_267 : i32
        %get3A_269 = arith.index_cast %add3A_268 : i32 to index
        %get3A_270 = tpu.vector_load %arg11[%get3A_269] {strides = array<i32>} : memref<20544xi32, #tpu.memory_space<vmem>>, vector<16xi32>,
        %get3A_271 = vector.shape_cast %get3A_270 : vector<16xi32> to vector<16xi32>
        %shift_right_logical3A_272 = arith.constant 14 : i32
        %shift_right_logical3A_273 = vector.broadcast %shift_right_logical3A_272 : i32 to vector<16xi32>
        %shift_right_logical3A_274 = arith.shrui %get3A_271, %shift_right_logical3A_273 : vector<16xi32>
        %swap3A_275 = arith.constant 0 : i32
        %swap3A_276 = arith.index_cast %swap3A_275 : i32 to index
        %swap3A_277 = arith.constant 16 : index
        %swap3A_278 = tpu.vector_load %arg17[%swap3A_276, %swap3A_277] {strides = array<i32>} : memref<1x64xi32, #tpu.memory_space<vmem>>, vector<1x16xi32>,
        %swap3A_279 = vector.shape_cast %swap3A_278 : vector<1x16xi32> to vector<16xi32>
        %swap3A_280 = vector.shape_cast %shift_right_logical3A_274 : vector<16xi32> to vector<1x16xi32>
        tpu.vector_store %arg17[%swap3A_276, %swap3A_277], %swap3A_280 {strides = array<i32>} : memref<1x64xi32, #tpu.memory_space<vmem>>, vector<1x16xi32>,
        %and3A_281 = arith.constant 16383 : i32
        %and3A_282 = vector.broadcast %and3A_281 : i32 to vector<16xi32>
        %and3A_283 = arith.andi %get3A_271, %and3A_282 : vector<16xi32>
        %swap3A_284 = arith.constant 0 : i32
        %swap3A_285 = arith.index_cast %swap3A_284 : i32 to index
        %swap3A_286 = arith.constant 16 : index
        %swap3A_287 = tpu.vector_load %arg20[%swap3A_285, %swap3A_286] {strides = array<i32>} : memref<1x64xi32, #tpu.memory_space<vmem>>, vector<1x16xi32>,
        %swap3A_288 = vector.shape_cast %swap3A_287 : vector<1x16xi32> to vector<16xi32>
        %swap3A_289 = vector.shape_cast %and3A_283 : vector<16xi32> to vector<1x16xi32>
        tpu.vector_store %arg20[%swap3A_285, %swap3A_286], %swap3A_289 {strides = array<i32>} : memref<1x64xi32, #tpu.memory_space<vmem>>, vector<1x16xi32>,
        %mul3A_290 = arith.constant 64 : i32
        %mul3A_291 = arith.muli %add3A_216, %mul3A_290 : i32
        %add3A_292 = arith.constant 32 : i32
        %add3A_293 = arith.addi %mul3A_291, %add3A_292 : i32
        %get3A_294 = arith.index_cast %add3A_293 : i32 to index
        %get3A_295 = tpu.vector_load %arg11[%get3A_294] {strides = array<i32>} : memref<20544xi32, #tpu.memory_space<vmem>>, vector<16xi32>,
        %get3A_296 = vector.shape_cast %get3A_295 : vector<16xi32> to vector<16xi32>
        %shift_right_logical3A_297 = arith.constant 14 : i32
        %shift_right_logical3A_298 = vector.broadcast %shift_right_logical3A_297 : i32 to vector<16xi32>
        %shift_right_logical3A_299 = arith.shrui %get3A_296, %shift_right_logical3A_298 : vector<16xi32>
        %swap3A_300 = arith.constant 0 : i32
        %swap3A_301 = arith.index_cast %swap3A_300 : i32 to index
        %swap3A_302 = arith.constant 32 : index
        %swap3A_303 = tpu.vector_load %arg17[%swap3A_301, %swap3A_302] {strides = array<i32>} : memref<1x64xi32, #tpu.memory_space<vmem>>, vector<1x16xi32>,
        %swap3A_304 = vector.shape_cast %swap3A_303 : vector<1x16xi32> to vector<16xi32>
        %swap3A_305 = vector.shape_cast %shift_right_logical3A_299 : vector<16xi32> to vector<1x16xi32>
        tpu.vector_store %arg17[%swap3A_301, %swap3A_302], %swap3A_305 {strides = array<i32>} : memref<1x64xi32, #tpu.memory_space<vmem>>, vector<1x16xi32>,
        %and3A_306 = arith.constant 16383 : i32
        %and3A_307 = vector.broadcast %and3A_306 : i32 to vector<16xi32>
        %and3A_308 = arith.andi %get3A_296, %and3A_307 : vector<16xi32>
        %swap3A_309 = arith.constant 0 : i32
        %swap3A_310 = arith.index_cast %swap3A_309 : i32 to index
        %swap3A_311 = arith.constant 32 : index
        %swap3A_312 = tpu.vector_load %arg20[%swap3A_310, %swap3A_311] {strides = array<i32>} : memref<1x64xi32, #tpu.memory_space<vmem>>, vector<1x16xi32>,
        %swap3A_313 = vector.shape_cast %swap3A_312 : vector<1x16xi32> to vector<16xi32>
        %swap3A_314 = vector.shape_cast %and3A_308 : vector<16xi32> to vector<1x16xi32>
        tpu.vector_store %arg20[%swap3A_310, %swap3A_311], %swap3A_314 {strides = array<i32>} : memref<1x64xi32, #tpu.memory_space<vmem>>, vector<1x16xi32>,
        %mul3A_315 = arith.constant 64 : i32
        %mul3A_316 = arith.muli %add3A_216, %mul3A_315 : i32
        %add3A_317 = arith.constant 48 : i32
        %add3A_318 = arith.addi %mul3A_316, %add3A_317 : i32
        %get3A_319 = arith.index_cast %add3A_318 : i32 to index
        %get3A_320 = tpu.vector_load %arg11[%get3A_319] {strides = array<i32>} : memref<20544xi32, #tpu.memory_space<vmem>>, vector<16xi32>,
        %get3A_321 = vector.shape_cast %get3A_320 : vector<16xi32> to vector<16xi32>
        %shift_right_logical3A_322 = arith.constant 14 : i32
        %shift_right_logical3A_323 = vector.broadcast %shift_right_logical3A_322 : i32 to vector<16xi32>
        %shift_right_logical3A_324 = arith.shrui %get3A_321, %shift_right_logical3A_323 : vector<16xi32>
        %swap3A_325 = arith.constant 0 : i32
        %swap3A_326 = arith.index_cast %swap3A_325 : i32 to index
        %swap3A_327 = arith.constant 48 : index
        %swap3A_328 = tpu.vector_load %arg17[%swap3A_326, %swap3A_327] {strides = array<i32>} : memref<1x64xi32, #tpu.memory_space<vmem>>, vector<1x16xi32>,
        %swap3A_329 = vector.shape_cast %swap3A_328 : vector<1x16xi32> to vector<16xi32>
        %swap3A_330 = vector.shape_cast %shift_right_logical3A_324 : vector<16xi32> to vector<1x16xi32>
        tpu.vector_store %arg17[%swap3A_326, %swap3A_327], %swap3A_330 {strides = array<i32>} : memref<1x64xi32, #tpu.memory_space<vmem>>, vector<1x16xi32>,
        %and3A_331 = arith.constant 16383 : i32
        %and3A_332 = vector.broadcast %and3A_331 : i32 to vector<16xi32>
        %and3A_333 = arith.andi %get3A_321, %and3A_332 : vector<16xi32>
        %swap3A_334 = arith.constant 0 : i32
        %swap3A_335 = arith.index_cast %swap3A_334 : i32 to index
        %swap3A_336 = arith.constant 48 : index
        %swap3A_337 = tpu.vector_load %arg20[%swap3A_335, %swap3A_336] {strides = array<i32>} : memref<1x64xi32, #tpu.memory_space<vmem>>, vector<1x16xi32>,
        %swap3A_338 = vector.shape_cast %swap3A_337 : vector<1x16xi32> to vector<16xi32>
        %swap3A_339 = vector.shape_cast %and3A_333 : vector<16xi32> to vector<1x16xi32>
        tpu.vector_store %arg20[%swap3A_335, %swap3A_336], %swap3A_339 {strides = array<i32>} : memref<1x64xi32, #tpu.memory_space<vmem>>, vector<1x16xi32>,
        %dma_start3A_340 = arith.constant 0 : i32
        %dma_start3A_341 = arith.constant 0 : i32
        %dma_start3A_342 = tpu.memref_slice %arg17[%dma_start3A_340, %dma_start3A_341] : memref<1x64xi32, #tpu.memory_space<vmem>> -> memref<1x64xi32, #tpu.memory_space<vmem>>
        %dma_start3A_343 = tpu.memref_squeeze %dma_start3A_342 : memref<1x64xi32, #tpu.memory_space<vmem>> -> memref<64xi32, #tpu.memory_space<vmem>>
        %dma_start3A_344 = arith.constant 0 : i32
        %dma_start3A_345 = arith.constant 0 : i32
        %dma_start3A_346 = tpu.memref_slice %arg2[%dma_start3A_344, %dma_start3A_345] : memref<10000x128xf32, #tpu.memory_space<hbm>> -> memref<10000x128xf32, #tpu.memory_space<hbm>>
        tpu.enqueue_indirect_dma source(%dma_start3A_346 : memref<10000x128xf32, #tpu.memory_space<hbm>>) target(%arg14 : memref<64x128xf32, #tpu.memory_space<vmem>>) offsets(%dma_start3A_343 : memref<64xi32, #tpu.memory_space<vmem>>) semaphore(%arg26 : memref<!tpu.dma_semaphore, #tpu.memory_space<semaphore_mem>>)
      } else {
      }
      %add3A_221 = arith.constant 0 : i32
      %add3A_222 = arith.addi %mul3A_203, %add3A_221 : i32
      %lt3A_223 = arith.cmpi slt, %add3A_222, %div3A_164 : i32
      %convert_element_type3A_224 = arith.extui %lt3A_223 : i1 to i32
      %cond3A_225 = arith.constant 0 : i32
      %cond3A_226 = arith.cmpi ne, %convert_element_type3A_224, %cond3A_225 : i32
      scf.if %cond3A_226 {
        %dma_wait3A = arith.constant 0 : i32
        %dma_wait3A_239 = arith.constant 0 : i32
        %dma_wait3A_240 = tpu.memref_slice %arg15[%dma_wait3A, %dma_wait3A_239] : memref<1x64xi32, #tpu.memory_space<vmem>> -> memref<1x64xi32, #tpu.memory_space<vmem>>
        %dma_wait3A_241 = tpu.memref_squeeze %dma_wait3A_240 : memref<1x64xi32, #tpu.memory_space<vmem>> -> memref<64xi32, #tpu.memory_space<vmem>>
        %dma_wait3A_242 = arith.constant 0 : i32
        %dma_wait3A_243 = arith.constant 0 : i32
        %dma_wait3A_244 = tpu.memref_slice %arg2[%dma_wait3A_242, %dma_wait3A_243] : memref<10000x128xf32, #tpu.memory_space<hbm>> -> memref<10000x128xf32, #tpu.memory_space<hbm>>
        tpu.wait_indirect_dma semaphore(%arg24 : memref<!tpu.dma_semaphore, #tpu.memory_space<semaphore_mem>>) src(%dma_wait3A_244 : memref<10000x128xf32, #tpu.memory_space<hbm>>) dst(%arg12 : memref<64x128xf32, #tpu.memory_space<vmem>>)
        %dma_start3A_245 = arith.constant 0 : i32
        %dma_start3A_246 = arith.constant 0 : i32
        %dma_start3A_247 = tpu.memref_slice %arg18[%dma_start3A_245, %dma_start3A_246] : memref<1x64xi32, #tpu.memory_space<vmem>> -> memref<1x64xi32, #tpu.memory_space<vmem>>
        %dma_start3A_248 = tpu.memref_squeeze %dma_start3A_247 : memref<1x64xi32, #tpu.memory_space<vmem>> -> memref<64xi32, #tpu.memory_space<vmem>>
        %dma_start3A_249 = arith.constant 0 : i32
        %dma_start3A_250 = arith.constant 0 : i32
        %dma_start3A_251 = tpu.memref_slice %arg21[%dma_start3A_249, %dma_start3A_250] : memref<10304x128xf32, #tpu.memory_space<vmem_shared>> -> memref<10304x128xf32, #tpu.memory_space<vmem_shared>>
        tpu.enqueue_indirect_dma source(%arg12 : memref<64x128xf32, #tpu.memory_space<vmem>>) target(%dma_start3A_251 : memref<10304x128xf32, #tpu.memory_space<vmem_shared>>) offsets(%dma_start3A_248 : memref<64xi32, #tpu.memory_space<vmem>>) semaphore(%arg27 : memref<!tpu.dma_semaphore, #tpu.memory_space<semaphore_mem>>) {add = true}
      } else {
      }
      %add3A_227 = arith.constant 1 : i32
      %add3A_228 = arith.addi %mul3A_203, %add3A_227 : i32
      %lt3A_229 = arith.cmpi slt, %add3A_228, %div3A_164 : i32
      %convert_element_type3A_230 = arith.extui %lt3A_229 : i1 to i32
      %cond3A_231 = arith.constant 0 : i32
      %cond3A_232 = arith.cmpi ne, %convert_element_type3A_230, %cond3A_231 : i32
      scf.if %cond3A_232 {
        %dma_wait3A = arith.constant 0 : i32
        %dma_wait3A_239 = arith.constant 0 : i32
        %dma_wait3A_240 = tpu.memref_slice %arg16[%dma_wait3A, %dma_wait3A_239] : memref<1x64xi32, #tpu.memory_space<vmem>> -> memref<1x64xi32, #tpu.memory_space<vmem>>
        %dma_wait3A_241 = tpu.memref_squeeze %dma_wait3A_240 : memref<1x64xi32, #tpu.memory_space<vmem>> -> memref<64xi32, #tpu.memory_space<vmem>>
        %dma_wait3A_242 = arith.constant 0 : i32
        %dma_wait3A_243 = arith.constant 0 : i32
        %dma_wait3A_244 = tpu.memref_slice %arg2[%dma_wait3A_242, %dma_wait3A_243] : memref<10000x128xf32, #tpu.memory_space<hbm>> -> memref<10000x128xf32, #tpu.memory_space<hbm>>
        tpu.wait_indirect_dma semaphore(%arg25 : memref<!tpu.dma_semaphore, #tpu.memory_space<semaphore_mem>>) src(%dma_wait3A_244 : memref<10000x128xf32, #tpu.memory_space<hbm>>) dst(%arg13 : memref<64x128xf32, #tpu.memory_space<vmem>>)
        %dma_start3A_245 = arith.constant 0 : i32
        %dma_start3A_246 = arith.constant 0 : i32
        %dma_start3A_247 = tpu.memref_slice %arg19[%dma_start3A_245, %dma_start3A_246] : memref<1x64xi32, #tpu.memory_space<vmem>> -> memref<1x64xi32, #tpu.memory_space<vmem>>
        %dma_start3A_248 = tpu.memref_squeeze %dma_start3A_247 : memref<1x64xi32, #tpu.memory_space<vmem>> -> memref<64xi32, #tpu.memory_space<vmem>>
        %dma_start3A_249 = arith.constant 0 : i32
        %dma_start3A_250 = arith.constant 0 : i32
        %dma_start3A_251 = tpu.memref_slice %arg21[%dma_start3A_249, %dma_start3A_250] : memref<10304x128xf32, #tpu.memory_space<vmem_shared>> -> memref<10304x128xf32, #tpu.memory_space<vmem_shared>>
        tpu.enqueue_indirect_dma source(%arg13 : memref<64x128xf32, #tpu.memory_space<vmem>>) target(%dma_start3A_251 : memref<10304x128xf32, #tpu.memory_space<vmem_shared>>) offsets(%dma_start3A_248 : memref<64xi32, #tpu.memory_space<vmem>>) semaphore(%arg28 : memref<!tpu.dma_semaphore, #tpu.memory_space<semaphore_mem>>) {add = true}
      } else {
      }
      %add3A_233 = arith.constant 2 : i32
      %add3A_234 = arith.addi %mul3A_203, %add3A_233 : i32
      %lt3A_235 = arith.cmpi slt, %add3A_234, %div3A_164 : i32
      %convert_element_type3A_236 = arith.extui %lt3A_235 : i1 to i32
      %cond3A_237 = arith.constant 0 : i32
      %cond3A_238 = arith.cmpi ne, %convert_element_type3A_236, %cond3A_237 : i32
      scf.if %cond3A_238 {
        %dma_wait3A = arith.constant 0 : i32
        %dma_wait3A_239 = arith.constant 0 : i32
        %dma_wait3A_240 = tpu.memref_slice %arg17[%dma_wait3A, %dma_wait3A_239] : memref<1x64xi32, #tpu.memory_space<vmem>> -> memref<1x64xi32, #tpu.memory_space<vmem>>
        %dma_wait3A_241 = tpu.memref_squeeze %dma_wait3A_240 : memref<1x64xi32, #tpu.memory_space<vmem>> -> memref<64xi32, #tpu.memory_space<vmem>>
        %dma_wait3A_242 = arith.constant 0 : i32
        %dma_wait3A_243 = arith.constant 0 : i32
        %dma_wait3A_244 = tpu.memref_slice %arg2[%dma_wait3A_242, %dma_wait3A_243] : memref<10000x128xf32, #tpu.memory_space<hbm>> -> memref<10000x128xf32, #tpu.memory_space<hbm>>
        tpu.wait_indirect_dma semaphore(%arg26 : memref<!tpu.dma_semaphore, #tpu.memory_space<semaphore_mem>>) src(%dma_wait3A_244 : memref<10000x128xf32, #tpu.memory_space<hbm>>) dst(%arg14 : memref<64x128xf32, #tpu.memory_space<vmem>>)
        %dma_start3A_245 = arith.constant 0 : i32
        %dma_start3A_246 = arith.constant 0 : i32
        %dma_start3A_247 = tpu.memref_slice %arg20[%dma_start3A_245, %dma_start3A_246] : memref<1x64xi32, #tpu.memory_space<vmem>> -> memref<1x64xi32, #tpu.memory_space<vmem>>
        %dma_start3A_248 = tpu.memref_squeeze %dma_start3A_247 : memref<1x64xi32, #tpu.memory_space<vmem>> -> memref<64xi32, #tpu.memory_space<vmem>>
        %dma_start3A_249 = arith.constant 0 : i32
        %dma_start3A_250 = arith.constant 0 : i32
        %dma_start3A_251 = tpu.memref_slice %arg21[%dma_start3A_249, %dma_start3A_250] : memref<10304x128xf32, #tpu.memory_space<vmem_shared>> -> memref<10304x128xf32, #tpu.memory_space<vmem_shared>>
        tpu.enqueue_indirect_dma source(%arg14 : memref<64x128xf32, #tpu.memory_space<vmem>>) target(%dma_start3A_251 : memref<10304x128xf32, #tpu.memory_space<vmem_shared>>) offsets(%dma_start3A_248 : memref<64xi32, #tpu.memory_space<vmem>>) semaphore(%arg29 : memref<!tpu.dma_semaphore, #tpu.memory_space<semaphore_mem>>) {add = true}
      } else {
      }
    }
    %gt3A_179 = arith.constant 0 : i32
    %gt3A_180 = arith.cmpi sgt, %div3A_164, %gt3A_179 : i32
    %convert_element_type3A_181 = arith.extui %gt3A_180 : i1 to i32
    %cond3A_182 = arith.constant 0 : i32
    %cond3A_183 = arith.cmpi ne, %convert_element_type3A_181, %cond3A_182 : i32
    scf.if %cond3A_183 {
      %dma_wait3A = arith.constant 0 : i32
      %dma_wait3A_201 = arith.constant 0 : i32
      %dma_wait3A_202 = tpu.memref_slice %arg18[%dma_wait3A, %dma_wait3A_201] : memref<1x64xi32, #tpu.memory_space<vmem>> -> memref<1x64xi32, #tpu.memory_space<vmem>>
      %dma_wait3A_203 = tpu.memref_squeeze %dma_wait3A_202 : memref<1x64xi32, #tpu.memory_space<vmem>> -> memref<64xi32, #tpu.memory_space<vmem>>
      %dma_wait3A_204 = arith.constant 0 : i32
      %dma_wait3A_205 = arith.constant 0 : i32
      %dma_wait3A_206 = tpu.memref_slice %arg21[%dma_wait3A_204, %dma_wait3A_205] : memref<10304x128xf32, #tpu.memory_space<vmem_shared>> -> memref<10304x128xf32, #tpu.memory_space<vmem_shared>>
      tpu.wait_indirect_dma semaphore(%arg27 : memref<!tpu.dma_semaphore, #tpu.memory_space<semaphore_mem>>) src(%arg12 : memref<64x128xf32, #tpu.memory_space<vmem>>) dst(%dma_wait3A_206 : memref<10304x128xf32, #tpu.memory_space<vmem_shared>>)
    } else {
    }
    %gt3A_184 = arith.constant 1 : i32
    %gt3A_185 = arith.cmpi sgt, %div3A_164, %gt3A_184 : i32
    %convert_element_type3A_186 = arith.extui %gt3A_185 : i1 to i32
    %cond3A_187 = arith.constant 0 : i32
    %cond3A_188 = arith.cmpi ne, %convert_element_type3A_186, %cond3A_187 : i32
    scf.if %cond3A_188 {
      %dma_wait3A = arith.constant 0 : i32
      %dma_wait3A_201 = arith.constant 0 : i32
      %dma_wait3A_202 = tpu.memref_slice %arg19[%dma_wait3A, %dma_wait3A_201] : memref<1x64xi32, #tpu.memory_space<vmem>> -> memref<1x64xi32, #tpu.memory_space<vmem>>
      %dma_wait3A_203 = tpu.memref_squeeze %dma_wait3A_202 : memref<1x64xi32, #tpu.memory_space<vmem>> -> memref<64xi32, #tpu.memory_space<vmem>>
      %dma_wait3A_204 = arith.constant 0 : i32
      %dma_wait3A_205 = arith.constant 0 : i32
      %dma_wait3A_206 = tpu.memref_slice %arg21[%dma_wait3A_204, %dma_wait3A_205] : memref<10304x128xf32, #tpu.memory_space<vmem_shared>> -> memref<10304x128xf32, #tpu.memory_space<vmem_shared>>
      tpu.wait_indirect_dma semaphore(%arg28 : memref<!tpu.dma_semaphore, #tpu.memory_space<semaphore_mem>>) src(%arg13 : memref<64x128xf32, #tpu.memory_space<vmem>>) dst(%dma_wait3A_206 : memref<10304x128xf32, #tpu.memory_space<vmem_shared>>)
    } else {
    }
    %gt3A_189 = arith.constant 2 : i32
    %gt3A_190 = arith.cmpi sgt, %div3A_164, %gt3A_189 : i32
    %convert_element_type3A_191 = arith.extui %gt3A_190 : i1 to i32
    %cond3A_192 = arith.constant 0 : i32
    %cond3A_193 = arith.cmpi ne, %convert_element_type3A_191, %cond3A_192 : i32
    scf.if %cond3A_193 {
      %dma_wait3A = arith.constant 0 : i32
      %dma_wait3A_201 = arith.constant 0 : i32
      %dma_wait3A_202 = tpu.memref_slice %arg20[%dma_wait3A, %dma_wait3A_201] : memref<1x64xi32, #tpu.memory_space<vmem>> -> memref<1x64xi32, #tpu.memory_space<vmem>>
      %dma_wait3A_203 = tpu.memref_squeeze %dma_wait3A_202 : memref<1x64xi32, #tpu.memory_space<vmem>> -> memref<64xi32, #tpu.memory_space<vmem>>
      %dma_wait3A_204 = arith.constant 0 : i32
      %dma_wait3A_205 = arith.constant 0 : i32
      %dma_wait3A_206 = tpu.memref_slice %arg21[%dma_wait3A_204, %dma_wait3A_205] : memref<10304x128xf32, #tpu.memory_space<vmem_shared>> -> memref<10304x128xf32, #tpu.memory_space<vmem_shared>>
      tpu.wait_indirect_dma semaphore(%arg29 : memref<!tpu.dma_semaphore, #tpu.memory_space<semaphore_mem>>) src(%arg14 : memref<64x128xf32, #tpu.memory_space<vmem>>) dst(%dma_wait3A_206 : memref<10304x128xf32, #tpu.memory_space<vmem_shared>>)
    } else {
    }
    %barrier3A_194 = arith.constant 0 : index
    tpu.barrier barrier_id(%barrier3A_194)
    %mul3A_195 = arith.constant 640 : i32
    %mul3A_196 = arith.muli %arg1, %mul3A_195 : i32
    %mul3A_197 = arith.constant 640 : i32
    %mul3A_198 = arith.muli %arg1, %mul3A_197 : i32
    %add3A_199 = arith.addi %mul3A_102, %mul3A_198 : i32
    "tpu.region"() ({
      %run_scoped3A = tpu.sem_alloc : memref<!tpu.dma_semaphore, #tpu.memory_space<semaphore_mem>>
      %dma_start3A_201 = arith.constant 0 : i32
      %dma_start3A_202 = tpu.memref_slice %arg6[%add3A_199, %dma_start3A_201] : memref<40960x128xf32, #tpu.memory_space<hbm>> -> memref<640x128xf32, #tpu.memory_space<hbm>>
      %dma_start3A_203 = arith.constant 0 : i32
      %dma_start3A_204 = tpu.memref_slice %arg21[%mul3A_196, %dma_start3A_203] : memref<10304x128xf32, #tpu.memory_space<vmem_shared>> -> memref<640x128xf32, #tpu.memory_space<vmem_shared>>
      tpu.enqueue_dma source(%dma_start3A_204 : memref<640x128xf32, #tpu.memory_space<vmem_shared>>) target(%dma_start3A_202 : memref<640x128xf32, #tpu.memory_space<hbm>>) target_semaphore(%run_scoped3A : memref<!tpu.dma_semaphore, #tpu.memory_space<semaphore_mem>>)
      %dma_wait3A = arith.constant 0 : i32
      %dma_wait3A_205 = tpu.memref_slice %arg6[%add3A_199, %dma_wait3A] : memref<40960x128xf32, #tpu.memory_space<hbm>> -> memref<640x128xf32, #tpu.memory_space<hbm>>
      %dma_wait3A_206 = arith.constant 0 : i32
      %dma_wait3A_207 = tpu.memref_slice %arg21[%mul3A_196, %dma_wait3A_206] : memref<10304x128xf32, #tpu.memory_space<vmem_shared>> -> memref<640x128xf32, #tpu.memory_space<vmem_shared>>
      tpu.wait_dma2 semaphore(%run_scoped3A : memref<!tpu.dma_semaphore, #tpu.memory_space<semaphore_mem>>) src(%dma_wait3A_207 : memref<640x128xf32, #tpu.memory_space<vmem_shared>>) dst(%dma_wait3A_205 : memref<640x128xf32, #tpu.memory_space<hbm>>)
      tpu.yield
    }) : () -> ()
    %barrier3A_200 = arith.constant 0 : index
    tpu.barrier barrier_id(%barrier3A_200)
    return
  }
}

module attributes {stable_mosaic.version = 14 : i64} {
  func.func @_tc_stats_kernel(%arg0: i32, %arg1: memref<400x128xf32, #tpu.memory_space<vmem>>, %arg2: memref<400x4x128xf32, #tpu.memory_space<vmem>>, %arg3: memref<4x128x128xf32, #tpu.memory_space<vmem>>, %arg4: memref<4x1x128xf32, #tpu.memory_space<vmem>>, %arg5: memref<400x4x128xf32, #tpu.memory_space<vmem>>, %arg6: memref<4x8x128xf32, #tpu.memory_space<vmem>>) attributes {dimension_semantics = [#tpu.dimension_semantics<arbitrary>], iteration_bounds = array<i64: 25>, scalar_prefetch = 0 : i64, scratch_operands = 0 : i64, tpu.core_type = #tpu.core_type<tc>, window_params = [{transform_indices = @transform_0, window_bounds = array<i64: 400, 128>}, {transform_indices = @transform_1, window_bounds = array<i64: 400, 4, 128>}, {pipeline_mode = #tpu.pipeline_mode<synchronous>, transform_indices = @transform_2, window_bounds = array<i64: 4, 128, 128>}, {pipeline_mode = #tpu.pipeline_mode<synchronous>, transform_indices = @transform_3, window_bounds = array<i64: 4, 1, 128>}, {transform_indices = @transform_4, window_bounds = array<i64: 400, 4, 128>}, {pipeline_mode = #tpu.pipeline_mode<synchronous>, transform_indices = @transform_5, window_bounds = array<i64: 4, 8, 128>}]} {
    %get3A = arith.constant 0 : index
    %get3A_0 = arith.constant 0 : index
    %get3A_1 = vector.load %arg1[%get3A, %get3A_0] : memref<400x128xf32, #tpu.memory_space<vmem>>, vector<400x128xf32>
    %get3A_2 = arith.constant 0 : index
    %get3A_3 = arith.constant 0 : index
    %get3A_4 = arith.constant 0 : index
    %get3A_5 = vector.load %arg2[%get3A_2, %get3A_3, %get3A_4] : memref<400x4x128xf32, #tpu.memory_space<vmem>>, vector<400x1x128xf32>
    %get3A_6 = vector.shape_cast %get3A_5 : vector<400x1x128xf32> to vector<400x128xf32>
    %add3A = arith.addf %get3A_1, %get3A_6 : vector<400x128xf32>
    %get3A_7 = arith.constant 0 : index
    %get3A_8 = arith.constant 0 : index
    %get3A_9 = arith.constant 0 : index
    %get3A_10 = vector.load %arg3[%get3A_7, %get3A_8, %get3A_9] : memref<4x128x128xf32, #tpu.memory_space<vmem>>, vector<1x128x128xf32>
    %get3A_11 = vector.shape_cast %get3A_10 : vector<1x128x128xf32> to vector<128x128xf32>
    %dot_general3A = arith.constant dense<0.000000e+00> : vector<400x128xf32>
    %dot_general3A_12 = tpu.matmul %add3A, %get3A_11, %dot_general3A {dimension_numbers = #tpu.dot_dimension_numbers<[1], [0], [0], [1], [0, 0, 1, 1], [], []>, transpose_lhs_hint = false} : vector<400x128xf32>, vector<128x128xf32>, vector<400x128xf32> -> vector<400x128xf32>
    %get3A_13 = arith.constant 0 : index
    %get3A_14 = arith.constant 0 : index
    %get3A_15 = arith.constant 0 : index
    %get3A_16 = vector.load %arg4[%get3A_13, %get3A_14, %get3A_15] : memref<4x1x128xf32, #tpu.memory_space<vmem>>, vector<1x1x128xf32>
    %get3A_17 = vector.shape_cast %get3A_16 : vector<1x1x128xf32> to vector<1x128xf32>
    %add3A_18 = vector.broadcast %get3A_17 : vector<1x128xf32> to vector<400x128xf32>
    %add3A_19 = arith.addf %dot_general3A_12, %add3A_18 : vector<400x128xf32>
    %swap3A = arith.constant 0 : index
    %swap3A_20 = arith.constant 0 : index
    %swap3A_21 = arith.constant 0 : index
    %swap3A_22 = vector.load %arg5[%swap3A, %swap3A_20, %swap3A_21] : memref<400x4x128xf32, #tpu.memory_space<vmem>>, vector<400x1x128xf32>
    %swap3A_23 = vector.shape_cast %swap3A_22 : vector<400x1x128xf32> to vector<400x128xf32>
    %swap3A_24 = vector.shape_cast %add3A_19 : vector<400x128xf32> to vector<400x1x128xf32>
    tpu.vector_store %arg5[%swap3A, %swap3A_20, %swap3A_21], %swap3A_24 {strides = array<i32>} : memref<400x4x128xf32, #tpu.memory_space<vmem>>, vector<400x1x128xf32>,
    %reduce_sum3A = arith.constant dense<0.000000e+00> : vector<128xf32>
    %reduce_sum3A_25 = vector.multi_reduction <add>, %add3A_19, %reduce_sum3A [0] : vector<400x128xf32> to vector<128xf32>
    %broadcast_in_dim3A = vector.shape_cast %reduce_sum3A_25 : vector<128xf32> to vector<1x128xf32>
    %mul3A = arith.mulf %add3A_19, %add3A_19 : vector<400x128xf32>
    %reduce_sum3A_26 = arith.constant dense<0.000000e+00> : vector<128xf32>
    %reduce_sum3A_27 = vector.multi_reduction <add>, %mul3A, %reduce_sum3A_26 [0] : vector<400x128xf32> to vector<128xf32>
    %broadcast_in_dim3A_28 = vector.shape_cast %reduce_sum3A_27 : vector<128xf32> to vector<1x128xf32>
    %broadcast_in_dim3A_29 = arith.constant 0.000000e+00 : f32
    %broadcast_in_dim3A_30 = vector.broadcast %broadcast_in_dim3A_29 : f32 to vector<6x128xf32>
    %concatenate3A = tpu.concatenate %broadcast_in_dim3A, %broadcast_in_dim3A_28, %broadcast_in_dim3A_30 in 0 : vector<1x128xf32>, vector<1x128xf32>, vector<6x128xf32> -> vector<8x128xf32>
    %get3A_31 = arith.constant 0 : index
    %get3A_32 = arith.constant 1 : index
    %get3A_33 = arith.constant 0 : index
    %get3A_34 = vector.load %arg2[%get3A_31, %get3A_32, %get3A_33] : memref<400x4x128xf32, #tpu.memory_space<vmem>>, vector<400x1x128xf32>
    %get3A_35 = vector.shape_cast %get3A_34 : vector<400x1x128xf32> to vector<400x128xf32>
    %add3A_36 = arith.addf %get3A_1, %get3A_35 : vector<400x128xf32>
    %get3A_37 = arith.constant 1 : index
    %get3A_38 = arith.constant 0 : index
    %get3A_39 = arith.constant 0 : index
    %get3A_40 = vector.load %arg3[%get3A_37, %get3A_38, %get3A_39] : memref<4x128x128xf32, #tpu.memory_space<vmem>>, vector<1x128x128xf32>
    %get3A_41 = vector.shape_cast %get3A_40 : vector<1x128x128xf32> to vector<128x128xf32>
    %dot_general3A_42 = arith.constant dense<0.000000e+00> : vector<400x128xf32>
    %dot_general3A_43 = tpu.matmul %add3A_36, %get3A_41, %dot_general3A_42 {dimension_numbers = #tpu.dot_dimension_numbers<[1], [0], [0], [1], [0, 0, 1, 1], [], []>, transpose_lhs_hint = false} : vector<400x128xf32>, vector<128x128xf32>, vector<400x128xf32> -> vector<400x128xf32>
    %get3A_44 = arith.constant 1 : index
    %get3A_45 = arith.constant 0 : index
    %get3A_46 = arith.constant 0 : index
    %get3A_47 = vector.load %arg4[%get3A_44, %get3A_45, %get3A_46] : memref<4x1x128xf32, #tpu.memory_space<vmem>>, vector<1x1x128xf32>
    %get3A_48 = vector.shape_cast %get3A_47 : vector<1x1x128xf32> to vector<1x128xf32>
    %add3A_49 = vector.broadcast %get3A_48 : vector<1x128xf32> to vector<400x128xf32>
    %add3A_50 = arith.addf %dot_general3A_43, %add3A_49 : vector<400x128xf32>
    %swap3A_51 = arith.constant 0 : index
    %swap3A_52 = arith.constant 1 : index
    %swap3A_53 = arith.constant 0 : index
    %swap3A_54 = vector.load %arg5[%swap3A_51, %swap3A_52, %swap3A_53] : memref<400x4x128xf32, #tpu.memory_space<vmem>>, vector<400x1x128xf32>
    %swap3A_55 = vector.shape_cast %swap3A_54 : vector<400x1x128xf32> to vector<400x128xf32>
    %swap3A_56 = vector.shape_cast %add3A_50 : vector<400x128xf32> to vector<400x1x128xf32>
    tpu.vector_store %arg5[%swap3A_51, %swap3A_52, %swap3A_53], %swap3A_56 {strides = array<i32>} : memref<400x4x128xf32, #tpu.memory_space<vmem>>, vector<400x1x128xf32>,
    %reduce_sum3A_57 = arith.constant dense<0.000000e+00> : vector<128xf32>
    %reduce_sum3A_58 = vector.multi_reduction <add>, %add3A_50, %reduce_sum3A_57 [0] : vector<400x128xf32> to vector<128xf32>
    %broadcast_in_dim3A_59 = vector.shape_cast %reduce_sum3A_58 : vector<128xf32> to vector<1x128xf32>
    %mul3A_60 = arith.mulf %add3A_50, %add3A_50 : vector<400x128xf32>
    %reduce_sum3A_61 = arith.constant dense<0.000000e+00> : vector<128xf32>
    %reduce_sum3A_62 = vector.multi_reduction <add>, %mul3A_60, %reduce_sum3A_61 [0] : vector<400x128xf32> to vector<128xf32>
    %broadcast_in_dim3A_63 = vector.shape_cast %reduce_sum3A_62 : vector<128xf32> to vector<1x128xf32>
    %broadcast_in_dim3A_64 = arith.constant 0.000000e+00 : f32
    %broadcast_in_dim3A_65 = vector.broadcast %broadcast_in_dim3A_64 : f32 to vector<6x128xf32>
    %concatenate3A_66 = tpu.concatenate %broadcast_in_dim3A_59, %broadcast_in_dim3A_63, %broadcast_in_dim3A_65 in 0 : vector<1x128xf32>, vector<1x128xf32>, vector<6x128xf32> -> vector<8x128xf32>
    %get3A_67 = arith.constant 0 : index
    %get3A_68 = arith.constant 2 : index
    %get3A_69 = arith.constant 0 : index
    %get3A_70 = vector.load %arg2[%get3A_67, %get3A_68, %get3A_69] : memref<400x4x128xf32, #tpu.memory_space<vmem>>, vector<400x1x128xf32>
    %get3A_71 = vector.shape_cast %get3A_70 : vector<400x1x128xf32> to vector<400x128xf32>
    %add3A_72 = arith.addf %get3A_1, %get3A_71 : vector<400x128xf32>
    %get3A_73 = arith.constant 2 : index
    %get3A_74 = arith.constant 0 : index
    %get3A_75 = arith.constant 0 : index
    %get3A_76 = vector.load %arg3[%get3A_73, %get3A_74, %get3A_75] : memref<4x128x128xf32, #tpu.memory_space<vmem>>, vector<1x128x128xf32>
    %get3A_77 = vector.shape_cast %get3A_76 : vector<1x128x128xf32> to vector<128x128xf32>
    %dot_general3A_78 = arith.constant dense<0.000000e+00> : vector<400x128xf32>
    %dot_general3A_79 = tpu.matmul %add3A_72, %get3A_77, %dot_general3A_78 {dimension_numbers = #tpu.dot_dimension_numbers<[1], [0], [0], [1], [0, 0, 1, 1], [], []>, transpose_lhs_hint = false} : vector<400x128xf32>, vector<128x128xf32>, vector<400x128xf32> -> vector<400x128xf32>
    %get3A_80 = arith.constant 2 : index
    %get3A_81 = arith.constant 0 : index
    %get3A_82 = arith.constant 0 : index
    %get3A_83 = vector.load %arg4[%get3A_80, %get3A_81, %get3A_82] : memref<4x1x128xf32, #tpu.memory_space<vmem>>, vector<1x1x128xf32>
    %get3A_84 = vector.shape_cast %get3A_83 : vector<1x1x128xf32> to vector<1x128xf32>
    %add3A_85 = vector.broadcast %get3A_84 : vector<1x128xf32> to vector<400x128xf32>
    %add3A_86 = arith.addf %dot_general3A_79, %add3A_85 : vector<400x128xf32>
    %swap3A_87 = arith.constant 0 : index
    %swap3A_88 = arith.constant 2 : index
    %swap3A_89 = arith.constant 0 : index
    %swap3A_90 = vector.load %arg5[%swap3A_87, %swap3A_88, %swap3A_89] : memref<400x4x128xf32, #tpu.memory_space<vmem>>, vector<400x1x128xf32>
    %swap3A_91 = vector.shape_cast %swap3A_90 : vector<400x1x128xf32> to vector<400x128xf32>
    %swap3A_92 = vector.shape_cast %add3A_86 : vector<400x128xf32> to vector<400x1x128xf32>
    tpu.vector_store %arg5[%swap3A_87, %swap3A_88, %swap3A_89], %swap3A_92 {strides = array<i32>} : memref<400x4x128xf32, #tpu.memory_space<vmem>>, vector<400x1x128xf32>,
    %reduce_sum3A_93 = arith.constant dense<0.000000e+00> : vector<128xf32>
    %reduce_sum3A_94 = vector.multi_reduction <add>, %add3A_86, %reduce_sum3A_93 [0] : vector<400x128xf32> to vector<128xf32>
    %broadcast_in_dim3A_95 = vector.shape_cast %reduce_sum3A_94 : vector<128xf32> to vector<1x128xf32>
    %mul3A_96 = arith.mulf %add3A_86, %add3A_86 : vector<400x128xf32>
    %reduce_sum3A_97 = arith.constant dense<0.000000e+00> : vector<128xf32>
    %reduce_sum3A_98 = vector.multi_reduction <add>, %mul3A_96, %reduce_sum3A_97 [0] : vector<400x128xf32> to vector<128xf32>
    %broadcast_in_dim3A_99 = vector.shape_cast %reduce_sum3A_98 : vector<128xf32> to vector<1x128xf32>
    %broadcast_in_dim3A_100 = arith.constant 0.000000e+00 : f32
    %broadcast_in_dim3A_101 = vector.broadcast %broadcast_in_dim3A_100 : f32 to vector<6x128xf32>
    %concatenate3A_102 = tpu.concatenate %broadcast_in_dim3A_95, %broadcast_in_dim3A_99, %broadcast_in_dim3A_101 in 0 : vector<1x128xf32>, vector<1x128xf32>, vector<6x128xf32> -> vector<8x128xf32>
    %get3A_103 = arith.constant 0 : index
    %get3A_104 = arith.constant 3 : index
    %get3A_105 = arith.constant 0 : index
    %get3A_106 = vector.load %arg2[%get3A_103, %get3A_104, %get3A_105] : memref<400x4x128xf32, #tpu.memory_space<vmem>>, vector<400x1x128xf32>
    %get3A_107 = vector.shape_cast %get3A_106 : vector<400x1x128xf32> to vector<400x128xf32>
    %add3A_108 = arith.addf %get3A_1, %get3A_107 : vector<400x128xf32>
    %get3A_109 = arith.constant 3 : index
    %get3A_110 = arith.constant 0 : index
    %get3A_111 = arith.constant 0 : index
    %get3A_112 = vector.load %arg3[%get3A_109, %get3A_110, %get3A_111] : memref<4x128x128xf32, #tpu.memory_space<vmem>>, vector<1x128x128xf32>
    %get3A_113 = vector.shape_cast %get3A_112 : vector<1x128x128xf32> to vector<128x128xf32>
    %dot_general3A_114 = arith.constant dense<0.000000e+00> : vector<400x128xf32>
    %dot_general3A_115 = tpu.matmul %add3A_108, %get3A_113, %dot_general3A_114 {dimension_numbers = #tpu.dot_dimension_numbers<[1], [0], [0], [1], [0, 0, 1, 1], [], []>, transpose_lhs_hint = false} : vector<400x128xf32>, vector<128x128xf32>, vector<400x128xf32> -> vector<400x128xf32>
    %get3A_116 = arith.constant 3 : index
    %get3A_117 = arith.constant 0 : index
    %get3A_118 = arith.constant 0 : index
    %get3A_119 = vector.load %arg4[%get3A_116, %get3A_117, %get3A_118] : memref<4x1x128xf32, #tpu.memory_space<vmem>>, vector<1x1x128xf32>
    %get3A_120 = vector.shape_cast %get3A_119 : vector<1x1x128xf32> to vector<1x128xf32>
    %add3A_121 = vector.broadcast %get3A_120 : vector<1x128xf32> to vector<400x128xf32>
    %add3A_122 = arith.addf %dot_general3A_115, %add3A_121 : vector<400x128xf32>
    %swap3A_123 = arith.constant 0 : index
    %swap3A_124 = arith.constant 3 : index
    %swap3A_125 = arith.constant 0 : index
    %swap3A_126 = vector.load %arg5[%swap3A_123, %swap3A_124, %swap3A_125] : memref<400x4x128xf32, #tpu.memory_space<vmem>>, vector<400x1x128xf32>
    %swap3A_127 = vector.shape_cast %swap3A_126 : vector<400x1x128xf32> to vector<400x128xf32>
    %swap3A_128 = vector.shape_cast %add3A_122 : vector<400x128xf32> to vector<400x1x128xf32>
    tpu.vector_store %arg5[%swap3A_123, %swap3A_124, %swap3A_125], %swap3A_128 {strides = array<i32>} : memref<400x4x128xf32, #tpu.memory_space<vmem>>, vector<400x1x128xf32>,
    %reduce_sum3A_129 = arith.constant dense<0.000000e+00> : vector<128xf32>
    %reduce_sum3A_130 = vector.multi_reduction <add>, %add3A_122, %reduce_sum3A_129 [0] : vector<400x128xf32> to vector<128xf32>
    %broadcast_in_dim3A_131 = vector.shape_cast %reduce_sum3A_130 : vector<128xf32> to vector<1x128xf32>
    %mul3A_132 = arith.mulf %add3A_122, %add3A_122 : vector<400x128xf32>
    %reduce_sum3A_133 = arith.constant dense<0.000000e+00> : vector<128xf32>
    %reduce_sum3A_134 = vector.multi_reduction <add>, %mul3A_132, %reduce_sum3A_133 [0] : vector<400x128xf32> to vector<128xf32>
    %broadcast_in_dim3A_135 = vector.shape_cast %reduce_sum3A_134 : vector<128xf32> to vector<1x128xf32>
    %broadcast_in_dim3A_136 = arith.constant 0.000000e+00 : f32
    %broadcast_in_dim3A_137 = vector.broadcast %broadcast_in_dim3A_136 : f32 to vector<6x128xf32>
    %concatenate3A_138 = tpu.concatenate %broadcast_in_dim3A_131, %broadcast_in_dim3A_135, %broadcast_in_dim3A_137 in 0 : vector<1x128xf32>, vector<1x128xf32>, vector<6x128xf32> -> vector<8x128xf32>
    %stack3A = vector.shape_cast %concatenate3A : vector<8x128xf32> to vector<1x8x128xf32>
    %stack3A_139 = vector.shape_cast %concatenate3A_66 : vector<8x128xf32> to vector<1x8x128xf32>
    %stack3A_140 = vector.shape_cast %concatenate3A_102 : vector<8x128xf32> to vector<1x8x128xf32>
    %stack3A_141 = vector.shape_cast %concatenate3A_138 : vector<8x128xf32> to vector<1x8x128xf32>
    %stack3A_142 = tpu.concatenate %stack3A, %stack3A_139, %stack3A_140, %stack3A_141 in 0 : vector<1x8x128xf32>, vector<1x8x128xf32>, vector<1x8x128xf32>, vector<1x8x128xf32> -> vector<4x8x128xf32>
    %eq3A = arith.constant 0 : i32
    %eq3A_143 = arith.cmpi eq, %arg0, %eq3A : i32
    %convert_element_type3A = arith.extui %eq3A_143 : i1 to i32
    %cond3A = arith.constant 0 : i32
    %cond3A_144 = arith.cmpi ne, %convert_element_type3A, %cond3A : i32
    scf.if %cond3A_144 {
      %swap3A_149 = arith.constant 0 : index
      %swap3A_150 = arith.constant 0 : index
      %swap3A_151 = arith.constant 0 : index
      %swap3A_152 = vector.load %arg6[%swap3A_149, %swap3A_150, %swap3A_151] : memref<4x8x128xf32, #tpu.memory_space<vmem>>, vector<4x8x128xf32>
      tpu.vector_store %arg6[%swap3A_149, %swap3A_150, %swap3A_151], %stack3A_142 {strides = array<i32>} : memref<4x8x128xf32, #tpu.memory_space<vmem>>, vector<4x8x128xf32>,
    } else {
    }
    %gt3A = arith.constant 0 : i32
    %gt3A_145 = arith.cmpi sgt, %arg0, %gt3A : i32
    %convert_element_type3A_146 = arith.extui %gt3A_145 : i1 to i32
    %cond3A_147 = arith.constant 0 : i32
    %cond3A_148 = arith.cmpi ne, %convert_element_type3A_146, %cond3A_147 : i32
    scf.if %cond3A_148 {
      %get3A_149 = arith.constant 0 : index
      %get3A_150 = arith.constant 0 : index
      %get3A_151 = arith.constant 0 : index
      %get3A_152 = vector.load %arg6[%get3A_149, %get3A_150, %get3A_151] : memref<4x8x128xf32, #tpu.memory_space<vmem>>, vector<4x8x128xf32>
      %add3A_153 = arith.addf %get3A_152, %stack3A_142 : vector<4x8x128xf32>
      %swap3A_154 = arith.constant 0 : index
      %swap3A_155 = arith.constant 0 : index
      %swap3A_156 = arith.constant 0 : index
      %swap3A_157 = vector.load %arg6[%swap3A_154, %swap3A_155, %swap3A_156] : memref<4x8x128xf32, #tpu.memory_space<vmem>>, vector<4x8x128xf32>
      tpu.vector_store %arg6[%swap3A_154, %swap3A_155, %swap3A_156], %add3A_153 {strides = array<i32>} : memref<4x8x128xf32, #tpu.memory_space<vmem>>, vector<4x8x128xf32>,
    } else {
    }
    return
  }
  func.func @transform_0(%arg0: i32) -> (i32, i32) {
    %c0_i32 = arith.constant 0 : i32
    %c0_i32_0 = arith.constant 0 : i32
    return %arg0, %c0_i32 : i32, i32
  }
  func.func @transform_1(%arg0: i32) -> (i32, i32, i32) {
    %c0_i32 = arith.constant 0 : i32
    %c0_i32_0 = arith.constant 0 : i32
    %c0_i32_1 = arith.constant 0 : i32
    return %arg0, %c0_i32, %c0_i32_0 : i32, i32, i32
  }
  func.func @transform_2(%arg0: i32) -> (i32, i32, i32) {
    %c0_i32 = arith.constant 0 : i32
    %c0_i32_0 = arith.constant 0 : i32
    %c0_i32_1 = arith.constant 0 : i32
    %c0_i32_2 = arith.constant 0 : i32
    return %c0_i32, %c0_i32_0, %c0_i32_1 : i32, i32, i32
  }
  func.func @transform_3(%arg0: i32) -> (i32, i32, i32) {
    %c0_i32 = arith.constant 0 : i32
    %c0_i32_0 = arith.constant 0 : i32
    %c0_i32_1 = arith.constant 0 : i32
    %c0_i32_2 = arith.constant 0 : i32
    return %c0_i32, %c0_i32_0, %c0_i32_1 : i32, i32, i32
  }
  func.func @transform_4(%arg0: i32) -> (i32, i32, i32) {
    %c0_i32 = arith.constant 0 : i32
    %c0_i32_0 = arith.constant 0 : i32
    %c0_i32_1 = arith.constant 0 : i32
    return %arg0, %c0_i32, %c0_i32_0 : i32, i32, i32
  }
  func.func @transform_5(%arg0: i32) -> (i32, i32, i32) {
    %c0_i32 = arith.constant 0 : i32
    %c0_i32_0 = arith.constant 0 : i32
    %c0_i32_1 = arith.constant 0 : i32
    %c0_i32_2 = arith.constant 0 : i32
    return %c0_i32, %c0_i32_0, %c0_i32_1 : i32, i32, i32
  }
}

module attributes {stable_mosaic.version = 14 : i64} {
  func.func @_tc_final_kernel(%arg0: i32, %arg1: memref<400x128xf32, #tpu.memory_space<vmem>>, %arg2: memref<400x4x128xf32, #tpu.memory_space<vmem>>, %arg3: memref<4x8x128xf32, #tpu.memory_space<vmem>>, %arg4: memref<128x128xf32, #tpu.memory_space<vmem>>, %arg5: memref<4x128x128xf32, #tpu.memory_space<vmem>>, %arg6: memref<4x8x128xf32, #tpu.memory_space<vmem>>, %arg7: memref<400x128xf32, #tpu.memory_space<vmem>>) attributes {dimension_semantics = [#tpu.dimension_semantics<arbitrary>], iteration_bounds = array<i64: 25>, scalar_prefetch = 0 : i64, scratch_operands = 0 : i64, tpu.core_type = #tpu.core_type<tc>, window_params = [{transform_indices = @transform_0, window_bounds = array<i64: 400, 128>}, {transform_indices = @transform_1, window_bounds = array<i64: 400, 4, 128>}, {pipeline_mode = #tpu.pipeline_mode<synchronous>, transform_indices = @transform_2, window_bounds = array<i64: 4, 8, 128>}, {pipeline_mode = #tpu.pipeline_mode<synchronous>, transform_indices = @transform_3, window_bounds = array<i64: 128, 128>}, {pipeline_mode = #tpu.pipeline_mode<synchronous>, transform_indices = @transform_4, window_bounds = array<i64: 4, 128, 128>}, {pipeline_mode = #tpu.pipeline_mode<synchronous>, transform_indices = @transform_5, window_bounds = array<i64: 4, 8, 128>}, {transform_indices = @transform_6, window_bounds = array<i64: 400, 128>}]} {
    %get3A = arith.constant 0 : index
    %get3A_0 = arith.constant 0 : index
    %get3A_1 = vector.load %arg1[%get3A, %get3A_0] : memref<400x128xf32, #tpu.memory_space<vmem>>, vector<400x128xf32>
    %get3A_2 = arith.constant 0 : index
    %get3A_3 = arith.constant 0 : index
    %get3A_4 = vector.load %arg4[%get3A_2, %get3A_3] : memref<128x128xf32, #tpu.memory_space<vmem>>, vector<128x128xf32>
    %dot_general3A = arith.constant dense<0.000000e+00> : vector<400x128xf32>
    %dot_general3A_5 = tpu.matmul %get3A_1, %get3A_4, %dot_general3A {dimension_numbers = #tpu.dot_dimension_numbers<[1], [0], [0], [1], [0, 0, 1, 1], [], []>, transpose_lhs_hint = false} : vector<400x128xf32>, vector<128x128xf32>, vector<400x128xf32> -> vector<400x128xf32>
    %get3A_6 = arith.constant 0 : index
    %get3A_7 = arith.constant 3 : index
    %get3A_8 = arith.constant 0 : index
    %get3A_9 = vector.load %arg6[%get3A_6, %get3A_7, %get3A_8] : memref<4x8x128xf32, #tpu.memory_space<vmem>>, vector<1x1x128xf32>
    %get3A_10 = vector.shape_cast %get3A_9 : vector<1x1x128xf32> to vector<1x128xf32>
    %add3A = vector.broadcast %get3A_10 : vector<1x128xf32> to vector<400x128xf32>
    %add3A_11 = arith.addf %dot_general3A_5, %add3A : vector<400x128xf32>
    %get3A_12 = arith.constant 0 : index
    %get3A_13 = arith.constant 0 : index
    %get3A_14 = arith.constant 0 : index
    %get3A_15 = vector.load %arg3[%get3A_12, %get3A_13, %get3A_14] : memref<4x8x128xf32, #tpu.memory_space<vmem>>, vector<1x1x128xf32>
    %get3A_16 = vector.shape_cast %get3A_15 : vector<1x1x128xf32> to vector<1x128xf32>
    %mul3A = arith.constant 9.99999974E-5 : f32
    %mul3A_17 = vector.broadcast %mul3A : f32 to vector<1x128xf32>
    %mul3A_18 = arith.mulf %get3A_16, %mul3A_17 : vector<1x128xf32>
    %get3A_19 = arith.constant 0 : index
    %get3A_20 = arith.constant 1 : index
    %get3A_21 = arith.constant 0 : index
    %get3A_22 = vector.load %arg3[%get3A_19, %get3A_20, %get3A_21] : memref<4x8x128xf32, #tpu.memory_space<vmem>>, vector<1x1x128xf32>
    %get3A_23 = vector.shape_cast %get3A_22 : vector<1x1x128xf32> to vector<1x128xf32>
    %mul3A_24 = arith.constant 9.99999974E-5 : f32
    %mul3A_25 = vector.broadcast %mul3A_24 : f32 to vector<1x128xf32>
    %mul3A_26 = arith.mulf %get3A_23, %mul3A_25 : vector<1x128xf32>
    %mul3A_27 = arith.mulf %mul3A_18, %mul3A_18 : vector<1x128xf32>
    %sub3A = arith.subf %mul3A_26, %mul3A_27 : vector<1x128xf32>
    %add3A_28 = arith.constant 9.99999974E-6 : f32
    %add3A_29 = vector.broadcast %add3A_28 : f32 to vector<1x128xf32>
    %add3A_30 = arith.addf %sub3A, %add3A_29 : vector<1x128xf32>
    %rsqrt3A = math.rsqrt %add3A_30 : vector<1x128xf32>
    %get3A_31 = arith.constant 0 : index
    %get3A_32 = arith.constant 0 : index
    %get3A_33 = arith.constant 0 : index
    %get3A_34 = vector.load %arg6[%get3A_31, %get3A_32, %get3A_33] : memref<4x8x128xf32, #tpu.memory_space<vmem>>, vector<1x1x128xf32>
    %get3A_35 = vector.shape_cast %get3A_34 : vector<1x1x128xf32> to vector<1x128xf32>
    %mul3A_36 = arith.mulf %rsqrt3A, %get3A_35 : vector<1x128xf32>
    %get3A_37 = arith.constant 0 : index
    %get3A_38 = arith.constant 0 : index
    %get3A_39 = arith.constant 0 : index
    %get3A_40 = vector.load %arg2[%get3A_37, %get3A_38, %get3A_39] : memref<400x4x128xf32, #tpu.memory_space<vmem>>, vector<400x1x128xf32>
    %get3A_41 = vector.shape_cast %get3A_40 : vector<400x1x128xf32> to vector<400x128xf32>
    %sub3A_42 = vector.broadcast %mul3A_18 : vector<1x128xf32> to vector<400x128xf32>
    %sub3A_43 = arith.subf %get3A_41, %sub3A_42 : vector<400x128xf32>
    %mul3A_44 = vector.broadcast %mul3A_36 : vector<1x128xf32> to vector<400x128xf32>
    %mul3A_45 = arith.mulf %sub3A_43, %mul3A_44 : vector<400x128xf32>
    %get3A_46 = arith.constant 0 : index
    %get3A_47 = arith.constant 1 : index
    %get3A_48 = arith.constant 0 : index
    %get3A_49 = vector.load %arg6[%get3A_46, %get3A_47, %get3A_48] : memref<4x8x128xf32, #tpu.memory_space<vmem>>, vector<1x1x128xf32>
    %get3A_50 = vector.shape_cast %get3A_49 : vector<1x1x128xf32> to vector<1x128xf32>
    %add3A_51 = vector.broadcast %get3A_50 : vector<1x128xf32> to vector<400x128xf32>
    %add3A_52 = arith.addf %mul3A_45, %add3A_51 : vector<400x128xf32>
    %max3A = arith.constant 0.000000e+00 : f32
    %max3A_53 = vector.broadcast %max3A : f32 to vector<400x128xf32>
    %max3A_54 = arith.maximumf %add3A_52, %max3A_53 : vector<400x128xf32>
    %get3A_55 = arith.constant 0 : index
    %get3A_56 = arith.constant 0 : index
    %get3A_57 = arith.constant 0 : index
    %get3A_58 = vector.load %arg5[%get3A_55, %get3A_56, %get3A_57] : memref<4x128x128xf32, #tpu.memory_space<vmem>>, vector<1x128x128xf32>
    %get3A_59 = vector.shape_cast %get3A_58 : vector<1x128x128xf32> to vector<128x128xf32>
    %dot_general3A_60 = arith.constant dense<0.000000e+00> : vector<400x128xf32>
    %dot_general3A_61 = tpu.matmul %max3A_54, %get3A_59, %dot_general3A_60 {dimension_numbers = #tpu.dot_dimension_numbers<[1], [0], [0], [1], [0, 0, 1, 1], [], []>, transpose_lhs_hint = false} : vector<400x128xf32>, vector<128x128xf32>, vector<400x128xf32> -> vector<400x128xf32>
    %add3A_62 = arith.addf %add3A_11, %dot_general3A_61 : vector<400x128xf32>
    %get3A_63 = arith.constant 0 : index
    %get3A_64 = arith.constant 2 : index
    %get3A_65 = arith.constant 0 : index
    %get3A_66 = vector.load %arg6[%get3A_63, %get3A_64, %get3A_65] : memref<4x8x128xf32, #tpu.memory_space<vmem>>, vector<1x1x128xf32>
    %get3A_67 = vector.shape_cast %get3A_66 : vector<1x1x128xf32> to vector<1x128xf32>
    %add3A_68 = vector.broadcast %get3A_67 : vector<1x128xf32> to vector<400x128xf32>
    %add3A_69 = arith.addf %add3A_62, %add3A_68 : vector<400x128xf32>
    %get3A_70 = arith.constant 1 : index
    %get3A_71 = arith.constant 0 : index
    %get3A_72 = arith.constant 0 : index
    %get3A_73 = vector.load %arg3[%get3A_70, %get3A_71, %get3A_72] : memref<4x8x128xf32, #tpu.memory_space<vmem>>, vector<1x1x128xf32>
    %get3A_74 = vector.shape_cast %get3A_73 : vector<1x1x128xf32> to vector<1x128xf32>
    %mul3A_75 = arith.constant 9.99999974E-5 : f32
    %mul3A_76 = vector.broadcast %mul3A_75 : f32 to vector<1x128xf32>
    %mul3A_77 = arith.mulf %get3A_74, %mul3A_76 : vector<1x128xf32>
    %get3A_78 = arith.constant 1 : index
    %get3A_79 = arith.constant 1 : index
    %get3A_80 = arith.constant 0 : index
    %get3A_81 = vector.load %arg3[%get3A_78, %get3A_79, %get3A_80] : memref<4x8x128xf32, #tpu.memory_space<vmem>>, vector<1x1x128xf32>
    %get3A_82 = vector.shape_cast %get3A_81 : vector<1x1x128xf32> to vector<1x128xf32>
    %mul3A_83 = arith.constant 9.99999974E-5 : f32
    %mul3A_84 = vector.broadcast %mul3A_83 : f32 to vector<1x128xf32>
    %mul3A_85 = arith.mulf %get3A_82, %mul3A_84 : vector<1x128xf32>
    %mul3A_86 = arith.mulf %mul3A_77, %mul3A_77 : vector<1x128xf32>
    %sub3A_87 = arith.subf %mul3A_85, %mul3A_86 : vector<1x128xf32>
    %add3A_88 = arith.constant 9.99999974E-6 : f32
    %add3A_89 = vector.broadcast %add3A_88 : f32 to vector<1x128xf32>
    %add3A_90 = arith.addf %sub3A_87, %add3A_89 : vector<1x128xf32>
    %rsqrt3A_91 = math.rsqrt %add3A_90 : vector<1x128xf32>
    %get3A_92 = arith.constant 1 : index
    %get3A_93 = arith.constant 0 : index
    %get3A_94 = arith.constant 0 : index
    %get3A_95 = vector.load %arg6[%get3A_92, %get3A_93, %get3A_94] : memref<4x8x128xf32, #tpu.memory_space<vmem>>, vector<1x1x128xf32>
    %get3A_96 = vector.shape_cast %get3A_95 : vector<1x1x128xf32> to vector<1x128xf32>
    %mul3A_97 = arith.mulf %rsqrt3A_91, %get3A_96 : vector<1x128xf32>
    %get3A_98 = arith.constant 0 : index
    %get3A_99 = arith.constant 1 : index
    %get3A_100 = arith.constant 0 : index
    %get3A_101 = vector.load %arg2[%get3A_98, %get3A_99, %get3A_100] : memref<400x4x128xf32, #tpu.memory_space<vmem>>, vector<400x1x128xf32>
    %get3A_102 = vector.shape_cast %get3A_101 : vector<400x1x128xf32> to vector<400x128xf32>
    %sub3A_103 = vector.broadcast %mul3A_77 : vector<1x128xf32> to vector<400x128xf32>
    %sub3A_104 = arith.subf %get3A_102, %sub3A_103 : vector<400x128xf32>
    %mul3A_105 = vector.broadcast %mul3A_97 : vector<1x128xf32> to vector<400x128xf32>
    %mul3A_106 = arith.mulf %sub3A_104, %mul3A_105 : vector<400x128xf32>
    %get3A_107 = arith.constant 1 : index
    %get3A_108 = arith.constant 1 : index
    %get3A_109 = arith.constant 0 : index
    %get3A_110 = vector.load %arg6[%get3A_107, %get3A_108, %get3A_109] : memref<4x8x128xf32, #tpu.memory_space<vmem>>, vector<1x1x128xf32>
    %get3A_111 = vector.shape_cast %get3A_110 : vector<1x1x128xf32> to vector<1x128xf32>
    %add3A_112 = vector.broadcast %get3A_111 : vector<1x128xf32> to vector<400x128xf32>
    %add3A_113 = arith.addf %mul3A_106, %add3A_112 : vector<400x128xf32>
    %max3A_114 = arith.constant 0.000000e+00 : f32
    %max3A_115 = vector.broadcast %max3A_114 : f32 to vector<400x128xf32>
    %max3A_116 = arith.maximumf %add3A_113, %max3A_115 : vector<400x128xf32>
    %get3A_117 = arith.constant 1 : index
    %get3A_118 = arith.constant 0 : index
    %get3A_119 = arith.constant 0 : index
    %get3A_120 = vector.load %arg5[%get3A_117, %get3A_118, %get3A_119] : memref<4x128x128xf32, #tpu.memory_space<vmem>>, vector<1x128x128xf32>
    %get3A_121 = vector.shape_cast %get3A_120 : vector<1x128x128xf32> to vector<128x128xf32>
    %dot_general3A_122 = arith.constant dense<0.000000e+00> : vector<400x128xf32>
    %dot_general3A_123 = tpu.matmul %max3A_116, %get3A_121, %dot_general3A_122 {dimension_numbers = #tpu.dot_dimension_numbers<[1], [0], [0], [1], [0, 0, 1, 1], [], []>, transpose_lhs_hint = false} : vector<400x128xf32>, vector<128x128xf32>, vector<400x128xf32> -> vector<400x128xf32>
    %add3A_124 = arith.addf %add3A_69, %dot_general3A_123 : vector<400x128xf32>
    %get3A_125 = arith.constant 1 : index
    %get3A_126 = arith.constant 2 : index
    %get3A_127 = arith.constant 0 : index
    %get3A_128 = vector.load %arg6[%get3A_125, %get3A_126, %get3A_127] : memref<4x8x128xf32, #tpu.memory_space<vmem>>, vector<1x1x128xf32>
    %get3A_129 = vector.shape_cast %get3A_128 : vector<1x1x128xf32> to vector<1x128xf32>
    %add3A_130 = vector.broadcast %get3A_129 : vector<1x128xf32> to vector<400x128xf32>
    %add3A_131 = arith.addf %add3A_124, %add3A_130 : vector<400x128xf32>
    %get3A_132 = arith.constant 2 : index
    %get3A_133 = arith.constant 0 : index
    %get3A_134 = arith.constant 0 : index
    %get3A_135 = vector.load %arg3[%get3A_132, %get3A_133, %get3A_134] : memref<4x8x128xf32, #tpu.memory_space<vmem>>, vector<1x1x128xf32>
    %get3A_136 = vector.shape_cast %get3A_135 : vector<1x1x128xf32> to vector<1x128xf32>
    %mul3A_137 = arith.constant 9.99999974E-5 : f32
    %mul3A_138 = vector.broadcast %mul3A_137 : f32 to vector<1x128xf32>
    %mul3A_139 = arith.mulf %get3A_136, %mul3A_138 : vector<1x128xf32>
    %get3A_140 = arith.constant 2 : index
    %get3A_141 = arith.constant 1 : index
    %get3A_142 = arith.constant 0 : index
    %get3A_143 = vector.load %arg3[%get3A_140, %get3A_141, %get3A_142] : memref<4x8x128xf32, #tpu.memory_space<vmem>>, vector<1x1x128xf32>
    %get3A_144 = vector.shape_cast %get3A_143 : vector<1x1x128xf32> to vector<1x128xf32>
    %mul3A_145 = arith.constant 9.99999974E-5 : f32
    %mul3A_146 = vector.broadcast %mul3A_145 : f32 to vector<1x128xf32>
    %mul3A_147 = arith.mulf %get3A_144, %mul3A_146 : vector<1x128xf32>
    %mul3A_148 = arith.mulf %mul3A_139, %mul3A_139 : vector<1x128xf32>
    %sub3A_149 = arith.subf %mul3A_147, %mul3A_148 : vector<1x128xf32>
    %add3A_150 = arith.constant 9.99999974E-6 : f32
    %add3A_151 = vector.broadcast %add3A_150 : f32 to vector<1x128xf32>
    %add3A_152 = arith.addf %sub3A_149, %add3A_151 : vector<1x128xf32>
    %rsqrt3A_153 = math.rsqrt %add3A_152 : vector<1x128xf32>
    %get3A_154 = arith.constant 2 : index
    %get3A_155 = arith.constant 0 : index
    %get3A_156 = arith.constant 0 : index
    %get3A_157 = vector.load %arg6[%get3A_154, %get3A_155, %get3A_156] : memref<4x8x128xf32, #tpu.memory_space<vmem>>, vector<1x1x128xf32>
    %get3A_158 = vector.shape_cast %get3A_157 : vector<1x1x128xf32> to vector<1x128xf32>
    %mul3A_159 = arith.mulf %rsqrt3A_153, %get3A_158 : vector<1x128xf32>
    %get3A_160 = arith.constant 0 : index
    %get3A_161 = arith.constant 2 : index
    %get3A_162 = arith.constant 0 : index
    %get3A_163 = vector.load %arg2[%get3A_160, %get3A_161, %get3A_162] : memref<400x4x128xf32, #tpu.memory_space<vmem>>, vector<400x1x128xf32>
    %get3A_164 = vector.shape_cast %get3A_163 : vector<400x1x128xf32> to vector<400x128xf32>
    %sub3A_165 = vector.broadcast %mul3A_139 : vector<1x128xf32> to vector<400x128xf32>
    %sub3A_166 = arith.subf %get3A_164, %sub3A_165 : vector<400x128xf32>
    %mul3A_167 = vector.broadcast %mul3A_159 : vector<1x128xf32> to vector<400x128xf32>
    %mul3A_168 = arith.mulf %sub3A_166, %mul3A_167 : vector<400x128xf32>
    %get3A_169 = arith.constant 2 : index
    %get3A_170 = arith.constant 1 : index
    %get3A_171 = arith.constant 0 : index
    %get3A_172 = vector.load %arg6[%get3A_169, %get3A_170, %get3A_171] : memref<4x8x128xf32, #tpu.memory_space<vmem>>, vector<1x1x128xf32>
    %get3A_173 = vector.shape_cast %get3A_172 : vector<1x1x128xf32> to vector<1x128xf32>
    %add3A_174 = vector.broadcast %get3A_173 : vector<1x128xf32> to vector<400x128xf32>
    %add3A_175 = arith.addf %mul3A_168, %add3A_174 : vector<400x128xf32>
    %max3A_176 = arith.constant 0.000000e+00 : f32
    %max3A_177 = vector.broadcast %max3A_176 : f32 to vector<400x128xf32>
    %max3A_178 = arith.maximumf %add3A_175, %max3A_177 : vector<400x128xf32>
    %get3A_179 = arith.constant 2 : index
    %get3A_180 = arith.constant 0 : index
    %get3A_181 = arith.constant 0 : index
    %get3A_182 = vector.load %arg5[%get3A_179, %get3A_180, %get3A_181] : memref<4x128x128xf32, #tpu.memory_space<vmem>>, vector<1x128x128xf32>
    %get3A_183 = vector.shape_cast %get3A_182 : vector<1x128x128xf32> to vector<128x128xf32>
    %dot_general3A_184 = arith.constant dense<0.000000e+00> : vector<400x128xf32>
    %dot_general3A_185 = tpu.matmul %max3A_178, %get3A_183, %dot_general3A_184 {dimension_numbers = #tpu.dot_dimension_numbers<[1], [0], [0], [1], [0, 0, 1, 1], [], []>, transpose_lhs_hint = false} : vector<400x128xf32>, vector<128x128xf32>, vector<400x128xf32> -> vector<400x128xf32>
    %add3A_186 = arith.addf %add3A_131, %dot_general3A_185 : vector<400x128xf32>
    %get3A_187 = arith.constant 2 : index
    %get3A_188 = arith.constant 2 : index
    %get3A_189 = arith.constant 0 : index
    %get3A_190 = vector.load %arg6[%get3A_187, %get3A_188, %get3A_189] : memref<4x8x128xf32, #tpu.memory_space<vmem>>, vector<1x1x128xf32>
    %get3A_191 = vector.shape_cast %get3A_190 : vector<1x1x128xf32> to vector<1x128xf32>
    %add3A_192 = vector.broadcast %get3A_191 : vector<1x128xf32> to vector<400x128xf32>
    %add3A_193 = arith.addf %add3A_186, %add3A_192 : vector<400x128xf32>
    %get3A_194 = arith.constant 3 : index
    %get3A_195 = arith.constant 0 : index
    %get3A_196 = arith.constant 0 : index
    %get3A_197 = vector.load %arg3[%get3A_194, %get3A_195, %get3A_196] : memref<4x8x128xf32, #tpu.memory_space<vmem>>, vector<1x1x128xf32>
    %get3A_198 = vector.shape_cast %get3A_197 : vector<1x1x128xf32> to vector<1x128xf32>
    %mul3A_199 = arith.constant 9.99999974E-5 : f32
    %mul3A_200 = vector.broadcast %mul3A_199 : f32 to vector<1x128xf32>
    %mul3A_201 = arith.mulf %get3A_198, %mul3A_200 : vector<1x128xf32>
    %get3A_202 = arith.constant 3 : index
    %get3A_203 = arith.constant 1 : index
    %get3A_204 = arith.constant 0 : index
    %get3A_205 = vector.load %arg3[%get3A_202, %get3A_203, %get3A_204] : memref<4x8x128xf32, #tpu.memory_space<vmem>>, vector<1x1x128xf32>
    %get3A_206 = vector.shape_cast %get3A_205 : vector<1x1x128xf32> to vector<1x128xf32>
    %mul3A_207 = arith.constant 9.99999974E-5 : f32
    %mul3A_208 = vector.broadcast %mul3A_207 : f32 to vector<1x128xf32>
    %mul3A_209 = arith.mulf %get3A_206, %mul3A_208 : vector<1x128xf32>
    %mul3A_210 = arith.mulf %mul3A_201, %mul3A_201 : vector<1x128xf32>
    %sub3A_211 = arith.subf %mul3A_209, %mul3A_210 : vector<1x128xf32>
    %add3A_212 = arith.constant 9.99999974E-6 : f32
    %add3A_213 = vector.broadcast %add3A_212 : f32 to vector<1x128xf32>
    %add3A_214 = arith.addf %sub3A_211, %add3A_213 : vector<1x128xf32>
    %rsqrt3A_215 = math.rsqrt %add3A_214 : vector<1x128xf32>
    %get3A_216 = arith.constant 3 : index
    %get3A_217 = arith.constant 0 : index
    %get3A_218 = arith.constant 0 : index
    %get3A_219 = vector.load %arg6[%get3A_216, %get3A_217, %get3A_218] : memref<4x8x128xf32, #tpu.memory_space<vmem>>, vector<1x1x128xf32>
    %get3A_220 = vector.shape_cast %get3A_219 : vector<1x1x128xf32> to vector<1x128xf32>
    %mul3A_221 = arith.mulf %rsqrt3A_215, %get3A_220 : vector<1x128xf32>
    %get3A_222 = arith.constant 0 : index
    %get3A_223 = arith.constant 3 : index
    %get3A_224 = arith.constant 0 : index
    %get3A_225 = vector.load %arg2[%get3A_222, %get3A_223, %get3A_224] : memref<400x4x128xf32, #tpu.memory_space<vmem>>, vector<400x1x128xf32>
    %get3A_226 = vector.shape_cast %get3A_225 : vector<400x1x128xf32> to vector<400x128xf32>
    %sub3A_227 = vector.broadcast %mul3A_201 : vector<1x128xf32> to vector<400x128xf32>
    %sub3A_228 = arith.subf %get3A_226, %sub3A_227 : vector<400x128xf32>
    %mul3A_229 = vector.broadcast %mul3A_221 : vector<1x128xf32> to vector<400x128xf32>
    %mul3A_230 = arith.mulf %sub3A_228, %mul3A_229 : vector<400x128xf32>
    %get3A_231 = arith.constant 3 : index
    %get3A_232 = arith.constant 1 : index
    %get3A_233 = arith.constant 0 : index
    %get3A_234 = vector.load %arg6[%get3A_231, %get3A_232, %get3A_233] : memref<4x8x128xf32, #tpu.memory_space<vmem>>, vector<1x1x128xf32>
    %get3A_235 = vector.shape_cast %get3A_234 : vector<1x1x128xf32> to vector<1x128xf32>
    %add3A_236 = vector.broadcast %get3A_235 : vector<1x128xf32> to vector<400x128xf32>
    %add3A_237 = arith.addf %mul3A_230, %add3A_236 : vector<400x128xf32>
    %max3A_238 = arith.constant 0.000000e+00 : f32
    %max3A_239 = vector.broadcast %max3A_238 : f32 to vector<400x128xf32>
    %max3A_240 = arith.maximumf %add3A_237, %max3A_239 : vector<400x128xf32>
    %get3A_241 = arith.constant 3 : index
    %get3A_242 = arith.constant 0 : index
    %get3A_243 = arith.constant 0 : index
    %get3A_244 = vector.load %arg5[%get3A_241, %get3A_242, %get3A_243] : memref<4x128x128xf32, #tpu.memory_space<vmem>>, vector<1x128x128xf32>
    %get3A_245 = vector.shape_cast %get3A_244 : vector<1x128x128xf32> to vector<128x128xf32>
    %dot_general3A_246 = arith.constant dense<0.000000e+00> : vector<400x128xf32>
    %dot_general3A_247 = tpu.matmul %max3A_240, %get3A_245, %dot_general3A_246 {dimension_numbers = #tpu.dot_dimension_numbers<[1], [0], [0], [1], [0, 0, 1, 1], [], []>, transpose_lhs_hint = false} : vector<400x128xf32>, vector<128x128xf32>, vector<400x128xf32> -> vector<400x128xf32>
    %add3A_248 = arith.addf %add3A_193, %dot_general3A_247 : vector<400x128xf32>
    %get3A_249 = arith.constant 3 : index
    %get3A_250 = arith.constant 2 : index
    %get3A_251 = arith.constant 0 : index
    %get3A_252 = vector.load %arg6[%get3A_249, %get3A_250, %get3A_251] : memref<4x8x128xf32, #tpu.memory_space<vmem>>, vector<1x1x128xf32>
    %get3A_253 = vector.shape_cast %get3A_252 : vector<1x1x128xf32> to vector<1x128xf32>
    %add3A_254 = vector.broadcast %get3A_253 : vector<1x128xf32> to vector<400x128xf32>
    %add3A_255 = arith.addf %add3A_248, %add3A_254 : vector<400x128xf32>
    %swap3A = arith.constant 0 : index
    %swap3A_256 = arith.constant 0 : index
    %swap3A_257 = vector.load %arg7[%swap3A, %swap3A_256] : memref<400x128xf32, #tpu.memory_space<vmem>>, vector<400x128xf32>
    tpu.vector_store %arg7[%swap3A, %swap3A_256], %add3A_255 {strides = array<i32>} : memref<400x128xf32, #tpu.memory_space<vmem>>, vector<400x128xf32>,
    return
  }
  func.func @transform_0(%arg0: i32) -> (i32, i32) {
    %c0_i32 = arith.constant 0 : i32
    %c0_i32_0 = arith.constant 0 : i32
    return %arg0, %c0_i32 : i32, i32
  }
  func.func @transform_1(%arg0: i32) -> (i32, i32, i32) {
    %c0_i32 = arith.constant 0 : i32
    %c0_i32_0 = arith.constant 0 : i32
    %c0_i32_1 = arith.constant 0 : i32
    return %arg0, %c0_i32, %c0_i32_0 : i32, i32, i32
  }
  func.func @transform_2(%arg0: i32) -> (i32, i32, i32) {
    %c0_i32 = arith.constant 0 : i32
    %c0_i32_0 = arith.constant 0 : i32
    %c0_i32_1 = arith.constant 0 : i32
    %c0_i32_2 = arith.constant 0 : i32
    return %c0_i32, %c0_i32_0, %c0_i32_1 : i32, i32, i32
  }
  func.func @transform_3(%arg0: i32) -> (i32, i32) {
    %c0_i32 = arith.constant 0 : i32
    %c0_i32_0 = arith.constant 0 : i32
    %c0_i32_1 = arith.constant 0 : i32
    return %c0_i32, %c0_i32_0 : i32, i32
  }
  func.func @transform_4(%arg0: i32) -> (i32, i32, i32) {
    %c0_i32 = arith.constant 0 : i32
    %c0_i32_0 = arith.constant 0 : i32
    %c0_i32_1 = arith.constant 0 : i32
    %c0_i32_2 = arith.constant 0 : i32
    return %c0_i32, %c0_i32_0, %c0_i32_1 : i32, i32, i32
  }
  func.func @transform_5(%arg0: i32) -> (i32, i32, i32) {
    %c0_i32 = arith.constant 0 : i32
    %c0_i32_0 = arith.constant 0 : i32
    %c0_i32_1 = arith.constant 0 : i32
    %c0_i32_2 = arith.constant 0 : i32
    return %c0_i32, %c0_i32_0, %c0_i32_1 : i32, i32, i32
  }
  func.func @transform_6(%arg0: i32) -> (i32, i32) {
    %c0_i32 = arith.constant 0 : i32
    %c0_i32_0 = arith.constant 0 : i32
    return %arg0, %c0_i32 : i32, i32
  }
}

</mosaic_0001>

<sc_bundles>
// kernel: kernel.5.cloned.1.call-start
scs
__scs_entry_jumppad:
0x0: {  	(pc) =	sbr.rel $0x88, $3  }
0x1: {  	(tag) =	ssettag $0x0;
	lr =	simm.s32 $0x1  }
0x2: {  	[smem:$0x3F96] =	sst lr;
	_ =	strace $0xD0000000  }
0x3: {  	_ = 	snop  }
0x4: {  	_ = 	snop  }
0x5: {  	_ = 	snop  }
0x6: {  	_ = 	snop  }
0x7: {  	_ = 	snop  }
__scs_overlays_trampoline_lowered:
0x8: {  	[smem:$0x3FA5] =	sst s0  }
0x9: {  	[smem:$0x3FA6] =	sst s1  }
0xa: {  	[smem:$0x3FA7] =	sst s2  }
0xb: {  	[smem:$0x3FA8] =	sst s3  }
0xc: {  	[smem:$0x3FA9] =	sst s4  }
0xd: {  	[smem:$0x3FAA] =	sst s5  }
0xe: {  	[smem:$0x3FAB] =	sst s6  }
0xf: {  	[smem:$0x3FAC] =	sst s7  }
0x10: {  	[smem:$0x3FAD] =	sst s8  }
0x11: {  	[smem:$0x3FAE] =	sst s9;
	s0 =	simm.s32 @!p0 $0x0  }
0x12: {  	s1 =	sld [smem:$0x3F94];
	s0 =	simm.s32 @p0 $0x1  }
0x13: {  	[smem:$0x3FAF] =	sst s0;
	s0 =	simm.s32 @!p1 $0x0  }
0x14: {  	s2 =	sld [smem:$0x3F93];
	s0 =	simm.s32 @p1 $0x1  }
0x15: {  	[smem:$0x3FB0] =	sst s0;
	s0 =	simm.s32 @!p2 $0x0  }
0x16: {  	s3 =	sld [smem:$0x3FDB];
	s0 =	simm.s32 @p2 $0x1  }
0x17: {  	s4 =	simm.s32 $0x1BF5;
	[smem:$0x3FB2] =	sst s0  }
0x18: {  	s0 =	sld [smem:$0x3F95];
	_ =	swait.ge [sflag:s4], $0x0  }
0x19: {  	s7 =	sld [smem:$0x3F96]  }
0x1a: {  	s8 =	sadd.s32 $0xFFFFE003, lr  }
0x1b: {  	s9 =	sadd.s32 $0xFFFFFEF7, lr;
	s5 =	simm.s32 $0xFFFFFFFF;
	p2 =	slt.u32 s8, $0xFFFFF086  }
0x1c: {  	p1 =	slt.u32 s9, $0xF7A;
	s5 =	simm.s32 @!p2 $0x0  }
0x1d: {  	s5 =	simm.s32 @p1 $0x1;
	p0 =	seq.s32 s7, s2  }
0x1e: {  	s7 =	smul.u32 @!p0 $0xF7A, s2;
	p2 =	seq.s32 @!p0 s5, $0x0  }
0x1f: {  	s9 =	smul.u32 $0xF7A, s1;
	s8 =	simm.s32 @!p0 $0x1BF5;
	p2 =	por !p2, p0  }
0x20: {  	[sflag:s8] =	ssyncset.s32 @!p0 $0xFFFFF086;
	s6 =	sadd.s32 @!p0 s3, s7;
	s7 =	simm.s32 @!p0 $0x108  }
0x21: {  	s3 =	sadd.s32 s3, s9;
	s6 =	sadd.s32 @!p0 $0x88, s6;
	s7 =	simm.s32 @p2 $0x1082  }
0x22: {  	[simem:s7], [sflag:s8] =	dma.local @!p0 [hbm:s6], $0xF7A  }
0x23: {  	s9 =	sor.u32 $0xD0000000, s2;
	s6 =	simm.s32 $0x108;
	_ =	swait.ge @!p0 [sflag:s8], $0x0  }
0x24: {  	s3 =	sadd.s32 $0x88, s3;
	s6 =	simm.s32 @!p1 $0x1082;
	[sflag:s4] =	ssyncset.s32 $0xFFFFF086  }
0x25: {  	[simem:s6], [sflag:s4] =	dma.local [hbm:s3], $0xF7A  }
0x26: {  	[smem:$0x3F96] =	sst s1;
	(tag) =	ssettag s2;
	_ =	strace s9  }
0x27: {  	s1 =	sld [smem:$0x3FA6]  }
0x28: {  	s2 =	sld [smem:$0x3FA7]  }
0x29: {  	s4 =	sld [smem:$0x3FA9]  }
0x2a: {  	p0 =	seq.s32 s5, $0x0;
	s5 =	sld [smem:$0x3FAA]  }
0x2b: {  	s6 =	sld [smem:$0x3FAB]  }
0x2c: {  	s7 =	sld [smem:$0x3FAC]  }
0x2d: {  	s3 =	simm.s32 $0x108;
	s8 =	sld [smem:$0x3FAD]  }
0x2e: {  	s3 =	simm.s32 @!p0 $0x1082;
	s9 =	sld [smem:$0x3FAE]  }
0x2f: {  	lr =	sadd.s32 s0, s3;
	s0 =	sld [smem:$0x3FA5]  }
0x30: {  	s3 =	sld [smem:$0x3FA8]  }
0x31: {  	[smem:$0x3FB1] =	sst s10  }
0x32: {  	s10 =	sld [smem:$0x3FAF];
	_ =	sdelay $0x3  }
0x33: {  	p0 =	seq.s32 s10, $0x1;
	s10 =	sld [smem:$0x3FB1];
	_ =	sdelay $0x3  }
0x34: {  	[smem:$0x3FB1] =	sst s10  }
0x35: {  	s10 =	sld [smem:$0x3FB0];
	_ =	sdelay $0x3  }
0x36: {  	p1 =	seq.s32 s10, $0x1;
	s10 =	sld [smem:$0x3FB1];
	_ =	sdelay $0x3  }
0x37: {  	[smem:$0x3FB1] =	sst s10  }
0x38: {  	s10 =	sld [smem:$0x3FB2]  }
0x39: {  	_ = 	snop;
	(pc) =	sbr.ind lr, $3  }
0x3a: {  	_ = 	snop  }
0x3b: {  	_ = 	snop  }
0x3c: {  	p2 =	seq.s32 s10, $0x1;
	s10 =	sld [smem:$0x3FB1]  }
0x3d: {  	_ =	shalt  }
0x3e: {  	_ =	shalt  }
0x3f: {  	_ =	shalt  }
0x40: {  	_ =	shalt  }
0x41: {  	_ =	shalt  }
0x42: {  	_ =	shalt  }
0x43: {  	_ =	shalt  }
0x44: {  	_ =	shalt  }
0x45: {  	_ =	shalt  }
0x46: {  	_ =	shalt  }
0x47: {  	_ =	shalt  }
0x48: {  	_ =	shalt  }
0x49: {  	_ =	shalt  }
0x4a: {  	_ =	shalt  }
0x4b: {  	_ =	shalt  }
0x4c: {  	_ =	shalt  }
0x4d: {  	_ =	shalt  }
0x4e: {  	_ =	shalt  }
0x4f: {  	_ =	shalt  }
0x50: {  	_ =	shalt  }
0x51: {  	_ =	shalt  }
0x52: {  	_ =	shalt  }
0x53: {  	_ =	shalt  }
0x54: {  	_ =	shalt  }
0x55: {  	_ =	shalt  }
0x56: {  	_ =	shalt  }
0x57: {  	_ =	shalt  }
0x58: {  	_ =	shalt  }
0x59: {  	_ =	shalt  }
0x5a: {  	_ =	shalt  }
0x5b: {  	_ =	shalt  }
0x5c: {  	_ =	shalt  }
0x5d: {  	_ =	shalt  }
0x5e: {  	_ =	shalt  }
0x5f: {  	_ =	shalt  }
0x60: {  	_ =	shalt  }
0x61: {  	_ =	shalt  }
0x62: {  	_ =	shalt  }
0x63: {  	_ =	shalt  }
0x64: {  	_ =	shalt  }
0x65: {  	_ =	shalt  }
0x66: {  	_ =	shalt  }
0x67: {  	_ =	shalt  }
0x68: {  	_ =	shalt  }
0x69: {  	_ =	shalt  }
0x6a: {  	_ =	shalt  }
0x6b: {  	_ =	shalt  }
0x6c: {  	_ =	shalt  }
0x6d: {  	_ =	shalt  }
0x6e: {  	_ =	shalt  }
0x6f: {  	_ =	shalt  }
0x70: {  	_ =	shalt  }
0x71: {  	_ =	shalt  }
0x72: {  	_ =	shalt  }
0x73: {  	_ =	shalt  }
0x74: {  	_ =	shalt  }
0x75: {  	_ =	shalt  }
0x76: {  	_ =	shalt  }
0x77: {  	_ =	shalt  }
0x78: {  	_ =	shalt  }
0x79: {  	_ =	shalt  }
0x7a: {  	_ =	shalt  }
0x7b: {  	_ =	shalt  }
0x7c: {  	_ =	shalt  }
0x7d: {  	_ =	shalt  }
0x7e: {  	_ =	shalt  }
0x7f: {  	_ =	shalt  }
0x80: {  	_ =	shalt  }
0x81: {  	_ =	shalt  }
0x82: {  	_ =	shalt  }
0x83: {  	_ =	shalt  }
0x84: {  	_ =	shalt  }
0x85: {  	_ =	shalt  }
0x86: {  	_ =	shalt  }
0x87: {  	_ =	shalt  }
.Lfunc_end0:
.L_simem_size_0:
called_computation_lowered:
.L_overlay_start_0:
0x88: {  	s2 =	sld [smem:$0x3FD9]  }
0x89: {  	s3 =	sld [smem:$0x3FFE];
	_ =	sdelay $0x1  }
0x8a: {  	s1 =	srdreg.scid  }
0x8b: {  	s0 =	sand.u32 $0x1, s1  }
0x8c: {  	s17 =	sshll.u32 s0, $0xA;
	s2 =	sadd.s32 s3, s2  }
0x8d: {  	s2 =	sadd.s32 s2, s17  }
0x8e: {  	[smem:$0x3FBD] =	sst s2  }
0x8f: {  	_ = 	snop  }
0x90: {  	s2 =	sld [smem:$0x3FC9]  }
0x91: {  	s18 =	sld [smem:$0x3FD0];
	(tm) =	ssettm $0x1  }
0x92: {  	s4 =	sld [smem:$0x3FFB];
	_ =	sdelay $0x3  }
0x93: {  	_ =	strace s4  }
0x94: {  	s4 =	sld [smem:$0x3FFC];
	_ =	sdelay $0x3  }
0x95: {  	_ =	strace s4  }
0x96: {  	s4 =	sld [smem:$0x3FFD];
	_ =	sdelay $0x3  }
0x97: {  	_ =	strace s4  }
0x98: {  	_ =	strace $0x8FFFFFFF  }
0x99: {  	s19 =	sld [smem:$0x3FDB];
	_ =	sdelay $0x1  }
0x9a: {  	s5 =	simm.s32 $_scs_section_size  }
0x9b: {  	s6 =	simm.s32 $_size__tile_overlayer_lowered;
	s7 =	simm.s32 $_tile_overlayer_lowered  }
0x9c: {  	s22 =	simm.s32 $0x1BFF;
	s21 =	sshll.u32 s7, $0x1;
	s4 =	sadd.s32 s5, s19  }
0x9d: {  	s8 =	simm.s32 $0x0;
	s20 =	sshll.u32 s6, $0x1;
	s6 =	sadd.s32 s21, s4  }
0x9e: {  	[timem:s8], [sflag:s22] =	dma.local [hbm:s6], s20  }
0x9f: {  	_ =	swait.ge [sflag:s22], s20  }
0xa0: {  	s5 =	ssub.s32 $0x0, s20;
	[sflag:s22] =	ssyncset.done $0x0  }
0xa1: {  	[sflag:s22] =	ssyncadd.s32 s5;
	_ =	sdelay $0x1  }
0xa2: {  	s23 =	simm.s32 $0x1B8B  }
0xa3: {  	_ =	swait.ge [sflag:s23], $0x1  }
0xa4: {  	[sflag:s23] =	ssyncset.done $0x0  }
0xa5: {  	s25 =	simm.s32 $0x1B8E;
	s24 =	sld [smem:$0x3FFE];
	[sflag:s23] =	ssyncadd.s32 $0xFFFFFFFF  }
0xa6: {  	s26 =	simm.s32 $execute0_lowered;
	[smem:$0x3FD2] =	sst s25  }
0xa7: {  	s6 =	sshll.u32 s26, $0x1;
	_ =	strace $0x80000046;
	[dreg:$0x1] =	wrdreg $0xFFFFFFFF  }
0xa8: {  	s28 =	simm.s32 $_size_execute0_lowered;
	s4 =	sadd.s32 s4, s6;
	[dreg:$0x0] =	wrdreg $0x0  }
0xa9: {  	s6 =	sshll.u32 s28, $0x1;
	[dreg:$0x2] =	wrdreg s4  }
0xaa: {  	[dreg:$0x3] =	wrdreg s6  }
0xab: {  	[dreg:$0x4] =	wrdreg $0xC0  }
0xac: {  	_ =	task [dreg:s8], $0x5FFFF  }
0xad: {  	[dreg:$0x1] =	wrdreg $0xFFFFFFFF  }
0xae: {  	[dreg:$0x0] =	wrdreg $0x60  }
0xaf: {  	[dreg:$0x2] =	wrdreg s2  }
0xb0: {  	[dreg:$0x3] =	wrdreg s18  }
0xb1: {  	[dreg:$0x4] =	wrdreg s24  }
0xb2: {  	[dreg:$0x5] =	wrdreg $0xBB800  }
0xb3: {  	[dreg:$0x6] =	wrdreg $0x9  }
0xb4: {  	_ =	task.clear_ibuf [dreg:s8], $0x7FFFF;
	_ =	strace $0x90000046  }
0xb5: {  	s29 =	simm.s32 $0x9;
	_ =	strace $0x80000048  }
0xb6: {  	_ =	swait.ge [sflag:s29], $0x1  }
0xb7: {  	[sflag:s29] =	ssyncadd.s32 $0xFFFFFFFF  }
0xb8: {  	_ =	strace $0x90000048  }
0xb9: {  	_ =	sfence  }
0xba: {  	s30 =	sld [smem:$0x0];
	_ =	sdelay $0x2  }
0xbb: {  	s31 =	sshll.u32 s1, $0xD;
	s1 =	sshrl.u32 s1, $0x2  }
0xbc: {  	s3 =	sand.u32 $0x4000, s31;
	s1 =	sadd.s32 s1, s30  }
0xbd: {  	s0 =	sor.u32 s3, s0;
	s1 =	sshll.u32 s1, $0x11  }
0xbe: {  	s0 =	sor.u32 s1, s0  }
0xbf: {  	s0 =	sadd.s32 $0x8F2B, s0  }
0xc0: {  	[sflag:s0] =	ssyncadd.remote.s32 $0x1  }
0xc1: {  	_ =	sfence.sel $0xFFFF  }
0xc2: {  	[dreg:$0x0] =	wrdreg $0xFFFFFFFF;
	(pc) =	sbr.abs _section_cstart, $3  }
0xc3: {  	[dreg:$0x1] =	wrdreg $0xFFFFFFFF  }
0xc4: {  	_ =	task.clear_ibuf [dreg:s8], $0x2FFFF;
	_ =	strace $0x9FFFFFFF  }
0xc5: {  	(tm) =	ssettm $0x7FFFFFFF  }
tec
execute0_lowered:
.L_overlay_start_1:
0x0: {  	(tag) =	ssettag $0x1  }
0x1: {  	s1 =	rddreg [dreg:$0x0]  }
0x2: {  	s2 =	rddreg [dreg:$0x1]  }
0x3: {  	s0 =	rddreg [dreg:$0x2]  }
0x4: {  	s4 =	srdreg.scid;
	s3 =	rddreg [dreg:$0x3];
	s5 =	simm.s32 $0x0  }
0x5: {  	s7 =	stileid.u32;
	s18 =	simm.s32 $0x9;
	s19 =	simm.s32 $0x80  }
0x6: {  	s20 =	simm.s32 $0x400;
	s21 =	simm.s32 $0x1;
	s4 =	sand.u32 $0x1, s4  }
0x7: {  	[smem:$0x7FF] =	sst s5;
	s5 =	sadd.s32 $0x1600, s0;
	s8 =	smul.u32 $0x50800, s7  }
0x8: {  	v0 =	vimm.s32 $0xEDCBA987;
	s17 =	sadd.s32 $0xB600, s0;
	s0 =	sadd.s32 $0xE000, s0;
	s15 =	smul.u32 $0x280, s7  }
0x9: {  	v1 =	vimm.s32 $0x65432100;
	v5 =	vimm.s32 $0xDCBA9876;
	v2 =	vunpack.c.l.s4.s8 v0;
	s9 =	sshrl.u32 s7, $0x3;
	s11 =	sshll.u32 s7, $0x7;
	s16 =	smul.u32 $0x50000, s7  }
0xa: {  	v6 =	vimm.s32 $0x54321000;
	v7 =	vimm.s32 $0xBA987654;
	v3 =	vunpack.c.l.s4.s8 v1;
	s23 =	sshll.u32 s7, $0x6;
	s6 =	smul.u32 $0x5000, s4;
	_ =	strace $0x80000047  }
0xb: {  	vm0 =	vmmov $0x3;
	vm2 =	vcmask $0x3F30;
	s4 =	ssub.s32 $0x2, s4;
	s9 =	smul.u32 $0x28000, s9;
	s22 =	sand.u32 $0x380, s11;
	v4 =	vunpack.c.0.s8.s32 v2  }
0xc: {  	vm1 =	vmmov $0xf;
	v5 =	vunpack.c.l.s4.s8 v5;
	s25 =	sor.u32 $0x1C09, s23;
	s23 =	simm.s32 $0x600;
	[dreg:$0x5] =	wrdreg s17;
	v3 =	vunpack.c.0.s8.s32 v3  }
0xd: {  	v7 =	vunpack.c.l.s4.s8 v7;
	v2 =	vimm.s32 $0x0;
	s10 =	sshrl.u32 s4, $0x1;
	s8 =	sshrl.u32 s8, $0x2;
	s16 =	sshrl.u32 s16, $0x2;
	v4 =	vand.u32 $0xF, v4  }
0xe: {  	v5 =	vunpack.c.0.s8.s32 v5;
	[dreg:$0x6] =	wrdreg s25;
	s13 =	sadd.s32 $0x2800, s6;
	s4 =	ssub.s32 s4, s10;
	v3 =	vcombine.low v3, v4;
	v4 =	vunpack.c.l.s4.s8 v6  }
0xf: {  	v7 =	vunpack.c.0.s8.s32 v7;
	v0 =	vmov s6;
	s14 =	sadd.s32 s8, s3;
	s12 =	sor.u32 s22, s9;
	s6 =	sadd.s32 s15, s6;
	v6 =	vimm.s32 $0xE40000  }
0x10: {  	s24 =	sadd.s32 s16, s3;
	s22 =	simm.s32 $0x200;
	s10 =	sshrl.u32 s12, $0x3;
	v6 =	vunpack.c.l.s2.s4 v6;
	v8 =	vunpack.c.0.s8.s32 v4;
	v4 =	vimm.s32 $0x32100000  }
0x11: {  	v1 =	vmov s13;
	v5 =	vand.u32 $0xF, v5;
	s11 =	sor.u32 $0x1000, s12;
	[dreg:$0x9] =	wrdreg s24;
	s28 =	smax.u32 s4, $0x1;
	v9 =	vunpack.c.l.s4.s8 v4  }
0x12: {  	s6 =	sshll.u32 s6, $0x4;
	s29 =	sshrl.u32 s14, $0x3;
	[dreg:$0xc] =	wrdreg s28;
	v6 =	vunpack.c.l.s4.s8 v6;
	v4 =	vlaneseq.u32;
	v5 =	vcombine.low v8, v5  }
.Ltmp0:
0x13: {  	s6 =	sadd.s32 s0, s6;
	[dreg:$0xd] =	wrdreg s29;
	v11 =	vor.u32 $0x2810, v4;
	v12 =	vor.u32 $0x2820, v4;
	v13 =	vor.u32 $0x2830, v4;
	(pc) =	sbr.rel .LBB2_1-.Ltmp0, $4  }
0x14: {  	s13 =	sadd.s32 s15, s13;
	s30 =	sadd.s32 s2, s10;
	[dreg:$0xa] =	wrdreg s6;
	v8 =	vunpack.c.0.s8.s32 v9;
	v9 =	vimm.s32 $0x7060504;
	v10 =	vunpack.c.0.s8.s32 v6  }
0x15: {  	s31 =	sadd.s32 s5, s10;
	s26 =	sshll.u32 s13, $0x4;
	[dreg:$0x7] =	wrdreg s30;
	v6 =	vand.u32 $0xF, v7;
	v7 =	vunpack.c.0.s8.s32 v9;
	v9 =	vadd.s32 $0x1, v4  }
0x16: {  	s12 =	sor.u32 $0x2000, s12;
	s0 =	sadd.s32 s0, s26;
	[dreg:$0x8] =	wrdreg s31;
	v6 =	vcombine.low v8, v6;
	v8 =	vand.u32 $0x3, v10;
	v10 =	vor.u32 $0x2800, v4  }
0x17: {  	s24 =	simm.s32 $0x2;
	s26 =	simm.s32 $0x0;
	[dreg:$0xb] =	wrdreg s0;
	v7 =	vsel vm2, v7, v8;
	vm2 =	vmmov $0xff;
	v8 =	vimm.s32 $0x7  }
.LBB2_20:
0x18: {  	v15 =	vshrl.u32 @!p3 v14, $0xE  }
0x19: {  	v14 =	vand.u32 @!p3 $0x3FFF, v14;
	[tilespmem:$0xB9A0] =	vst @!p3 v15  }
0x1a: {  	[tilespmem:$0xBB20] =	vst @!p3 v14  }
0x1b: {  	v14 =	vld @!p3 [tilespmem:s31+$0x50];
	_ =	sdelay $0x4  }
0x1c: {  	v15 =	vshrl.u32 @!p3 v14, $0xE  }
0x1d: {  	s4 =	simm.s32 @!p3 $0x40;
	v14 =	vand.u32 @!p3 $0x3FFF, v14;
	[tilespmem:$0xB9B0] =	vst @!p3 v15  }
0x1e: {  	s7 =	simm.s32 @!p3 $0xB980;
	s8 =	simm.s32 @!p3 $0x9880;
	s9 =	simm.s32 @!p0 $0x3;
	[tilespmem:$0xBB30] =	vst @!p3 v14  }
0x1f: {  	[tilespmem:s8], [sflag:$0x5] =	stream.indirect.gather @!p3 [hbm4b:s1+s4], $0x80, s7, s4, $0xb8;
	[tilespmem:$0x1FD80] =	vst v63  }
0x20: {  	_ =	swait.ge @!p0 [sflag:s9], $0x2000  }
0x21: {  	[sflag:s9] =	ssyncset.done @!p0 $0x0  }
0x22: {  	s7 =	simm.s32 @!p0 $0xBA00;
	[sflag:s9] =	ssyncadd.s32 @!p0 $0xFFFFE000;
	s9 =	simm.s32 @!p1 $0x4  }
0x23: {  	[spmem:s3] =	stream.indirect.scatter.add.f32 @!p0 [tilespmem:s6], [sflag:$0x6], $0x80, s7, s0, $0xb8;
	[tilespmem:$0x1FD80] =	vst v63  }
0x24: {  	_ =	swait.ge @!p1 [sflag:s9], $0x2000  }
0x25: {  	[sflag:s9] =	ssyncset.done @!p1 $0x0  }
0x26: {  	s0 =	simm.s32 @!p1 $0xBA80;
	s6 =	simm.s32 @!p3 $0x5;
	[sflag:s9] =	ssyncadd.s32 @!p1 $0xFFFFE000  }
0x27: {  	[spmem:s3] =	stream.indirect.scatter.add.f32 @!p1 [tilespmem:s16], [sflag:$0x7], $0x80, s0, s15, $0xb8;
	[tilespmem:$0x1FD80] =	vst v63  }
0x28: {  	_ =	swait.ge @!p3 [sflag:s6], $0x2000  }
0x29: {  	[sflag:s6] =	ssyncset.done @!p3 $0x0  }
0x2a: {  	s28 =	simm.s32 $0x6;
	s0 =	simm.s32 @!p3 $0xBB00;
	[sflag:s6] =	ssyncadd.s32 @!p3 $0xFFFFE000  }
0x2b: {  	[spmem:s3] =	stream.indirect.scatter.add.f32 @!p3 [tilespmem:s8], [sflag:$0x8], $0x80, s0, s4, $0xb8;
	[tilespmem:$0x1FD80] =	vst v63  }
0x2c: {  	_ =	swait.ge [sflag:s28], $0x2000  }
0x2d: {  	p0 =	slt.u32 s29, $0x80;
	[sflag:s28] =	ssyncset.done $0x0  }
0x2e: {  	s0 =	simm.s32 @!p0 $0x7;
	[sflag:s28] =	ssyncadd.s32 $0xFFFFE000  }
0x2f: {  	p1 =	slt.u32 @!p0 s29, $0xC0;
	_ =	swait.ge @!p0 [sflag:s0], $0x2000  }
0x30: {  	p1 =	por p1, p0;
	[sflag:s0] =	ssyncset.done @!p0 $0x0  }
0x31: {  	[sflag:s0] =	ssyncadd.s32 @!p0 $0xFFFFE000;
	s0 =	simm.s32 @!p1 $0x8  }
0x32: {  	_ =	swait.ge @!p1 [sflag:s0], $0x2000  }
0x33: {  	s17 =	rddreg [dreg:$0x5]  }
0x34: {  	s25 =	rddreg [dreg:$0x6]  }
0x35: {  	s30 =	rddreg [dreg:$0x7]  }
0x36: {  	[sflag:s0] =	ssyncset.done @!p1 $0x0;
	s31 =	rddreg [dreg:$0x8]  }
0x37: {  	s14 =	rddreg [dreg:$0xe];
	[sflag:s0] =	ssyncadd.s32 @!p1 $0xFFFFE000  }
.LBB2_21:
0x38: {  	[bflag:$0x0] =	sbarrier.arrive $0xFFFF  }
0x39: {  	s0 =	rddreg [dreg:$0xb]  }
0x3a: {  	[hbm:s0], [sflag:s25] =	dma.local [spmem:s14], $0x2800  }
0x3b: {  	_ =	swait.ge [sflag:s18], $0x2800  }
0x3c: {  	s26 =	sadd.s32 $0x1, s26;
	s29 =	rddreg [dreg:$0xc]  }
0x3d: {  	p0 =	sne.s32 s26, s29  }
.Ltmp1:
0x3e: {  	_ = 	snop;
	(pc) =	sbr.rel @!p0 .LBB2_22-.Ltmp1, $3  }
0x3f: {  	[sflag:s18] =	ssyncset.done $0x0  }
0x40: {  	[sflag:s18] =	ssyncadd.s32 $0xFFFFD800  }
0x41: {  	[bflag:$0x0] =	sbarrier.arrive $0xFFFF;
	_ =	sdelay $0x1  }
.LBB2_1:
0x42: {  	s0 =	rddreg [dreg:$0xd]  }
0x43: {  	[spmem:s0], [sflag:s25] =	dma.local [hbm:s17], $0x2840  }
0x44: {  	_ =	swait.ge [sflag:s18], $0x2840  }
0x45: {  	[sflag:s18] =	ssyncset.done $0x0  }
0x46: {  	[sflag:s18] =	ssyncadd.s32 $0xFFFFD7C0  }
0x47: {  	s29 =	simm.s32 $0x0;
	[bflag:$0x0] =	sbarrier.arrive $0xFFFF  }
0x48: {  	[tilespmem:s29], [sflag:$0x1] =	stream.strided.gather [hbm4b:s30+s19], $0x200, s20, s19, $0x38;
	[tilespmem:$0x1FD80] =	vst v63  }
0x49: {  	s28 =	simm.s32 $0x0;
	s0 =	simm.s32 $0x0  }
0x4a: {  	[tilespmem:s20], [sflag:$0x1] =	stream.strided.gather [hbm4b:s31+s19], $0x200, s20, s19, $0x38;
	[tilespmem:$0x1FD80] =	vst v63  }
.LBB2_2:
0x4b: {  	_ =	swait.ge [sflag:s21], $0x200  }
0x4c: {  	[sflag:s21] =	ssyncset.done $0x0  }
0x4d: {  	s4 =	sshll.u32 s28, $0xD;
	[sflag:s21] =	ssyncadd.s32 $0xFFFFFE00  }
0x4e: {  	s6 =	sadd.s32 s4, s11;
	_ =	swait.ge [sflag:s21], $0x200  }
0x4f: {  	s6 =	sshrl.u32 s6, $0x3;
	[sflag:s21] =	ssyncset.done $0x0  }
0x50: {  	s13 =	sadd.s32 s2, s6;
	[sflag:s21] =	ssyncadd.s32 $0xFFFFFE00  }
0x51: {  	[tilespmem:s22], [sflag:$0x2] =	stream.strided.gather [hbm4b:s13+s19], $0x200, s20, s19, $0x38;
	[tilespmem:$0x1FD80] =	vst v63  }
0x52: {  	s6 =	sadd.s32 s5, s6  }
0x53: {  	[tilespmem:s23], [sflag:$0x2] =	stream.strided.gather [hbm4b:s6+s19], $0x200, s20, s19, $0x38;
	[tilespmem:$0x1FD80] =	vst v63  }
0x54: {  	s6 =	simm.s32 $0x0  }
0x55: {  	s13 =	simm.s32 $0x80;
	v14 =	vld [tilespmem:s6+$0x400]  }
.LBB2_3:
0x56: {  	p0 =	sne.s32 s13, $0x780;
	v15 =	vld [tilespmem:s6+$0x410];
	_ =	sdelay $0x3  }
0x57: {  	v14 =	vsub.s32 v14, v0  }
0x58: {  	vm3 =	vlt.u32 v14, $0x2800;
	v15 =	vsub.s32 v15, v0  }
0x59: {  	v16 =	vsel vm3, $0x1, v2;
	vm3 =	vlt.u32 v15, $0x2800  }
0x5a: {  	v17 =	vperm.xlane v16, v3;
	v18 =	vsel vm3, $0x1, v2  }
0x5b: {  	vm3 =	veq.s32 v4, $0x0;
	v19 =	vperm.xlane v18, v3  }
0x5c: {  	v17 =	vsel vm3, $0x0, v17  }
0x5d: {  	v16 =	vadd.s32 v16, v17;
	v17 =	vsel vm3, $0x0, v19  }
0x5e: {  	v19 =	vperm.xlane v16, v5;
	v17 =	vadd.s32 v18, v17  }
0x5f: {  	v18 =	vperm.xlane v17, v5  }
0x60: {  	v19 =	vsel vm0, $0x0, v19  }
0x61: {  	v16 =	vadd.s32 v19, v16;
	v18 =	vsel vm0, $0x0, v18  }
0x62: {  	v19 =	vperm.xlane v16, v6;
	v17 =	vadd.s32 v18, v17  }
0x63: {  	v18 =	vperm.xlane v17, v6  }
0x64: {  	v19 =	vsel vm1, $0x0, v19  }
0x65: {  	v16 =	vadd.s32 v19, v16;
	v18 =	vsel vm1, $0x0, v18  }
0x66: {  	v19 =	vperm.xlane v16, v7;
	v17 =	vadd.s32 v18, v17  }
0x67: {  	v18 =	vperm.xlane v17, v7  }
0x68: {  	v19 =	vsel vm2, $0x0, v19  }
0x69: {  	v16 =	vadd.s32 v19, v16;
	v18 =	vsel vm2, $0x0, v18  }
0x6a: {  	v19 =	vperm.xlane v16, v8;
	v17 =	vadd.s32 v18, v17  }
0x6b: {  	v18 =	vperm.xlane v17, v8;
	(v2sf) =	vpush v17, $0xF  }
0x6c: {  	vm4 =	vlt.s32 v19, v9  }
0x6d: {  	v19 =	vsel vm4, $0x8, v2;
	vm4 =	vlt.s32 v18, v9  }
0x6e: {  	v18 =	vor.u32 $0x3, v19;
	v20 =	vsel vm4, $0x8, v2  }
0x6f: {  	v18 =	vperm.xlane v16, v18;
	v21 =	vor.u32 $0x3, v20;
	(v2sf) =	vpush v16, $0xF  }
0x70: {  	v21 =	vperm.xlane v17, v21  }
0x71: {  	vm4 =	vlt.s32 v18, v9;
	v18 =	vor.u32 $0x4, v19  }
0x72: {  	v18 =	vsel vm4, v18, v19;
	vm4 =	vlt.s32 v21, v9;
	v19 =	vor.u32 $0x4, v20  }
0x73: {  	v21 =	vor.u32 $0x1, v18;
	v19 =	vsel vm4, v19, v20  }
0x74: {  	v20 =	vperm.xlane v16, v21;
	v21 =	vld [tilespmem:s6+$0x10];
	v22 =	vor.u32 $0x1, v19  }
0x75: {  	v23 =	vld [tilespmem:s6+$0x0];
	v22 =	vperm.xlane v17, v22  }
0x76: {  	vm4 =	vlt.s32 v20, v9;
	v20 =	vor.u32 $0x2, v18  }
0x77: {  	v18 =	vsel vm4, v20, v18;
	vm4 =	vlt.s32 v22, v9;
	v20 =	vor.u32 $0x2, v19  }
0x78: {  	v16 =	vperm.xlane v16, v18;
	v19 =	vsel vm4, v20, v19  }
0x79: {  	v20 =	vshll.u32 v21, $0xE;
	v17 =	vperm.xlane v17, v19  }
0x7a: {  	v15 =	vand.u32 $0x3FFF, v15;
	v21 =	vshll.u32 v23, $0xE;
	vm4 =	vlt.s32 v16, v9;
	s14 =	spop (v2sf)  }
0x7b: {  	v14 =	vand.u32 $0x3FFF, v14;
	v16 =	vsel vm4, $0x1, v2;
	vm4 =	vlt.s32 v17, v9  }
0x7c: {  	v14 =	vor.u32 v14, v21;
	v16 =	vor.u32 v16, v18;
	v17 =	vsel vm4, $0x1, v2  }
.Ltmp2:
0x7d: {  	v15 =	vor.u32 v15, v20;
	v14 =	vperm.xlane v14, v16;
	v16 =	vor.u32 v17, v19;
	(pc) =	sbr.rel @p0 .LBB2_3-.Ltmp2, $4  }
0x7e: {  	v15 =	vperm.xlane v15, v16;
	s6 =	spop (v2sf)  }
0x7f: {  	[tilespmem:s0+$0x800] =	vst v14;
	s0 =	sadd.s32 s0, s6  }
0x80: {  	s6 =	sshra.s32 s13, $0x2;
	[tilespmem:s0+$0x800] =	vst v15;
	s0 =	sadd.s32 s0, s14  }
0x81: {  	s13 =	sadd.s32 $0x80, s13;
	v14 =	vld [tilespmem:s6+$0x400]  }
0x82: {  	v15 =	vld [tilespmem:s6+$0x410];
	_ =	sdelay $0x3  }
0x83: {  	v14 =	vsub.s32 v14, v0  }
0x84: {  	vm4 =	vlt.u32 v14, $0x2800;
	v15 =	vsub.s32 v15, v0  }
0x85: {  	v16 =	vsel vm4, $0x1, v2;
	vm15 =	vlt.u32 v15, $0x2800  }
0x86: {  	v17 =	vperm.xlane v16, v3;
	v18 =	vsel vm15, $0x1, v2  }
0x87: {  	v19 =	vperm.xlane v18, v3  }
0x88: {  	v17 =	vsel vm3, $0x0, v17  }
0x89: {  	v16 =	vadd.s32 v16, v17;
	v51 =	vsel vm3, $0x0, v19  }
0x8a: {  	v52 =	vperm.xlane v16, v5;
	v17 =	vadd.s32 v18, v51  }
0x8b: {  	v18 =	vperm.xlane v17, v5  }
0x8c: {  	v19 =	vsel vm0, $0x0, v52  }
0x8d: {  	v16 =	vadd.s32 v19, v16;
	v18 =	vsel vm0, $0x0, v18  }
0x8e: {  	v19 =	vperm.xlane v16, v6;
	v17 =	vadd.s32 v18, v17  }
0x8f: {  	v18 =	vperm.xlane v17, v6  }
0x90: {  	v19 =	vsel vm1, $0x0, v19  }
0x91: {  	v16 =	vadd.s32 v19, v16;
	v18 =	vsel vm1, $0x0, v18  }
0x92: {  	v19 =	vperm.xlane v16, v7;
	v17 =	vadd.s32 v18, v17  }
0x93: {  	v18 =	vperm.xlane v17, v7  }
0x94: {  	v19 =	vsel vm2, $0x0, v19  }
0x95: {  	v16 =	vadd.s32 v19, v16;
	v18 =	vsel vm2, $0x0, v18  }
0x96: {  	v19 =	vperm.xlane v16, v8;
	v17 =	vadd.s32 v18, v17  }
0x97: {  	v18 =	vperm.xlane v17, v8  }
0x98: {  	vm3 =	vlt.s32 v19, v9  }
0x99: {  	v19 =	vsel vm3, $0x8, v2;
	vm3 =	vlt.s32 v18, v9  }
0x9a: {  	(v2sf) =	vpush v17, $0xF;
	v53 =	vor.u32 $0x3, v19;
	v20 =	vsel vm3, $0x8, v2  }
0x9b: {  	(v2sf) =	vpush v16, $0xF;
	v18 =	vperm.xlane v16, v53;
	v21 =	vor.u32 $0x3, v20  }
0x9c: {  	v21 =	vperm.xlane v17, v21  }
0x9d: {  	v54 =	vor.u32 $0x4, v19;
	vm3 =	vlt.s32 v18, v9  }
0x9e: {  	v55 =	vor.u32 $0x4, v20;
	v18 =	vsel vm3, v54, v19;
	vm3 =	vlt.s32 v21, v9  }
0x9f: {  	v56 =	vor.u32 $0x1, v18;
	v19 =	vsel vm3, v55, v20  }
0xa0: {  	v58 =	vld [tilespmem:s6+$0x10];
	v57 =	vperm.xlane v16, v56;
	v22 =	vor.u32 $0x1, v19  }
0xa1: {  	v23 =	vld [tilespmem:s6+$0x0];
	v22 =	vperm.xlane v17, v22  }
0xa2: {  	v59 =	vor.u32 $0x2, v18;
	vm3 =	vlt.s32 v57, v9  }
0xa3: {  	v60 =	vor.u32 $0x2, v19;
	v18 =	vsel vm3, v59, v18;
	vm3 =	vlt.s32 v22, v9  }
0xa4: {  	v16 =	vperm.xlane v16, v18;
	v19 =	vsel vm3, v60, v19  }
0xa5: {  	v61 =	vshll.u32 v58, $0xE;
	v17 =	vperm.xlane v17, v19  }
0xa6: {  	v62 =	vshll.u32 v23, $0xE;
	v14 =	vand.u32 $0x3FFF, v14;
	vm3 =	vlt.s32 v16, v9  }
0xa7: {  	v15 =	vand.u32 $0x3FFF, v15;
	v16 =	vsel vm3, $0x1, v2;
	vm3 =	vlt.s32 v17, v9  }
0xa8: {  	v14 =	vor.u32 v14, v62;
	v16 =	vor.u32 v16, v18;
	v17 =	vsel vm3, $0x1, v2  }
0xa9: {  	v15 =	vor.u32 v15, v61;
	s10 =	spop (v2sf);
	v14 =	vperm.xlane v14, v16;
	v63 =	vor.u32 v17, v19  }
0xaa: {  	s13 =	spop (v2sf);
	v15 =	vperm.xlane v15, v63  }
0xab: {  	s29 =	sadd.s32 s0, s13;
	[tilespmem:s0+$0x800] =	vst v14  }
0xac: {  	[tilespmem:s29+$0x800] =	vst v15  }
0xad: {  	_ =	swait.ge [sflag:s24], $0x200  }
0xae: {  	[sflag:s24] =	ssyncset.done $0x0  }
0xaf: {  	p0 =	seq.s32 s28, $0x13;
	[sflag:s24] =	ssyncadd.s32 $0xFFFFFE00  }
0xb0: {  	s4 =	sadd.s32 @!p0 s4, s12;
	s14 =	simm.s32 @!p0 $0x80;
	_ =	swait.ge [sflag:s24], $0x200  }
0xb1: {  	s15 =	simm.s32 @!p0 $0x400;
	s4 =	sshrl.u32 @!p0 s4, $0x3;
	[sflag:s24] =	ssyncset.done $0x0  }
0xb2: {  	s16 =	simm.s32 @!p0 $0x0;
	s13 =	sadd.s32 @!p0 s2, s4;
	[sflag:s24] =	ssyncadd.s32 $0xFFFFFE00  }
0xb3: {  	[tilespmem:s16], [sflag:$0x1] =	stream.strided.gather @!p0 [hbm4b:s13+s14], $0x200, s15, s14, $0x38;
	[tilespmem:$0x1FD80] =	vst v63  }
0xb4: {  	s4 =	sadd.s32 @!p0 s5, s4  }
0xb5: {  	[tilespmem:s15], [sflag:$0x1] =	stream.strided.gather @!p0 [hbm4b:s4+s14], $0x200, s15, s14, $0x38;
	[tilespmem:$0x1FD80] =	vst v63  }
0xb6: {  	s4 =	simm.s32 $0x0  }
0xb7: {  	s6 =	simm.s32 $0x80;
	s0 =	sadd.s32 s29, s10;
	v14 =	vld [tilespmem:s4+$0x600]  }
.LBB2_5:
0xb8: {  	p0 =	sne.s32 s6, $0x780;
	v15 =	vld [tilespmem:s4+$0x610];
	_ =	sdelay $0x3  }
0xb9: {  	v14 =	vsub.s32 v14, v0  }
0xba: {  	vm3 =	vlt.u32 v14, $0x2800;
	v15 =	vsub.s32 v15, v0  }
0xbb: {  	v16 =	vsel vm3, $0x1, v2;
	vm3 =	vlt.u32 v15, $0x2800  }
0xbc: {  	v17 =	vperm.xlane v16, v3;
	v18 =	vsel vm3, $0x1, v2  }
0xbd: {  	vm3 =	veq.s32 v4, $0x0;
	v19 =	vperm.xlane v18, v3  }
0xbe: {  	v17 =	vsel vm3, $0x0, v17  }
0xbf: {  	v16 =	vadd.s32 v16, v17;
	v17 =	vsel vm3, $0x0, v19  }
0xc0: {  	v19 =	vperm.xlane v16, v5;
	v17 =	vadd.s32 v18, v17  }
0xc1: {  	v18 =	vperm.xlane v17, v5  }
0xc2: {  	v19 =	vsel vm0, $0x0, v19  }
0xc3: {  	v16 =	vadd.s32 v19, v16;
	v18 =	vsel vm0, $0x0, v18  }
0xc4: {  	v19 =	vperm.xlane v16, v6;
	v17 =	vadd.s32 v18, v17  }
0xc5: {  	v18 =	vperm.xlane v17, v6  }
0xc6: {  	v19 =	vsel vm1, $0x0, v19  }
0xc7: {  	v16 =	vadd.s32 v19, v16;
	v18 =	vsel vm1, $0x0, v18  }
0xc8: {  	v19 =	vperm.xlane v16, v7;
	v17 =	vadd.s32 v18, v17  }
0xc9: {  	v18 =	vperm.xlane v17, v7  }
0xca: {  	v19 =	vsel vm2, $0x0, v19  }
0xcb: {  	v16 =	vadd.s32 v19, v16;
	v18 =	vsel vm2, $0x0, v18  }
0xcc: {  	v19 =	vperm.xlane v16, v8;
	v17 =	vadd.s32 v18, v17  }
0xcd: {  	v18 =	vperm.xlane v17, v8;
	(v2sf) =	vpush v17, $0xF  }
0xce: {  	vm4 =	vlt.s32 v19, v9  }
0xcf: {  	v19 =	vsel vm4, $0x8, v2;
	vm4 =	vlt.s32 v18, v9  }
0xd0: {  	v18 =	vor.u32 $0x3, v19;
	v20 =	vsel vm4, $0x8, v2  }
0xd1: {  	v18 =	vperm.xlane v16, v18;
	v21 =	vor.u32 $0x3, v20;
	(v2sf) =	vpush v16, $0xF  }
0xd2: {  	v21 =	vperm.xlane v17, v21  }
0xd3: {  	vm4 =	vlt.s32 v18, v9;
	v18 =	vor.u32 $0x4, v19  }
0xd4: {  	v18 =	vsel vm4, v18, v19;
	vm4 =	vlt.s32 v21, v9;
	v19 =	vor.u32 $0x4, v20  }
0xd5: {  	v21 =	vor.u32 $0x1, v18;
	v19 =	vsel vm4, v19, v20  }
0xd6: {  	v20 =	vperm.xlane v16, v21;
	v21 =	vld [tilespmem:s4+$0x210];
	v22 =	vor.u32 $0x1, v19  }
0xd7: {  	v23 =	vld [tilespmem:s4+$0x200];
	v22 =	vperm.xlane v17, v22  }
0xd8: {  	vm4 =	vlt.s32 v20, v9;
	v20 =	vor.u32 $0x2, v18  }
0xd9: {  	v18 =	vsel vm4, v20, v18;
	vm4 =	vlt.s32 v22, v9;
	v20 =	vor.u32 $0x2, v19  }
0xda: {  	v16 =	vperm.xlane v16, v18;
	v19 =	vsel vm4, v20, v19  }
0xdb: {  	v20 =	vshll.u32 v21, $0xE;
	v17 =	vperm.xlane v17, v19  }
0xdc: {  	v15 =	vand.u32 $0x3FFF, v15;
	v21 =	vshll.u32 v23, $0xE;
	vm4 =	vlt.s32 v16, v9;
	s13 =	spop (v2sf)  }
0xdd: {  	v14 =	vand.u32 $0x3FFF, v14;
	v16 =	vsel vm4, $0x1, v2;
	vm4 =	vlt.s32 v17, v9  }
0xde: {  	v14 =	vor.u32 v14, v21;
	v16 =	vor.u32 v16, v18;
	v17 =	vsel vm4, $0x1, v2  }
.Ltmp3:
0xdf: {  	v15 =	vor.u32 v15, v20;
	v14 =	vperm.xlane v14, v16;
	v16 =	vor.u32 v17, v19;
	(pc) =	sbr.rel @p0 .LBB2_5-.Ltmp3, $4  }
0xe0: {  	v15 =	vperm.xlane v15, v16;
	s4 =	spop (v2sf)  }
0xe1: {  	[tilespmem:s0+$0x800] =	vst v14;
	s0 =	sadd.s32 s0, s4  }
0xe2: {  	s4 =	sshra.s32 s6, $0x2;
	[tilespmem:s0+$0x800] =	vst v15;
	s0 =	sadd.s32 s0, s13  }
0xe3: {  	s6 =	sadd.s32 $0x80, s6;
	v14 =	vld [tilespmem:s4+$0x600]  }
0xe4: {  	v15 =	vld [tilespmem:s4+$0x610];
	_ =	sdelay $0x3  }
0xe5: {  	v14 =	vsub.s32 v14, v0  }
0xe6: {  	vm4 =	vlt.u32 v14, $0x2800;
	v15 =	vsub.s32 v15, v0  }
0xe7: {  	v16 =	vsel vm4, $0x1, v2;
	vm15 =	vlt.u32 v15, $0x2800  }
0xe8: {  	v17 =	vperm.xlane v16, v3;
	v18 =	vsel vm15, $0x1, v2  }
0xe9: {  	v19 =	vperm.xlane v18, v3  }
0xea: {  	v17 =	vsel vm3, $0x0, v17  }
0xeb: {  	v16 =	vadd.s32 v16, v17;
	v51 =	vsel vm3, $0x0, v19  }
0xec: {  	v52 =	vperm.xlane v16, v5;
	v17 =	vadd.s32 v18, v51  }
0xed: {  	v18 =	vperm.xlane v17, v5  }
0xee: {  	v19 =	vsel vm0, $0x0, v52  }
0xef: {  	v16 =	vadd.s32 v19, v16;
	v18 =	vsel vm0, $0x0, v18  }
0xf0: {  	v19 =	vperm.xlane v16, v6;
	v17 =	vadd.s32 v18, v17  }
0xf1: {  	v18 =	vperm.xlane v17, v6  }
0xf2: {  	v19 =	vsel vm1, $0x0, v19  }
0xf3: {  	v16 =	vadd.s32 v19, v16;
	v18 =	vsel vm1, $0x0, v18  }
0xf4: {  	v19 =	vperm.xlane v16, v7;
	v17 =	vadd.s32 v18, v17  }
0xf5: {  	v18 =	vperm.xlane v17, v7  }
0xf6: {  	v19 =	vsel vm2, $0x0, v19  }
0xf7: {  	v16 =	vadd.s32 v19, v16;
	v18 =	vsel vm2, $0x0, v18  }
0xf8: {  	v19 =	vperm.xlane v16, v8;
	v17 =	vadd.s32 v18, v17  }
0xf9: {  	v18 =	vperm.xlane v17, v8  }
0xfa: {  	vm3 =	vlt.s32 v19, v9  }
0xfb: {  	v19 =	vsel vm3, $0x8, v2;
	vm3 =	vlt.s32 v18, v9  }
0xfc: {  	(v2sf) =	vpush v17, $0xF;
	v53 =	vor.u32 $0x3, v19;
	v20 =	vsel vm3, $0x8, v2  }
0xfd: {  	(v2sf) =	vpush v16, $0xF;
	v18 =	vperm.xlane v16, v53;
	v21 =	vor.u32 $0x3, v20  }
0xfe: {  	v21 =	vperm.xlane v17, v21  }
0xff: {  	v54 =	vor.u32 $0x4, v19;
	vm3 =	vlt.s32 v18, v9  }
0x100: {  	v55 =	vor.u32 $0x4, v20;
	v18 =	vsel vm3, v54, v19;
	vm3 =	vlt.s32 v21, v9  }
0x101: {  	v56 =	vor.u32 $0x1, v18;
	v19 =	vsel vm3, v55, v20  }
0x102: {  	v58 =	vld [tilespmem:s4+$0x210];
	v57 =	vperm.xlane v16, v56;
	v22 =	vor.u32 $0x1, v19  }
0x103: {  	v23 =	vld [tilespmem:s4+$0x200];
	v22 =	vperm.xlane v17, v22  }
0x104: {  	v59 =	vor.u32 $0x2, v18;
	vm3 =	vlt.s32 v57, v9  }
0x105: {  	v60 =	vor.u32 $0x2, v19;
	v18 =	vsel vm3, v59, v18;
	vm3 =	vlt.s32 v22, v9  }
0x106: {  	v16 =	vperm.xlane v16, v18;
	v19 =	vsel vm3, v60, v19  }
0x107: {  	v61 =	vshll.u32 v58, $0xE;
	v17 =	vperm.xlane v17, v19  }
0x108: {  	s28 =	sadd.s32 $0x1, s28;
	v62 =	vshll.u32 v23, $0xE;
	v14 =	vand.u32 $0x3FFF, v14;
	vm3 =	vlt.s32 v16, v9  }
0x109: {  	p0 =	sne.s32 s28, $0x14;
	v15 =	vand.u32 $0x3FFF, v15;
	v16 =	vsel vm3, $0x1, v2;
	vm3 =	vlt.s32 v17, v9  }
.Ltmp4:
0x10a: {  	v14 =	vor.u32 v14, v62;
	v16 =	vor.u32 v16, v18;
	v17 =	vsel vm3, $0x1, v2;
	(pc) =	sbr.rel @p0 .LBB2_2-.Ltmp4, $4  }
0x10b: {  	v15 =	vor.u32 v15, v61;
	s16 =	spop (v2sf);
	v14 =	vperm.xlane v14, v16;
	v63 =	vor.u32 v17, v19  }
0x10c: {  	s6 =	spop (v2sf);
	v15 =	vperm.xlane v15, v63  }
0x10d: {  	s29 =	sadd.s32 s0, s6;
	[tilespmem:s0+$0x800] =	vst v14  }
0x10e: {  	s0 =	sadd.s32 s29, s16;
	[tilespmem:s29+$0x800] =	vst v15  }
0x10f: {  	s28 =	sadd.s32 $0x3F, s0  }
0x110: {  	p0 =	slt.s32 s28, $0x40  }
.Ltmp5:
0x111: {  	_ = 	snop;
	(pc) =	sbr.rel @p0 .LBB2_11-.Ltmp5, $4  }
0x112: {  	[tilespmem:s0+$0x800] =	vst v10  }
0x113: {  	[tilespmem:s0+$0x810] =	vst v11  }
0x114: {  	[tilespmem:s0+$0x820] =	vst v12  }
0x115: {  	[tilespmem:s0+$0x830] =	vst v13  }
0x116: {  	s0 =	sshra.s32 s28, $0x1F  }
0x117: {  	s0 =	sshrl.u32 s0, $0x1A  }
0x118: {  	s0 =	sadd.s32 s0, s28  }
0x119: {  	s29 =	sshra.s32 s0, $0x6  }
0x11a: {  	p0 =	sle.s32 s29, $0x0  }
0x11b: {  	p1 =	por @!p0 $0x1, $0x1  }
0x11c: {  	p1 =	por p1, p0  }
0x11d: {  	s0 =	simm.s32 @!p1 $0x6  }
0x11e: {  	_ =	swait.ge @!p1 [sflag:s0], $0x2000  }
0x11f: {  	[sflag:s0] =	ssyncset.done @!p1 $0x0  }
0x120: {  	s30 =	simm.s32 $0x860;
	p0 =	por p0, p0;
	[sflag:s0] =	ssyncadd.s32 @!p1 $0xFFFFE000  }
0x121: {  	v14 =	vld @!p0 [tilespmem:s30+$0xFFFFFFA0];
	_ =	sdelay $0x4  }
0x122: {  	v15 =	vshrl.u32 @!p0 v14, $0xE  }
0x123: {  	v14 =	vand.u32 @!p0 $0x3FFF, v14;
	[tilespmem:$0xB880] =	vst @!p0 v15  }
0x124: {  	[tilespmem:$0xBA00] =	vst @!p0 v14  }
0x125: {  	v14 =	vld @!p0 [tilespmem:s30+$0xFFFFFFB0];
	_ =	sdelay $0x4  }
0x126: {  	v15 =	vshrl.u32 @!p0 v14, $0xE  }
0x127: {  	v14 =	vand.u32 @!p0 $0x3FFF, v14;
	[tilespmem:$0xB890] =	vst @!p0 v15  }
0x128: {  	[tilespmem:$0xBA10] =	vst @!p0 v14  }
0x129: {  	v14 =	vld @!p0 [tilespmem:s30+$0xFFFFFFC0];
	_ =	sdelay $0x4  }
0x12a: {  	v15 =	vshrl.u32 @!p0 v14, $0xE  }
0x12b: {  	v14 =	vand.u32 @!p0 $0x3FFF, v14;
	[tilespmem:$0xB8A0] =	vst @!p0 v15  }
0x12c: {  	[tilespmem:$0xBA20] =	vst @!p0 v14  }
0x12d: {  	v14 =	vld @!p0 [tilespmem:s30+$0xFFFFFFD0];
	_ =	sdelay $0x3  }
0x12e: {  	p1 =	sle.s32 s29, $0x1  }
0x12f: {  	p2 =	por @!p1 $0x1, $0x1;
	v15 =	vshrl.u32 @!p0 v14, $0xE  }
0x130: {  	s31 =	simm.s32 @!p0 $0x40;
	p2 =	por p2, p1;
	v14 =	vand.u32 @!p0 $0x3FFF, v14;
	[tilespmem:$0xB8B0] =	vst @!p0 v15  }
0x131: {  	s4 =	simm.s32 @!p0 $0xB880;
	s0 =	simm.s32 @!p0 $0x5880;
	s6 =	simm.s32 @!p2 $0x7;
	[tilespmem:$0xBA30] =	vst @!p0 v14  }
0x132: {  	[tilespmem:s0], [sflag:$0x3] =	stream.indirect.gather @!p0 [hbm4b:s1+s31], $0x80, s4, s31, $0xb8;
	[tilespmem:$0x1FD80] =	vst v63  }
0x133: {  	_ =	swait.ge @!p2 [sflag:s6], $0x2000  }
0x134: {  	[sflag:s6] =	ssyncset.done @!p2 $0x0  }
0x135: {  	[sflag:s6] =	ssyncadd.s32 @!p2 $0xFFFFE000  }
0x136: {  	v14 =	vld @!p1 [tilespmem:s30+$0xFFFFFFE0];
	_ =	sdelay $0x4  }
0x137: {  	v15 =	vshrl.u32 @!p1 v14, $0xE  }
0x138: {  	v14 =	vand.u32 @!p1 $0x3FFF, v14;
	[tilespmem:$0xB900] =	vst @!p1 v15  }
0x139: {  	[tilespmem:$0xBA80] =	vst @!p1 v14  }
0x13a: {  	v14 =	vld @!p1 [tilespmem:s30+$0xFFFFFFF0];
	_ =	sdelay $0x4  }
0x13b: {  	v15 =	vshrl.u32 @!p1 v14, $0xE  }
0x13c: {  	v14 =	vand.u32 @!p1 $0x3FFF, v14;
	[tilespmem:$0xB910] =	vst @!p1 v15  }
0x13d: {  	[tilespmem:$0xBA90] =	vst @!p1 v14  }
0x13e: {  	v14 =	vld @!p1 [tilespmem:s30+$0x0];
	_ =	sdelay $0x4  }
0x13f: {  	v15 =	vshrl.u32 @!p1 v14, $0xE  }
0x140: {  	v14 =	vand.u32 @!p1 $0x3FFF, v14;
	[tilespmem:$0xB920] =	vst @!p1 v15  }
0x141: {  	[tilespmem:$0xBAA0] =	vst @!p1 v14  }
0x142: {  	v14 =	vld @!p1 [tilespmem:s30+$0x10];
	_ =	sdelay $0x3  }
0x143: {  	p3 =	sle.s32 s29, $0x2  }
0x144: {  	p2 =	por @!p3 $0x1, $0x1;
	v15 =	vshrl.u32 @!p1 v14, $0xE  }
0x145: {  	s14 =	simm.s32 @!p1 $0x40;
	p2 =	por p2, p3;
	v14 =	vand.u32 @!p1 $0x3FFF, v14;
	[tilespmem:$0xB930] =	vst @!p1 v15  }
0x146: {  	s15 =	simm.s32 @!p1 $0x7880;
	s4 =	simm.s32 @!p1 $0xB900;
	s6 =	simm.s32 @!p2 $0x8;
	[tilespmem:$0xBAB0] =	vst @!p1 v14  }
0x147: {  	[tilespmem:s15], [sflag:$0x4] =	stream.indirect.gather @!p1 [hbm4b:s1+s14], $0x80, s4, s14, $0xb8;
	[tilespmem:$0x1FD80] =	vst v63  }
0x148: {  	_ =	swait.ge @!p2 [sflag:s6], $0x2000  }
0x149: {  	[sflag:s6] =	ssyncset.done @!p2 $0x0  }
0x14a: {  	[sflag:s6] =	ssyncadd.s32 @!p2 $0xFFFFE000  }
0x14b: {  	v14 =	vld @!p3 [tilespmem:s30+$0x20];
	_ =	sdelay $0x4  }
0x14c: {  	s25 =	sadd.s32 $0x2, s29;
	v15 =	vshrl.u32 @!p3 v14, $0xE  }
0x14d: {  	s4 =	smulhi.u32 $0xAAAAAAAB, s25;
	v14 =	vand.u32 @!p3 $0x3FFF, v14;
	[tilespmem:$0xB980] =	vst @!p3 v15  }
0x14e: {  	[tilespmem:$0xBB00] =	vst @!p3 v14  }
0x14f: {  	s4 =	sshrl.u32 s4, $0x1;
	v14 =	vld @!p3 [tilespmem:s30+$0x30]  }
0x150: {  	s4 =	smax.u32 s4, $0x1  }
0x151: {  	s6 =	sadd.s32 $0xFFFFFFFF, s4  }
0x152: {  	p2 =	sne.s32 s6, $0x0  }
.Ltmp6:
0x153: {  	_ = 	snop;
	(pc) =	sbr.rel @!p2 .LBB2_10-.Ltmp6, $4  }
0x154: {  	v15 =	vshrl.u32 @!p3 v14, $0xE  }
0x155: {  	v14 =	vand.u32 @!p3 $0x3FFF, v14;
	[tilespmem:$0xB990] =	vst @!p3 v15  }
0x156: {  	[tilespmem:$0xBB10] =	vst @!p3 v14  }
0x157: {  	s13 =	simm.s32 $0x860;
	s4 =	simm.s32 $0x0;
	v14 =	vld @!p3 [tilespmem:s30+$0x40]  }
.LBB2_9:
0x158: {  	_ =	sdelay $0x2  }
0x159: {  	s6 =	sadd.s32 $0xFFFFFFFF, s6;
	s4 =	sadd.s32 $0x3, s4;
	s13 =	sadd.s32 $0xC0, s13  }
0x15a: {  	p2 =	sne.s32 s6, $0x0;
	v15 =	vshrl.u32 @!p3 v14, $0xE;
	v14 =	vand.u32 @!p3 $0x3FFF, v14  }
0x15b: {  	[tilespmem:$0xB9A0] =	vst @!p3 v15  }
0x15c: {  	[tilespmem:$0xBB20] =	vst @!p3 v14  }
0x15d: {  	v14 =	vld @!p3 [tilespmem:s30+$0x50];
	s30 =	smov.u32 s13;
	_ =	sdelay $0x3  }
0x15e: {  	s16 =	simm.s32 @!p1 $0xBA80;
	p5 =	sge.s32 s4, s29  }
0x15f: {  	s25 =	simm.s32 @!p3 $0x5;
	p4 =	seq.s32 @!p5 s4, $0x0;
	v15 =	vshrl.u32 @!p3 v14, $0xE;
	v14 =	vand.u32 @!p3 $0x3FFF, v14  }
0x160: {  	s7 =	simm.s32 @!p3 $0x40;
	s9 =	simm.s32 @!p3 $0xB980;
	s10 =	simm.s32 @!p3 $0x9880;
	[tilespmem:$0xB9B0] =	vst @!p3 v15  }
0x161: {  	s17 =	simm.s32 @!p0 $0x3;
	p4 =	por p4, p5;
	[tilespmem:$0xBB30] =	vst @!p3 v14  }
0x162: {  	[tilespmem:s10], [sflag:$0x5] =	stream.indirect.gather @!p3 [hbm4b:s1+s7], $0x80, s9, s7, $0xb8;
	[tilespmem:$0x1FD80] =	vst v63  }
0x163: {  	s9 =	simm.s32 @!p3 $0xBB00;
	_ =	swait.ge @!p0 [sflag:s17], $0x2000  }
0x164: {  	s8 =	simm.s32 @!p0 $0xBA00;
	[sflag:s17] =	ssyncset.done @!p0 $0x0  }
0x165: {  	[sflag:s17] =	ssyncadd.s32 @!p0 $0xFFFFE000;
	s17 =	simm.s32 @!p1 $0x4  }
0x166: {  	[spmem:s3] =	stream.indirect.scatter.add.f32 @!p0 [tilespmem:s0], [sflag:$0x6], $0x80, s8, s31, $0xb8;
	[tilespmem:$0x1FD80] =	vst v63  }
0x167: {  	p0 =	por p5, p5;
	_ =	swait.ge @!p1 [sflag:s17], $0x2000  }
0x168: {  	[sflag:s17] =	ssyncset.done @!p1 $0x0  }
0x169: {  	[sflag:s17] =	ssyncadd.s32 @!p1 $0xFFFFE000  }
0x16a: {  	[spmem:s3] =	stream.indirect.scatter.add.f32 @!p1 [tilespmem:s15], [sflag:$0x7], $0x80, s16, s14, $0xb8;
	[tilespmem:$0x1FD80] =	vst v63  }
0x16b: {  	_ =	swait.ge @!p3 [sflag:s25], $0x2000  }
0x16c: {  	[sflag:s25] =	ssyncset.done @!p3 $0x0  }
0x16d: {  	s0 =	simm.s32 @!p4 $0x6;
	[sflag:s25] =	ssyncadd.s32 @!p3 $0xFFFFE000  }
0x16e: {  	[spmem:s3] =	stream.indirect.scatter.add.f32 @!p3 [tilespmem:s10], [sflag:$0x8], $0x80, s9, s7, $0xb8;
	[tilespmem:$0x1FD80] =	vst v63  }
0x16f: {  	_ =	swait.ge @!p4 [sflag:s0], $0x2000  }
0x170: {  	[sflag:s0] =	ssyncset.done @!p4 $0x0  }
0x171: {  	[sflag:s0] =	ssyncadd.s32 @!p4 $0xFFFFE000  }
0x172: {  	v14 =	vld @!p0 [tilespmem:s13+$0xFFFFFFA0];
	_ =	sdelay $0x4  }
0x173: {  	v15 =	vshrl.u32 @!p0 v14, $0xE;
	v14 =	vand.u32 @!p0 $0x3FFF, v14  }
0x174: {  	[tilespmem:$0xB880] =	vst @!p0 v15  }
0x175: {  	[tilespmem:$0xBA00] =	vst @!p0 v14  }
0x176: {  	v14 =	vld @!p0 [tilespmem:s13+$0xFFFFFFB0];
	_ =	sdelay $0x4  }
0x177: {  	v15 =	vshrl.u32 @!p0 v14, $0xE;
	v14 =	vand.u32 @!p0 $0x3FFF, v14  }
0x178: {  	[tilespmem:$0xB890] =	vst @!p0 v15  }
0x179: {  	[tilespmem:$0xBA10] =	vst @!p0 v14  }
0x17a: {  	v14 =	vld @!p0 [tilespmem:s13+$0xFFFFFFC0]  }
0x17b: {  	s0 =	sadd.s32 $0x1, s4  }
0x17c: {  	p1 =	sge.s32 s0, s29  }
0x17d: {  	p3 =	seq.s32 @!p1 s4, $0x0  }
0x17e: {  	s31 =	simm.s32 @!p0 $0x40;
	p3 =	por p3, p1  }
0x17f: {  	s7 =	simm.s32 @!p0 $0xB880;
	s0 =	simm.s32 @!p0 $0x5880;
	s8 =	simm.s32 @!p3 $0x7;
	v15 =	vshrl.u32 @!p0 v14, $0xE;
	v14 =	vand.u32 @!p0 $0x3FFF, v14  }
0x180: {  	[tilespmem:$0xB8A0] =	vst @!p0 v15  }
0x181: {  	[tilespmem:$0xBA20] =	vst @!p0 v14  }
0x182: {  	v14 =	vld @!p0 [tilespmem:s13+$0xFFFFFFD0];
	_ =	sdelay $0x4  }
0x183: {  	v15 =	vshrl.u32 @!p0 v14, $0xE;
	v14 =	vand.u32 @!p0 $0x3FFF, v14  }
0x184: {  	[tilespmem:$0xB8B0] =	vst @!p0 v15  }
0x185: {  	[tilespmem:$0xBA30] =	vst @!p0 v14  }
0x186: {  	[tilespmem:s0], [sflag:$0x3] =	stream.indirect.gather @!p0 [hbm4b:s1+s31], $0x80, s7, s31, $0xb8;
	[tilespmem:$0x1FD80] =	vst v63  }
0x187: {  	_ =	swait.ge @!p3 [sflag:s8], $0x2000  }
0x188: {  	[sflag:s8] =	ssyncset.done @!p3 $0x0  }
0x189: {  	[sflag:s8] =	ssyncadd.s32 @!p3 $0xFFFFE000  }
0x18a: {  	v14 =	vld @!p1 [tilespmem:s13+$0xFFFFFFE0];
	_ =	sdelay $0x4  }
0x18b: {  	v15 =	vshrl.u32 @!p1 v14, $0xE;
	v14 =	vand.u32 @!p1 $0x3FFF, v14  }
0x18c: {  	[tilespmem:$0xB900] =	vst @!p1 v15  }
0x18d: {  	[tilespmem:$0xBA80] =	vst @!p1 v14  }
0x18e: {  	v14 =	vld @!p1 [tilespmem:s13+$0xFFFFFFF0];
	_ =	sdelay $0x4  }
0x18f: {  	v15 =	vshrl.u32 @!p1 v14, $0xE;
	v14 =	vand.u32 @!p1 $0x3FFF, v14  }
0x190: {  	[tilespmem:$0xB910] =	vst @!p1 v15  }
0x191: {  	[tilespmem:$0xBA90] =	vst @!p1 v14  }
0x192: {  	v14 =	vld @!p1 [tilespmem:s13+$0x0];
	_ =	sdelay $0x1  }
0x193: {  	s7 =	sadd.s32 $0x2, s4  }
0x194: {  	p3 =	sge.s32 s7, s29  }
0x195: {  	p4 =	seq.s32 @!p3 s4, $0x0  }
0x196: {  	s14 =	simm.s32 @!p1 $0x40;
	s7 =	simm.s32 @!p1 $0xB900;
	p4 =	por p4, p3;
	v15 =	vshrl.u32 @!p1 v14, $0xE;
	v14 =	vand.u32 @!p1 $0x3FFF, v14  }
0x197: {  	[tilespmem:$0xB920] =	vst @!p1 v15  }
0x198: {  	s8 =	simm.s32 @!p4 $0x8;
	[tilespmem:$0xBAA0] =	vst @!p1 v14  }
0x199: {  	v14 =	vld @!p1 [tilespmem:s13+$0x10];
	_ =	sdelay $0x4  }
0x19a: {  	v15 =	vshrl.u32 @!p1 v14, $0xE;
	v14 =	vand.u32 @!p1 $0x3FFF, v14  }
0x19b: {  	[tilespmem:$0xB930] =	vst @!p1 v15  }
0x19c: {  	s15 =	simm.s32 @!p1 $0x7880;
	[tilespmem:$0xBAB0] =	vst @!p1 v14  }
0x19d: {  	[tilespmem:s15], [sflag:$0x4] =	stream.indirect.gather @!p1 [hbm4b:s1+s14], $0x80, s7, s14, $0xb8;
	[tilespmem:$0x1FD80] =	vst v63  }
0x19e: {  	_ =	swait.ge @!p4 [sflag:s8], $0x2000  }
0x19f: {  	[sflag:s8] =	ssyncset.done @!p4 $0x0  }
0x1a0: {  	[sflag:s8] =	ssyncadd.s32 @!p4 $0xFFFFE000  }
0x1a1: {  	v14 =	vld @!p3 [tilespmem:s13+$0x20];
	_ =	sdelay $0x4  }
0x1a2: {  	v15 =	vshrl.u32 @!p3 v14, $0xE;
	v14 =	vand.u32 @!p3 $0x3FFF, v14  }
0x1a3: {  	[tilespmem:$0xB980] =	vst @!p3 v15  }
0x1a4: {  	[tilespmem:$0xBB00] =	vst @!p3 v14  }
0x1a5: {  	v14 =	vld @!p3 [tilespmem:s13+$0x30];
	_ =	sdelay $0x3  }
.Ltmp7:
0x1a6: {  	(pc) =	sbr.rel @p2 .LBB2_9-.Ltmp7, $4  }
0x1a7: {  	v15 =	vshrl.u32 @!p3 v14, $0xE;
	v14 =	vand.u32 @!p3 $0x3FFF, v14  }
0x1a8: {  	[tilespmem:$0xB990] =	vst @!p3 v15  }
0x1a9: {  	[tilespmem:$0xBB10] =	vst @!p3 v14  }
0x1aa: {  	v14 =	vld @!p3 [tilespmem:s13+$0x40]  }
.LBB2_10:
0x1ab: {  	_ =	sdelay $0x3  }
0x1ac: {  	v15 =	vshrl.u32 @!p3 v14, $0xE  }
0x1ad: {  	v14 =	vand.u32 @!p3 $0x3FFF, v14;
	[tilespmem:$0xB9A0] =	vst @!p3 v15  }
0x1ae: {  	[tilespmem:$0xBB20] =	vst @!p3 v14  }
0x1af: {  	v14 =	vld @!p3 [tilespmem:s30+$0x50];
	_ =	sdelay $0x4  }
0x1b0: {  	v15 =	vshrl.u32 @!p3 v14, $0xE  }
0x1b1: {  	s4 =	simm.s32 @!p3 $0x40;
	v14 =	vand.u32 @!p3 $0x3FFF, v14;
	[tilespmem:$0xB9B0] =	vst @!p3 v15  }
0x1b2: {  	s6 =	simm.s32 @!p3 $0xB980;
	s7 =	simm.s32 @!p3 $0x9880;
	s8 =	simm.s32 @!p0 $0x3;
	[tilespmem:$0xBB30] =	vst @!p3 v14  }
0x1b3: {  	[tilespmem:s7], [sflag:$0x5] =	stream.indirect.gather @!p3 [hbm4b:s1+s4], $0x80, s6, s4, $0xb8;
	[tilespmem:$0x1FD80] =	vst v63  }
0x1b4: {  	_ =	swait.ge @!p0 [sflag:s8], $0x2000  }
0x1b5: {  	[sflag:s8] =	ssyncset.done @!p0 $0x0  }
0x1b6: {  	s6 =	simm.s32 @!p0 $0xBA00;
	[sflag:s8] =	ssyncadd.s32 @!p0 $0xFFFFE000;
	s8 =	simm.s32 @!p1 $0x4  }
0x1b7: {  	[spmem:s3] =	stream.indirect.scatter.add.f32 @!p0 [tilespmem:s0], [sflag:$0x6], $0x80, s6, s31, $0xb8;
	[tilespmem:$0x1FD80] =	vst v63  }
0x1b8: {  	_ =	swait.ge @!p1 [sflag:s8], $0x2000  }
0x1b9: {  	[sflag:s8] =	ssyncset.done @!p1 $0x0  }
0x1ba: {  	s0 =	simm.s32 @!p1 $0xBA80;
	s6 =	simm.s32 @!p3 $0x5;
	[sflag:s8] =	ssyncadd.s32 @!p1 $0xFFFFE000  }
0x1bb: {  	[spmem:s3] =	stream.indirect.scatter.add.f32 @!p1 [tilespmem:s15], [sflag:$0x7], $0x80, s0, s14, $0xb8;
	[tilespmem:$0x1FD80] =	vst v63  }
0x1bc: {  	_ =	swait.ge @!p3 [sflag:s6], $0x2000  }
0x1bd: {  	[sflag:s6] =	ssyncset.done @!p3 $0x0  }
0x1be: {  	s29 =	simm.s32 $0x6;
	s0 =	simm.s32 @!p3 $0xBB00;
	[sflag:s6] =	ssyncadd.s32 @!p3 $0xFFFFE000  }
0x1bf: {  	[spmem:s3] =	stream.indirect.scatter.add.f32 @!p3 [tilespmem:s7], [sflag:$0x8], $0x80, s0, s4, $0xb8;
	[tilespmem:$0x1FD80] =	vst v63  }
0x1c0: {  	_ =	swait.ge [sflag:s29], $0x2000  }
0x1c1: {  	p0 =	slt.u32 s28, $0x80;
	[sflag:s29] =	ssyncset.done $0x0  }
0x1c2: {  	s0 =	simm.s32 @!p0 $0x7;
	[sflag:s29] =	ssyncadd.s32 $0xFFFFE000  }
0x1c3: {  	p1 =	slt.u32 @!p0 s28, $0xC0;
	_ =	swait.ge @!p0 [sflag:s0], $0x2000  }
0x1c4: {  	p1 =	por p1, p0;
	[sflag:s0] =	ssyncset.done @!p0 $0x0  }
0x1c5: {  	[sflag:s0] =	ssyncadd.s32 @!p0 $0xFFFFE000;
	s0 =	simm.s32 @!p1 $0x8  }
0x1c6: {  	_ =	swait.ge @!p1 [sflag:s0], $0x2000  }
0x1c7: {  	s17 =	rddreg [dreg:$0x5]  }
0x1c8: {  	s25 =	rddreg [dreg:$0x6]  }
0x1c9: {  	[sflag:s0] =	ssyncset.done @!p1 $0x0;
	s30 =	rddreg [dreg:$0x7]  }
0x1ca: {  	s31 =	rddreg [dreg:$0x8];
	[sflag:s0] =	ssyncadd.s32 @!p1 $0xFFFFE000  }
.LBB2_11:
0x1cb: {  	[bflag:$0x0] =	sbarrier.arrive $0xFFFF  }
0x1cc: {  	s0 =	rddreg [dreg:$0x9]  }
0x1cd: {  	s16 =	rddreg [dreg:$0xa];
	s14 =	sshrl.u32 s0, $0x3  }
0x1ce: {  	[hbm:s16], [sflag:s25] =	dma.local [spmem:s14], $0x2800  }
0x1cf: {  	_ =	swait.ge [sflag:s18], $0x2800  }
0x1d0: {  	[sflag:s18] =	ssyncset.done $0x0  }
0x1d1: {  	[sflag:s18] =	ssyncadd.s32 $0xFFFFD800  }
0x1d2: {  	[bflag:$0x0] =	sbarrier.arrive $0xFFFF  }
0x1d3: {  	s28 =	rddreg [dreg:$0xd]  }
0x1d4: {  	[spmem:s28], [sflag:s25] =	dma.local [hbm:s17], $0x2840  }
0x1d5: {  	_ =	swait.ge [sflag:s18], $0x2840  }
0x1d6: {  	[sflag:s18] =	ssyncset.done $0x0  }
0x1d7: {  	[sflag:s18] =	ssyncadd.s32 $0xFFFFD7C0  }
0x1d8: {  	s0 =	simm.s32 $0x0;
	[bflag:$0x0] =	sbarrier.arrive $0xFFFF  }
0x1d9: {  	[tilespmem:s0], [sflag:$0x1] =	stream.strided.gather [hbm4b:s30+s19], $0x200, s20, s19, $0x38;
	[tilespmem:$0x1FD80] =	vst v63  }
0x1da: {  	s29 =	simm.s32 $0x0  }
0x1db: {  	[tilespmem:s20], [sflag:$0x1] =	stream.strided.gather [hbm4b:s31+s19], $0x200, s20, s19, $0x38;
	[tilespmem:$0x1FD80] =	vst v63  }
.LBB2_12:
0x1dc: {  	_ =	swait.ge [sflag:s21], $0x200  }
0x1dd: {  	[sflag:s21] =	ssyncset.done $0x0  }
0x1de: {  	s4 =	sshll.u32 s29, $0xD;
	[sflag:s21] =	ssyncadd.s32 $0xFFFFFE00  }
0x1df: {  	s6 =	sadd.s32 s4, s11;
	_ =	swait.ge [sflag:s21], $0x200  }
0x1e0: {  	s6 =	sshrl.u32 s6, $0x3;
	[sflag:s21] =	ssyncset.done $0x0  }
0x1e1: {  	s7 =	sadd.s32 s2, s6;
	[sflag:s21] =	ssyncadd.s32 $0xFFFFFE00  }
0x1e2: {  	[tilespmem:s22], [sflag:$0x2] =	stream.strided.gather [hbm4b:s7+s19], $0x200, s20, s19, $0x38;
	[tilespmem:$0x1FD80] =	vst v63  }
0x1e3: {  	s6 =	sadd.s32 s5, s6  }
0x1e4: {  	[tilespmem:s23], [sflag:$0x2] =	stream.strided.gather [hbm4b:s6+s19], $0x200, s20, s19, $0x38;
	[tilespmem:$0x1FD80] =	vst v63  }
0x1e5: {  	s6 =	simm.s32 $0x0  }
0x1e6: {  	s13 =	simm.s32 $0x80;
	v14 =	vld [tilespmem:s6+$0x400]  }
.LBB2_13:
0x1e7: {  	p0 =	sne.s32 s13, $0x780;
	v15 =	vld [tilespmem:s6+$0x410];
	_ =	sdelay $0x3  }
0x1e8: {  	v14 =	vsub.s32 v14, v1  }
0x1e9: {  	vm3 =	vlt.u32 v14, $0x2800;
	v15 =	vsub.s32 v15, v1  }
0x1ea: {  	v16 =	vsel vm3, $0x1, v2;
	vm3 =	vlt.u32 v15, $0x2800  }
0x1eb: {  	v17 =	vperm.xlane v16, v3;
	v18 =	vsel vm3, $0x1, v2  }
0x1ec: {  	vm3 =	veq.s32 v4, $0x0;
	v19 =	vperm.xlane v18, v3  }
0x1ed: {  	v17 =	vsel vm3, $0x0, v17  }
0x1ee: {  	v16 =	vadd.s32 v16, v17;
	v17 =	vsel vm3, $0x0, v19  }
0x1ef: {  	v19 =	vperm.xlane v16, v5;
	v17 =	vadd.s32 v18, v17  }
0x1f0: {  	v18 =	vperm.xlane v17, v5  }
0x1f1: {  	v19 =	vsel vm0, $0x0, v19  }
0x1f2: {  	v16 =	vadd.s32 v19, v16;
	v18 =	vsel vm0, $0x0, v18  }
0x1f3: {  	v19 =	vperm.xlane v16, v6;
	v17 =	vadd.s32 v18, v17  }
0x1f4: {  	v18 =	vperm.xlane v17, v6  }
0x1f5: {  	v19 =	vsel vm1, $0x0, v19  }
0x1f6: {  	v16 =	vadd.s32 v19, v16;
	v18 =	vsel vm1, $0x0, v18  }
0x1f7: {  	v19 =	vperm.xlane v16, v7;
	v17 =	vadd.s32 v18, v17  }
0x1f8: {  	v18 =	vperm.xlane v17, v7  }
0x1f9: {  	v19 =	vsel vm2, $0x0, v19  }
0x1fa: {  	v16 =	vadd.s32 v19, v16;
	v18 =	vsel vm2, $0x0, v18  }
0x1fb: {  	v19 =	vperm.xlane v16, v8;
	v17 =	vadd.s32 v18, v17  }
0x1fc: {  	v18 =	vperm.xlane v17, v8;
	(v2sf) =	vpush v17, $0xF  }
0x1fd: {  	vm4 =	vlt.s32 v19, v9  }
0x1fe: {  	v19 =	vsel vm4, $0x8, v2;
	vm4 =	vlt.s32 v18, v9  }
0x1ff: {  	v18 =	vor.u32 $0x3, v19;
	v20 =	vsel vm4, $0x8, v2  }
0x200: {  	v18 =	vperm.xlane v16, v18;
	v21 =	vor.u32 $0x3, v20;
	(v2sf) =	vpush v16, $0xF  }
0x201: {  	v21 =	vperm.xlane v17, v21  }
0x202: {  	vm4 =	vlt.s32 v18, v9;
	v18 =	vor.u32 $0x4, v19  }
0x203: {  	v18 =	vsel vm4, v18, v19;
	vm4 =	vlt.s32 v21, v9;
	v19 =	vor.u32 $0x4, v20  }
0x204: {  	v21 =	vor.u32 $0x1, v18;
	v19 =	vsel vm4, v19, v20  }
0x205: {  	v20 =	vperm.xlane v16, v21;
	v21 =	vld [tilespmem:s6+$0x10];
	v22 =	vor.u32 $0x1, v19  }
0x206: {  	v23 =	vld [tilespmem:s6+$0x0];
	v22 =	vperm.xlane v17, v22  }
0x207: {  	vm4 =	vlt.s32 v20, v9;
	v20 =	vor.u32 $0x2, v18  }
0x208: {  	v18 =	vsel vm4, v20, v18;
	vm4 =	vlt.s32 v22, v9;
	v20 =	vor.u32 $0x2, v19  }
0x209: {  	v16 =	vperm.xlane v16, v18;
	v19 =	vsel vm4, v20, v19  }
0x20a: {  	v20 =	vshll.u32 v21, $0xE;
	v17 =	vperm.xlane v17, v19  }
0x20b: {  	v15 =	vand.u32 $0x3FFF, v15;
	v21 =	vshll.u32 v23, $0xE;
	vm4 =	vlt.s32 v16, v9;
	s7 =	spop (v2sf)  }
0x20c: {  	v14 =	vand.u32 $0x3FFF, v14;
	v16 =	vsel vm4, $0x1, v2;
	vm4 =	vlt.s32 v17, v9  }
0x20d: {  	v14 =	vor.u32 v14, v21;
	v16 =	vor.u32 v16, v18;
	v17 =	vsel vm4, $0x1, v2  }
.Ltmp8:
0x20e: {  	v15 =	vor.u32 v15, v20;
	v14 =	vperm.xlane v14, v16;
	v16 =	vor.u32 v17, v19;
	(pc) =	sbr.rel @p0 .LBB2_13-.Ltmp8, $4  }
0x20f: {  	v15 =	vperm.xlane v15, v16;
	s6 =	spop (v2sf)  }
0x210: {  	[tilespmem:s0+$0x800] =	vst v14;
	s0 =	sadd.s32 s0, s6  }
0x211: {  	s6 =	sshra.s32 s13, $0x2;
	[tilespmem:s0+$0x800] =	vst v15;
	s0 =	sadd.s32 s0, s7  }
0x212: {  	s13 =	sadd.s32 $0x80, s13;
	v14 =	vld [tilespmem:s6+$0x400]  }
0x213: {  	v15 =	vld [tilespmem:s6+$0x410];
	_ =	sdelay $0x3  }
0x214: {  	v14 =	vsub.s32 v14, v1  }
0x215: {  	vm4 =	vlt.u32 v14, $0x2800;
	v15 =	vsub.s32 v15, v1  }
0x216: {  	v16 =	vsel vm4, $0x1, v2;
	vm15 =	vlt.u32 v15, $0x2800  }
0x217: {  	v17 =	vperm.xlane v16, v3;
	v18 =	vsel vm15, $0x1, v2  }
0x218: {  	v19 =	vperm.xlane v18, v3  }
0x219: {  	v17 =	vsel vm3, $0x0, v17  }
0x21a: {  	v16 =	vadd.s32 v16, v17;
	v51 =	vsel vm3, $0x0, v19  }
0x21b: {  	v52 =	vperm.xlane v16, v5;
	v17 =	vadd.s32 v18, v51  }
0x21c: {  	v18 =	vperm.xlane v17, v5  }
0x21d: {  	v19 =	vsel vm0, $0x0, v52  }
0x21e: {  	v16 =	vadd.s32 v19, v16;
	v18 =	vsel vm0, $0x0, v18  }
0x21f: {  	v19 =	vperm.xlane v16, v6;
	v17 =	vadd.s32 v18, v17  }
0x220: {  	v18 =	vperm.xlane v17, v6  }
0x221: {  	v19 =	vsel vm1, $0x0, v19  }
0x222: {  	v16 =	vadd.s32 v19, v16;
	v18 =	vsel vm1, $0x0, v18  }
0x223: {  	v19 =	vperm.xlane v16, v7;
	v17 =	vadd.s32 v18, v17  }
0x224: {  	v18 =	vperm.xlane v17, v7  }
0x225: {  	v19 =	vsel vm2, $0x0, v19  }
0x226: {  	v16 =	vadd.s32 v19, v16;
	v18 =	vsel vm2, $0x0, v18  }
0x227: {  	v19 =	vperm.xlane v16, v8;
	v17 =	vadd.s32 v18, v17  }
0x228: {  	v18 =	vperm.xlane v17, v8  }
0x229: {  	vm3 =	vlt.s32 v19, v9  }
0x22a: {  	v19 =	vsel vm3, $0x8, v2;
	vm3 =	vlt.s32 v18, v9  }
0x22b: {  	(v2sf) =	vpush v17, $0xF;
	v53 =	vor.u32 $0x3, v19;
	v20 =	vsel vm3, $0x8, v2  }
0x22c: {  	(v2sf) =	vpush v16, $0xF;
	v18 =	vperm.xlane v16, v53;
	v21 =	vor.u32 $0x3, v20  }
0x22d: {  	v21 =	vperm.xlane v17, v21  }
0x22e: {  	v54 =	vor.u32 $0x4, v19;
	vm3 =	vlt.s32 v18, v9  }
0x22f: {  	v55 =	vor.u32 $0x4, v20;
	v18 =	vsel vm3, v54, v19;
	vm3 =	vlt.s32 v21, v9  }
0x230: {  	v56 =	vor.u32 $0x1, v18;
	v19 =	vsel vm3, v55, v20  }
0x231: {  	v58 =	vld [tilespmem:s6+$0x10];
	v57 =	vperm.xlane v16, v56;
	v22 =	vor.u32 $0x1, v19  }
0x232: {  	v23 =	vld [tilespmem:s6+$0x0];
	v22 =	vperm.xlane v17, v22  }
0x233: {  	v59 =	vor.u32 $0x2, v18;
	vm3 =	vlt.s32 v57, v9  }
0x234: {  	v60 =	vor.u32 $0x2, v19;
	v18 =	vsel vm3, v59, v18;
	vm3 =	vlt.s32 v22, v9  }
0x235: {  	v16 =	vperm.xlane v16, v18;
	v19 =	vsel vm3, v60, v19  }
0x236: {  	v61 =	vshll.u32 v58, $0xE;
	v17 =	vperm.xlane v17, v19  }
0x237: {  	v62 =	vshll.u32 v23, $0xE;
	v14 =	vand.u32 $0x3FFF, v14;
	vm3 =	vlt.s32 v16, v9  }
0x238: {  	v15 =	vand.u32 $0x3FFF, v15;
	v16 =	vsel vm3, $0x1, v2;
	vm3 =	vlt.s32 v17, v9  }
0x239: {  	v14 =	vor.u32 v14, v62;
	v16 =	vor.u32 v16, v18;
	v17 =	vsel vm3, $0x1, v2  }
0x23a: {  	v15 =	vor.u32 v15, v61;
	s16 =	spop (v2sf);
	v14 =	vperm.xlane v14, v16;
	v63 =	vor.u32 v17, v19  }
0x23b: {  	s7 =	spop (v2sf);
	v15 =	vperm.xlane v15, v63  }
0x23c: {  	s28 =	sadd.s32 s0, s7;
	[tilespmem:s0+$0x800] =	vst v14  }
0x23d: {  	[tilespmem:s28+$0x800] =	vst v15  }
0x23e: {  	_ =	swait.ge [sflag:s24], $0x200  }
0x23f: {  	[sflag:s24] =	ssyncset.done $0x0  }
0x240: {  	p0 =	seq.s32 s29, $0x13;
	[sflag:s24] =	ssyncadd.s32 $0xFFFFFE00  }
0x241: {  	s4 =	sadd.s32 @!p0 s4, s12;
	s8 =	simm.s32 @!p0 $0x80;
	_ =	swait.ge [sflag:s24], $0x200  }
0x242: {  	s9 =	simm.s32 @!p0 $0x400;
	s4 =	sshrl.u32 @!p0 s4, $0x3;
	[sflag:s24] =	ssyncset.done $0x0  }
0x243: {  	s10 =	simm.s32 @!p0 $0x0;
	s7 =	sadd.s32 @!p0 s2, s4;
	[sflag:s24] =	ssyncadd.s32 $0xFFFFFE00  }
0x244: {  	[tilespmem:s10], [sflag:$0x1] =	stream.strided.gather @!p0 [hbm4b:s7+s8], $0x200, s9, s8, $0x38;
	[tilespmem:$0x1FD80] =	vst v63  }
0x245: {  	s4 =	sadd.s32 @!p0 s5, s4  }
0x246: {  	[tilespmem:s9], [sflag:$0x1] =	stream.strided.gather @!p0 [hbm4b:s4+s8], $0x200, s9, s8, $0x38;
	[tilespmem:$0x1FD80] =	vst v63  }
0x247: {  	s4 =	simm.s32 $0x0  }
0x248: {  	s6 =	simm.s32 $0x80;
	s0 =	sadd.s32 s28, s16;
	v14 =	vld [tilespmem:s4+$0x600]  }
.LBB2_15:
0x249: {  	p0 =	sne.s32 s6, $0x780;
	v15 =	vld [tilespmem:s4+$0x610];
	_ =	sdelay $0x3  }
0x24a: {  	v14 =	vsub.s32 v14, v1  }
0x24b: {  	vm3 =	vlt.u32 v14, $0x2800;
	v15 =	vsub.s32 v15, v1  }
0x24c: {  	v16 =	vsel vm3, $0x1, v2;
	vm3 =	vlt.u32 v15, $0x2800  }
0x24d: {  	v17 =	vperm.xlane v16, v3;
	v18 =	vsel vm3, $0x1, v2  }
0x24e: {  	vm3 =	veq.s32 v4, $0x0;
	v19 =	vperm.xlane v18, v3  }
0x24f: {  	v17 =	vsel vm3, $0x0, v17  }
0x250: {  	v16 =	vadd.s32 v16, v17;
	v17 =	vsel vm3, $0x0, v19  }
0x251: {  	v19 =	vperm.xlane v16, v5;
	v17 =	vadd.s32 v18, v17  }
0x252: {  	v18 =	vperm.xlane v17, v5  }
0x253: {  	v19 =	vsel vm0, $0x0, v19  }
0x254: {  	v16 =	vadd.s32 v19, v16;
	v18 =	vsel vm0, $0x0, v18  }
0x255: {  	v19 =	vperm.xlane v16, v6;
	v17 =	vadd.s32 v18, v17  }
0x256: {  	v18 =	vperm.xlane v17, v6  }
0x257: {  	v19 =	vsel vm1, $0x0, v19  }
0x258: {  	v16 =	vadd.s32 v19, v16;
	v18 =	vsel vm1, $0x0, v18  }
0x259: {  	v19 =	vperm.xlane v16, v7;
	v17 =	vadd.s32 v18, v17  }
0x25a: {  	v18 =	vperm.xlane v17, v7  }
0x25b: {  	v19 =	vsel vm2, $0x0, v19  }
0x25c: {  	v16 =	vadd.s32 v19, v16;
	v18 =	vsel vm2, $0x0, v18  }
0x25d: {  	v19 =	vperm.xlane v16, v8;
	v17 =	vadd.s32 v18, v17  }
0x25e: {  	v18 =	vperm.xlane v17, v8;
	(v2sf) =	vpush v17, $0xF  }
0x25f: {  	vm4 =	vlt.s32 v19, v9  }
0x260: {  	v19 =	vsel vm4, $0x8, v2;
	vm4 =	vlt.s32 v18, v9  }
0x261: {  	v18 =	vor.u32 $0x3, v19;
	v20 =	vsel vm4, $0x8, v2  }
0x262: {  	v18 =	vperm.xlane v16, v18;
	v21 =	vor.u32 $0x3, v20;
	(v2sf) =	vpush v16, $0xF  }
0x263: {  	v21 =	vperm.xlane v17, v21  }
0x264: {  	vm4 =	vlt.s32 v18, v9;
	v18 =	vor.u32 $0x4, v19  }
0x265: {  	v18 =	vsel vm4, v18, v19;
	vm4 =	vlt.s32 v21, v9;
	v19 =	vor.u32 $0x4, v20  }
0x266: {  	v21 =	vor.u32 $0x1, v18;
	v19 =	vsel vm4, v19, v20  }
0x267: {  	v20 =	vperm.xlane v16, v21;
	v21 =	vld [tilespmem:s4+$0x210];
	v22 =	vor.u32 $0x1, v19  }
0x268: {  	v23 =	vld [tilespmem:s4+$0x200];
	v22 =	vperm.xlane v17, v22  }
0x269: {  	vm4 =	vlt.s32 v20, v9;
	v20 =	vor.u32 $0x2, v18  }
0x26a: {  	v18 =	vsel vm4, v20, v18;
	vm4 =	vlt.s32 v22, v9;
	v20 =	vor.u32 $0x2, v19  }
0x26b: {  	v16 =	vperm.xlane v16, v18;
	v19 =	vsel vm4, v20, v19  }
0x26c: {  	v20 =	vshll.u32 v21, $0xE;
	v17 =	vperm.xlane v17, v19  }
0x26d: {  	v15 =	vand.u32 $0x3FFF, v15;
	v21 =	vshll.u32 v23, $0xE;
	vm4 =	vlt.s32 v16, v9;
	s7 =	spop (v2sf)  }
0x26e: {  	v14 =	vand.u32 $0x3FFF, v14;
	v16 =	vsel vm4, $0x1, v2;
	vm4 =	vlt.s32 v17, v9  }
0x26f: {  	v14 =	vor.u32 v14, v21;
	v16 =	vor.u32 v16, v18;
	v17 =	vsel vm4, $0x1, v2  }
.Ltmp9:
0x270: {  	v15 =	vor.u32 v15, v20;
	v14 =	vperm.xlane v14, v16;
	v16 =	vor.u32 v17, v19;
	(pc) =	sbr.rel @p0 .LBB2_15-.Ltmp9, $4  }
0x271: {  	v15 =	vperm.xlane v15, v16;
	s4 =	spop (v2sf)  }
0x272: {  	[tilespmem:s0+$0x800] =	vst v14;
	s0 =	sadd.s32 s0, s4  }
0x273: {  	s4 =	sshra.s32 s6, $0x2;
	[tilespmem:s0+$0x800] =	vst v15;
	s0 =	sadd.s32 s0, s7  }
0x274: {  	s6 =	sadd.s32 $0x80, s6;
	v14 =	vld [tilespmem:s4+$0x600]  }
0x275: {  	v15 =	vld [tilespmem:s4+$0x610];
	_ =	sdelay $0x3  }
0x276: {  	v14 =	vsub.s32 v14, v1  }
0x277: {  	vm4 =	vlt.u32 v14, $0x2800;
	v15 =	vsub.s32 v15, v1  }
0x278: {  	v16 =	vsel vm4, $0x1, v2;
	vm15 =	vlt.u32 v15, $0x2800  }
0x279: {  	v17 =	vperm.xlane v16, v3;
	v18 =	vsel vm15, $0x1, v2  }
0x27a: {  	v19 =	vperm.xlane v18, v3  }
0x27b: {  	v17 =	vsel vm3, $0x0, v17  }
0x27c: {  	v16 =	vadd.s32 v16, v17;
	v51 =	vsel vm3, $0x0, v19  }
0x27d: {  	v52 =	vperm.xlane v16, v5;
	v17 =	vadd.s32 v18, v51  }
0x27e: {  	v18 =	vperm.xlane v17, v5  }
0x27f: {  	v19 =	vsel vm0, $0x0, v52  }
0x280: {  	v16 =	vadd.s32 v19, v16;
	v18 =	vsel vm0, $0x0, v18  }
0x281: {  	v19 =	vperm.xlane v16, v6;
	v17 =	vadd.s32 v18, v17  }
0x282: {  	v18 =	vperm.xlane v17, v6  }
0x283: {  	v19 =	vsel vm1, $0x0, v19  }
0x284: {  	v16 =	vadd.s32 v19, v16;
	v18 =	vsel vm1, $0x0, v18  }
0x285: {  	v19 =	vperm.xlane v16, v7;
	v17 =	vadd.s32 v18, v17  }
0x286: {  	v18 =	vperm.xlane v17, v7  }
0x287: {  	v19 =	vsel vm2, $0x0, v19  }
0x288: {  	v16 =	vadd.s32 v19, v16;
	v18 =	vsel vm2, $0x0, v18  }
0x289: {  	v19 =	vperm.xlane v16, v8;
	v17 =	vadd.s32 v18, v17  }
0x28a: {  	v18 =	vperm.xlane v17, v8  }
0x28b: {  	vm3 =	vlt.s32 v19, v9  }
0x28c: {  	v19 =	vsel vm3, $0x8, v2;
	vm3 =	vlt.s32 v18, v9  }
0x28d: {  	(v2sf) =	vpush v17, $0xF;
	v53 =	vor.u32 $0x3, v19;
	v20 =	vsel vm3, $0x8, v2  }
0x28e: {  	(v2sf) =	vpush v16, $0xF;
	v18 =	vperm.xlane v16, v53;
	v21 =	vor.u32 $0x3, v20  }
0x28f: {  	v21 =	vperm.xlane v17, v21  }
0x290: {  	v54 =	vor.u32 $0x4, v19;
	vm3 =	vlt.s32 v18, v9  }
0x291: {  	v55 =	vor.u32 $0x4, v20;
	v18 =	vsel vm3, v54, v19;
	vm3 =	vlt.s32 v21, v9  }
0x292: {  	v56 =	vor.u32 $0x1, v18;
	v19 =	vsel vm3, v55, v20  }
0x293: {  	v58 =	vld [tilespmem:s4+$0x210];
	v57 =	vperm.xlane v16, v56;
	v22 =	vor.u32 $0x1, v19  }
0x294: {  	v23 =	vld [tilespmem:s4+$0x200];
	v22 =	vperm.xlane v17, v22  }
0x295: {  	v59 =	vor.u32 $0x2, v18;
	vm3 =	vlt.s32 v57, v9  }
0x296: {  	v60 =	vor.u32 $0x2, v19;
	v18 =	vsel vm3, v59, v18;
	vm3 =	vlt.s32 v22, v9  }
0x297: {  	v16 =	vperm.xlane v16, v18;
	v19 =	vsel vm3, v60, v19  }
0x298: {  	v61 =	vshll.u32 v58, $0xE;
	v17 =	vperm.xlane v17, v19  }
0x299: {  	s29 =	sadd.s32 $0x1, s29;
	v62 =	vshll.u32 v23, $0xE;
	v14 =	vand.u32 $0x3FFF, v14;
	vm3 =	vlt.s32 v16, v9  }
0x29a: {  	p0 =	sne.s32 s29, $0x14;
	v15 =	vand.u32 $0x3FFF, v15;
	v16 =	vsel vm3, $0x1, v2;
	vm3 =	vlt.s32 v17, v9  }
.Ltmp10:
0x29b: {  	v14 =	vor.u32 v14, v62;
	v16 =	vor.u32 v16, v18;
	v17 =	vsel vm3, $0x1, v2;
	(pc) =	sbr.rel @p0 .LBB2_12-.Ltmp10, $4  }
0x29c: {  	v15 =	vor.u32 v15, v61;
	s16 =	spop (v2sf);
	v14 =	vperm.xlane v14, v16;
	v63 =	vor.u32 v17, v19  }
0x29d: {  	s6 =	spop (v2sf);
	v15 =	vperm.xlane v15, v63  }
0x29e: {  	s28 =	sadd.s32 s0, s6;
	[tilespmem:s0+$0x800] =	vst v14  }
0x29f: {  	s0 =	sadd.s32 s28, s16;
	[tilespmem:s28+$0x800] =	vst v15  }
0x2a0: {  	s29 =	sadd.s32 $0x3F, s0  }
0x2a1: {  	p0 =	slt.s32 s29, $0x40  }
.Ltmp11:
0x2a2: {  	_ = 	snop;
	(pc) =	sbr.rel @p0 .LBB2_21-.Ltmp11, $4  }
0x2a3: {  	[tilespmem:s0+$0x800] =	vst v10  }
0x2a4: {  	[tilespmem:s0+$0x810] =	vst v11  }
0x2a5: {  	[tilespmem:s0+$0x820] =	vst v12  }
0x2a6: {  	[tilespmem:s0+$0x830] =	vst v13  }
0x2a7: {  	s0 =	sshra.s32 s29, $0x1F  }
0x2a8: {  	s0 =	sshrl.u32 s0, $0x1A  }
0x2a9: {  	s0 =	sadd.s32 s0, s29  }
0x2aa: {  	s30 =	sshra.s32 s0, $0x6  }
0x2ab: {  	p0 =	sle.s32 s30, $0x0  }
0x2ac: {  	p1 =	por @!p0 $0x1, $0x1  }
0x2ad: {  	p1 =	por p1, p0  }
0x2ae: {  	[dreg:$0xe] =	wrdreg s14;
	s0 =	simm.s32 @!p1 $0x6  }
0x2af: {  	_ =	swait.ge @!p1 [sflag:s0], $0x2000  }
0x2b0: {  	[sflag:s0] =	ssyncset.done @!p1 $0x0  }
0x2b1: {  	s31 =	simm.s32 $0x860;
	p0 =	por p0, p0;
	[sflag:s0] =	ssyncadd.s32 @!p1 $0xFFFFE000  }
0x2b2: {  	v14 =	vld @!p0 [tilespmem:s31+$0xFFFFFFA0];
	_ =	sdelay $0x4  }
0x2b3: {  	v15 =	vshrl.u32 @!p0 v14, $0xE  }
0x2b4: {  	v14 =	vand.u32 @!p0 $0x3FFF, v14;
	[tilespmem:$0xB880] =	vst @!p0 v15  }
0x2b5: {  	[tilespmem:$0xBA00] =	vst @!p0 v14  }
0x2b6: {  	v14 =	vld @!p0 [tilespmem:s31+$0xFFFFFFB0];
	_ =	sdelay $0x4  }
0x2b7: {  	v15 =	vshrl.u32 @!p0 v14, $0xE  }
0x2b8: {  	v14 =	vand.u32 @!p0 $0x3FFF, v14;
	[tilespmem:$0xB890] =	vst @!p0 v15  }
0x2b9: {  	[tilespmem:$0xBA10] =	vst @!p0 v14  }
0x2ba: {  	v14 =	vld @!p0 [tilespmem:s31+$0xFFFFFFC0];
	_ =	sdelay $0x4  }
0x2bb: {  	v15 =	vshrl.u32 @!p0 v14, $0xE  }
0x2bc: {  	v14 =	vand.u32 @!p0 $0x3FFF, v14;
	[tilespmem:$0xB8A0] =	vst @!p0 v15  }
0x2bd: {  	[tilespmem:$0xBA20] =	vst @!p0 v14  }
0x2be: {  	v14 =	vld @!p0 [tilespmem:s31+$0xFFFFFFD0];
	_ =	sdelay $0x3  }
0x2bf: {  	p1 =	sle.s32 s30, $0x1  }
0x2c0: {  	p2 =	por @!p1 $0x1, $0x1;
	v15 =	vshrl.u32 @!p0 v14, $0xE  }
0x2c1: {  	s4 =	simm.s32 @!p0 $0xB880;
	p2 =	por p2, p1;
	v14 =	vand.u32 @!p0 $0x3FFF, v14;
	[tilespmem:$0xB8B0] =	vst @!p0 v15  }
0x2c2: {  	s6 =	simm.s32 @!p0 $0x5880;
	s0 =	simm.s32 @!p0 $0x40;
	s7 =	simm.s32 @!p2 $0x7;
	[tilespmem:$0xBA30] =	vst @!p0 v14  }
0x2c3: {  	[tilespmem:s6], [sflag:$0x3] =	stream.indirect.gather @!p0 [hbm4b:s1+s0], $0x80, s4, s0, $0xb8;
	[tilespmem:$0x1FD80] =	vst v63  }
0x2c4: {  	_ =	swait.ge @!p2 [sflag:s7], $0x2000  }
0x2c5: {  	[sflag:s7] =	ssyncset.done @!p2 $0x0  }
0x2c6: {  	[sflag:s7] =	ssyncadd.s32 @!p2 $0xFFFFE000  }
0x2c7: {  	v14 =	vld @!p1 [tilespmem:s31+$0xFFFFFFE0];
	_ =	sdelay $0x4  }
0x2c8: {  	v15 =	vshrl.u32 @!p1 v14, $0xE  }
0x2c9: {  	v14 =	vand.u32 @!p1 $0x3FFF, v14;
	[tilespmem:$0xB900] =	vst @!p1 v15  }
0x2ca: {  	[tilespmem:$0xBA80] =	vst @!p1 v14  }
0x2cb: {  	v14 =	vld @!p1 [tilespmem:s31+$0xFFFFFFF0];
	_ =	sdelay $0x4  }
0x2cc: {  	v15 =	vshrl.u32 @!p1 v14, $0xE  }
0x2cd: {  	v14 =	vand.u32 @!p1 $0x3FFF, v14;
	[tilespmem:$0xB910] =	vst @!p1 v15  }
0x2ce: {  	[tilespmem:$0xBA90] =	vst @!p1 v14  }
0x2cf: {  	v14 =	vld @!p1 [tilespmem:s31+$0x0];
	_ =	sdelay $0x4  }
0x2d0: {  	v15 =	vshrl.u32 @!p1 v14, $0xE  }
0x2d1: {  	v14 =	vand.u32 @!p1 $0x3FFF, v14;
	[tilespmem:$0xB920] =	vst @!p1 v15  }
0x2d2: {  	[tilespmem:$0xBAA0] =	vst @!p1 v14  }
0x2d3: {  	v14 =	vld @!p1 [tilespmem:s31+$0x10];
	_ =	sdelay $0x3  }
0x2d4: {  	p3 =	sle.s32 s30, $0x2  }
0x2d5: {  	p2 =	por @!p3 $0x1, $0x1;
	v15 =	vshrl.u32 @!p1 v14, $0xE  }
0x2d6: {  	s15 =	simm.s32 @!p1 $0x40;
	p2 =	por p2, p3;
	v14 =	vand.u32 @!p1 $0x3FFF, v14;
	[tilespmem:$0xB930] =	vst @!p1 v15  }
0x2d7: {  	s16 =	simm.s32 @!p1 $0x7880;
	s4 =	simm.s32 @!p1 $0xB900;
	s7 =	simm.s32 @!p2 $0x8;
	[tilespmem:$0xBAB0] =	vst @!p1 v14  }
0x2d8: {  	[tilespmem:s16], [sflag:$0x4] =	stream.indirect.gather @!p1 [hbm4b:s1+s15], $0x80, s4, s15, $0xb8;
	[tilespmem:$0x1FD80] =	vst v63  }
0x2d9: {  	_ =	swait.ge @!p2 [sflag:s7], $0x2000  }
0x2da: {  	[sflag:s7] =	ssyncset.done @!p2 $0x0  }
0x2db: {  	[sflag:s7] =	ssyncadd.s32 @!p2 $0xFFFFE000  }
0x2dc: {  	v14 =	vld @!p3 [tilespmem:s31+$0x20];
	_ =	sdelay $0x4  }
0x2dd: {  	v15 =	vshrl.u32 @!p3 v14, $0xE  }
0x2de: {  	v14 =	vand.u32 @!p3 $0x3FFF, v14;
	[tilespmem:$0xB980] =	vst @!p3 v15  }
0x2df: {  	[tilespmem:$0xBB00] =	vst @!p3 v14  }
0x2e0: {  	v14 =	vld @!p3 [tilespmem:s31+$0x30]  }
0x2e1: {  	s28 =	sadd.s32 $0x2, s30  }
0x2e2: {  	s4 =	smulhi.u32 $0xAAAAAAAB, s28;
	_ =	sdelay $0x1  }
0x2e3: {  	s4 =	sshrl.u32 s4, $0x1  }
0x2e4: {  	s4 =	smax.u32 s4, $0x1;
	v15 =	vshrl.u32 @!p3 v14, $0xE  }
0x2e5: {  	s4 =	sadd.s32 $0xFFFFFFFF, s4;
	v14 =	vand.u32 @!p3 $0x3FFF, v14;
	[tilespmem:$0xB990] =	vst @!p3 v15  }
0x2e6: {  	p2 =	sne.s32 s4, $0x0;
	[tilespmem:$0xBB10] =	vst @!p3 v14  }
.Ltmp12:
0x2e7: {  	v14 =	vld @!p3 [tilespmem:s31+$0x40];
	(pc) =	sbr.rel @!p2 .LBB2_20-.Ltmp12, $2  }
0x2e8: {  	_ =	sdelay $0x2  }
0x2e9: {  	s13 =	simm.s32 $0x0;
	s14 =	simm.s32 $0x860  }
.LBB2_19:
0x2ea: {  	s4 =	sadd.s32 $0xFFFFFFFF, s4;
	s13 =	sadd.s32 $0x3, s13;
	s14 =	sadd.s32 $0xC0, s14  }
0x2eb: {  	v15 =	vshrl.u32 @!p3 v14, $0xE;
	v14 =	vand.u32 @!p3 $0x3FFF, v14;
	p2 =	sne.s32 s4, $0x0  }
0x2ec: {  	[tilespmem:$0xB9A0] =	vst @!p3 v15  }
0x2ed: {  	[tilespmem:$0xBB20] =	vst @!p3 v14  }
0x2ee: {  	v14 =	vld @!p3 [tilespmem:s31+$0x50];
	s31 =	smov.u32 s14;
	_ =	sdelay $0x3  }
0x2ef: {  	s7 =	simm.s32 @!p1 $0xBA80;
	p5 =	sge.s32 s13, s30  }
0x2f0: {  	s8 =	simm.s32 @!p3 $0x5;
	p4 =	seq.s32 @!p5 s13, $0x0;
	v15 =	vshrl.u32 @!p3 v14, $0xE;
	v14 =	vand.u32 @!p3 $0x3FFF, v14  }
0x2f1: {  	s9 =	simm.s32 @!p3 $0x40;
	s10 =	simm.s32 @!p3 $0xB980;
	s17 =	simm.s32 @!p3 $0x9880;
	[tilespmem:$0xB9B0] =	vst @!p3 v15  }
0x2f2: {  	s25 =	simm.s32 @!p0 $0x3;
	p4 =	por p4, p5;
	[tilespmem:$0xBB30] =	vst @!p3 v14  }
0x2f3: {  	[tilespmem:s17], [sflag:$0x5] =	stream.indirect.gather @!p3 [hbm4b:s1+s9], $0x80, s10, s9, $0xb8;
	[tilespmem:$0x1FD80] =	vst v63  }
0x2f4: {  	s10 =	simm.s32 @!p3 $0xBB00;
	_ =	swait.ge @!p0 [sflag:s25], $0x2000  }
0x2f5: {  	s28 =	simm.s32 @!p0 $0xBA00;
	[sflag:s25] =	ssyncset.done @!p0 $0x0  }
0x2f6: {  	[sflag:s25] =	ssyncadd.s32 @!p0 $0xFFFFE000;
	s25 =	simm.s32 @!p1 $0x4  }
0x2f7: {  	[spmem:s3] =	stream.indirect.scatter.add.f32 @!p0 [tilespmem:s6], [sflag:$0x6], $0x80, s28, s0, $0xb8;
	[tilespmem:$0x1FD80] =	vst v63  }
0x2f8: {  	p0 =	por p5, p5;
	_ =	swait.ge @!p1 [sflag:s25], $0x2000  }
0x2f9: {  	[sflag:s25] =	ssyncset.done @!p1 $0x0  }
0x2fa: {  	[sflag:s25] =	ssyncadd.s32 @!p1 $0xFFFFE000  }
0x2fb: {  	[spmem:s3] =	stream.indirect.scatter.add.f32 @!p1 [tilespmem:s16], [sflag:$0x7], $0x80, s7, s15, $0xb8;
	[tilespmem:$0x1FD80] =	vst v63  }
0x2fc: {  	_ =	swait.ge @!p3 [sflag:s8], $0x2000  }
0x2fd: {  	[sflag:s8] =	ssyncset.done @!p3 $0x0  }
0x2fe: {  	s0 =	simm.s32 @!p4 $0x6;
	[sflag:s8] =	ssyncadd.s32 @!p3 $0xFFFFE000  }
0x2ff: {  	[spmem:s3] =	stream.indirect.scatter.add.f32 @!p3 [tilespmem:s17], [sflag:$0x8], $0x80, s10, s9, $0xb8;
	[tilespmem:$0x1FD80] =	vst v63  }
0x300: {  	_ =	swait.ge @!p4 [sflag:s0], $0x2000  }
0x301: {  	[sflag:s0] =	ssyncset.done @!p4 $0x0  }
0x302: {  	[sflag:s0] =	ssyncadd.s32 @!p4 $0xFFFFE000  }
0x303: {  	v14 =	vld @!p0 [tilespmem:s14+$0xFFFFFFA0];
	_ =	sdelay $0x4  }
0x304: {  	v15 =	vshrl.u32 @!p0 v14, $0xE;
	v14 =	vand.u32 @!p0 $0x3FFF, v14  }
0x305: {  	[tilespmem:$0xB880] =	vst @!p0 v15  }
0x306: {  	[tilespmem:$0xBA00] =	vst @!p0 v14  }
0x307: {  	v14 =	vld @!p0 [tilespmem:s14+$0xFFFFFFB0];
	_ =	sdelay $0x4  }
0x308: {  	v15 =	vshrl.u32 @!p0 v14, $0xE;
	v14 =	vand.u32 @!p0 $0x3FFF, v14  }
0x309: {  	[tilespmem:$0xB890] =	vst @!p0 v15  }
0x30a: {  	[tilespmem:$0xBA10] =	vst @!p0 v14  }
0x30b: {  	v14 =	vld @!p0 [tilespmem:s14+$0xFFFFFFC0]  }
0x30c: {  	s0 =	sadd.s32 $0x1, s13  }
0x30d: {  	p1 =	sge.s32 s0, s30  }
0x30e: {  	p3 =	seq.s32 @!p1 s13, $0x0  }
0x30f: {  	s0 =	simm.s32 @!p0 $0x40;
	p3 =	por p3, p1  }
0x310: {  	s6 =	simm.s32 @!p0 $0x5880;
	s7 =	simm.s32 @!p0 $0xB880;
	s8 =	simm.s32 @!p3 $0x7;
	v15 =	vshrl.u32 @!p0 v14, $0xE;
	v14 =	vand.u32 @!p0 $0x3FFF, v14  }
0x311: {  	[tilespmem:$0xB8A0] =	vst @!p0 v15  }
0x312: {  	[tilespmem:$0xBA20] =	vst @!p0 v14  }
0x313: {  	v14 =	vld @!p0 [tilespmem:s14+$0xFFFFFFD0];
	_ =	sdelay $0x4  }
0x314: {  	v15 =	vshrl.u32 @!p0 v14, $0xE;
	v14 =	vand.u32 @!p0 $0x3FFF, v14  }
0x315: {  	[tilespmem:$0xB8B0] =	vst @!p0 v15  }
0x316: {  	[tilespmem:$0xBA30] =	vst @!p0 v14  }
0x317: {  	[tilespmem:s6], [sflag:$0x3] =	stream.indirect.gather @!p0 [hbm4b:s1+s0], $0x80, s7, s0, $0xb8;
	[tilespmem:$0x1FD80] =	vst v63  }
0x318: {  	_ =	swait.ge @!p3 [sflag:s8], $0x2000  }
0x319: {  	[sflag:s8] =	ssyncset.done @!p3 $0x0  }
0x31a: {  	[sflag:s8] =	ssyncadd.s32 @!p3 $0xFFFFE000  }
0x31b: {  	v14 =	vld @!p1 [tilespmem:s14+$0xFFFFFFE0];
	_ =	sdelay $0x4  }
0x31c: {  	v15 =	vshrl.u32 @!p1 v14, $0xE;
	v14 =	vand.u32 @!p1 $0x3FFF, v14  }
0x31d: {  	[tilespmem:$0xB900] =	vst @!p1 v15  }
0x31e: {  	[tilespmem:$0xBA80] =	vst @!p1 v14  }
0x31f: {  	v14 =	vld @!p1 [tilespmem:s14+$0xFFFFFFF0];
	_ =	sdelay $0x4  }
0x320: {  	v15 =	vshrl.u32 @!p1 v14, $0xE;
	v14 =	vand.u32 @!p1 $0x3FFF, v14  }
0x321: {  	[tilespmem:$0xB910] =	vst @!p1 v15  }
0x322: {  	[tilespmem:$0xBA90] =	vst @!p1 v14  }
0x323: {  	v14 =	vld @!p1 [tilespmem:s14+$0x0];
	_ =	sdelay $0x1  }
0x324: {  	s7 =	sadd.s32 $0x2, s13  }
0x325: {  	p3 =	sge.s32 s7, s30  }
0x326: {  	p4 =	seq.s32 @!p3 s13, $0x0  }
0x327: {  	s15 =	simm.s32 @!p1 $0x40;
	s7 =	simm.s32 @!p1 $0xB900;
	p4 =	por p4, p3;
	v15 =	vshrl.u32 @!p1 v14, $0xE;
	v14 =	vand.u32 @!p1 $0x3FFF, v14  }
0x328: {  	[tilespmem:$0xB920] =	vst @!p1 v15  }
0x329: {  	s8 =	simm.s32 @!p4 $0x8;
	[tilespmem:$0xBAA0] =	vst @!p1 v14  }
0x32a: {  	v14 =	vld @!p1 [tilespmem:s14+$0x10];
	_ =	sdelay $0x4  }
0x32b: {  	v15 =	vshrl.u32 @!p1 v14, $0xE;
	v14 =	vand.u32 @!p1 $0x3FFF, v14  }
0x32c: {  	[tilespmem:$0xB930] =	vst @!p1 v15  }
0x32d: {  	s16 =	simm.s32 @!p1 $0x7880;
	[tilespmem:$0xBAB0] =	vst @!p1 v14  }
0x32e: {  	[tilespmem:s16], [sflag:$0x4] =	stream.indirect.gather @!p1 [hbm4b:s1+s15], $0x80, s7, s15, $0xb8;
	[tilespmem:$0x1FD80] =	vst v63  }
0x32f: {  	_ =	swait.ge @!p4 [sflag:s8], $0x2000  }
0x330: {  	[sflag:s8] =	ssyncset.done @!p4 $0x0  }
0x331: {  	[sflag:s8] =	ssyncadd.s32 @!p4 $0xFFFFE000  }
0x332: {  	v14 =	vld @!p3 [tilespmem:s14+$0x20];
	_ =	sdelay $0x4  }
0x333: {  	v15 =	vshrl.u32 @!p3 v14, $0xE;
	v14 =	vand.u32 @!p3 $0x3FFF, v14  }
0x334: {  	[tilespmem:$0xB980] =	vst @!p3 v15  }
0x335: {  	[tilespmem:$0xBB00] =	vst @!p3 v14  }
0x336: {  	v14 =	vld @!p3 [tilespmem:s14+$0x30];
	_ =	sdelay $0x3  }
.Ltmp13:
0x337: {  	(pc) =	sbr.rel @p2 .LBB2_19-.Ltmp13, $4  }
0x338: {  	v15 =	vshrl.u32 @!p3 v14, $0xE;
	v14 =	vand.u32 @!p3 $0x3FFF, v14  }
0x339: {  	[tilespmem:$0xB990] =	vst @!p3 v15  }
0x33a: {  	[tilespmem:$0xBB10] =	vst @!p3 v14  }
0x33b: {  	v14 =	vld @!p3 [tilespmem:s14+$0x40]  }
.Ltmp14:
0x33c: {  	_ = 	snop;
	(pc) =	sbr.rel .LBB2_20-.Ltmp14, $1  }
0x33d: {  	_ =	sdelay $0x3  }
.LBB2_22:
0x33e: {  	_ =	sfence.sel $0x180000  }
0x33f: {  	[bflag:$0x0] =	sbarrier.arrive $0xFFFF  }
0x340: {  	_ =	strace $0x90000047  }
0x341: {  	s0 =	stileid.u32;
	[bflag:$0x2] =	sbarrier.arrive $0xFFFF  }
0x342: {  	p0 =	sne.s32 s0, $0x0;
	s0 =	rddreg [dreg:$0x4]  }
0x343: {  	s0 =	sadd.s32 @!p0 $0x100000, s0  }
0x344: {  	[sflag:s0] =	ssyncadd.tile.s32 @!p0 $0x1;
	_ =	shalt  }
.Lfunc_end2:
_tile_overlayer_lowered:
.L_overlay_start_2:
0x345: {  	(tag) =	ssettag $0x2  }
0x346: {  	s0 =	rddreg [dreg:$0x0];
	s2 =	stileid.u32  }
0x347: {  	s1 =	rddreg [dreg:$0x1];
	p0 =	sne.s32 s2, $0x0  }
0x348: {  	s3 =	rddreg [dreg:$0x2];
	[bflag:$0x3] =	sbarrier.arrive $0xFFFF;
	s2 =	simm.s32 @!p0 $0x1C09  }
0x349: {  	[timem:s3], [sflag:s2] =	dma.local @!p0 [hbm:s0], s1  }
0x34a: {  	s0 =	simm.s32 @!p0 $0x9  }
0x34b: {  	_ =	swait.ge @!p0 [sflag:s0], s1  }
0x34c: {  	s1 =	ssub.s32 @!p0 $0x0, s1;
	[sflag:s0] =	ssyncset.done @!p0 $0x0  }
0x34d: {  	[sflag:s0] =	ssyncadd.s32 @!p0 s1  }
0x34e: {  	[bflag:$0x3] =	sbarrier.arrive $0xFFFF  }
0x34f: {  	_ =	shalt  }

</sc_bundles>
